<compile_context>
chip_gen: v7x
topology: tpu7x:2x2x1
jax: 0.10.2.dev20260603
libtpu: 0.0.44.dev20260713+nightly
codegen_flags: <defaults>
</compile_context>

<pallas_src>
import functools

import jax
import jax.numpy as jnp
import numpy as np
from jax import lax
from jax.experimental import pallas as pl
from jax.experimental.pallas import tpu as pltpu
from jax.experimental.pallas import tpu_sc as plsc

N = 10000
E = 320000
HID = 128
B = 100
L = 100
KSEL = 50
NW = 32
EPW = E // NW
KCH = 80
NCH = EPW // KCH
NSUB = 16
NPAD = 10240
NPT = NPAD // NSUB
BLK = 1000



def _mesh():
  return plsc.VectorSubcoreMesh(core_axis_name="c", subcore_axis_name="s",
                                num_cores=2, num_subcores=NSUB)


def _make_segsum(D):

  @functools.partial(
      pl.kernel,
      out_type=jax.ShapeDtypeStruct((2, NPAD, D), jnp.float32),
      mesh=_mesh(),
      scratch_types=[
          pltpu.VMEM((EPW,), jnp.int32),
          pltpu.VMEM((EPW,), jnp.int32),
          pltpu.VMEM((KCH, D), jnp.float32),
          pltpu.VMEM((KCH, D), jnp.float32),
          pltpu.VMEM_SHARED((NPAD, D), jnp.float32),
          pltpu.SemaphoreType.DMA,
          pltpu.SemaphoreType.DMA,
      ],
  )
  def seg(tbl, ei5, zeros, out, sidx, didx, rows0, rows1, acc, sem0, sem1):
    c = lax.axis_index("c")
    s = lax.axis_index("s")
    w = s * 2 + c
    pltpu.sync_copy(ei5.at[pl.ds(w * EPW, EPW)], sidx)
    pltpu.sync_copy(ei5.at[pl.ds(E + w * EPW, EPW)], didx)
    pltpu.sync_copy(zeros, acc.at[pl.ds(s * NPT, NPT)])
    plsc.subcore_barrier()

    pltpu.async_copy(tbl.at[sidx.at[pl.ds(0, KCH)]], rows0, sem0)

    def body(j, carry):
      for par, rows, sem in ((0, rows0, sem0), (1, rows1, sem1)):
        jj = j * 2 + par
        pltpu.make_async_copy(tbl.at[sidx.at[pl.ds(jj * KCH, KCH)]], rows, sem).wait()
        nxt = jj + 1

        @pl.when(nxt < NCH)
        def _():
          nrows, nsem = (rows1, sem1) if par == 0 else (rows0, sem0)
          pltpu.async_copy(tbl.at[sidx.at[pl.ds(nxt * KCH, KCH)]], nrows, nsem)

        pltpu.sync_copy(rows, acc.at[didx.at[pl.ds(jj * KCH, KCH)]], add=True)
      return carry

    lax.fori_loop(0, NCH // 2, body, 0)
    if NCH % 2:
      pltpu.make_async_copy(tbl.at[sidx.at[pl.ds((NCH - 1) * KCH, KCH)]], rows0, sem0).wait()
      pltpu.sync_copy(rows0, acc.at[didx.at[pl.ds((NCH - 1) * KCH, KCH)]], add=True)
    plsc.subcore_barrier()
    pltpu.sync_copy(acc.at[pl.ds(s * NPT, NPT)],
                    out.at[c, pl.ds(s * NPT, NPT)])

  return seg


CHK = NPAD // NSUB
EPW1 = E // NW


def _make_segsum_scalar():
  @functools.partial(
      pl.kernel,
      out_type=jax.ShapeDtypeStruct((2, NPAD), jnp.float32),
      mesh=_mesh(),
      compiler_params=pltpu.CompilerParams(needs_layout_passes=False),
      scratch_types=[
          pltpu.VMEM((NPAD,), jnp.float32),
          pltpu.VMEM((EPW1,), jnp.int32),
          pltpu.VMEM((EPW1,), jnp.int32),
          pltpu.VMEM((8 * N,), jnp.float32),
          pltpu.VMEM((CHK,), jnp.float32),
          pltpu.VMEM((CHK,), jnp.float32),
          pltpu.VMEM_SHARED((NSUB, NPAD), jnp.float32),
      ],
  )
  def seg1(tbl, eif, zeros8, out, tv, sidx, didx, acc8, tmp, accb, spart):
    c = lax.axis_index("c")
    s = lax.axis_index("s")
    w = s * 2 + c
    pltpu.sync_copy(tbl, tv.at[pl.ds(0, N)])
    pltpu.sync_copy(eif.at[pl.ds(w * EPW1, EPW1)], sidx)
    pltpu.sync_copy(eif.at[pl.ds(E + w * EPW1, EPW1)], didx)
    pltpu.sync_copy(zeros8, acc8)
    lanes = lax.iota(jnp.int32, 16)
    m_lo = lanes < 8
    m_hi = lanes >= 8
    sub = lanes & 7
    zero16 = jnp.zeros((16,), jnp.float32)

    def pad_body(j, carry):
      tv[pl.ds(N + j * 16, 16)] = zero16
      return carry

    lax.fori_loop(0, (NPAD - N) // 16, pad_body, 0)

    def scatter_body(j, carry):
      sv = sidx[pl.ds(j * 16, 16)]
      dv = didx[pl.ds(j * 16, 16)]
      vals = plsc.load_gather(tv, [sv])
      addr = dv * 8 + sub
      plsc.addupdate_scatter(acc8, [addr], vals, mask=m_lo)
      plsc.addupdate_scatter(acc8, [addr], vals, mask=m_hi)
      return carry

    lax.fori_loop(0, EPW1 // 16, scatter_body, 0)

    def collapse_body(j, carry):
      base = (j * 16 + lanes) * 8
      tot = plsc.load_gather(acc8, [base])
      for cc in range(1, 8):
        tot = tot + plsc.load_gather(acc8, [base + cc])
      tv[pl.ds(j * 16, 16)] = tot
      return carry

    lax.fori_loop(0, N // 16, collapse_body, 0)
    pltpu.sync_copy(tv, spart.at[s])
    plsc.subcore_barrier()

    base = s * CHK
    pltpu.sync_copy(spart.at[0, pl.ds(base, CHK)], accb)
    for t in range(1, NSUB):
      pltpu.sync_copy(spart.at[t, pl.ds(base, CHK)], tmp)

      def add_body(j, carry):
        accb[pl.ds(j * 16, 16)] = (accb[pl.ds(j * 16, 16)]
                                   + tmp[pl.ds(j * 16, 16)])
        return carry

      lax.fori_loop(0, CHK // 16, add_body, 0)
    pltpu.sync_copy(accb, out.at[c, pl.ds(base, CHK)])

  return seg1


@functools.lru_cache(maxsize=None)
def _get_seg(D):
  return _make_segsum(D) if D > 1 else _make_segsum_scalar()



def _tc1_body(x_ref, w_ref, dinv_ref, out_ref):
  h = jnp.dot(x_ref[...], w_ref[...], preferred_element_type=jnp.float32)
  out_ref[...] = h * dinv_ref[...]


def _tc1(x, W, dinv):
  return pl.pallas_call(
      _tc1_body,
      grid=(N // BLK,),
      in_specs=[
          pl.BlockSpec((BLK, HID), lambda i: (i, 0)),
          pl.BlockSpec((HID, HID), lambda i: (0, 0)),
          pl.BlockSpec((BLK, 1), lambda i: (i, 0)),
      ],
      out_specs=pl.BlockSpec((BLK, HID), lambda i: (i, 0)),
      out_shape=jax.ShapeDtypeStruct((N, HID), jnp.float32),
  )(x, W, dinv)


def _gcblock_math(accp_ref, hp_ref, dinv_ref, x_ref, gcnb_ref, l1w_ref,
                  l1b_ref, l2w_ref, l2b_ref, wrel_ref, wroot_ref):
  dinv = dinv_ref[...]
  acc = accp_ref[0] + accp_ref[1]
  x1 = jnp.tanh(dinv * (acc + hp_ref[...]) + gcnb_ref[...])
  xv = x_ref[...]
  h2 = jnp.tanh(
      jnp.dot(xv, l1w_ref[:HID, :], preferred_element_type=jnp.float32)
      + jnp.dot(x1, l1w_ref[HID:, :], preferred_element_type=jnp.float32)
      + l1b_ref[...])
  z = jnp.tanh(
      jnp.dot(h2, l2w_ref[...], preferred_element_type=jnp.float32)
      + l2b_ref[...])
  t = jnp.dot(z, wrel_ref[...], preferred_element_type=jnp.float32)
  r = jnp.dot(z, wroot_ref[...], preferred_element_type=jnp.float32)
  return z, t, r, dinv


def _tc2_body_mid(accp_ref, hp_ref, dinv_ref, x_ref, gcnb_ref, l1w_ref,
                  l1b_ref, l2w_ref, l2b_ref, wrel_ref, wroot_ref, wnext_ref,
                  z_o, t_o, r_o, hn_o):
  z, t, r, dinv = _gcblock_math(accp_ref, hp_ref, dinv_ref, x_ref, gcnb_ref,
                                l1w_ref, l1b_ref, l2w_ref, l2b_ref, wrel_ref,
                                wroot_ref)
  z_o[...] = z
  t_o[...] = t
  r_o[...] = r
  hn_o[...] = jnp.dot(z, wnext_ref[...],
                      preferred_element_type=jnp.float32) * dinv


def _tc2_body_last(accp_ref, hp_ref, dinv_ref, x_ref, gcnb_ref, l1w_ref,
                   l1b_ref, l2w_ref, l2b_ref, wrel_ref, wroot_ref,
                   z_o, t_o, r_o):
  z, t, r, _ = _gcblock_math(accp_ref, hp_ref, dinv_ref, x_ref, gcnb_ref,
                             l1w_ref, l1b_ref, l2w_ref, l2b_ref, wrel_ref,
                             wroot_ref)
  z_o[...] = z
  t_o[...] = t
  r_o[...] = r


def _tc2_specs():
  return [
      pl.BlockSpec((2, BLK, HID), lambda i: (0, i, 0)),
      pl.BlockSpec((BLK, HID), lambda i: (i, 0)),
      pl.BlockSpec((BLK, 1), lambda i: (i, 0)),
      pl.BlockSpec((BLK, HID), lambda i: (i, 0)),
      pl.BlockSpec((1, HID), lambda i: (0, 0)),
      pl.BlockSpec((2 * HID, HID), lambda i: (0, 0)),
      pl.BlockSpec((1, HID), lambda i: (0, 0)),
      pl.BlockSpec((HID, HID), lambda i: (0, 0)),
      pl.BlockSpec((1, HID), lambda i: (0, 0)),
      pl.BlockSpec((HID, 1), lambda i: (0, 0)),
      pl.BlockSpec((HID, 1), lambda i: (0, 0)),
  ]


def _tc2_mid(accp, hp, dinv, x, gcnb, l1w, l1b, l2w, l2b, wrel, wroot, wnext):
  return pl.pallas_call(
      _tc2_body_mid,
      grid=(N // BLK,),
      in_specs=_tc2_specs() + [pl.BlockSpec((HID, HID), lambda i: (0, 0))],
      out_specs=[
          pl.BlockSpec((BLK, HID), lambda i: (i, 0)),
          pl.BlockSpec((BLK, 1), lambda i: (i, 0)),
          pl.BlockSpec((BLK, 1), lambda i: (i, 0)),
          pl.BlockSpec((BLK, HID), lambda i: (i, 0)),
      ],
      out_shape=[
          jax.ShapeDtypeStruct((N, HID), jnp.float32),
          jax.ShapeDtypeStruct((N, 1), jnp.float32),
          jax.ShapeDtypeStruct((N, 1), jnp.float32),
          jax.ShapeDtypeStruct((N, HID), jnp.float32),
      ],
  )(accp, hp, dinv, x, gcnb, l1w, l1b, l2w, l2b, wrel, wroot, wnext)


def _tc2_last(accp, hp, dinv, x, gcnb, l1w, l1b, l2w, l2b, wrel, wroot):
  return pl.pallas_call(
      _tc2_body_last,
      grid=(N // BLK,),
      in_specs=_tc2_specs(),
      out_specs=[
          pl.BlockSpec((BLK, HID), lambda i: (i, 0)),
          pl.BlockSpec((BLK, 1), lambda i: (i, 0)),
          pl.BlockSpec((BLK, 1), lambda i: (i, 0)),
      ],
      out_shape=[
          jax.ShapeDtypeStruct((N, HID), jnp.float32),
          jax.ShapeDtypeStruct((N, 1), jnp.float32),
          jax.ShapeDtypeStruct((N, 1), jnp.float32),
      ],
  )(accp, hp, dinv, x, gcnb, l1w, l1b, l2w, l2b, wrel, wroot)


def _tc3_body(a0_ref, r0_ref, a1_ref, r1_ref, wrel_ref, b_ref, s0_o, s1_o):
  bb = b_ref[0, 0]
  a0 = a0_ref[0] + a0_ref[1]
  a1 = a1_ref[0] + a1_ref[1]
  w = wrel_ref[...]
  s0_o[...] = (jnp.dot(a0, w, preferred_element_type=jnp.float32)
               + r0_ref[...] + bb)
  s1_o[...] = (jnp.dot(a1, w, preferred_element_type=jnp.float32)
               + r1_ref[...] + bb)


def _tc3(a0, r0, a1, r1, wrel, b):
  col = pl.BlockSpec((BLK, 1), lambda i: (i, 0))
  par = pl.BlockSpec((2, BLK, HID), lambda i: (0, i, 0))
  return pl.pallas_call(
      _tc3_body,
      grid=(N // BLK,),
      in_specs=[par, col, par, col,
                pl.BlockSpec((HID, 1), lambda i: (0, 0)),
                pl.BlockSpec((1, 1), lambda i: (0, 0))],
      out_specs=[col, col],
      out_shape=[jax.ShapeDtypeStruct((N, 1), jnp.float32)] * 2,
  )(a0, r0, a1, r1, wrel, b)


def _gate(scol, srow):
  gt = jnp.where(srow > scol, 1.0, 0.0)
  i_n = lax.broadcasted_iota(jnp.int32, (L, L), 0)
  i_m = lax.broadcasted_iota(jnp.int32, (L, L), 1)
  tie = jnp.where((srow == scol) & (i_m < i_n), 1.0, 0.0)
  rank = jnp.sum(gt + tie, axis=1, keepdims=True)
  return jnp.tanh(scol) * jnp.where(rank < float(KSEL), 1.0, 0.0)


def _tc4_body(z0_ref, z1_ref, s0c_ref, s0r_ref, s1c_ref, s1r_ref,
              wq_ref, bq_ref, wk_ref, bk_ref, wv_ref, bv_ref, wo_ref, bo_ref,
              lw_ref, lb_ref, out_ref, attn_ref):
  g0 = _gate(s0c_ref[0], s0r_ref[0])
  g1 = _gate(s1c_ref[0], s1r_ref[0])
  xg = jnp.concatenate([z0_ref[0] * g0, z1_ref[0] * g1], axis=1)
  q = jnp.dot(xg, wq_ref[...], preferred_element_type=jnp.float32) + bq_ref[...]
  k = jnp.dot(xg, wk_ref[...], preferred_element_type=jnp.float32) + bk_ref[...]
  v = jnp.dot(xg, wv_ref[...], preferred_element_type=jnp.float32) + bv_ref[...]
  scale = 1.0 / np.sqrt(32.0)
  asum = jnp.zeros((L, L), jnp.float32)
  outs = []
  for h in range(8):
    sl = slice(32 * h, 32 * h + 32)
    lg = lax.dot_general(q[:, sl], k[:, sl], (((1,), (1,)), ((), ())),
                         preferred_element_type=jnp.float32) * scale
    m = jnp.max(lg, axis=1, keepdims=True)
    p = jnp.exp(lg - m)
    a = p / jnp.sum(p, axis=1, keepdims=True)
    asum = asum + a
    outs.append(jnp.dot(a, v[:, sl], preferred_element_type=jnp.float32))
  o = jnp.concatenate(outs, axis=1)
  y = jnp.dot(o, wo_ref[...], preferred_element_type=jnp.float32) + bo_ref[...]
  pooled = jnp.sum(y, axis=0, keepdims=True)
  out_ref[...] = jnp.tanh(
      jnp.dot(pooled, lw_ref[...], preferred_element_type=jnp.float32)
      + lb_ref[...])[None]
  attn_ref[...] = (asum * 0.125)[None]


def _tc4(z0v, z1v, s0c, s0r, s1c, s1r, wq, bq, wk, bk, wv, bv, wo, bo, lw, lb):
  D2 = 2 * HID
  zspec = pl.BlockSpec((1, L, HID), lambda g: (g, 0, 0))
  cspec = pl.BlockSpec((1, L, 1), lambda g: (g, 0, 0))
  rspec = pl.BlockSpec((1, 1, L), lambda g: (g, 0, 0))
  wspec = pl.BlockSpec((D2, D2), lambda g: (0, 0))
  bspec = pl.BlockSpec((1, D2), lambda g: (0, 0))
  return pl.pallas_call(
      _tc4_body,
      grid=(B,),
      in_specs=[zspec, zspec, cspec, rspec, cspec, rspec,
                wspec, bspec, wspec, bspec, wspec, bspec, wspec, bspec,
                pl.BlockSpec((D2, HID), lambda g: (0, 0)),
                pl.BlockSpec((1, HID), lambda g: (0, 0))],
      out_specs=[
          pl.BlockSpec((1, 1, HID), lambda g: (g, 0, 0)),
          pl.BlockSpec((1, L, L), lambda g: (g, 0, 0)),
      ],
      out_shape=[
          jax.ShapeDtypeStruct((B, 1, HID), jnp.float32),
          jax.ShapeDtypeStruct((B, L, L), jnp.float32),
      ],
  )(z0v, z1v, s0c, s0r, s1c, s1r, wq, bq, wk, bk, wv, bv, wo, bo, lw, lb)



def kernel(src, edge_index, edge_attr, batch, params):
  p = params
  eif = edge_index.reshape(2 * E)
  ei5 = eif
  zerosD = jnp.zeros((NPT, HID), jnp.float32)
  zeros8 = jnp.zeros((8 * N,), jnp.float32)
  ones1 = jnp.ones((N,), jnp.float32)

  seg128 = _get_seg(HID)
  seg1 = _get_seg(1)
  degp = seg1(ones1, eif, zeros8).reshape(2, NPAD, 1)
  deg = degp[0] + degp[1] + 1.0
  dinv = jnp.where(deg > 0, 1.0 / jnp.sqrt(deg), 0.0)
  h0p = _tc1(src, p['gcb0_gcnW'], dinv)
  acc0 = seg128(h0p, ei5, zerosD)
  z0, t0, r0, h1p = _tc2_mid(
      acc0, h0p, dinv, src,
      p['gcb0_gcnb'].reshape(1, HID), p['gcb0_l1W'],
      p['gcb0_l1b'].reshape(1, HID), p['gcb0_l2W'],
      p['gcb0_l2b'].reshape(1, HID), p['sag_Wrel'], p['sag_Wroot'],
      p['gcb1_gcnW'])
  aggr0 = seg128(z0, ei5, zerosD)
  acc1 = seg128(h1p, ei5, zerosD)
  z1, t1, r1 = _tc2_last(
      acc1, h1p, dinv, z0,
      p['gcb1_gcnb'].reshape(1, HID), p['gcb1_l1W'],
      p['gcb1_l1b'].reshape(1, HID), p['gcb1_l2W'],
      p['gcb1_l2b'].reshape(1, HID), p['sag_Wrel'], p['sag_Wroot'])
  aggr1 = seg128(z1, ei5, zerosD)
  s0, s1 = _tc3(aggr0, r0, aggr1, r1, p['sag_Wrel'],
                p['sag_b'].reshape(1, 1))

  out4, attn = _tc4(
      z0.reshape(B, L, HID), z1.reshape(B, L, HID),
      s0.reshape(B, L, 1), s0.reshape(B, 1, L),
      s1.reshape(B, L, 1), s1.reshape(B, 1, L),
      p['mha_Wq'], p['mha_bq'].reshape(1, 2 * HID),
      p['mha_Wk'], p['mha_bk'].reshape(1, 2 * HID),
      p['mha_Wv'], p['mha_bv'].reshape(1, 2 * HID),
      p['mha_Wo'], p['mha_bo'].reshape(1, 2 * HID),
      p['lin_W'], p['lin_b'].reshape(1, HID))
  return out4.reshape(B, HID), attn

# --- scband reference (transcript-rebuilt; emitter-appended) ---
"""Pipeline reference for scband-graph-conv-8847632629923 (READ-ONLY COPY).

The authoritative reference and input builder live on the scoring server;
editing this copy changes nothing except your own understanding.
"""

import jax, jax.numpy as jnp
import numpy as np

N_NODES = 10000
N_EDGES = 320000
IN_DIM = 128
HID = 128
LAYERS = 2
BATCHSIZE = 100
NROIS = 100
HEADS = 8
RATIO = 0.5
D_MHA = HID * LAYERS

def _xavier(k, shape):
    a = float(np.sqrt(6.0 / (shape[0] + shape[1])))
    return jax.random.uniform(k, shape, minval=-a, maxval=a, dtype=jnp.float32)

def setup_inputs(seed: int = 0):
    key = jax.random.key(seed)
    ks = jax.random.split(key, 40)
    src = jax.random.normal(ks[0], (N_NODES, IN_DIM), dtype=jnp.float32)
    edge_index = jax.random.randint(ks[1], (2, N_EDGES), 0, N_NODES, dtype=jnp.int32)
    edge_attr = jax.random.normal(ks[2], (N_EDGES, 4), dtype=jnp.float32)
    batch = jnp.repeat(jnp.arange(BATCHSIZE, dtype=jnp.int32), NROIS)
    params = {}
    i = 3
    for l in range(LAYERS):
        ind = IN_DIM if l == 0 else HID
        params['gcb%d_gcnW' % l] = _xavier(ks[i], (ind, HID)); i += 1
        params['gcb%d_gcnb' % l] = jnp.zeros((HID,), jnp.float32)
        params['gcb%d_l1W' % l] = _xavier(ks[i], (ind + HID, HID)); i += 1
        params['gcb%d_l1b' % l] = jnp.zeros((HID,), jnp.float32)
        params['gcb%d_l2W' % l] = _xavier(ks[i], (HID, HID)); i += 1
        params['gcb%d_l2b' % l] = jnp.zeros((HID,), jnp.float32)
    params['sag_Wroot'] = _xavier(ks[i], (HID, 1)); i += 1
    params['sag_Wrel'] = _xavier(ks[i], (HID, 1)); i += 1
    params['sag_b'] = jnp.zeros((1,), jnp.float32)
    for nm in ('Wq', 'Wk', 'Wv', 'Wo'):
        params['mha_' + nm] = _xavier(ks[i], (D_MHA, D_MHA)); i += 1
        params['mha_b' + nm[1]] = jnp.zeros((D_MHA,), jnp.float32)
    params['lin_W'] = _xavier(ks[i], (D_MHA, HID)); i += 1
    params['lin_b'] = jnp.zeros((HID,), jnp.float32)
    return {"src": src, "edge_index": edge_index, "edge_attr": edge_attr, "batch": batch, "params": params}

def _gcn_conv(x, ei, W, b):
    N = x.shape[0]
    loop = jnp.arange(N, dtype=ei.dtype)
    s = jnp.concatenate([ei[0], loop])
    d = jnp.concatenate([ei[1], loop])
    h = x @ W
    deg = jax.ops.segment_sum(jnp.ones(s.shape[0], x.dtype), d, num_segments=N)
    dinv = jnp.where(deg > 0, 1.0 / jnp.sqrt(deg), 0.0)
    norm = dinv[s] * dinv[d]
    return jax.ops.segment_sum(h[s] * norm[:, None], d, num_segments=N) + b

def _gcblock(x, ei, p, l):
    x1 = jnp.tanh(_gcn_conv(x, ei, p['gcb%d_gcnW' % l], p['gcb%d_gcnb' % l]))
    h = jnp.concatenate([x, x1], axis=1)
    h = jnp.tanh(h @ p['gcb%d_l1W' % l] + p['gcb%d_l1b' % l])
    return jnp.tanh(h @ p['gcb%d_l2W' % l] + p['gcb%d_l2b' % l])

def _sag_pool_pad(z, ei, p):
    N = z.shape[0]
    aggr = jax.ops.segment_sum(z[ei[0]], ei[1], num_segments=N)
    score = (aggr @ p['sag_Wrel'] + z @ p['sag_Wroot'] + p['sag_b'])[:, 0]
    k = int(np.ceil(RATIO * NROIS))
    _, idx = jax.lax.top_k(score.reshape(BATCHSIZE, NROIS), k)
    perm = (idx + (jnp.arange(BATCHSIZE) * NROIS)[:, None]).reshape(-1)
    zp = z[perm] * jnp.tanh(score[perm])[:, None]
    return jnp.zeros_like(z).at[perm].set(zp)

def _mha(x, p):
    B, L, D = x.shape
    dh = D // HEADS
    def proj(W, b):
        return (x @ W + b).reshape(B, L, HEADS, dh).transpose(0, 2, 1, 3)
    q = proj(p['mha_Wq'], p['mha_bq'])
    kk = proj(p['mha_Wk'], p['mha_bk'])
    v = proj(p['mha_Wv'], p['mha_bv'])
    attn = jax.nn.softmax(q @ kk.transpose(0, 1, 3, 2) / np.sqrt(dh), axis=-1)
    out = (attn @ v).transpose(0, 2, 1, 3).reshape(B, L, D)
    return out @ p['mha_Wo'] + p['mha_bo'], attn.mean(axis=1)

def _forward(src, edge_attr, params, edge_index, batch):
    z = src
    feats = []
    for l in range(LAYERS):
        z = _gcblock(z, edge_index, params, l)
        feats.append(_sag_pool_pad(z, edge_index, params))
    x = jnp.concatenate(feats, axis=1)
    x = x.reshape(BATCHSIZE, NROIS, -1)
    x, attn_w = _mha(x, params)
    x2 = x.reshape(BATCHSIZE * NROIS, -1)
    pooled = jax.ops.segment_sum(x2, batch, num_segments=BATCHSIZE)
    out = jnp.tanh(pooled @ params['lin_W'] + params['lin_b'])
    return out, attn_w

def reference(src, edge_index, edge_attr, batch, params):
    return _forward(src, edge_attr, params, edge_index, batch)

if __name__ == "__main__":
    import jax
    _d = setup_inputs()
    print(jax.jit(kernel)(*tuple(_d.values())))

</pallas_src>

<mosaic_0001>
#map = affine_map<(d0, d1) -> (0)>
#map1 = affine_map<(d0, d1) -> (0, 0)>
module attributes {stable_mosaic.version = 14 : i64} {
  func.func @seg1(%arg0: i32, %arg1: i32, %arg2: memref<10000xf32, #tpu.memory_space<hbm>>, %arg3: memref<640000xi32, #tpu.memory_space<hbm>>, %arg4: memref<80000xf32, #tpu.memory_space<hbm>>, %arg5: memref<2x10240xf32, #tpu.memory_space<hbm>>, %arg6: memref<10240xf32, #tpu.memory_space<vmem>>, %arg7: memref<10000xi32, #tpu.memory_space<vmem>>, %arg8: memref<10000xi32, #tpu.memory_space<vmem>>, %arg9: memref<80000xf32, #tpu.memory_space<vmem>>, %arg10: memref<640xf32, #tpu.memory_space<vmem>>, %arg11: memref<640xf32, #tpu.memory_space<vmem>>, %arg12: memref<16x10240xf32, #tpu.memory_space<vmem_shared>>) attributes {dimension_semantics = [#tpu.dimension_semantics<core_parallel>, #tpu.dimension_semantics<subcore_parallel>], iteration_bounds = array<i64: 2, 16>, scalar_prefetch = 0 : i64, scratch_operands = 7 : i64, tpu.core_type = #tpu.core_type<sc_vector_subcore>, window_params = [{transform_indices = #map}, {transform_indices = #map}, {transform_indices = #map}, {transform_indices = #map1}]} {
    %mul3A = arith.constant 2 : i32
    %mul3A_0 = arith.muli %arg1, %mul3A : i32
    %add3A = arith.addi %mul3A_0, %arg0 : i32
    "tpu.region"() ({
      %run_scoped3A_138 = tpu.sem_alloc : memref<!tpu.dma_semaphore, #tpu.memory_space<semaphore_mem>>
      %dma_start3A = arith.constant 0 : i32
      %dma_start3A_139 = tpu.memref_slice %arg6[%dma_start3A] : memref<10240xf32, #tpu.memory_space<vmem>> -> memref<10000xf32, #tpu.memory_space<vmem>>
      %dma_start3A_140 = arith.constant 0 : i32
      %dma_start3A_141 = tpu.memref_slice %arg6[%dma_start3A_140] : memref<10240xf32, #tpu.memory_space<vmem>> -> memref<10000xf32, #tpu.memory_space<vmem>>
      tpu.enqueue_dma source(%arg2 : memref<10000xf32, #tpu.memory_space<hbm>>) target(%dma_start3A_141 : memref<10000xf32, #tpu.memory_space<vmem>>) target_semaphore(%run_scoped3A_138 : memref<!tpu.dma_semaphore, #tpu.memory_space<semaphore_mem>>)
      %dma_wait3A = arith.constant 0 : i32
      %dma_wait3A_142 = tpu.memref_slice %arg6[%dma_wait3A] : memref<10240xf32, #tpu.memory_space<vmem>> -> memref<10000xf32, #tpu.memory_space<vmem>>
      %dma_wait3A_143 = arith.constant 0 : i32
      %dma_wait3A_144 = tpu.memref_slice %arg6[%dma_wait3A_143] : memref<10240xf32, #tpu.memory_space<vmem>> -> memref<10000xf32, #tpu.memory_space<vmem>>
      tpu.wait_dma2 semaphore(%run_scoped3A_138 : memref<!tpu.dma_semaphore, #tpu.memory_space<semaphore_mem>>) src(%arg2 : memref<10000xf32, #tpu.memory_space<hbm>>) dst(%dma_wait3A_144 : memref<10000xf32, #tpu.memory_space<vmem>>)
      tpu.yield
    }) : () -> ()
    %mul3A_1 = arith.constant 10000 : i32
    %mul3A_2 = arith.muli %add3A, %mul3A_1 : i32
    "tpu.region"() ({
      %run_scoped3A_138 = tpu.sem_alloc : memref<!tpu.dma_semaphore, #tpu.memory_space<semaphore_mem>>
      %dma_start3A = tpu.memref_slice %arg3[%mul3A_2] : memref<640000xi32, #tpu.memory_space<hbm>> -> memref<10000xi32, #tpu.memory_space<hbm>>
      %dma_start3A_139 = tpu.memref_slice %arg3[%mul3A_2] : memref<640000xi32, #tpu.memory_space<hbm>> -> memref<10000xi32, #tpu.memory_space<hbm>>
      tpu.enqueue_dma source(%dma_start3A_139 : memref<10000xi32, #tpu.memory_space<hbm>>) target(%arg7 : memref<10000xi32, #tpu.memory_space<vmem>>) target_semaphore(%run_scoped3A_138 : memref<!tpu.dma_semaphore, #tpu.memory_space<semaphore_mem>>)
      %dma_wait3A = tpu.memref_slice %arg3[%mul3A_2] : memref<640000xi32, #tpu.memory_space<hbm>> -> memref<10000xi32, #tpu.memory_space<hbm>>
      %dma_wait3A_140 = tpu.memref_slice %arg3[%mul3A_2] : memref<640000xi32, #tpu.memory_space<hbm>> -> memref<10000xi32, #tpu.memory_space<hbm>>
      tpu.wait_dma2 semaphore(%run_scoped3A_138 : memref<!tpu.dma_semaphore, #tpu.memory_space<semaphore_mem>>) src(%dma_wait3A_140 : memref<10000xi32, #tpu.memory_space<hbm>>) dst(%arg7 : memref<10000xi32, #tpu.memory_space<vmem>>)
      tpu.yield
    }) : () -> ()
    %mul3A_3 = arith.constant 10000 : i32
    %mul3A_4 = arith.muli %add3A, %mul3A_3 : i32
    %add3A_5 = arith.constant 320000 : i32
    %add3A_6 = arith.addi %add3A_5, %mul3A_4 : i32
    "tpu.region"() ({
      %run_scoped3A_138 = tpu.sem_alloc : memref<!tpu.dma_semaphore, #tpu.memory_space<semaphore_mem>>
      %dma_start3A = tpu.memref_slice %arg3[%add3A_6] : memref<640000xi32, #tpu.memory_space<hbm>> -> memref<10000xi32, #tpu.memory_space<hbm>>
      %dma_start3A_139 = tpu.memref_slice %arg3[%add3A_6] : memref<640000xi32, #tpu.memory_space<hbm>> -> memref<10000xi32, #tpu.memory_space<hbm>>
      tpu.enqueue_dma source(%dma_start3A_139 : memref<10000xi32, #tpu.memory_space<hbm>>) target(%arg8 : memref<10000xi32, #tpu.memory_space<vmem>>) target_semaphore(%run_scoped3A_138 : memref<!tpu.dma_semaphore, #tpu.memory_space<semaphore_mem>>)
      %dma_wait3A = tpu.memref_slice %arg3[%add3A_6] : memref<640000xi32, #tpu.memory_space<hbm>> -> memref<10000xi32, #tpu.memory_space<hbm>>
      %dma_wait3A_140 = tpu.memref_slice %arg3[%add3A_6] : memref<640000xi32, #tpu.memory_space<hbm>> -> memref<10000xi32, #tpu.memory_space<hbm>>
      tpu.wait_dma2 semaphore(%run_scoped3A_138 : memref<!tpu.dma_semaphore, #tpu.memory_space<semaphore_mem>>) src(%dma_wait3A_140 : memref<10000xi32, #tpu.memory_space<hbm>>) dst(%arg8 : memref<10000xi32, #tpu.memory_space<vmem>>)
      tpu.yield
    }) : () -> ()
    "tpu.region"() ({
      %run_scoped3A_138 = tpu.sem_alloc : memref<!tpu.dma_semaphore, #tpu.memory_space<semaphore_mem>>
      tpu.enqueue_dma source(%arg4 : memref<80000xf32, #tpu.memory_space<hbm>>) target(%arg9 : memref<80000xf32, #tpu.memory_space<vmem>>) target_semaphore(%run_scoped3A_138 : memref<!tpu.dma_semaphore, #tpu.memory_space<semaphore_mem>>)
      tpu.wait_dma2 semaphore(%run_scoped3A_138 : memref<!tpu.dma_semaphore, #tpu.memory_space<semaphore_mem>>) src(%arg4 : memref<80000xf32, #tpu.memory_space<hbm>>) dst(%arg9 : memref<80000xf32, #tpu.memory_space<vmem>>)
      tpu.yield
    }) : () -> ()
    %iota3A = tpu.iota {dimensions = array<i32: 0>} : vector<16xi32>
    %lt3A = arith.constant 8 : i32
    %lt3A_7 = vector.broadcast %lt3A : i32 to vector<16xi32>
    %lt3A_8 = arith.cmpi slt, %iota3A, %lt3A_7 : vector<16xi32>
    %ge3A = arith.constant 8 : i32
    %ge3A_9 = vector.broadcast %ge3A : i32 to vector<16xi32>
    %ge3A_10 = arith.cmpi sge, %iota3A, %ge3A_9 : vector<16xi32>
    %and3A = arith.constant 7 : i32
    %and3A_11 = vector.broadcast %and3A : i32 to vector<16xi32>
    %and3A_12 = arith.andi %iota3A, %and3A_11 : vector<16xi32>
    %broadcast_in_dim3A = arith.constant 0.000000e+00 : f32
    %broadcast_in_dim3A_13 = vector.broadcast %broadcast_in_dim3A : f32 to vector<16xf32>
    %scan3A = arith.constant 0 : i32
    %scan3A_14 = arith.constant 0 : i32
    %scan3A_15 = arith.constant 15 : i32
    %scan3A_16 = arith.addi %scan3A_14, %scan3A_15 : i32
    %scan3A_17 = arith.constant 1 : i32
    scf.for %scan3A_138 = %scan3A_14 to %scan3A_16 step %scan3A_17  : i32 {
      %mul3A_139 = arith.constant 16 : i32
      %mul3A_140 = arith.muli %scan3A_138, %mul3A_139 : i32
      %add3A_141 = arith.constant 10000 : i32
      %add3A_142 = arith.addi %add3A_141, %mul3A_140 : i32
      %swap3A = arith.index_cast %add3A_142 : i32 to index
      %swap3A_143 = tpu.vector_load %arg6[%swap3A] {strides = array<i32>} : memref<10240xf32, #tpu.memory_space<vmem>>, vector<16xf32>,
      tpu.vector_store %arg6[%swap3A], %broadcast_in_dim3A_13 {strides = array<i32>} : memref<10240xf32, #tpu.memory_space<vmem>>, vector<16xf32>,
    }
    %scan3A_18 = arith.constant 15 : i32
    %scan3A_19 = arith.constant 0 : i32
    %scan3A_20 = arith.constant 0 : i32
    %scan3A_21 = arith.constant 625 : i32
    %scan3A_22 = arith.addi %scan3A_20, %scan3A_21 : i32
    %scan3A_23 = arith.constant 1 : i32
    scf.for %scan3A_138 = %scan3A_20 to %scan3A_22 step %scan3A_23  : i32 {
      %mul3A_139 = arith.constant 16 : i32
      %mul3A_140 = arith.muli %scan3A_138, %mul3A_139 : i32
      %get3A = arith.index_cast %mul3A_140 : i32 to index
      %get3A_141 = tpu.vector_load %arg7[%get3A] {strides = array<i32>} : memref<10000xi32, #tpu.memory_space<vmem>>, vector<16xi32>,
      %mul3A_142 = arith.constant 16 : i32
      %mul3A_143 = arith.muli %scan3A_138, %mul3A_142 : i32
      %get3A_144 = arith.index_cast %mul3A_143 : i32 to index
      %get3A_145 = tpu.vector_load %arg8[%get3A_144] {strides = array<i32>} : memref<10000xi32, #tpu.memory_space<vmem>>, vector<16xi32>,
      %gather3A = tpu.vector_load_idx %arg6[%get3A_141] : memref<10240xf32, #tpu.memory_space<vmem>>[vector<16xi32>], vector<16xf32>,
      %mul3A_146 = arith.constant 8 : i32
      %mul3A_147 = vector.broadcast %mul3A_146 : i32 to vector<16xi32>
      %mul3A_148 = arith.muli %get3A_145, %mul3A_147 : vector<16xi32>
      %add3A_149 = arith.addi %mul3A_148, %and3A_12 : vector<16xi32>
      tpu.vector_store_idx %arg9[%add3A_149], %gather3A masked %lt3A_8 {add = true} : memref<80000xf32, #tpu.memory_space<vmem>>[vector<16xi32>], vector<16xf32>, vector<16xi1>
      tpu.vector_store_idx %arg9[%add3A_149], %gather3A masked %ge3A_10 {add = true} : memref<80000xf32, #tpu.memory_space<vmem>>[vector<16xi32>], vector<16xf32>, vector<16xi1>
    }
    %scan3A_24 = arith.constant 625 : i32
    %scan3A_25 = arith.constant 0 : i32
    %scan3A_26 = arith.constant 0 : i32
    %scan3A_27 = arith.constant 625 : i32
    %scan3A_28 = arith.addi %scan3A_26, %scan3A_27 : i32
    %scan3A_29 = arith.constant 1 : i32
    scf.for %scan3A_138 = %scan3A_26 to %scan3A_28 step %scan3A_29  : i32 {
      %mul3A_139 = arith.constant 16 : i32
      %mul3A_140 = arith.muli %scan3A_138, %mul3A_139 : i32
      %add3A_141 = vector.broadcast %mul3A_140 : i32 to vector<16xi32>
      %add3A_142 = arith.addi %add3A_141, %iota3A : vector<16xi32>
      %mul3A_143 = arith.constant 8 : i32
      %mul3A_144 = vector.broadcast %mul3A_143 : i32 to vector<16xi32>
      %mul3A_145 = arith.muli %add3A_142, %mul3A_144 : vector<16xi32>
      %gather3A = tpu.vector_load_idx %arg9[%mul3A_145] : memref<80000xf32, #tpu.memory_space<vmem>>[vector<16xi32>], vector<16xf32>,
      %add3A_146 = arith.constant 1 : i32
      %add3A_147 = vector.broadcast %add3A_146 : i32 to vector<16xi32>
      %add3A_148 = arith.addi %mul3A_145, %add3A_147 : vector<16xi32>
      %gather3A_149 = tpu.vector_load_idx %arg9[%add3A_148] : memref<80000xf32, #tpu.memory_space<vmem>>[vector<16xi32>], vector<16xf32>,
      %add3A_150 = arith.addf %gather3A, %gather3A_149 : vector<16xf32>
      %add3A_151 = arith.constant 2 : i32
      %add3A_152 = vector.broadcast %add3A_151 : i32 to vector<16xi32>
      %add3A_153 = arith.addi %mul3A_145, %add3A_152 : vector<16xi32>
      %gather3A_154 = tpu.vector_load_idx %arg9[%add3A_153] : memref<80000xf32, #tpu.memory_space<vmem>>[vector<16xi32>], vector<16xf32>,
      %add3A_155 = arith.addf %add3A_150, %gather3A_154 : vector<16xf32>
      %add3A_156 = arith.constant 3 : i32
      %add3A_157 = vector.broadcast %add3A_156 : i32 to vector<16xi32>
      %add3A_158 = arith.addi %mul3A_145, %add3A_157 : vector<16xi32>
      %gather3A_159 = tpu.vector_load_idx %arg9[%add3A_158] : memref<80000xf32, #tpu.memory_space<vmem>>[vector<16xi32>], vector<16xf32>,
      %add3A_160 = arith.addf %add3A_155, %gather3A_159 : vector<16xf32>
      %add3A_161 = arith.constant 4 : i32
      %add3A_162 = vector.broadcast %add3A_161 : i32 to vector<16xi32>
      %add3A_163 = arith.addi %mul3A_145, %add3A_162 : vector<16xi32>
      %gather3A_164 = tpu.vector_load_idx %arg9[%add3A_163] : memref<80000xf32, #tpu.memory_space<vmem>>[vector<16xi32>], vector<16xf32>,
      %add3A_165 = arith.addf %add3A_160, %gather3A_164 : vector<16xf32>
      %add3A_166 = arith.constant 5 : i32
      %add3A_167 = vector.broadcast %add3A_166 : i32 to vector<16xi32>
      %add3A_168 = arith.addi %mul3A_145, %add3A_167 : vector<16xi32>
      %gather3A_169 = tpu.vector_load_idx %arg9[%add3A_168] : memref<80000xf32, #tpu.memory_space<vmem>>[vector<16xi32>], vector<16xf32>,
      %add3A_170 = arith.addf %add3A_165, %gather3A_169 : vector<16xf32>
      %add3A_171 = arith.constant 6 : i32
      %add3A_172 = vector.broadcast %add3A_171 : i32 to vector<16xi32>
      %add3A_173 = arith.addi %mul3A_145, %add3A_172 : vector<16xi32>
      %gather3A_174 = tpu.vector_load_idx %arg9[%add3A_173] : memref<80000xf32, #tpu.memory_space<vmem>>[vector<16xi32>], vector<16xf32>,
      %add3A_175 = arith.addf %add3A_170, %gather3A_174 : vector<16xf32>
      %add3A_176 = arith.constant 7 : i32
      %add3A_177 = vector.broadcast %add3A_176 : i32 to vector<16xi32>
      %add3A_178 = arith.addi %mul3A_145, %add3A_177 : vector<16xi32>
      %gather3A_179 = tpu.vector_load_idx %arg9[%add3A_178] : memref<80000xf32, #tpu.memory_space<vmem>>[vector<16xi32>], vector<16xf32>,
      %add3A_180 = arith.addf %add3A_175, %gather3A_179 : vector<16xf32>
      %mul3A_181 = arith.constant 16 : i32
      %mul3A_182 = arith.muli %scan3A_138, %mul3A_181 : i32
      %swap3A = arith.index_cast %mul3A_182 : i32 to index
      %swap3A_183 = tpu.vector_load %arg6[%swap3A] {strides = array<i32>} : memref<10240xf32, #tpu.memory_space<vmem>>, vector<16xf32>,
      tpu.vector_store %arg6[%swap3A], %add3A_180 {strides = array<i32>} : memref<10240xf32, #tpu.memory_space<vmem>>, vector<16xf32>,
    }
    %scan3A_30 = arith.constant 625 : i32
    "tpu.region"() ({
      %run_scoped3A_138 = tpu.sem_alloc : memref<!tpu.dma_semaphore, #tpu.memory_space<semaphore_mem>>
      %dma_start3A = arith.constant 0 : i32
      %dma_start3A_139 = tpu.memref_slice %arg12[%arg1, %dma_start3A] : memref<16x10240xf32, #tpu.memory_space<vmem_shared>> -> memref<1x10240xf32, #tpu.memory_space<vmem_shared>>
      %dma_start3A_140 = tpu.memref_squeeze %dma_start3A_139 : memref<1x10240xf32, #tpu.memory_space<vmem_shared>> -> memref<10240xf32, #tpu.memory_space<vmem_shared>>
      %dma_start3A_141 = arith.constant 0 : i32
      %dma_start3A_142 = tpu.memref_slice %arg12[%arg1, %dma_start3A_141] : memref<16x10240xf32, #tpu.memory_space<vmem_shared>> -> memref<1x10240xf32, #tpu.memory_space<vmem_shared>>
      %dma_start3A_143 = tpu.memref_squeeze %dma_start3A_142 : memref<1x10240xf32, #tpu.memory_space<vmem_shared>> -> memref<10240xf32, #tpu.memory_space<vmem_shared>>
      tpu.enqueue_dma source(%arg6 : memref<10240xf32, #tpu.memory_space<vmem>>) target(%dma_start3A_143 : memref<10240xf32, #tpu.memory_space<vmem_shared>>) target_semaphore(%run_scoped3A_138 : memref<!tpu.dma_semaphore, #tpu.memory_space<semaphore_mem>>)
      %dma_wait3A = arith.constant 0 : i32
      %dma_wait3A_144 = tpu.memref_slice %arg12[%arg1, %dma_wait3A] : memref<16x10240xf32, #tpu.memory_space<vmem_shared>> -> memref<1x10240xf32, #tpu.memory_space<vmem_shared>>
      %dma_wait3A_145 = tpu.memref_squeeze %dma_wait3A_144 : memref<1x10240xf32, #tpu.memory_space<vmem_shared>> -> memref<10240xf32, #tpu.memory_space<vmem_shared>>
      %dma_wait3A_146 = arith.constant 0 : i32
      %dma_wait3A_147 = tpu.memref_slice %arg12[%arg1, %dma_wait3A_146] : memref<16x10240xf32, #tpu.memory_space<vmem_shared>> -> memref<1x10240xf32, #tpu.memory_space<vmem_shared>>
      %dma_wait3A_148 = tpu.memref_squeeze %dma_wait3A_147 : memref<1x10240xf32, #tpu.memory_space<vmem_shared>> -> memref<10240xf32, #tpu.memory_space<vmem_shared>>
      tpu.wait_dma2 semaphore(%run_scoped3A_138 : memref<!tpu.dma_semaphore, #tpu.memory_space<semaphore_mem>>) src(%arg6 : memref<10240xf32, #tpu.memory_space<vmem>>) dst(%dma_wait3A_148 : memref<10240xf32, #tpu.memory_space<vmem_shared>>)
      tpu.yield
    }) : () -> ()
    %barrier3A = arith.constant 0 : index
    tpu.barrier barrier_id(%barrier3A)
    %mul3A_31 = arith.constant 640 : i32
    %mul3A_32 = arith.muli %arg1, %mul3A_31 : i32
    %run_scoped3A = arith.constant 0 : i32
    "tpu.region"() ({
      %run_scoped3A_138 = tpu.sem_alloc : memref<!tpu.dma_semaphore, #tpu.memory_space<semaphore_mem>>
      %dma_start3A = tpu.memref_slice %arg12[%run_scoped3A, %mul3A_32] : memref<16x10240xf32, #tpu.memory_space<vmem_shared>> -> memref<1x640xf32, #tpu.memory_space<vmem_shared>>
      %dma_start3A_139 = tpu.memref_squeeze %dma_start3A : memref<1x640xf32, #tpu.memory_space<vmem_shared>> -> memref<640xf32, #tpu.memory_space<vmem_shared>>
      %dma_start3A_140 = tpu.memref_slice %arg12[%run_scoped3A, %mul3A_32] : memref<16x10240xf32, #tpu.memory_space<vmem_shared>> -> memref<1x640xf32, #tpu.memory_space<vmem_shared>>
      %dma_start3A_141 = tpu.memref_squeeze %dma_start3A_140 : memref<1x640xf32, #tpu.memory_space<vmem_shared>> -> memref<640xf32, #tpu.memory_space<vmem_shared>>
      tpu.enqueue_dma source(%dma_start3A_141 : memref<640xf32, #tpu.memory_space<vmem_shared>>) target(%arg11 : memref<640xf32, #tpu.memory_space<vmem>>) target_semaphore(%run_scoped3A_138 : memref<!tpu.dma_semaphore, #tpu.memory_space<semaphore_mem>>)
      %dma_wait3A = tpu.memref_slice %arg12[%run_scoped3A, %mul3A_32] : memref<16x10240xf32, #tpu.memory_space<vmem_shared>> -> memref<1x640xf32, #tpu.memory_space<vmem_shared>>
      %dma_wait3A_142 = tpu.memref_squeeze %dma_wait3A : memref<1x640xf32, #tpu.memory_space<vmem_shared>> -> memref<640xf32, #tpu.memory_space<vmem_shared>>
      %dma_wait3A_143 = tpu.memref_slice %arg12[%run_scoped3A, %mul3A_32] : memref<16x10240xf32, #tpu.memory_space<vmem_shared>> -> memref<1x640xf32, #tpu.memory_space<vmem_shared>>
      %dma_wait3A_144 = tpu.memref_squeeze %dma_wait3A_143 : memref<1x640xf32, #tpu.memory_space<vmem_shared>> -> memref<640xf32, #tpu.memory_space<vmem_shared>>
      tpu.wait_dma2 semaphore(%run_scoped3A_138 : memref<!tpu.dma_semaphore, #tpu.memory_space<semaphore_mem>>) src(%dma_wait3A_144 : memref<640xf32, #tpu.memory_space<vmem_shared>>) dst(%arg11 : memref<640xf32, #tpu.memory_space<vmem>>)
      tpu.yield
    }) : () -> ()
    %run_scoped3A_33 = arith.constant 1 : i32
    "tpu.region"() ({
      %run_scoped3A_138 = tpu.sem_alloc : memref<!tpu.dma_semaphore, #tpu.memory_space<semaphore_mem>>
      %dma_start3A = tpu.memref_slice %arg12[%run_scoped3A_33, %mul3A_32] : memref<16x10240xf32, #tpu.memory_space<vmem_shared>> -> memref<1x640xf32, #tpu.memory_space<vmem_shared>>
      %dma_start3A_139 = tpu.memref_squeeze %dma_start3A : memref<1x640xf32, #tpu.memory_space<vmem_shared>> -> memref<640xf32, #tpu.memory_space<vmem_shared>>
      %dma_start3A_140 = tpu.memref_slice %arg12[%run_scoped3A_33, %mul3A_32] : memref<16x10240xf32, #tpu.memory_space<vmem_shared>> -> memref<1x640xf32, #tpu.memory_space<vmem_shared>>
      %dma_start3A_141 = tpu.memref_squeeze %dma_start3A_140 : memref<1x640xf32, #tpu.memory_space<vmem_shared>> -> memref<640xf32, #tpu.memory_space<vmem_shared>>
      tpu.enqueue_dma source(%dma_start3A_141 : memref<640xf32, #tpu.memory_space<vmem_shared>>) target(%arg10 : memref<640xf32, #tpu.memory_space<vmem>>) target_semaphore(%run_scoped3A_138 : memref<!tpu.dma_semaphore, #tpu.memory_space<semaphore_mem>>)
      %dma_wait3A = tpu.memref_slice %arg12[%run_scoped3A_33, %mul3A_32] : memref<16x10240xf32, #tpu.memory_space<vmem_shared>> -> memref<1x640xf32, #tpu.memory_space<vmem_shared>>
      %dma_wait3A_142 = tpu.memref_squeeze %dma_wait3A : memref<1x640xf32, #tpu.memory_space<vmem_shared>> -> memref<640xf32, #tpu.memory_space<vmem_shared>>
      %dma_wait3A_143 = tpu.memref_slice %arg12[%run_scoped3A_33, %mul3A_32] : memref<16x10240xf32, #tpu.memory_space<vmem_shared>> -> memref<1x640xf32, #tpu.memory_space<vmem_shared>>
      %dma_wait3A_144 = tpu.memref_squeeze %dma_wait3A_143 : memref<1x640xf32, #tpu.memory_space<vmem_shared>> -> memref<640xf32, #tpu.memory_space<vmem_shared>>
      tpu.wait_dma2 semaphore(%run_scoped3A_138 : memref<!tpu.dma_semaphore, #tpu.memory_space<semaphore_mem>>) src(%dma_wait3A_144 : memref<640xf32, #tpu.memory_space<vmem_shared>>) dst(%arg10 : memref<640xf32, #tpu.memory_space<vmem>>)
      tpu.yield
    }) : () -> ()
    %scan3A_34 = arith.constant 0 : i32
    %scan3A_35 = arith.constant 0 : i32
    %scan3A_36 = arith.constant 40 : i32
    %scan3A_37 = arith.addi %scan3A_35, %scan3A_36 : i32
    %scan3A_38 = arith.constant 1 : i32
    scf.for %scan3A_138 = %scan3A_35 to %scan3A_37 step %scan3A_38  : i32 {
      %mul3A_139 = arith.constant 16 : i32
      %mul3A_140 = arith.muli %scan3A_138, %mul3A_139 : i32
      %get3A = arith.index_cast %mul3A_140 : i32 to index
      %get3A_141 = tpu.vector_load %arg11[%get3A] {strides = array<i32>} : memref<640xf32, #tpu.memory_space<vmem>>, vector<16xf32>,
      %mul3A_142 = arith.constant 16 : i32
      %mul3A_143 = arith.muli %scan3A_138, %mul3A_142 : i32
      %get3A_144 = arith.index_cast %mul3A_143 : i32 to index
      %get3A_145 = tpu.vector_load %arg10[%get3A_144] {strides = array<i32>} : memref<640xf32, #tpu.memory_space<vmem>>, vector<16xf32>,
      %add3A_146 = arith.addf %get3A_141, %get3A_145 : vector<16xf32>
      %mul3A_147 = arith.constant 16 : i32
      %mul3A_148 = arith.muli %scan3A_138, %mul3A_147 : i32
      %swap3A = arith.index_cast %mul3A_148 : i32 to index
      %swap3A_149 = tpu.vector_load %arg11[%swap3A] {strides = array<i32>} : memref<640xf32, #tpu.memory_space<vmem>>, vector<16xf32>,
      tpu.vector_store %arg11[%swap3A], %add3A_146 {strides = array<i32>} : memref<640xf32, #tpu.memory_space<vmem>>, vector<16xf32>,
    }
    %scan3A_39 = arith.constant 40 : i32
    %run_scoped3A_40 = arith.constant 2 : i32
    "tpu.region"() ({
      %run_scoped3A_138 = tpu.sem_alloc : memref<!tpu.dma_semaphore, #tpu.memory_space<semaphore_mem>>
      %dma_start3A = tpu.memref_slice %arg12[%run_scoped3A_40, %mul3A_32] : memref<16x10240xf32, #tpu.memory_space<vmem_shared>> -> memref<1x640xf32, #tpu.memory_space<vmem_shared>>
      %dma_start3A_139 = tpu.memref_squeeze %dma_start3A : memref<1x640xf32, #tpu.memory_space<vmem_shared>> -> memref<640xf32, #tpu.memory_space<vmem_shared>>
      %dma_start3A_140 = tpu.memref_slice %arg12[%run_scoped3A_40, %mul3A_32] : memref<16x10240xf32, #tpu.memory_space<vmem_shared>> -> memref<1x640xf32, #tpu.memory_space<vmem_shared>>
      %dma_start3A_141 = tpu.memref_squeeze %dma_start3A_140 : memref<1x640xf32, #tpu.memory_space<vmem_shared>> -> memref<640xf32, #tpu.memory_space<vmem_shared>>
      tpu.enqueue_dma source(%dma_start3A_141 : memref<640xf32, #tpu.memory_space<vmem_shared>>) target(%arg10 : memref<640xf32, #tpu.memory_space<vmem>>) target_semaphore(%run_scoped3A_138 : memref<!tpu.dma_semaphore, #tpu.memory_space<semaphore_mem>>)
      %dma_wait3A = tpu.memref_slice %arg12[%run_scoped3A_40, %mul3A_32] : memref<16x10240xf32, #tpu.memory_space<vmem_shared>> -> memref<1x640xf32, #tpu.memory_space<vmem_shared>>
      %dma_wait3A_142 = tpu.memref_squeeze %dma_wait3A : memref<1x640xf32, #tpu.memory_space<vmem_shared>> -> memref<640xf32, #tpu.memory_space<vmem_shared>>
      %dma_wait3A_143 = tpu.memref_slice %arg12[%run_scoped3A_40, %mul3A_32] : memref<16x10240xf32, #tpu.memory_space<vmem_shared>> -> memref<1x640xf32, #tpu.memory_space<vmem_shared>>
      %dma_wait3A_144 = tpu.memref_squeeze %dma_wait3A_143 : memref<1x640xf32, #tpu.memory_space<vmem_shared>> -> memref<640xf32, #tpu.memory_space<vmem_shared>>
      tpu.wait_dma2 semaphore(%run_scoped3A_138 : memref<!tpu.dma_semaphore, #tpu.memory_space<semaphore_mem>>) src(%dma_wait3A_144 : memref<640xf32, #tpu.memory_space<vmem_shared>>) dst(%arg10 : memref<640xf32, #tpu.memory_space<vmem>>)
      tpu.yield
    }) : () -> ()
    %scan3A_41 = arith.constant 0 : i32
    %scan3A_42 = arith.constant 0 : i32
    %scan3A_43 = arith.constant 40 : i32
    %scan3A_44 = arith.addi %scan3A_42, %scan3A_43 : i32
    %scan3A_45 = arith.constant 1 : i32
    scf.for %scan3A_138 = %scan3A_42 to %scan3A_44 step %scan3A_45  : i32 {
      %mul3A_139 = arith.constant 16 : i32
      %mul3A_140 = arith.muli %scan3A_138, %mul3A_139 : i32
      %get3A = arith.index_cast %mul3A_140 : i32 to index
      %get3A_141 = tpu.vector_load %arg11[%get3A] {strides = array<i32>} : memref<640xf32, #tpu.memory_space<vmem>>, vector<16xf32>,
      %mul3A_142 = arith.constant 16 : i32
      %mul3A_143 = arith.muli %scan3A_138, %mul3A_142 : i32
      %get3A_144 = arith.index_cast %mul3A_143 : i32 to index
      %get3A_145 = tpu.vector_load %arg10[%get3A_144] {strides = array<i32>} : memref<640xf32, #tpu.memory_space<vmem>>, vector<16xf32>,
      %add3A_146 = arith.addf %get3A_141, %get3A_145 : vector<16xf32>
      %mul3A_147 = arith.constant 16 : i32
      %mul3A_148 = arith.muli %scan3A_138, %mul3A_147 : i32
      %swap3A = arith.index_cast %mul3A_148 : i32 to index
      %swap3A_149 = tpu.vector_load %arg11[%swap3A] {strides = array<i32>} : memref<640xf32, #tpu.memory_space<vmem>>, vector<16xf32>,
      tpu.vector_store %arg11[%swap3A], %add3A_146 {strides = array<i32>} : memref<640xf32, #tpu.memory_space<vmem>>, vector<16xf32>,
    }
    %scan3A_46 = arith.constant 40 : i32
    %run_scoped3A_47 = arith.constant 3 : i32
    "tpu.region"() ({
      %run_scoped3A_138 = tpu.sem_alloc : memref<!tpu.dma_semaphore, #tpu.memory_space<semaphore_mem>>
      %dma_start3A = tpu.memref_slice %arg12[%run_scoped3A_47, %mul3A_32] : memref<16x10240xf32, #tpu.memory_space<vmem_shared>> -> memref<1x640xf32, #tpu.memory_space<vmem_shared>>
      %dma_start3A_139 = tpu.memref_squeeze %dma_start3A : memref<1x640xf32, #tpu.memory_space<vmem_shared>> -> memref<640xf32, #tpu.memory_space<vmem_shared>>
      %dma_start3A_140 = tpu.memref_slice %arg12[%run_scoped3A_47, %mul3A_32] : memref<16x10240xf32, #tpu.memory_space<vmem_shared>> -> memref<1x640xf32, #tpu.memory_space<vmem_shared>>
      %dma_start3A_141 = tpu.memref_squeeze %dma_start3A_140 : memref<1x640xf32, #tpu.memory_space<vmem_shared>> -> memref<640xf32, #tpu.memory_space<vmem_shared>>
      tpu.enqueue_dma source(%dma_start3A_141 : memref<640xf32, #tpu.memory_space<vmem_shared>>) target(%arg10 : memref<640xf32, #tpu.memory_space<vmem>>) target_semaphore(%run_scoped3A_138 : memref<!tpu.dma_semaphore, #tpu.memory_space<semaphore_mem>>)
      %dma_wait3A = tpu.memref_slice %arg12[%run_scoped3A_47, %mul3A_32] : memref<16x10240xf32, #tpu.memory_space<vmem_shared>> -> memref<1x640xf32, #tpu.memory_space<vmem_shared>>
      %dma_wait3A_142 = tpu.memref_squeeze %dma_wait3A : memref<1x640xf32, #tpu.memory_space<vmem_shared>> -> memref<640xf32, #tpu.memory_space<vmem_shared>>
      %dma_wait3A_143 = tpu.memref_slice %arg12[%run_scoped3A_47, %mul3A_32] : memref<16x10240xf32, #tpu.memory_space<vmem_shared>> -> memref<1x640xf32, #tpu.memory_space<vmem_shared>>
      %dma_wait3A_144 = tpu.memref_squeeze %dma_wait3A_143 : memref<1x640xf32, #tpu.memory_space<vmem_shared>> -> memref<640xf32, #tpu.memory_space<vmem_shared>>
      tpu.wait_dma2 semaphore(%run_scoped3A_138 : memref<!tpu.dma_semaphore, #tpu.memory_space<semaphore_mem>>) src(%dma_wait3A_144 : memref<640xf32, #tpu.memory_space<vmem_shared>>) dst(%arg10 : memref<640xf32, #tpu.memory_space<vmem>>)
      tpu.yield
    }) : () -> ()
    %scan3A_48 = arith.constant 0 : i32
    %scan3A_49 = arith.constant 0 : i32
    %scan3A_50 = arith.constant 40 : i32
    %scan3A_51 = arith.addi %scan3A_49, %scan3A_50 : i32
    %scan3A_52 = arith.constant 1 : i32
    scf.for %scan3A_138 = %scan3A_49 to %scan3A_51 step %scan3A_52  : i32 {
      %mul3A_139 = arith.constant 16 : i32
      %mul3A_140 = arith.muli %scan3A_138, %mul3A_139 : i32
      %get3A = arith.index_cast %mul3A_140 : i32 to index
      %get3A_141 = tpu.vector_load %arg11[%get3A] {strides = array<i32>} : memref<640xf32, #tpu.memory_space<vmem>>, vector<16xf32>,
      %mul3A_142 = arith.constant 16 : i32
      %mul3A_143 = arith.muli %scan3A_138, %mul3A_142 : i32
      %get3A_144 = arith.index_cast %mul3A_143 : i32 to index
      %get3A_145 = tpu.vector_load %arg10[%get3A_144] {strides = array<i32>} : memref<640xf32, #tpu.memory_space<vmem>>, vector<16xf32>,
      %add3A_146 = arith.addf %get3A_141, %get3A_145 : vector<16xf32>
      %mul3A_147 = arith.constant 16 : i32
      %mul3A_148 = arith.muli %scan3A_138, %mul3A_147 : i32
      %swap3A = arith.index_cast %mul3A_148 : i32 to index
      %swap3A_149 = tpu.vector_load %arg11[%swap3A] {strides = array<i32>} : memref<640xf32, #tpu.memory_space<vmem>>, vector<16xf32>,
      tpu.vector_store %arg11[%swap3A], %add3A_146 {strides = array<i32>} : memref<640xf32, #tpu.memory_space<vmem>>, vector<16xf32>,
    }
    %scan3A_53 = arith.constant 40 : i32
    %run_scoped3A_54 = arith.constant 4 : i32
    "tpu.region"() ({
      %run_scoped3A_138 = tpu.sem_alloc : memref<!tpu.dma_semaphore, #tpu.memory_space<semaphore_mem>>
      %dma_start3A = tpu.memref_slice %arg12[%run_scoped3A_54, %mul3A_32] : memref<16x10240xf32, #tpu.memory_space<vmem_shared>> -> memref<1x640xf32, #tpu.memory_space<vmem_shared>>
      %dma_start3A_139 = tpu.memref_squeeze %dma_start3A : memref<1x640xf32, #tpu.memory_space<vmem_shared>> -> memref<640xf32, #tpu.memory_space<vmem_shared>>
      %dma_start3A_140 = tpu.memref_slice %arg12[%run_scoped3A_54, %mul3A_32] : memref<16x10240xf32, #tpu.memory_space<vmem_shared>> -> memref<1x640xf32, #tpu.memory_space<vmem_shared>>
      %dma_start3A_141 = tpu.memref_squeeze %dma_start3A_140 : memref<1x640xf32, #tpu.memory_space<vmem_shared>> -> memref<640xf32, #tpu.memory_space<vmem_shared>>
      tpu.enqueue_dma source(%dma_start3A_141 : memref<640xf32, #tpu.memory_space<vmem_shared>>) target(%arg10 : memref<640xf32, #tpu.memory_space<vmem>>) target_semaphore(%run_scoped3A_138 : memref<!tpu.dma_semaphore, #tpu.memory_space<semaphore_mem>>)
      %dma_wait3A = tpu.memref_slice %arg12[%run_scoped3A_54, %mul3A_32] : memref<16x10240xf32, #tpu.memory_space<vmem_shared>> -> memref<1x640xf32, #tpu.memory_space<vmem_shared>>
      %dma_wait3A_142 = tpu.memref_squeeze %dma_wait3A : memref<1x640xf32, #tpu.memory_space<vmem_shared>> -> memref<640xf32, #tpu.memory_space<vmem_shared>>
      %dma_wait3A_143 = tpu.memref_slice %arg12[%run_scoped3A_54, %mul3A_32] : memref<16x10240xf32, #tpu.memory_space<vmem_shared>> -> memref<1x640xf32, #tpu.memory_space<vmem_shared>>
      %dma_wait3A_144 = tpu.memref_squeeze %dma_wait3A_143 : memref<1x640xf32, #tpu.memory_space<vmem_shared>> -> memref<640xf32, #tpu.memory_space<vmem_shared>>
      tpu.wait_dma2 semaphore(%run_scoped3A_138 : memref<!tpu.dma_semaphore, #tpu.memory_space<semaphore_mem>>) src(%dma_wait3A_144 : memref<640xf32, #tpu.memory_space<vmem_shared>>) dst(%arg10 : memref<640xf32, #tpu.memory_space<vmem>>)
      tpu.yield
    }) : () -> ()
    %scan3A_55 = arith.constant 0 : i32
    %scan3A_56 = arith.constant 0 : i32
    %scan3A_57 = arith.constant 40 : i32
    %scan3A_58 = arith.addi %scan3A_56, %scan3A_57 : i32
    %scan3A_59 = arith.constant 1 : i32
    scf.for %scan3A_138 = %scan3A_56 to %scan3A_58 step %scan3A_59  : i32 {
      %mul3A_139 = arith.constant 16 : i32
      %mul3A_140 = arith.muli %scan3A_138, %mul3A_139 : i32
      %get3A = arith.index_cast %mul3A_140 : i32 to index
      %get3A_141 = tpu.vector_load %arg11[%get3A] {strides = array<i32>} : memref<640xf32, #tpu.memory_space<vmem>>, vector<16xf32>,
      %mul3A_142 = arith.constant 16 : i32
      %mul3A_143 = arith.muli %scan3A_138, %mul3A_142 : i32
      %get3A_144 = arith.index_cast %mul3A_143 : i32 to index
      %get3A_145 = tpu.vector_load %arg10[%get3A_144] {strides = array<i32>} : memref<640xf32, #tpu.memory_space<vmem>>, vector<16xf32>,
      %add3A_146 = arith.addf %get3A_141, %get3A_145 : vector<16xf32>
      %mul3A_147 = arith.constant 16 : i32
      %mul3A_148 = arith.muli %scan3A_138, %mul3A_147 : i32
      %swap3A = arith.index_cast %mul3A_148 : i32 to index
      %swap3A_149 = tpu.vector_load %arg11[%swap3A] {strides = array<i32>} : memref<640xf32, #tpu.memory_space<vmem>>, vector<16xf32>,
      tpu.vector_store %arg11[%swap3A], %add3A_146 {strides = array<i32>} : memref<640xf32, #tpu.memory_space<vmem>>, vector<16xf32>,
    }
    %scan3A_60 = arith.constant 40 : i32
    %run_scoped3A_61 = arith.constant 5 : i32
    "tpu.region"() ({
      %run_scoped3A_138 = tpu.sem_alloc : memref<!tpu.dma_semaphore, #tpu.memory_space<semaphore_mem>>
      %dma_start3A = tpu.memref_slice %arg12[%run_scoped3A_61, %mul3A_32] : memref<16x10240xf32, #tpu.memory_space<vmem_shared>> -> memref<1x640xf32, #tpu.memory_space<vmem_shared>>
      %dma_start3A_139 = tpu.memref_squeeze %dma_start3A : memref<1x640xf32, #tpu.memory_space<vmem_shared>> -> memref<640xf32, #tpu.memory_space<vmem_shared>>
      %dma_start3A_140 = tpu.memref_slice %arg12[%run_scoped3A_61, %mul3A_32] : memref<16x10240xf32, #tpu.memory_space<vmem_shared>> -> memref<1x640xf32, #tpu.memory_space<vmem_shared>>
      %dma_start3A_141 = tpu.memref_squeeze %dma_start3A_140 : memref<1x640xf32, #tpu.memory_space<vmem_shared>> -> memref<640xf32, #tpu.memory_space<vmem_shared>>
      tpu.enqueue_dma source(%dma_start3A_141 : memref<640xf32, #tpu.memory_space<vmem_shared>>) target(%arg10 : memref<640xf32, #tpu.memory_space<vmem>>) target_semaphore(%run_scoped3A_138 : memref<!tpu.dma_semaphore, #tpu.memory_space<semaphore_mem>>)
      %dma_wait3A = tpu.memref_slice %arg12[%run_scoped3A_61, %mul3A_32] : memref<16x10240xf32, #tpu.memory_space<vmem_shared>> -> memref<1x640xf32, #tpu.memory_space<vmem_shared>>
      %dma_wait3A_142 = tpu.memref_squeeze %dma_wait3A : memref<1x640xf32, #tpu.memory_space<vmem_shared>> -> memref<640xf32, #tpu.memory_space<vmem_shared>>
      %dma_wait3A_143 = tpu.memref_slice %arg12[%run_scoped3A_61, %mul3A_32] : memref<16x10240xf32, #tpu.memory_space<vmem_shared>> -> memref<1x640xf32, #tpu.memory_space<vmem_shared>>
      %dma_wait3A_144 = tpu.memref_squeeze %dma_wait3A_143 : memref<1x640xf32, #tpu.memory_space<vmem_shared>> -> memref<640xf32, #tpu.memory_space<vmem_shared>>
      tpu.wait_dma2 semaphore(%run_scoped3A_138 : memref<!tpu.dma_semaphore, #tpu.memory_space<semaphore_mem>>) src(%dma_wait3A_144 : memref<640xf32, #tpu.memory_space<vmem_shared>>) dst(%arg10 : memref<640xf32, #tpu.memory_space<vmem>>)
      tpu.yield
    }) : () -> ()
    %scan3A_62 = arith.constant 0 : i32
    %scan3A_63 = arith.constant 0 : i32
    %scan3A_64 = arith.constant 40 : i32
    %scan3A_65 = arith.addi %scan3A_63, %scan3A_64 : i32
    %scan3A_66 = arith.constant 1 : i32
    scf.for %scan3A_138 = %scan3A_63 to %scan3A_65 step %scan3A_66  : i32 {
      %mul3A_139 = arith.constant 16 : i32
      %mul3A_140 = arith.muli %scan3A_138, %mul3A_139 : i32
      %get3A = arith.index_cast %mul3A_140 : i32 to index
      %get3A_141 = tpu.vector_load %arg11[%get3A] {strides = array<i32>} : memref<640xf32, #tpu.memory_space<vmem>>, vector<16xf32>,
      %mul3A_142 = arith.constant 16 : i32
      %mul3A_143 = arith.muli %scan3A_138, %mul3A_142 : i32
      %get3A_144 = arith.index_cast %mul3A_143 : i32 to index
      %get3A_145 = tpu.vector_load %arg10[%get3A_144] {strides = array<i32>} : memref<640xf32, #tpu.memory_space<vmem>>, vector<16xf32>,
      %add3A_146 = arith.addf %get3A_141, %get3A_145 : vector<16xf32>
      %mul3A_147 = arith.constant 16 : i32
      %mul3A_148 = arith.muli %scan3A_138, %mul3A_147 : i32
      %swap3A = arith.index_cast %mul3A_148 : i32 to index
      %swap3A_149 = tpu.vector_load %arg11[%swap3A] {strides = array<i32>} : memref<640xf32, #tpu.memory_space<vmem>>, vector<16xf32>,
      tpu.vector_store %arg11[%swap3A], %add3A_146 {strides = array<i32>} : memref<640xf32, #tpu.memory_space<vmem>>, vector<16xf32>,
    }
    %scan3A_67 = arith.constant 40 : i32
    %run_scoped3A_68 = arith.constant 6 : i32
    "tpu.region"() ({
      %run_scoped3A_138 = tpu.sem_alloc : memref<!tpu.dma_semaphore, #tpu.memory_space<semaphore_mem>>
      %dma_start3A = tpu.memref_slice %arg12[%run_scoped3A_68, %mul3A_32] : memref<16x10240xf32, #tpu.memory_space<vmem_shared>> -> memref<1x640xf32, #tpu.memory_space<vmem_shared>>
      %dma_start3A_139 = tpu.memref_squeeze %dma_start3A : memref<1x640xf32, #tpu.memory_space<vmem_shared>> -> memref<640xf32, #tpu.memory_space<vmem_shared>>
      %dma_start3A_140 = tpu.memref_slice %arg12[%run_scoped3A_68, %mul3A_32] : memref<16x10240xf32, #tpu.memory_space<vmem_shared>> -> memref<1x640xf32, #tpu.memory_space<vmem_shared>>
      %dma_start3A_141 = tpu.memref_squeeze %dma_start3A_140 : memref<1x640xf32, #tpu.memory_space<vmem_shared>> -> memref<640xf32, #tpu.memory_space<vmem_shared>>
      tpu.enqueue_dma source(%dma_start3A_141 : memref<640xf32, #tpu.memory_space<vmem_shared>>) target(%arg10 : memref<640xf32, #tpu.memory_space<vmem>>) target_semaphore(%run_scoped3A_138 : memref<!tpu.dma_semaphore, #tpu.memory_space<semaphore_mem>>)
      %dma_wait3A = tpu.memref_slice %arg12[%run_scoped3A_68, %mul3A_32] : memref<16x10240xf32, #tpu.memory_space<vmem_shared>> -> memref<1x640xf32, #tpu.memory_space<vmem_shared>>
      %dma_wait3A_142 = tpu.memref_squeeze %dma_wait3A : memref<1x640xf32, #tpu.memory_space<vmem_shared>> -> memref<640xf32, #tpu.memory_space<vmem_shared>>
      %dma_wait3A_143 = tpu.memref_slice %arg12[%run_scoped3A_68, %mul3A_32] : memref<16x10240xf32, #tpu.memory_space<vmem_shared>> -> memref<1x640xf32, #tpu.memory_space<vmem_shared>>
      %dma_wait3A_144 = tpu.memref_squeeze %dma_wait3A_143 : memref<1x640xf32, #tpu.memory_space<vmem_shared>> -> memref<640xf32, #tpu.memory_space<vmem_shared>>
      tpu.wait_dma2 semaphore(%run_scoped3A_138 : memref<!tpu.dma_semaphore, #tpu.memory_space<semaphore_mem>>) src(%dma_wait3A_144 : memref<640xf32, #tpu.memory_space<vmem_shared>>) dst(%arg10 : memref<640xf32, #tpu.memory_space<vmem>>)
      tpu.yield
    }) : () -> ()
    %scan3A_69 = arith.constant 0 : i32
    %scan3A_70 = arith.constant 0 : i32
    %scan3A_71 = arith.constant 40 : i32
    %scan3A_72 = arith.addi %scan3A_70, %scan3A_71 : i32
    %scan3A_73 = arith.constant 1 : i32
    scf.for %scan3A_138 = %scan3A_70 to %scan3A_72 step %scan3A_73  : i32 {
      %mul3A_139 = arith.constant 16 : i32
      %mul3A_140 = arith.muli %scan3A_138, %mul3A_139 : i32
      %get3A = arith.index_cast %mul3A_140 : i32 to index
      %get3A_141 = tpu.vector_load %arg11[%get3A] {strides = array<i32>} : memref<640xf32, #tpu.memory_space<vmem>>, vector<16xf32>,
      %mul3A_142 = arith.constant 16 : i32
      %mul3A_143 = arith.muli %scan3A_138, %mul3A_142 : i32
      %get3A_144 = arith.index_cast %mul3A_143 : i32 to index
      %get3A_145 = tpu.vector_load %arg10[%get3A_144] {strides = array<i32>} : memref<640xf32, #tpu.memory_space<vmem>>, vector<16xf32>,
      %add3A_146 = arith.addf %get3A_141, %get3A_145 : vector<16xf32>
      %mul3A_147 = arith.constant 16 : i32
      %mul3A_148 = arith.muli %scan3A_138, %mul3A_147 : i32
      %swap3A = arith.index_cast %mul3A_148 : i32 to index
      %swap3A_149 = tpu.vector_load %arg11[%swap3A] {strides = array<i32>} : memref<640xf32, #tpu.memory_space<vmem>>, vector<16xf32>,
      tpu.vector_store %arg11[%swap3A], %add3A_146 {strides = array<i32>} : memref<640xf32, #tpu.memory_space<vmem>>, vector<16xf32>,
    }
    %scan3A_74 = arith.constant 40 : i32
    %run_scoped3A_75 = arith.constant 7 : i32
    "tpu.region"() ({
      %run_scoped3A_138 = tpu.sem_alloc : memref<!tpu.dma_semaphore, #tpu.memory_space<semaphore_mem>>
      %dma_start3A = tpu.memref_slice %arg12[%run_scoped3A_75, %mul3A_32] : memref<16x10240xf32, #tpu.memory_space<vmem_shared>> -> memref<1x640xf32, #tpu.memory_space<vmem_shared>>
      %dma_start3A_139 = tpu.memref_squeeze %dma_start3A : memref<1x640xf32, #tpu.memory_space<vmem_shared>> -> memref<640xf32, #tpu.memory_space<vmem_shared>>
      %dma_start3A_140 = tpu.memref_slice %arg12[%run_scoped3A_75, %mul3A_32] : memref<16x10240xf32, #tpu.memory_space<vmem_shared>> -> memref<1x640xf32, #tpu.memory_space<vmem_shared>>
      %dma_start3A_141 = tpu.memref_squeeze %dma_start3A_140 : memref<1x640xf32, #tpu.memory_space<vmem_shared>> -> memref<640xf32, #tpu.memory_space<vmem_shared>>
      tpu.enqueue_dma source(%dma_start3A_141 : memref<640xf32, #tpu.memory_space<vmem_shared>>) target(%arg10 : memref<640xf32, #tpu.memory_space<vmem>>) target_semaphore(%run_scoped3A_138 : memref<!tpu.dma_semaphore, #tpu.memory_space<semaphore_mem>>)
      %dma_wait3A = tpu.memref_slice %arg12[%run_scoped3A_75, %mul3A_32] : memref<16x10240xf32, #tpu.memory_space<vmem_shared>> -> memref<1x640xf32, #tpu.memory_space<vmem_shared>>
      %dma_wait3A_142 = tpu.memref_squeeze %dma_wait3A : memref<1x640xf32, #tpu.memory_space<vmem_shared>> -> memref<640xf32, #tpu.memory_space<vmem_shared>>
      %dma_wait3A_143 = tpu.memref_slice %arg12[%run_scoped3A_75, %mul3A_32] : memref<16x10240xf32, #tpu.memory_space<vmem_shared>> -> memref<1x640xf32, #tpu.memory_space<vmem_shared>>
      %dma_wait3A_144 = tpu.memref_squeeze %dma_wait3A_143 : memref<1x640xf32, #tpu.memory_space<vmem_shared>> -> memref<640xf32, #tpu.memory_space<vmem_shared>>
      tpu.wait_dma2 semaphore(%run_scoped3A_138 : memref<!tpu.dma_semaphore, #tpu.memory_space<semaphore_mem>>) src(%dma_wait3A_144 : memref<640xf32, #tpu.memory_space<vmem_shared>>) dst(%arg10 : memref<640xf32, #tpu.memory_space<vmem>>)
      tpu.yield
    }) : () -> ()
    %scan3A_76 = arith.constant 0 : i32
    %scan3A_77 = arith.constant 0 : i32
    %scan3A_78 = arith.constant 40 : i32
    %scan3A_79 = arith.addi %scan3A_77, %scan3A_78 : i32
    %scan3A_80 = arith.constant 1 : i32
    scf.for %scan3A_138 = %scan3A_77 to %scan3A_79 step %scan3A_80  : i32 {
      %mul3A_139 = arith.constant 16 : i32
      %mul3A_140 = arith.muli %scan3A_138, %mul3A_139 : i32
      %get3A = arith.index_cast %mul3A_140 : i32 to index
      %get3A_141 = tpu.vector_load %arg11[%get3A] {strides = array<i32>} : memref<640xf32, #tpu.memory_space<vmem>>, vector<16xf32>,
      %mul3A_142 = arith.constant 16 : i32
      %mul3A_143 = arith.muli %scan3A_138, %mul3A_142 : i32
      %get3A_144 = arith.index_cast %mul3A_143 : i32 to index
      %get3A_145 = tpu.vector_load %arg10[%get3A_144] {strides = array<i32>} : memref<640xf32, #tpu.memory_space<vmem>>, vector<16xf32>,
      %add3A_146 = arith.addf %get3A_141, %get3A_145 : vector<16xf32>
      %mul3A_147 = arith.constant 16 : i32
      %mul3A_148 = arith.muli %scan3A_138, %mul3A_147 : i32
      %swap3A = arith.index_cast %mul3A_148 : i32 to index
      %swap3A_149 = tpu.vector_load %arg11[%swap3A] {strides = array<i32>} : memref<640xf32, #tpu.memory_space<vmem>>, vector<16xf32>,
      tpu.vector_store %arg11[%swap3A], %add3A_146 {strides = array<i32>} : memref<640xf32, #tpu.memory_space<vmem>>, vector<16xf32>,
    }
    %scan3A_81 = arith.constant 40 : i32
    %run_scoped3A_82 = arith.constant 8 : i32
    "tpu.region"() ({
      %run_scoped3A_138 = tpu.sem_alloc : memref<!tpu.dma_semaphore, #tpu.memory_space<semaphore_mem>>
      %dma_start3A = tpu.memref_slice %arg12[%run_scoped3A_82, %mul3A_32] : memref<16x10240xf32, #tpu.memory_space<vmem_shared>> -> memref<1x640xf32, #tpu.memory_space<vmem_shared>>
      %dma_start3A_139 = tpu.memref_squeeze %dma_start3A : memref<1x640xf32, #tpu.memory_space<vmem_shared>> -> memref<640xf32, #tpu.memory_space<vmem_shared>>
      %dma_start3A_140 = tpu.memref_slice %arg12[%run_scoped3A_82, %mul3A_32] : memref<16x10240xf32, #tpu.memory_space<vmem_shared>> -> memref<1x640xf32, #tpu.memory_space<vmem_shared>>
      %dma_start3A_141 = tpu.memref_squeeze %dma_start3A_140 : memref<1x640xf32, #tpu.memory_space<vmem_shared>> -> memref<640xf32, #tpu.memory_space<vmem_shared>>
      tpu.enqueue_dma source(%dma_start3A_141 : memref<640xf32, #tpu.memory_space<vmem_shared>>) target(%arg10 : memref<640xf32, #tpu.memory_space<vmem>>) target_semaphore(%run_scoped3A_138 : memref<!tpu.dma_semaphore, #tpu.memory_space<semaphore_mem>>)
      %dma_wait3A = tpu.memref_slice %arg12[%run_scoped3A_82, %mul3A_32] : memref<16x10240xf32, #tpu.memory_space<vmem_shared>> -> memref<1x640xf32, #tpu.memory_space<vmem_shared>>
      %dma_wait3A_142 = tpu.memref_squeeze %dma_wait3A : memref<1x640xf32, #tpu.memory_space<vmem_shared>> -> memref<640xf32, #tpu.memory_space<vmem_shared>>
      %dma_wait3A_143 = tpu.memref_slice %arg12[%run_scoped3A_82, %mul3A_32] : memref<16x10240xf32, #tpu.memory_space<vmem_shared>> -> memref<1x640xf32, #tpu.memory_space<vmem_shared>>
      %dma_wait3A_144 = tpu.memref_squeeze %dma_wait3A_143 : memref<1x640xf32, #tpu.memory_space<vmem_shared>> -> memref<640xf32, #tpu.memory_space<vmem_shared>>
      tpu.wait_dma2 semaphore(%run_scoped3A_138 : memref<!tpu.dma_semaphore, #tpu.memory_space<semaphore_mem>>) src(%dma_wait3A_144 : memref<640xf32, #tpu.memory_space<vmem_shared>>) dst(%arg10 : memref<640xf32, #tpu.memory_space<vmem>>)
      tpu.yield
    }) : () -> ()
    %scan3A_83 = arith.constant 0 : i32
    %scan3A_84 = arith.constant 0 : i32
    %scan3A_85 = arith.constant 40 : i32
    %scan3A_86 = arith.addi %scan3A_84, %scan3A_85 : i32
    %scan3A_87 = arith.constant 1 : i32
    scf.for %scan3A_138 = %scan3A_84 to %scan3A_86 step %scan3A_87  : i32 {
      %mul3A_139 = arith.constant 16 : i32
      %mul3A_140 = arith.muli %scan3A_138, %mul3A_139 : i32
      %get3A = arith.index_cast %mul3A_140 : i32 to index
      %get3A_141 = tpu.vector_load %arg11[%get3A] {strides = array<i32>} : memref<640xf32, #tpu.memory_space<vmem>>, vector<16xf32>,
      %mul3A_142 = arith.constant 16 : i32
      %mul3A_143 = arith.muli %scan3A_138, %mul3A_142 : i32
      %get3A_144 = arith.index_cast %mul3A_143 : i32 to index
      %get3A_145 = tpu.vector_load %arg10[%get3A_144] {strides = array<i32>} : memref<640xf32, #tpu.memory_space<vmem>>, vector<16xf32>,
      %add3A_146 = arith.addf %get3A_141, %get3A_145 : vector<16xf32>
      %mul3A_147 = arith.constant 16 : i32
      %mul3A_148 = arith.muli %scan3A_138, %mul3A_147 : i32
      %swap3A = arith.index_cast %mul3A_148 : i32 to index
      %swap3A_149 = tpu.vector_load %arg11[%swap3A] {strides = array<i32>} : memref<640xf32, #tpu.memory_space<vmem>>, vector<16xf32>,
      tpu.vector_store %arg11[%swap3A], %add3A_146 {strides = array<i32>} : memref<640xf32, #tpu.memory_space<vmem>>, vector<16xf32>,
    }
    %scan3A_88 = arith.constant 40 : i32
    %run_scoped3A_89 = arith.constant 9 : i32
    "tpu.region"() ({
      %run_scoped3A_138 = tpu.sem_alloc : memref<!tpu.dma_semaphore, #tpu.memory_space<semaphore_mem>>
      %dma_start3A = tpu.memref_slice %arg12[%run_scoped3A_89, %mul3A_32] : memref<16x10240xf32, #tpu.memory_space<vmem_shared>> -> memref<1x640xf32, #tpu.memory_space<vmem_shared>>
      %dma_start3A_139 = tpu.memref_squeeze %dma_start3A : memref<1x640xf32, #tpu.memory_space<vmem_shared>> -> memref<640xf32, #tpu.memory_space<vmem_shared>>
      %dma_start3A_140 = tpu.memref_slice %arg12[%run_scoped3A_89, %mul3A_32] : memref<16x10240xf32, #tpu.memory_space<vmem_shared>> -> memref<1x640xf32, #tpu.memory_space<vmem_shared>>
      %dma_start3A_141 = tpu.memref_squeeze %dma_start3A_140 : memref<1x640xf32, #tpu.memory_space<vmem_shared>> -> memref<640xf32, #tpu.memory_space<vmem_shared>>
      tpu.enqueue_dma source(%dma_start3A_141 : memref<640xf32, #tpu.memory_space<vmem_shared>>) target(%arg10 : memref<640xf32, #tpu.memory_space<vmem>>) target_semaphore(%run_scoped3A_138 : memref<!tpu.dma_semaphore, #tpu.memory_space<semaphore_mem>>)
      %dma_wait3A = tpu.memref_slice %arg12[%run_scoped3A_89, %mul3A_32] : memref<16x10240xf32, #tpu.memory_space<vmem_shared>> -> memref<1x640xf32, #tpu.memory_space<vmem_shared>>
      %dma_wait3A_142 = tpu.memref_squeeze %dma_wait3A : memref<1x640xf32, #tpu.memory_space<vmem_shared>> -> memref<640xf32, #tpu.memory_space<vmem_shared>>
      %dma_wait3A_143 = tpu.memref_slice %arg12[%run_scoped3A_89, %mul3A_32] : memref<16x10240xf32, #tpu.memory_space<vmem_shared>> -> memref<1x640xf32, #tpu.memory_space<vmem_shared>>
      %dma_wait3A_144 = tpu.memref_squeeze %dma_wait3A_143 : memref<1x640xf32, #tpu.memory_space<vmem_shared>> -> memref<640xf32, #tpu.memory_space<vmem_shared>>
      tpu.wait_dma2 semaphore(%run_scoped3A_138 : memref<!tpu.dma_semaphore, #tpu.memory_space<semaphore_mem>>) src(%dma_wait3A_144 : memref<640xf32, #tpu.memory_space<vmem_shared>>) dst(%arg10 : memref<640xf32, #tpu.memory_space<vmem>>)
      tpu.yield
    }) : () -> ()
    %scan3A_90 = arith.constant 0 : i32
    %scan3A_91 = arith.constant 0 : i32
    %scan3A_92 = arith.constant 40 : i32
    %scan3A_93 = arith.addi %scan3A_91, %scan3A_92 : i32
    %scan3A_94 = arith.constant 1 : i32
    scf.for %scan3A_138 = %scan3A_91 to %scan3A_93 step %scan3A_94  : i32 {
      %mul3A_139 = arith.constant 16 : i32
      %mul3A_140 = arith.muli %scan3A_138, %mul3A_139 : i32
      %get3A = arith.index_cast %mul3A_140 : i32 to index
      %get3A_141 = tpu.vector_load %arg11[%get3A] {strides = array<i32>} : memref<640xf32, #tpu.memory_space<vmem>>, vector<16xf32>,
      %mul3A_142 = arith.constant 16 : i32
      %mul3A_143 = arith.muli %scan3A_138, %mul3A_142 : i32
      %get3A_144 = arith.index_cast %mul3A_143 : i32 to index
      %get3A_145 = tpu.vector_load %arg10[%get3A_144] {strides = array<i32>} : memref<640xf32, #tpu.memory_space<vmem>>, vector<16xf32>,
      %add3A_146 = arith.addf %get3A_141, %get3A_145 : vector<16xf32>
      %mul3A_147 = arith.constant 16 : i32
      %mul3A_148 = arith.muli %scan3A_138, %mul3A_147 : i32
      %swap3A = arith.index_cast %mul3A_148 : i32 to index
      %swap3A_149 = tpu.vector_load %arg11[%swap3A] {strides = array<i32>} : memref<640xf32, #tpu.memory_space<vmem>>, vector<16xf32>,
      tpu.vector_store %arg11[%swap3A], %add3A_146 {strides = array<i32>} : memref<640xf32, #tpu.memory_space<vmem>>, vector<16xf32>,
    }
    %scan3A_95 = arith.constant 40 : i32
    %run_scoped3A_96 = arith.constant 10 : i32
    "tpu.region"() ({
      %run_scoped3A_138 = tpu.sem_alloc : memref<!tpu.dma_semaphore, #tpu.memory_space<semaphore_mem>>
      %dma_start3A = tpu.memref_slice %arg12[%run_scoped3A_96, %mul3A_32] : memref<16x10240xf32, #tpu.memory_space<vmem_shared>> -> memref<1x640xf32, #tpu.memory_space<vmem_shared>>
      %dma_start3A_139 = tpu.memref_squeeze %dma_start3A : memref<1x640xf32, #tpu.memory_space<vmem_shared>> -> memref<640xf32, #tpu.memory_space<vmem_shared>>
      %dma_start3A_140 = tpu.memref_slice %arg12[%run_scoped3A_96, %mul3A_32] : memref<16x10240xf32, #tpu.memory_space<vmem_shared>> -> memref<1x640xf32, #tpu.memory_space<vmem_shared>>
      %dma_start3A_141 = tpu.memref_squeeze %dma_start3A_140 : memref<1x640xf32, #tpu.memory_space<vmem_shared>> -> memref<640xf32, #tpu.memory_space<vmem_shared>>
      tpu.enqueue_dma source(%dma_start3A_141 : memref<640xf32, #tpu.memory_space<vmem_shared>>) target(%arg10 : memref<640xf32, #tpu.memory_space<vmem>>) target_semaphore(%run_scoped3A_138 : memref<!tpu.dma_semaphore, #tpu.memory_space<semaphore_mem>>)
      %dma_wait3A = tpu.memref_slice %arg12[%run_scoped3A_96, %mul3A_32] : memref<16x10240xf32, #tpu.memory_space<vmem_shared>> -> memref<1x640xf32, #tpu.memory_space<vmem_shared>>
      %dma_wait3A_142 = tpu.memref_squeeze %dma_wait3A : memref<1x640xf32, #tpu.memory_space<vmem_shared>> -> memref<640xf32, #tpu.memory_space<vmem_shared>>
      %dma_wait3A_143 = tpu.memref_slice %arg12[%run_scoped3A_96, %mul3A_32] : memref<16x10240xf32, #tpu.memory_space<vmem_shared>> -> memref<1x640xf32, #tpu.memory_space<vmem_shared>>
      %dma_wait3A_144 = tpu.memref_squeeze %dma_wait3A_143 : memref<1x640xf32, #tpu.memory_space<vmem_shared>> -> memref<640xf32, #tpu.memory_space<vmem_shared>>
      tpu.wait_dma2 semaphore(%run_scoped3A_138 : memref<!tpu.dma_semaphore, #tpu.memory_space<semaphore_mem>>) src(%dma_wait3A_144 : memref<640xf32, #tpu.memory_space<vmem_shared>>) dst(%arg10 : memref<640xf32, #tpu.memory_space<vmem>>)
      tpu.yield
    }) : () -> ()
    %scan3A_97 = arith.constant 0 : i32
    %scan3A_98 = arith.constant 0 : i32
    %scan3A_99 = arith.constant 40 : i32
    %scan3A_100 = arith.addi %scan3A_98, %scan3A_99 : i32
    %scan3A_101 = arith.constant 1 : i32
    scf.for %scan3A_138 = %scan3A_98 to %scan3A_100 step %scan3A_101  : i32 {
      %mul3A_139 = arith.constant 16 : i32
      %mul3A_140 = arith.muli %scan3A_138, %mul3A_139 : i32
      %get3A = arith.index_cast %mul3A_140 : i32 to index
      %get3A_141 = tpu.vector_load %arg11[%get3A] {strides = array<i32>} : memref<640xf32, #tpu.memory_space<vmem>>, vector<16xf32>,
      %mul3A_142 = arith.constant 16 : i32
      %mul3A_143 = arith.muli %scan3A_138, %mul3A_142 : i32
      %get3A_144 = arith.index_cast %mul3A_143 : i32 to index
      %get3A_145 = tpu.vector_load %arg10[%get3A_144] {strides = array<i32>} : memref<640xf32, #tpu.memory_space<vmem>>, vector<16xf32>,
      %add3A_146 = arith.addf %get3A_141, %get3A_145 : vector<16xf32>
      %mul3A_147 = arith.constant 16 : i32
      %mul3A_148 = arith.muli %scan3A_138, %mul3A_147 : i32
      %swap3A = arith.index_cast %mul3A_148 : i32 to index
      %swap3A_149 = tpu.vector_load %arg11[%swap3A] {strides = array<i32>} : memref<640xf32, #tpu.memory_space<vmem>>, vector<16xf32>,
      tpu.vector_store %arg11[%swap3A], %add3A_146 {strides = array<i32>} : memref<640xf32, #tpu.memory_space<vmem>>, vector<16xf32>,
    }
    %scan3A_102 = arith.constant 40 : i32
    %run_scoped3A_103 = arith.constant 11 : i32
    "tpu.region"() ({
      %run_scoped3A_138 = tpu.sem_alloc : memref<!tpu.dma_semaphore, #tpu.memory_space<semaphore_mem>>
      %dma_start3A = tpu.memref_slice %arg12[%run_scoped3A_103, %mul3A_32] : memref<16x10240xf32, #tpu.memory_space<vmem_shared>> -> memref<1x640xf32, #tpu.memory_space<vmem_shared>>
      %dma_start3A_139 = tpu.memref_squeeze %dma_start3A : memref<1x640xf32, #tpu.memory_space<vmem_shared>> -> memref<640xf32, #tpu.memory_space<vmem_shared>>
      %dma_start3A_140 = tpu.memref_slice %arg12[%run_scoped3A_103, %mul3A_32] : memref<16x10240xf32, #tpu.memory_space<vmem_shared>> -> memref<1x640xf32, #tpu.memory_space<vmem_shared>>
      %dma_start3A_141 = tpu.memref_squeeze %dma_start3A_140 : memref<1x640xf32, #tpu.memory_space<vmem_shared>> -> memref<640xf32, #tpu.memory_space<vmem_shared>>
      tpu.enqueue_dma source(%dma_start3A_141 : memref<640xf32, #tpu.memory_space<vmem_shared>>) target(%arg10 : memref<640xf32, #tpu.memory_space<vmem>>) target_semaphore(%run_scoped3A_138 : memref<!tpu.dma_semaphore, #tpu.memory_space<semaphore_mem>>)
      %dma_wait3A = tpu.memref_slice %arg12[%run_scoped3A_103, %mul3A_32] : memref<16x10240xf32, #tpu.memory_space<vmem_shared>> -> memref<1x640xf32, #tpu.memory_space<vmem_shared>>
      %dma_wait3A_142 = tpu.memref_squeeze %dma_wait3A : memref<1x640xf32, #tpu.memory_space<vmem_shared>> -> memref<640xf32, #tpu.memory_space<vmem_shared>>
      %dma_wait3A_143 = tpu.memref_slice %arg12[%run_scoped3A_103, %mul3A_32] : memref<16x10240xf32, #tpu.memory_space<vmem_shared>> -> memref<1x640xf32, #tpu.memory_space<vmem_shared>>
      %dma_wait3A_144 = tpu.memref_squeeze %dma_wait3A_143 : memref<1x640xf32, #tpu.memory_space<vmem_shared>> -> memref<640xf32, #tpu.memory_space<vmem_shared>>
      tpu.wait_dma2 semaphore(%run_scoped3A_138 : memref<!tpu.dma_semaphore, #tpu.memory_space<semaphore_mem>>) src(%dma_wait3A_144 : memref<640xf32, #tpu.memory_space<vmem_shared>>) dst(%arg10 : memref<640xf32, #tpu.memory_space<vmem>>)
      tpu.yield
    }) : () -> ()
    %scan3A_104 = arith.constant 0 : i32
    %scan3A_105 = arith.constant 0 : i32
    %scan3A_106 = arith.constant 40 : i32
    %scan3A_107 = arith.addi %scan3A_105, %scan3A_106 : i32
    %scan3A_108 = arith.constant 1 : i32
    scf.for %scan3A_138 = %scan3A_105 to %scan3A_107 step %scan3A_108  : i32 {
      %mul3A_139 = arith.constant 16 : i32
      %mul3A_140 = arith.muli %scan3A_138, %mul3A_139 : i32
      %get3A = arith.index_cast %mul3A_140 : i32 to index
      %get3A_141 = tpu.vector_load %arg11[%get3A] {strides = array<i32>} : memref<640xf32, #tpu.memory_space<vmem>>, vector<16xf32>,
      %mul3A_142 = arith.constant 16 : i32
      %mul3A_143 = arith.muli %scan3A_138, %mul3A_142 : i32
      %get3A_144 = arith.index_cast %mul3A_143 : i32 to index
      %get3A_145 = tpu.vector_load %arg10[%get3A_144] {strides = array<i32>} : memref<640xf32, #tpu.memory_space<vmem>>, vector<16xf32>,
      %add3A_146 = arith.addf %get3A_141, %get3A_145 : vector<16xf32>
      %mul3A_147 = arith.constant 16 : i32
      %mul3A_148 = arith.muli %scan3A_138, %mul3A_147 : i32
      %swap3A = arith.index_cast %mul3A_148 : i32 to index
      %swap3A_149 = tpu.vector_load %arg11[%swap3A] {strides = array<i32>} : memref<640xf32, #tpu.memory_space<vmem>>, vector<16xf32>,
      tpu.vector_store %arg11[%swap3A], %add3A_146 {strides = array<i32>} : memref<640xf32, #tpu.memory_space<vmem>>, vector<16xf32>,
    }
    %scan3A_109 = arith.constant 40 : i32
    %run_scoped3A_110 = arith.constant 12 : i32
    "tpu.region"() ({
      %run_scoped3A_138 = tpu.sem_alloc : memref<!tpu.dma_semaphore, #tpu.memory_space<semaphore_mem>>
      %dma_start3A = tpu.memref_slice %arg12[%run_scoped3A_110, %mul3A_32] : memref<16x10240xf32, #tpu.memory_space<vmem_shared>> -> memref<1x640xf32, #tpu.memory_space<vmem_shared>>
      %dma_start3A_139 = tpu.memref_squeeze %dma_start3A : memref<1x640xf32, #tpu.memory_space<vmem_shared>> -> memref<640xf32, #tpu.memory_space<vmem_shared>>
      %dma_start3A_140 = tpu.memref_slice %arg12[%run_scoped3A_110, %mul3A_32] : memref<16x10240xf32, #tpu.memory_space<vmem_shared>> -> memref<1x640xf32, #tpu.memory_space<vmem_shared>>
      %dma_start3A_141 = tpu.memref_squeeze %dma_start3A_140 : memref<1x640xf32, #tpu.memory_space<vmem_shared>> -> memref<640xf32, #tpu.memory_space<vmem_shared>>
      tpu.enqueue_dma source(%dma_start3A_141 : memref<640xf32, #tpu.memory_space<vmem_shared>>) target(%arg10 : memref<640xf32, #tpu.memory_space<vmem>>) target_semaphore(%run_scoped3A_138 : memref<!tpu.dma_semaphore, #tpu.memory_space<semaphore_mem>>)
      %dma_wait3A = tpu.memref_slice %arg12[%run_scoped3A_110, %mul3A_32] : memref<16x10240xf32, #tpu.memory_space<vmem_shared>> -> memref<1x640xf32, #tpu.memory_space<vmem_shared>>
      %dma_wait3A_142 = tpu.memref_squeeze %dma_wait3A : memref<1x640xf32, #tpu.memory_space<vmem_shared>> -> memref<640xf32, #tpu.memory_space<vmem_shared>>
      %dma_wait3A_143 = tpu.memref_slice %arg12[%run_scoped3A_110, %mul3A_32] : memref<16x10240xf32, #tpu.memory_space<vmem_shared>> -> memref<1x640xf32, #tpu.memory_space<vmem_shared>>
      %dma_wait3A_144 = tpu.memref_squeeze %dma_wait3A_143 : memref<1x640xf32, #tpu.memory_space<vmem_shared>> -> memref<640xf32, #tpu.memory_space<vmem_shared>>
      tpu.wait_dma2 semaphore(%run_scoped3A_138 : memref<!tpu.dma_semaphore, #tpu.memory_space<semaphore_mem>>) src(%dma_wait3A_144 : memref<640xf32, #tpu.memory_space<vmem_shared>>) dst(%arg10 : memref<640xf32, #tpu.memory_space<vmem>>)
      tpu.yield
    }) : () -> ()
    %scan3A_111 = arith.constant 0 : i32
    %scan3A_112 = arith.constant 0 : i32
    %scan3A_113 = arith.constant 40 : i32
    %scan3A_114 = arith.addi %scan3A_112, %scan3A_113 : i32
    %scan3A_115 = arith.constant 1 : i32
    scf.for %scan3A_138 = %scan3A_112 to %scan3A_114 step %scan3A_115  : i32 {
      %mul3A_139 = arith.constant 16 : i32
      %mul3A_140 = arith.muli %scan3A_138, %mul3A_139 : i32
      %get3A = arith.index_cast %mul3A_140 : i32 to index
      %get3A_141 = tpu.vector_load %arg11[%get3A] {strides = array<i32>} : memref<640xf32, #tpu.memory_space<vmem>>, vector<16xf32>,
      %mul3A_142 = arith.constant 16 : i32
      %mul3A_143 = arith.muli %scan3A_138, %mul3A_142 : i32
      %get3A_144 = arith.index_cast %mul3A_143 : i32 to index
      %get3A_145 = tpu.vector_load %arg10[%get3A_144] {strides = array<i32>} : memref<640xf32, #tpu.memory_space<vmem>>, vector<16xf32>,
      %add3A_146 = arith.addf %get3A_141, %get3A_145 : vector<16xf32>
      %mul3A_147 = arith.constant 16 : i32
      %mul3A_148 = arith.muli %scan3A_138, %mul3A_147 : i32
      %swap3A = arith.index_cast %mul3A_148 : i32 to index
      %swap3A_149 = tpu.vector_load %arg11[%swap3A] {strides = array<i32>} : memref<640xf32, #tpu.memory_space<vmem>>, vector<16xf32>,
      tpu.vector_store %arg11[%swap3A], %add3A_146 {strides = array<i32>} : memref<640xf32, #tpu.memory_space<vmem>>, vector<16xf32>,
    }
    %scan3A_116 = arith.constant 40 : i32
    %run_scoped3A_117 = arith.constant 13 : i32
    "tpu.region"() ({
      %run_scoped3A_138 = tpu.sem_alloc : memref<!tpu.dma_semaphore, #tpu.memory_space<semaphore_mem>>
      %dma_start3A = tpu.memref_slice %arg12[%run_scoped3A_117, %mul3A_32] : memref<16x10240xf32, #tpu.memory_space<vmem_shared>> -> memref<1x640xf32, #tpu.memory_space<vmem_shared>>
      %dma_start3A_139 = tpu.memref_squeeze %dma_start3A : memref<1x640xf32, #tpu.memory_space<vmem_shared>> -> memref<640xf32, #tpu.memory_space<vmem_shared>>
      %dma_start3A_140 = tpu.memref_slice %arg12[%run_scoped3A_117, %mul3A_32] : memref<16x10240xf32, #tpu.memory_space<vmem_shared>> -> memref<1x640xf32, #tpu.memory_space<vmem_shared>>
      %dma_start3A_141 = tpu.memref_squeeze %dma_start3A_140 : memref<1x640xf32, #tpu.memory_space<vmem_shared>> -> memref<640xf32, #tpu.memory_space<vmem_shared>>
      tpu.enqueue_dma source(%dma_start3A_141 : memref<640xf32, #tpu.memory_space<vmem_shared>>) target(%arg10 : memref<640xf32, #tpu.memory_space<vmem>>) target_semaphore(%run_scoped3A_138 : memref<!tpu.dma_semaphore, #tpu.memory_space<semaphore_mem>>)
      %dma_wait3A = tpu.memref_slice %arg12[%run_scoped3A_117, %mul3A_32] : memref<16x10240xf32, #tpu.memory_space<vmem_shared>> -> memref<1x640xf32, #tpu.memory_space<vmem_shared>>
      %dma_wait3A_142 = tpu.memref_squeeze %dma_wait3A : memref<1x640xf32, #tpu.memory_space<vmem_shared>> -> memref<640xf32, #tpu.memory_space<vmem_shared>>
      %dma_wait3A_143 = tpu.memref_slice %arg12[%run_scoped3A_117, %mul3A_32] : memref<16x10240xf32, #tpu.memory_space<vmem_shared>> -> memref<1x640xf32, #tpu.memory_space<vmem_shared>>
      %dma_wait3A_144 = tpu.memref_squeeze %dma_wait3A_143 : memref<1x640xf32, #tpu.memory_space<vmem_shared>> -> memref<640xf32, #tpu.memory_space<vmem_shared>>
      tpu.wait_dma2 semaphore(%run_scoped3A_138 : memref<!tpu.dma_semaphore, #tpu.memory_space<semaphore_mem>>) src(%dma_wait3A_144 : memref<640xf32, #tpu.memory_space<vmem_shared>>) dst(%arg10 : memref<640xf32, #tpu.memory_space<vmem>>)
      tpu.yield
    }) : () -> ()
    %scan3A_118 = arith.constant 0 : i32
    %scan3A_119 = arith.constant 0 : i32
    %scan3A_120 = arith.constant 40 : i32
    %scan3A_121 = arith.addi %scan3A_119, %scan3A_120 : i32
    %scan3A_122 = arith.constant 1 : i32
    scf.for %scan3A_138 = %scan3A_119 to %scan3A_121 step %scan3A_122  : i32 {
      %mul3A_139 = arith.constant 16 : i32
      %mul3A_140 = arith.muli %scan3A_138, %mul3A_139 : i32
      %get3A = arith.index_cast %mul3A_140 : i32 to index
      %get3A_141 = tpu.vector_load %arg11[%get3A] {strides = array<i32>} : memref<640xf32, #tpu.memory_space<vmem>>, vector<16xf32>,
      %mul3A_142 = arith.constant 16 : i32
      %mul3A_143 = arith.muli %scan3A_138, %mul3A_142 : i32
      %get3A_144 = arith.index_cast %mul3A_143 : i32 to index
      %get3A_145 = tpu.vector_load %arg10[%get3A_144] {strides = array<i32>} : memref<640xf32, #tpu.memory_space<vmem>>, vector<16xf32>,
      %add3A_146 = arith.addf %get3A_141, %get3A_145 : vector<16xf32>
      %mul3A_147 = arith.constant 16 : i32
      %mul3A_148 = arith.muli %scan3A_138, %mul3A_147 : i32
      %swap3A = arith.index_cast %mul3A_148 : i32 to index
      %swap3A_149 = tpu.vector_load %arg11[%swap3A] {strides = array<i32>} : memref<640xf32, #tpu.memory_space<vmem>>, vector<16xf32>,
      tpu.vector_store %arg11[%swap3A], %add3A_146 {strides = array<i32>} : memref<640xf32, #tpu.memory_space<vmem>>, vector<16xf32>,
    }
    %scan3A_123 = arith.constant 40 : i32
    %run_scoped3A_124 = arith.constant 14 : i32
    "tpu.region"() ({
      %run_scoped3A_138 = tpu.sem_alloc : memref<!tpu.dma_semaphore, #tpu.memory_space<semaphore_mem>>
      %dma_start3A = tpu.memref_slice %arg12[%run_scoped3A_124, %mul3A_32] : memref<16x10240xf32, #tpu.memory_space<vmem_shared>> -> memref<1x640xf32, #tpu.memory_space<vmem_shared>>
      %dma_start3A_139 = tpu.memref_squeeze %dma_start3A : memref<1x640xf32, #tpu.memory_space<vmem_shared>> -> memref<640xf32, #tpu.memory_space<vmem_shared>>
      %dma_start3A_140 = tpu.memref_slice %arg12[%run_scoped3A_124, %mul3A_32] : memref<16x10240xf32, #tpu.memory_space<vmem_shared>> -> memref<1x640xf32, #tpu.memory_space<vmem_shared>>
      %dma_start3A_141 = tpu.memref_squeeze %dma_start3A_140 : memref<1x640xf32, #tpu.memory_space<vmem_shared>> -> memref<640xf32, #tpu.memory_space<vmem_shared>>
      tpu.enqueue_dma source(%dma_start3A_141 : memref<640xf32, #tpu.memory_space<vmem_shared>>) target(%arg10 : memref<640xf32, #tpu.memory_space<vmem>>) target_semaphore(%run_scoped3A_138 : memref<!tpu.dma_semaphore, #tpu.memory_space<semaphore_mem>>)
      %dma_wait3A = tpu.memref_slice %arg12[%run_scoped3A_124, %mul3A_32] : memref<16x10240xf32, #tpu.memory_space<vmem_shared>> -> memref<1x640xf32, #tpu.memory_space<vmem_shared>>
      %dma_wait3A_142 = tpu.memref_squeeze %dma_wait3A : memref<1x640xf32, #tpu.memory_space<vmem_shared>> -> memref<640xf32, #tpu.memory_space<vmem_shared>>
      %dma_wait3A_143 = tpu.memref_slice %arg12[%run_scoped3A_124, %mul3A_32] : memref<16x10240xf32, #tpu.memory_space<vmem_shared>> -> memref<1x640xf32, #tpu.memory_space<vmem_shared>>
      %dma_wait3A_144 = tpu.memref_squeeze %dma_wait3A_143 : memref<1x640xf32, #tpu.memory_space<vmem_shared>> -> memref<640xf32, #tpu.memory_space<vmem_shared>>
      tpu.wait_dma2 semaphore(%run_scoped3A_138 : memref<!tpu.dma_semaphore, #tpu.memory_space<semaphore_mem>>) src(%dma_wait3A_144 : memref<640xf32, #tpu.memory_space<vmem_shared>>) dst(%arg10 : memref<640xf32, #tpu.memory_space<vmem>>)
      tpu.yield
    }) : () -> ()
    %scan3A_125 = arith.constant 0 : i32
    %scan3A_126 = arith.constant 0 : i32
    %scan3A_127 = arith.constant 40 : i32
    %scan3A_128 = arith.addi %scan3A_126, %scan3A_127 : i32
    %scan3A_129 = arith.constant 1 : i32
    scf.for %scan3A_138 = %scan3A_126 to %scan3A_128 step %scan3A_129  : i32 {
      %mul3A_139 = arith.constant 16 : i32
      %mul3A_140 = arith.muli %scan3A_138, %mul3A_139 : i32
      %get3A = arith.index_cast %mul3A_140 : i32 to index
      %get3A_141 = tpu.vector_load %arg11[%get3A] {strides = array<i32>} : memref<640xf32, #tpu.memory_space<vmem>>, vector<16xf32>,
      %mul3A_142 = arith.constant 16 : i32
      %mul3A_143 = arith.muli %scan3A_138, %mul3A_142 : i32
      %get3A_144 = arith.index_cast %mul3A_143 : i32 to index
      %get3A_145 = tpu.vector_load %arg10[%get3A_144] {strides = array<i32>} : memref<640xf32, #tpu.memory_space<vmem>>, vector<16xf32>,
      %add3A_146 = arith.addf %get3A_141, %get3A_145 : vector<16xf32>
      %mul3A_147 = arith.constant 16 : i32
      %mul3A_148 = arith.muli %scan3A_138, %mul3A_147 : i32
      %swap3A = arith.index_cast %mul3A_148 : i32 to index
      %swap3A_149 = tpu.vector_load %arg11[%swap3A] {strides = array<i32>} : memref<640xf32, #tpu.memory_space<vmem>>, vector<16xf32>,
      tpu.vector_store %arg11[%swap3A], %add3A_146 {strides = array<i32>} : memref<640xf32, #tpu.memory_space<vmem>>, vector<16xf32>,
    }
    %scan3A_130 = arith.constant 40 : i32
    %run_scoped3A_131 = arith.constant 15 : i32
    "tpu.region"() ({
      %run_scoped3A_138 = tpu.sem_alloc : memref<!tpu.dma_semaphore, #tpu.memory_space<semaphore_mem>>
      %dma_start3A = tpu.memref_slice %arg12[%run_scoped3A_131, %mul3A_32] : memref<16x10240xf32, #tpu.memory_space<vmem_shared>> -> memref<1x640xf32, #tpu.memory_space<vmem_shared>>
      %dma_start3A_139 = tpu.memref_squeeze %dma_start3A : memref<1x640xf32, #tpu.memory_space<vmem_shared>> -> memref<640xf32, #tpu.memory_space<vmem_shared>>
      %dma_start3A_140 = tpu.memref_slice %arg12[%run_scoped3A_131, %mul3A_32] : memref<16x10240xf32, #tpu.memory_space<vmem_shared>> -> memref<1x640xf32, #tpu.memory_space<vmem_shared>>
      %dma_start3A_141 = tpu.memref_squeeze %dma_start3A_140 : memref<1x640xf32, #tpu.memory_space<vmem_shared>> -> memref<640xf32, #tpu.memory_space<vmem_shared>>
      tpu.enqueue_dma source(%dma_start3A_141 : memref<640xf32, #tpu.memory_space<vmem_shared>>) target(%arg10 : memref<640xf32, #tpu.memory_space<vmem>>) target_semaphore(%run_scoped3A_138 : memref<!tpu.dma_semaphore, #tpu.memory_space<semaphore_mem>>)
      %dma_wait3A = tpu.memref_slice %arg12[%run_scoped3A_131, %mul3A_32] : memref<16x10240xf32, #tpu.memory_space<vmem_shared>> -> memref<1x640xf32, #tpu.memory_space<vmem_shared>>
      %dma_wait3A_142 = tpu.memref_squeeze %dma_wait3A : memref<1x640xf32, #tpu.memory_space<vmem_shared>> -> memref<640xf32, #tpu.memory_space<vmem_shared>>
      %dma_wait3A_143 = tpu.memref_slice %arg12[%run_scoped3A_131, %mul3A_32] : memref<16x10240xf32, #tpu.memory_space<vmem_shared>> -> memref<1x640xf32, #tpu.memory_space<vmem_shared>>
      %dma_wait3A_144 = tpu.memref_squeeze %dma_wait3A_143 : memref<1x640xf32, #tpu.memory_space<vmem_shared>> -> memref<640xf32, #tpu.memory_space<vmem_shared>>
      tpu.wait_dma2 semaphore(%run_scoped3A_138 : memref<!tpu.dma_semaphore, #tpu.memory_space<semaphore_mem>>) src(%dma_wait3A_144 : memref<640xf32, #tpu.memory_space<vmem_shared>>) dst(%arg10 : memref<640xf32, #tpu.memory_space<vmem>>)
      tpu.yield
    }) : () -> ()
    %scan3A_132 = arith.constant 0 : i32
    %scan3A_133 = arith.constant 0 : i32
    %scan3A_134 = arith.constant 40 : i32
    %scan3A_135 = arith.addi %scan3A_133, %scan3A_134 : i32
    %scan3A_136 = arith.constant 1 : i32
    scf.for %scan3A_138 = %scan3A_133 to %scan3A_135 step %scan3A_136  : i32 {
      %mul3A_139 = arith.constant 16 : i32
      %mul3A_140 = arith.muli %scan3A_138, %mul3A_139 : i32
      %get3A = arith.index_cast %mul3A_140 : i32 to index
      %get3A_141 = tpu.vector_load %arg11[%get3A] {strides = array<i32>} : memref<640xf32, #tpu.memory_space<vmem>>, vector<16xf32>,
      %mul3A_142 = arith.constant 16 : i32
      %mul3A_143 = arith.muli %scan3A_138, %mul3A_142 : i32
      %get3A_144 = arith.index_cast %mul3A_143 : i32 to index
      %get3A_145 = tpu.vector_load %arg10[%get3A_144] {strides = array<i32>} : memref<640xf32, #tpu.memory_space<vmem>>, vector<16xf32>,
      %add3A_146 = arith.addf %get3A_141, %get3A_145 : vector<16xf32>
      %mul3A_147 = arith.constant 16 : i32
      %mul3A_148 = arith.muli %scan3A_138, %mul3A_147 : i32
      %swap3A = arith.index_cast %mul3A_148 : i32 to index
      %swap3A_149 = tpu.vector_load %arg11[%swap3A] {strides = array<i32>} : memref<640xf32, #tpu.memory_space<vmem>>, vector<16xf32>,
      tpu.vector_store %arg11[%swap3A], %add3A_146 {strides = array<i32>} : memref<640xf32, #tpu.memory_space<vmem>>, vector<16xf32>,
    }
    %scan3A_137 = arith.constant 40 : i32
    "tpu.region"() ({
      %run_scoped3A_138 = tpu.sem_alloc : memref<!tpu.dma_semaphore, #tpu.memory_space<semaphore_mem>>
      %dma_start3A = tpu.memref_slice %arg5[%arg0, %mul3A_32] : memref<2x10240xf32, #tpu.memory_space<hbm>> -> memref<1x640xf32, #tpu.memory_space<hbm>>
      %dma_start3A_139 = tpu.memref_squeeze %dma_start3A : memref<1x640xf32, #tpu.memory_space<hbm>> -> memref<640xf32, #tpu.memory_space<hbm>>
      %dma_start3A_140 = tpu.memref_slice %arg5[%arg0, %mul3A_32] : memref<2x10240xf32, #tpu.memory_space<hbm>> -> memref<1x640xf32, #tpu.memory_space<hbm>>
      %dma_start3A_141 = tpu.memref_squeeze %dma_start3A_140 : memref<1x640xf32, #tpu.memory_space<hbm>> -> memref<640xf32, #tpu.memory_space<hbm>>
      tpu.enqueue_dma source(%arg11 : memref<640xf32, #tpu.memory_space<vmem>>) target(%dma_start3A_141 : memref<640xf32, #tpu.memory_space<hbm>>) target_semaphore(%run_scoped3A_138 : memref<!tpu.dma_semaphore, #tpu.memory_space<semaphore_mem>>)
      %dma_wait3A = tpu.memref_slice %arg5[%arg0, %mul3A_32] : memref<2x10240xf32, #tpu.memory_space<hbm>> -> memref<1x640xf32, #tpu.memory_space<hbm>>
      %dma_wait3A_142 = tpu.memref_squeeze %dma_wait3A : memref<1x640xf32, #tpu.memory_space<hbm>> -> memref<640xf32, #tpu.memory_space<hbm>>
      %dma_wait3A_143 = tpu.memref_slice %arg5[%arg0, %mul3A_32] : memref<2x10240xf32, #tpu.memory_space<hbm>> -> memref<1x640xf32, #tpu.memory_space<hbm>>
      %dma_wait3A_144 = tpu.memref_squeeze %dma_wait3A_143 : memref<1x640xf32, #tpu.memory_space<hbm>> -> memref<640xf32, #tpu.memory_space<hbm>>
      tpu.wait_dma2 semaphore(%run_scoped3A_138 : memref<!tpu.dma_semaphore, #tpu.memory_space<semaphore_mem>>) src(%arg11 : memref<640xf32, #tpu.memory_space<vmem>>) dst(%dma_wait3A_144 : memref<640xf32, #tpu.memory_space<hbm>>)
      tpu.yield
    }) : () -> ()
    return
  }
}

#map = affine_map<(d0, d1) -> (0, 0)>
#map1 = affine_map<(d0, d1) -> (0)>
#map2 = affine_map<(d0, d1) -> (0, 0, 0)>
module attributes {stable_mosaic.version = 14 : i64} {
  func.func @seg(%arg0: i32, %arg1: i32, %arg2: memref<10000x128xf32, #tpu.memory_space<hbm>>, %arg3: memref<640000xi32, #tpu.memory_space<hbm>>, %arg4: memref<640x128xf32, #tpu.memory_space<hbm>>, %arg5: memref<2x10240x128xf32, #tpu.memory_space<hbm>>, %arg6: memref<10000xi32, #tpu.memory_space<vmem>>, %arg7: memref<10000xi32, #tpu.memory_space<vmem>>, %arg8: memref<80x128xf32, #tpu.memory_space<vmem>>, %arg9: memref<80x128xf32, #tpu.memory_space<vmem>>, %arg10: memref<10240x128xf32, #tpu.memory_space<vmem_shared>>, %arg11: memref<!tpu.dma_semaphore, #tpu.memory_space<semaphore_mem>>, %arg12: memref<!tpu.dma_semaphore, #tpu.memory_space<semaphore_mem>>) attributes {dimension_semantics = [#tpu.dimension_semantics<core_parallel>, #tpu.dimension_semantics<subcore_parallel>], iteration_bounds = array<i64: 2, 16>, scalar_prefetch = 0 : i64, scratch_operands = 7 : i64, tpu.core_type = #tpu.core_type<sc_vector_subcore>, window_params = [{transform_indices = #map}, {transform_indices = #map1}, {transform_indices = #map}, {transform_indices = #map2}]} {
    %mul3A = arith.constant 2 : i32
    %mul3A_0 = arith.muli %arg1, %mul3A : i32
    %add3A = arith.addi %mul3A_0, %arg0 : i32
    %mul3A_1 = arith.constant 10000 : i32
    %mul3A_2 = arith.muli %add3A, %mul3A_1 : i32
    "tpu.region"() ({
      %run_scoped3A = tpu.sem_alloc : memref<!tpu.dma_semaphore, #tpu.memory_space<semaphore_mem>>
      %dma_start3A_27 = tpu.memref_slice %arg3[%mul3A_2] : memref<640000xi32, #tpu.memory_space<hbm>> -> memref<10000xi32, #tpu.memory_space<hbm>>
      %dma_start3A_28 = tpu.memref_slice %arg3[%mul3A_2] : memref<640000xi32, #tpu.memory_space<hbm>> -> memref<10000xi32, #tpu.memory_space<hbm>>
      tpu.enqueue_dma source(%dma_start3A_28 : memref<10000xi32, #tpu.memory_space<hbm>>) target(%arg6 : memref<10000xi32, #tpu.memory_space<vmem>>) target_semaphore(%run_scoped3A : memref<!tpu.dma_semaphore, #tpu.memory_space<semaphore_mem>>)
      %dma_wait3A_29 = tpu.memref_slice %arg3[%mul3A_2] : memref<640000xi32, #tpu.memory_space<hbm>> -> memref<10000xi32, #tpu.memory_space<hbm>>
      %dma_wait3A_30 = tpu.memref_slice %arg3[%mul3A_2] : memref<640000xi32, #tpu.memory_space<hbm>> -> memref<10000xi32, #tpu.memory_space<hbm>>
      tpu.wait_dma2 semaphore(%run_scoped3A : memref<!tpu.dma_semaphore, #tpu.memory_space<semaphore_mem>>) src(%dma_wait3A_30 : memref<10000xi32, #tpu.memory_space<hbm>>) dst(%arg6 : memref<10000xi32, #tpu.memory_space<vmem>>)
      tpu.yield
    }) : () -> ()
    %mul3A_3 = arith.constant 10000 : i32
    %mul3A_4 = arith.muli %add3A, %mul3A_3 : i32
    %add3A_5 = arith.constant 320000 : i32
    %add3A_6 = arith.addi %add3A_5, %mul3A_4 : i32
    "tpu.region"() ({
      %run_scoped3A = tpu.sem_alloc : memref<!tpu.dma_semaphore, #tpu.memory_space<semaphore_mem>>
      %dma_start3A_27 = tpu.memref_slice %arg3[%add3A_6] : memref<640000xi32, #tpu.memory_space<hbm>> -> memref<10000xi32, #tpu.memory_space<hbm>>
      %dma_start3A_28 = tpu.memref_slice %arg3[%add3A_6] : memref<640000xi32, #tpu.memory_space<hbm>> -> memref<10000xi32, #tpu.memory_space<hbm>>
      tpu.enqueue_dma source(%dma_start3A_28 : memref<10000xi32, #tpu.memory_space<hbm>>) target(%arg7 : memref<10000xi32, #tpu.memory_space<vmem>>) target_semaphore(%run_scoped3A : memref<!tpu.dma_semaphore, #tpu.memory_space<semaphore_mem>>)
      %dma_wait3A_29 = tpu.memref_slice %arg3[%add3A_6] : memref<640000xi32, #tpu.memory_space<hbm>> -> memref<10000xi32, #tpu.memory_space<hbm>>
      %dma_wait3A_30 = tpu.memref_slice %arg3[%add3A_6] : memref<640000xi32, #tpu.memory_space<hbm>> -> memref<10000xi32, #tpu.memory_space<hbm>>
      tpu.wait_dma2 semaphore(%run_scoped3A : memref<!tpu.dma_semaphore, #tpu.memory_space<semaphore_mem>>) src(%dma_wait3A_30 : memref<10000xi32, #tpu.memory_space<hbm>>) dst(%arg7 : memref<10000xi32, #tpu.memory_space<vmem>>)
      tpu.yield
    }) : () -> ()
    %mul3A_7 = arith.constant 640 : i32
    %mul3A_8 = arith.muli %arg1, %mul3A_7 : i32
    "tpu.region"() ({
      %run_scoped3A = tpu.sem_alloc : memref<!tpu.dma_semaphore, #tpu.memory_space<semaphore_mem>>
      %dma_start3A_27 = arith.constant 0 : i32
      %dma_start3A_28 = tpu.memref_slice %arg10[%mul3A_8, %dma_start3A_27] : memref<10240x128xf32, #tpu.memory_space<vmem_shared>> -> memref<640x128xf32, #tpu.memory_space<vmem_shared>>
      tpu.enqueue_dma source(%arg4 : memref<640x128xf32, #tpu.memory_space<hbm>>) target(%dma_start3A_28 : memref<640x128xf32, #tpu.memory_space<vmem_shared>>) target_semaphore(%run_scoped3A : memref<!tpu.dma_semaphore, #tpu.memory_space<semaphore_mem>>)
      %dma_wait3A_29 = arith.constant 0 : i32
      %dma_wait3A_30 = tpu.memref_slice %arg10[%mul3A_8, %dma_wait3A_29] : memref<10240x128xf32, #tpu.memory_space<vmem_shared>> -> memref<640x128xf32, #tpu.memory_space<vmem_shared>>
      tpu.wait_dma2 semaphore(%run_scoped3A : memref<!tpu.dma_semaphore, #tpu.memory_space<semaphore_mem>>) src(%arg4 : memref<640x128xf32, #tpu.memory_space<hbm>>) dst(%dma_wait3A_30 : memref<640x128xf32, #tpu.memory_space<vmem_shared>>)
      tpu.yield
    }) : () -> ()
    %barrier3A = arith.constant 0 : index
    tpu.barrier barrier_id(%barrier3A)
    %dma_start3A = arith.constant 0 : i32
    %dma_start3A_9 = tpu.memref_slice %arg6[%dma_start3A] : memref<10000xi32, #tpu.memory_space<vmem>> -> memref<80xi32, #tpu.memory_space<vmem>>
    %dma_start3A_10 = arith.constant 0 : i32
    %dma_start3A_11 = arith.constant 0 : i32
    %dma_start3A_12 = tpu.memref_slice %arg2[%dma_start3A_10, %dma_start3A_11] : memref<10000x128xf32, #tpu.memory_space<hbm>> -> memref<10000x128xf32, #tpu.memory_space<hbm>>
    tpu.enqueue_indirect_dma source(%dma_start3A_12 : memref<10000x128xf32, #tpu.memory_space<hbm>>) target(%arg8 : memref<80x128xf32, #tpu.memory_space<vmem>>) offsets(%dma_start3A_9 : memref<80xi32, #tpu.memory_space<vmem>>) semaphore(%arg11 : memref<!tpu.dma_semaphore, #tpu.memory_space<semaphore_mem>>)
    %scan3A = arith.constant 0 : i32
    %scan3A_13 = arith.constant 0 : i32
    %scan3A_14 = arith.constant 62 : i32
    %scan3A_15 = arith.addi %scan3A_13, %scan3A_14 : i32
    %scan3A_16 = arith.constant 1 : i32
    scf.for %scan3A_27 = %scan3A_13 to %scan3A_15 step %scan3A_16  : i32 {
      %mul3A_28 = arith.constant 2 : i32
      %mul3A_29 = arith.muli %scan3A_27, %mul3A_28 : i32
      %add3A_30 = arith.constant 0 : i32
      %add3A_31 = arith.addi %mul3A_29, %add3A_30 : i32
      %mul3A_32 = arith.constant 80 : i32
      %mul3A_33 = arith.muli %add3A_31, %mul3A_32 : i32
      %dma_wait3A_34 = tpu.memref_slice %arg6[%mul3A_33] : memref<10000xi32, #tpu.memory_space<vmem>> -> memref<80xi32, #tpu.memory_space<vmem>>
      %dma_wait3A_35 = arith.constant 0 : i32
      %dma_wait3A_36 = arith.constant 0 : i32
      %dma_wait3A_37 = tpu.memref_slice %arg2[%dma_wait3A_35, %dma_wait3A_36] : memref<10000x128xf32, #tpu.memory_space<hbm>> -> memref<10000x128xf32, #tpu.memory_space<hbm>>
      tpu.wait_indirect_dma semaphore(%arg11 : memref<!tpu.dma_semaphore, #tpu.memory_space<semaphore_mem>>) src(%dma_wait3A_37 : memref<10000x128xf32, #tpu.memory_space<hbm>>) dst(%arg8 : memref<80x128xf32, #tpu.memory_space<vmem>>)
      %add3A_38 = arith.constant 1 : i32
      %add3A_39 = arith.addi %add3A_31, %add3A_38 : i32
      %lt3A = arith.constant 125 : i32
      %lt3A_40 = arith.cmpi slt, %add3A_39, %lt3A : i32
      %convert_element_type3A = arith.extui %lt3A_40 : i1 to i32
      %cond3A = arith.constant 0 : i32
      %cond3A_41 = arith.cmpi ne, %convert_element_type3A, %cond3A : i32
      scf.if %cond3A_41 {
        %mul3A_63 = arith.constant 80 : i32
        %mul3A_64 = arith.muli %add3A_39, %mul3A_63 : i32
        %dma_start3A_65 = tpu.memref_slice %arg6[%mul3A_64] : memref<10000xi32, #tpu.memory_space<vmem>> -> memref<80xi32, #tpu.memory_space<vmem>>
        %dma_start3A_66 = arith.constant 0 : i32
        %dma_start3A_67 = arith.constant 0 : i32
        %dma_start3A_68 = tpu.memref_slice %arg2[%dma_start3A_66, %dma_start3A_67] : memref<10000x128xf32, #tpu.memory_space<hbm>> -> memref<10000x128xf32, #tpu.memory_space<hbm>>
        tpu.enqueue_indirect_dma source(%dma_start3A_68 : memref<10000x128xf32, #tpu.memory_space<hbm>>) target(%arg9 : memref<80x128xf32, #tpu.memory_space<vmem>>) offsets(%dma_start3A_65 : memref<80xi32, #tpu.memory_space<vmem>>) semaphore(%arg12 : memref<!tpu.dma_semaphore, #tpu.memory_space<semaphore_mem>>)
      } else {
      }
      %mul3A_42 = arith.constant 80 : i32
      %mul3A_43 = arith.muli %add3A_31, %mul3A_42 : i32
      "tpu.region"() ({
        %run_scoped3A = tpu.sem_alloc : memref<!tpu.dma_semaphore, #tpu.memory_space<semaphore_mem>>
        %dma_start3A_63 = tpu.memref_slice %arg7[%mul3A_43] : memref<10000xi32, #tpu.memory_space<vmem>> -> memref<80xi32, #tpu.memory_space<vmem>>
        %dma_start3A_64 = arith.constant 0 : i32
        %dma_start3A_65 = arith.constant 0 : i32
        %dma_start3A_66 = tpu.memref_slice %arg10[%dma_start3A_64, %dma_start3A_65] : memref<10240x128xf32, #tpu.memory_space<vmem_shared>> -> memref<10240x128xf32, #tpu.memory_space<vmem_shared>>
        tpu.enqueue_indirect_dma source(%arg8 : memref<80x128xf32, #tpu.memory_space<vmem>>) target(%dma_start3A_66 : memref<10240x128xf32, #tpu.memory_space<vmem_shared>>) offsets(%dma_start3A_63 : memref<80xi32, #tpu.memory_space<vmem>>) semaphore(%run_scoped3A : memref<!tpu.dma_semaphore, #tpu.memory_space<semaphore_mem>>) {add = true}
        %dma_wait3A_67 = tpu.memref_slice %arg7[%mul3A_43] : memref<10000xi32, #tpu.memory_space<vmem>> -> memref<80xi32, #tpu.memory_space<vmem>>
        %dma_wait3A_68 = arith.constant 0 : i32
        %dma_wait3A_69 = arith.constant 0 : i32
        %dma_wait3A_70 = tpu.memref_slice %arg10[%dma_wait3A_68, %dma_wait3A_69] : memref<10240x128xf32, #tpu.memory_space<vmem_shared>> -> memref<10240x128xf32, #tpu.memory_space<vmem_shared>>
        tpu.wait_indirect_dma semaphore(%run_scoped3A : memref<!tpu.dma_semaphore, #tpu.memory_space<semaphore_mem>>) src(%arg8 : memref<80x128xf32, #tpu.memory_space<vmem>>) dst(%dma_wait3A_70 : memref<10240x128xf32, #tpu.memory_space<vmem_shared>>)
        tpu.yield
      }) : () -> ()
      %mul3A_44 = arith.constant 2 : i32
      %mul3A_45 = arith.muli %scan3A_27, %mul3A_44 : i32
      %add3A_46 = arith.constant 1 : i32
      %add3A_47 = arith.addi %mul3A_45, %add3A_46 : i32
      %mul3A_48 = arith.constant 80 : i32
      %mul3A_49 = arith.muli %add3A_47, %mul3A_48 : i32
      %dma_wait3A_50 = tpu.memref_slice %arg6[%mul3A_49] : memref<10000xi32, #tpu.memory_space<vmem>> -> memref<80xi32, #tpu.memory_space<vmem>>
      %dma_wait3A_51 = arith.constant 0 : i32
      %dma_wait3A_52 = arith.constant 0 : i32
      %dma_wait3A_53 = tpu.memref_slice %arg2[%dma_wait3A_51, %dma_wait3A_52] : memref<10000x128xf32, #tpu.memory_space<hbm>> -> memref<10000x128xf32, #tpu.memory_space<hbm>>
      tpu.wait_indirect_dma semaphore(%arg12 : memref<!tpu.dma_semaphore, #tpu.memory_space<semaphore_mem>>) src(%dma_wait3A_53 : memref<10000x128xf32, #tpu.memory_space<hbm>>) dst(%arg9 : memref<80x128xf32, #tpu.memory_space<vmem>>)
      %add3A_54 = arith.constant 1 : i32
      %add3A_55 = arith.addi %add3A_47, %add3A_54 : i32
      %lt3A_56 = arith.constant 125 : i32
      %lt3A_57 = arith.cmpi slt, %add3A_55, %lt3A_56 : i32
      %convert_element_type3A_58 = arith.extui %lt3A_57 : i1 to i32
      %cond3A_59 = arith.constant 0 : i32
      %cond3A_60 = arith.cmpi ne, %convert_element_type3A_58, %cond3A_59 : i32
      scf.if %cond3A_60 {
        %mul3A_63 = arith.constant 80 : i32
        %mul3A_64 = arith.muli %add3A_55, %mul3A_63 : i32
        %dma_start3A_65 = tpu.memref_slice %arg6[%mul3A_64] : memref<10000xi32, #tpu.memory_space<vmem>> -> memref<80xi32, #tpu.memory_space<vmem>>
        %dma_start3A_66 = arith.constant 0 : i32
        %dma_start3A_67 = arith.constant 0 : i32
        %dma_start3A_68 = tpu.memref_slice %arg2[%dma_start3A_66, %dma_start3A_67] : memref<10000x128xf32, #tpu.memory_space<hbm>> -> memref<10000x128xf32, #tpu.memory_space<hbm>>
        tpu.enqueue_indirect_dma source(%dma_start3A_68 : memref<10000x128xf32, #tpu.memory_space<hbm>>) target(%arg8 : memref<80x128xf32, #tpu.memory_space<vmem>>) offsets(%dma_start3A_65 : memref<80xi32, #tpu.memory_space<vmem>>) semaphore(%arg11 : memref<!tpu.dma_semaphore, #tpu.memory_space<semaphore_mem>>)
      } else {
      }
      %mul3A_61 = arith.constant 80 : i32
      %mul3A_62 = arith.muli %add3A_47, %mul3A_61 : i32
      "tpu.region"() ({
        %run_scoped3A = tpu.sem_alloc : memref<!tpu.dma_semaphore, #tpu.memory_space<semaphore_mem>>
        %dma_start3A_63 = tpu.memref_slice %arg7[%mul3A_62] : memref<10000xi32, #tpu.memory_space<vmem>> -> memref<80xi32, #tpu.memory_space<vmem>>
        %dma_start3A_64 = arith.constant 0 : i32
        %dma_start3A_65 = arith.constant 0 : i32
        %dma_start3A_66 = tpu.memref_slice %arg10[%dma_start3A_64, %dma_start3A_65] : memref<10240x128xf32, #tpu.memory_space<vmem_shared>> -> memref<10240x128xf32, #tpu.memory_space<vmem_shared>>
        tpu.enqueue_indirect_dma source(%arg9 : memref<80x128xf32, #tpu.memory_space<vmem>>) target(%dma_start3A_66 : memref<10240x128xf32, #tpu.memory_space<vmem_shared>>) offsets(%dma_start3A_63 : memref<80xi32, #tpu.memory_space<vmem>>) semaphore(%run_scoped3A : memref<!tpu.dma_semaphore, #tpu.memory_space<semaphore_mem>>) {add = true}
        %dma_wait3A_67 = tpu.memref_slice %arg7[%mul3A_62] : memref<10000xi32, #tpu.memory_space<vmem>> -> memref<80xi32, #tpu.memory_space<vmem>>
        %dma_wait3A_68 = arith.constant 0 : i32
        %dma_wait3A_69 = arith.constant 0 : i32
        %dma_wait3A_70 = tpu.memref_slice %arg10[%dma_wait3A_68, %dma_wait3A_69] : memref<10240x128xf32, #tpu.memory_space<vmem_shared>> -> memref<10240x128xf32, #tpu.memory_space<vmem_shared>>
        tpu.wait_indirect_dma semaphore(%run_scoped3A : memref<!tpu.dma_semaphore, #tpu.memory_space<semaphore_mem>>) src(%arg9 : memref<80x128xf32, #tpu.memory_space<vmem>>) dst(%dma_wait3A_70 : memref<10240x128xf32, #tpu.memory_space<vmem_shared>>)
        tpu.yield
      }) : () -> ()
    }
    %scan3A_17 = arith.constant 62 : i32
    %dma_wait3A = arith.constant 9920 : i32
    %dma_wait3A_18 = tpu.memref_slice %arg6[%dma_wait3A] : memref<10000xi32, #tpu.memory_space<vmem>> -> memref<80xi32, #tpu.memory_space<vmem>>
    %dma_wait3A_19 = arith.constant 0 : i32
    %dma_wait3A_20 = arith.constant 0 : i32
    %dma_wait3A_21 = tpu.memref_slice %arg2[%dma_wait3A_19, %dma_wait3A_20] : memref<10000x128xf32, #tpu.memory_space<hbm>> -> memref<10000x128xf32, #tpu.memory_space<hbm>>
    tpu.wait_indirect_dma semaphore(%arg11 : memref<!tpu.dma_semaphore, #tpu.memory_space<semaphore_mem>>) src(%dma_wait3A_21 : memref<10000x128xf32, #tpu.memory_space<hbm>>) dst(%arg8 : memref<80x128xf32, #tpu.memory_space<vmem>>)
    "tpu.region"() ({
      %run_scoped3A = tpu.sem_alloc : memref<!tpu.dma_semaphore, #tpu.memory_space<semaphore_mem>>
      %dma_start3A_27 = arith.constant 9920 : i32
      %dma_start3A_28 = tpu.memref_slice %arg7[%dma_start3A_27] : memref<10000xi32, #tpu.memory_space<vmem>> -> memref<80xi32, #tpu.memory_space<vmem>>
      %dma_start3A_29 = arith.constant 0 : i32
      %dma_start3A_30 = arith.constant 0 : i32
      %dma_start3A_31 = tpu.memref_slice %arg10[%dma_start3A_29, %dma_start3A_30] : memref<10240x128xf32, #tpu.memory_space<vmem_shared>> -> memref<10240x128xf32, #tpu.memory_space<vmem_shared>>
      tpu.enqueue_indirect_dma source(%arg8 : memref<80x128xf32, #tpu.memory_space<vmem>>) target(%dma_start3A_31 : memref<10240x128xf32, #tpu.memory_space<vmem_shared>>) offsets(%dma_start3A_28 : memref<80xi32, #tpu.memory_space<vmem>>) semaphore(%run_scoped3A : memref<!tpu.dma_semaphore, #tpu.memory_space<semaphore_mem>>) {add = true}
      %dma_wait3A_32 = arith.constant 9920 : i32
      %dma_wait3A_33 = tpu.memref_slice %arg7[%dma_wait3A_32] : memref<10000xi32, #tpu.memory_space<vmem>> -> memref<80xi32, #tpu.memory_space<vmem>>
      %dma_wait3A_34 = arith.constant 0 : i32
      %dma_wait3A_35 = arith.constant 0 : i32
      %dma_wait3A_36 = tpu.memref_slice %arg10[%dma_wait3A_34, %dma_wait3A_35] : memref<10240x128xf32, #tpu.memory_space<vmem_shared>> -> memref<10240x128xf32, #tpu.memory_space<vmem_shared>>
      tpu.wait_indirect_dma semaphore(%run_scoped3A : memref<!tpu.dma_semaphore, #tpu.memory_space<semaphore_mem>>) src(%arg8 : memref<80x128xf32, #tpu.memory_space<vmem>>) dst(%dma_wait3A_36 : memref<10240x128xf32, #tpu.memory_space<vmem_shared>>)
      tpu.yield
    }) : () -> ()
    %barrier3A_22 = arith.constant 0 : index
    tpu.barrier barrier_id(%barrier3A_22)
    %mul3A_23 = arith.constant 640 : i32
    %mul3A_24 = arith.muli %arg1, %mul3A_23 : i32
    %mul3A_25 = arith.constant 640 : i32
    %mul3A_26 = arith.muli %arg1, %mul3A_25 : i32
    "tpu.region"() ({
      %run_scoped3A = tpu.sem_alloc : memref<!tpu.dma_semaphore, #tpu.memory_space<semaphore_mem>>
      %dma_start3A_27 = arith.constant 0 : i32
      %dma_start3A_28 = tpu.memref_slice %arg5[%arg0, %mul3A_26, %dma_start3A_27] : memref<2x10240x128xf32, #tpu.memory_space<hbm>> -> memref<1x640x128xf32, #tpu.memory_space<hbm>>
      %dma_start3A_29 = tpu.memref_squeeze %dma_start3A_28 : memref<1x640x128xf32, #tpu.memory_space<hbm>> -> memref<640x128xf32, #tpu.memory_space<hbm>>
      %dma_start3A_30 = arith.constant 0 : i32
      %dma_start3A_31 = tpu.memref_slice %arg10[%mul3A_24, %dma_start3A_30] : memref<10240x128xf32, #tpu.memory_space<vmem_shared>> -> memref<640x128xf32, #tpu.memory_space<vmem_shared>>
      tpu.enqueue_dma source(%dma_start3A_31 : memref<640x128xf32, #tpu.memory_space<vmem_shared>>) target(%dma_start3A_29 : memref<640x128xf32, #tpu.memory_space<hbm>>) target_semaphore(%run_scoped3A : memref<!tpu.dma_semaphore, #tpu.memory_space<semaphore_mem>>)
      %dma_wait3A_32 = arith.constant 0 : i32
      %dma_wait3A_33 = tpu.memref_slice %arg5[%arg0, %mul3A_26, %dma_wait3A_32] : memref<2x10240x128xf32, #tpu.memory_space<hbm>> -> memref<1x640x128xf32, #tpu.memory_space<hbm>>
      %dma_wait3A_34 = tpu.memref_squeeze %dma_wait3A_33 : memref<1x640x128xf32, #tpu.memory_space<hbm>> -> memref<640x128xf32, #tpu.memory_space<hbm>>
      %dma_wait3A_35 = arith.constant 0 : i32
      %dma_wait3A_36 = tpu.memref_slice %arg10[%mul3A_24, %dma_wait3A_35] : memref<10240x128xf32, #tpu.memory_space<vmem_shared>> -> memref<640x128xf32, #tpu.memory_space<vmem_shared>>
      tpu.wait_dma2 semaphore(%run_scoped3A : memref<!tpu.dma_semaphore, #tpu.memory_space<semaphore_mem>>) src(%dma_wait3A_36 : memref<640x128xf32, #tpu.memory_space<vmem_shared>>) dst(%dma_wait3A_34 : memref<640x128xf32, #tpu.memory_space<hbm>>)
      tpu.yield
    }) : () -> ()
    return
  }
}

#map = affine_map<(d0, d1) -> (0, 0)>
#map1 = affine_map<(d0, d1) -> (0)>
#map2 = affine_map<(d0, d1) -> (0, 0, 0)>
module attributes {stable_mosaic.version = 14 : i64} {
  func.func @seg(%arg0: i32, %arg1: i32, %arg2: memref<10000x128xf32, #tpu.memory_space<hbm>>, %arg3: memref<640000xi32, #tpu.memory_space<hbm>>, %arg4: memref<640x128xf32, #tpu.memory_space<hbm>>, %arg5: memref<2x10240x128xf32, #tpu.memory_space<hbm>>, %arg6: memref<10000xi32, #tpu.memory_space<vmem>>, %arg7: memref<10000xi32, #tpu.memory_space<vmem>>, %arg8: memref<80x128xf32, #tpu.memory_space<vmem>>, %arg9: memref<80x128xf32, #tpu.memory_space<vmem>>, %arg10: memref<10240x128xf32, #tpu.memory_space<vmem_shared>>, %arg11: memref<!tpu.dma_semaphore, #tpu.memory_space<semaphore_mem>>, %arg12: memref<!tpu.dma_semaphore, #tpu.memory_space<semaphore_mem>>) attributes {dimension_semantics = [#tpu.dimension_semantics<core_parallel>, #tpu.dimension_semantics<subcore_parallel>], iteration_bounds = array<i64: 2, 16>, scalar_prefetch = 0 : i64, scratch_operands = 7 : i64, tpu.core_type = #tpu.core_type<sc_vector_subcore>, window_params = [{transform_indices = #map}, {transform_indices = #map1}, {transform_indices = #map}, {transform_indices = #map2}]} {
    %mul3A = arith.constant 2 : i32
    %mul3A_0 = arith.muli %arg1, %mul3A : i32
    %add3A = arith.addi %mul3A_0, %arg0 : i32
    %mul3A_1 = arith.constant 10000 : i32
    %mul3A_2 = arith.muli %add3A, %mul3A_1 : i32
    "tpu.region"() ({
      %run_scoped3A = tpu.sem_alloc : memref<!tpu.dma_semaphore, #tpu.memory_space<semaphore_mem>>
      %dma_start3A_27 = tpu.memref_slice %arg3[%mul3A_2] : memref<640000xi32, #tpu.memory_space<hbm>> -> memref<10000xi32, #tpu.memory_space<hbm>>
      %dma_start3A_28 = tpu.memref_slice %arg3[%mul3A_2] : memref<640000xi32, #tpu.memory_space<hbm>> -> memref<10000xi32, #tpu.memory_space<hbm>>
      tpu.enqueue_dma source(%dma_start3A_28 : memref<10000xi32, #tpu.memory_space<hbm>>) target(%arg6 : memref<10000xi32, #tpu.memory_space<vmem>>) target_semaphore(%run_scoped3A : memref<!tpu.dma_semaphore, #tpu.memory_space<semaphore_mem>>)
      %dma_wait3A_29 = tpu.memref_slice %arg3[%mul3A_2] : memref<640000xi32, #tpu.memory_space<hbm>> -> memref<10000xi32, #tpu.memory_space<hbm>>
      %dma_wait3A_30 = tpu.memref_slice %arg3[%mul3A_2] : memref<640000xi32, #tpu.memory_space<hbm>> -> memref<10000xi32, #tpu.memory_space<hbm>>
      tpu.wait_dma2 semaphore(%run_scoped3A : memref<!tpu.dma_semaphore, #tpu.memory_space<semaphore_mem>>) src(%dma_wait3A_30 : memref<10000xi32, #tpu.memory_space<hbm>>) dst(%arg6 : memref<10000xi32, #tpu.memory_space<vmem>>)
      tpu.yield
    }) : () -> ()
    %mul3A_3 = arith.constant 10000 : i32
    %mul3A_4 = arith.muli %add3A, %mul3A_3 : i32
    %add3A_5 = arith.constant 320000 : i32
    %add3A_6 = arith.addi %add3A_5, %mul3A_4 : i32
    "tpu.region"() ({
      %run_scoped3A = tpu.sem_alloc : memref<!tpu.dma_semaphore, #tpu.memory_space<semaphore_mem>>
      %dma_start3A_27 = tpu.memref_slice %arg3[%add3A_6] : memref<640000xi32, #tpu.memory_space<hbm>> -> memref<10000xi32, #tpu.memory_space<hbm>>
      %dma_start3A_28 = tpu.memref_slice %arg3[%add3A_6] : memref<640000xi32, #tpu.memory_space<hbm>> -> memref<10000xi32, #tpu.memory_space<hbm>>
      tpu.enqueue_dma source(%dma_start3A_28 : memref<10000xi32, #tpu.memory_space<hbm>>) target(%arg7 : memref<10000xi32, #tpu.memory_space<vmem>>) target_semaphore(%run_scoped3A : memref<!tpu.dma_semaphore, #tpu.memory_space<semaphore_mem>>)
      %dma_wait3A_29 = tpu.memref_slice %arg3[%add3A_6] : memref<640000xi32, #tpu.memory_space<hbm>> -> memref<10000xi32, #tpu.memory_space<hbm>>
      %dma_wait3A_30 = tpu.memref_slice %arg3[%add3A_6] : memref<640000xi32, #tpu.memory_space<hbm>> -> memref<10000xi32, #tpu.memory_space<hbm>>
      tpu.wait_dma2 semaphore(%run_scoped3A : memref<!tpu.dma_semaphore, #tpu.memory_space<semaphore_mem>>) src(%dma_wait3A_30 : memref<10000xi32, #tpu.memory_space<hbm>>) dst(%arg7 : memref<10000xi32, #tpu.memory_space<vmem>>)
      tpu.yield
    }) : () -> ()
    %mul3A_7 = arith.constant 640 : i32
    %mul3A_8 = arith.muli %arg1, %mul3A_7 : i32
    "tpu.region"() ({
      %run_scoped3A = tpu.sem_alloc : memref<!tpu.dma_semaphore, #tpu.memory_space<semaphore_mem>>
      %dma_start3A_27 = arith.constant 0 : i32
      %dma_start3A_28 = tpu.memref_slice %arg10[%mul3A_8, %dma_start3A_27] : memref<10240x128xf32, #tpu.memory_space<vmem_shared>> -> memref<640x128xf32, #tpu.memory_space<vmem_shared>>
      tpu.enqueue_dma source(%arg4 : memref<640x128xf32, #tpu.memory_space<hbm>>) target(%dma_start3A_28 : memref<640x128xf32, #tpu.memory_space<vmem_shared>>) target_semaphore(%run_scoped3A : memref<!tpu.dma_semaphore, #tpu.memory_space<semaphore_mem>>)
      %dma_wait3A_29 = arith.constant 0 : i32
      %dma_wait3A_30 = tpu.memref_slice %arg10[%mul3A_8, %dma_wait3A_29] : memref<10240x128xf32, #tpu.memory_space<vmem_shared>> -> memref<640x128xf32, #tpu.memory_space<vmem_shared>>
      tpu.wait_dma2 semaphore(%run_scoped3A : memref<!tpu.dma_semaphore, #tpu.memory_space<semaphore_mem>>) src(%arg4 : memref<640x128xf32, #tpu.memory_space<hbm>>) dst(%dma_wait3A_30 : memref<640x128xf32, #tpu.memory_space<vmem_shared>>)
      tpu.yield
    }) : () -> ()
    %barrier3A = arith.constant 0 : index
    tpu.barrier barrier_id(%barrier3A)
    %dma_start3A = arith.constant 0 : i32
    %dma_start3A_9 = tpu.memref_slice %arg6[%dma_start3A] : memref<10000xi32, #tpu.memory_space<vmem>> -> memref<80xi32, #tpu.memory_space<vmem>>
    %dma_start3A_10 = arith.constant 0 : i32
    %dma_start3A_11 = arith.constant 0 : i32
    %dma_start3A_12 = tpu.memref_slice %arg2[%dma_start3A_10, %dma_start3A_11] : memref<10000x128xf32, #tpu.memory_space<hbm>> -> memref<10000x128xf32, #tpu.memory_space<hbm>>
    tpu.enqueue_indirect_dma source(%dma_start3A_12 : memref<10000x128xf32, #tpu.memory_space<hbm>>) target(%arg8 : memref<80x128xf32, #tpu.memory_space<vmem>>) offsets(%dma_start3A_9 : memref<80xi32, #tpu.memory_space<vmem>>) semaphore(%arg11 : memref<!tpu.dma_semaphore, #tpu.memory_space<semaphore_mem>>)
    %scan3A = arith.constant 0 : i32
    %scan3A_13 = arith.constant 0 : i32
    %scan3A_14 = arith.constant 62 : i32
    %scan3A_15 = arith.addi %scan3A_13, %scan3A_14 : i32
    %scan3A_16 = arith.constant 1 : i32
    scf.for %scan3A_27 = %scan3A_13 to %scan3A_15 step %scan3A_16  : i32 {
      %mul3A_28 = arith.constant 2 : i32
      %mul3A_29 = arith.muli %scan3A_27, %mul3A_28 : i32
      %add3A_30 = arith.constant 0 : i32
      %add3A_31 = arith.addi %mul3A_29, %add3A_30 : i32
      %mul3A_32 = arith.constant 80 : i32
      %mul3A_33 = arith.muli %add3A_31, %mul3A_32 : i32
      %dma_wait3A_34 = tpu.memref_slice %arg6[%mul3A_33] : memref<10000xi32, #tpu.memory_space<vmem>> -> memref<80xi32, #tpu.memory_space<vmem>>
      %dma_wait3A_35 = arith.constant 0 : i32
      %dma_wait3A_36 = arith.constant 0 : i32
      %dma_wait3A_37 = tpu.memref_slice %arg2[%dma_wait3A_35, %dma_wait3A_36] : memref<10000x128xf32, #tpu.memory_space<hbm>> -> memref<10000x128xf32, #tpu.memory_space<hbm>>
      tpu.wait_indirect_dma semaphore(%arg11 : memref<!tpu.dma_semaphore, #tpu.memory_space<semaphore_mem>>) src(%dma_wait3A_37 : memref<10000x128xf32, #tpu.memory_space<hbm>>) dst(%arg8 : memref<80x128xf32, #tpu.memory_space<vmem>>)
      %add3A_38 = arith.constant 1 : i32
      %add3A_39 = arith.addi %add3A_31, %add3A_38 : i32
      %lt3A = arith.constant 125 : i32
      %lt3A_40 = arith.cmpi slt, %add3A_39, %lt3A : i32
      %convert_element_type3A = arith.extui %lt3A_40 : i1 to i32
      %cond3A = arith.constant 0 : i32
      %cond3A_41 = arith.cmpi ne, %convert_element_type3A, %cond3A : i32
      scf.if %cond3A_41 {
        %mul3A_63 = arith.constant 80 : i32
        %mul3A_64 = arith.muli %add3A_39, %mul3A_63 : i32
        %dma_start3A_65 = tpu.memref_slice %arg6[%mul3A_64] : memref<10000xi32, #tpu.memory_space<vmem>> -> memref<80xi32, #tpu.memory_space<vmem>>
        %dma_start3A_66 = arith.constant 0 : i32
        %dma_start3A_67 = arith.constant 0 : i32
        %dma_start3A_68 = tpu.memref_slice %arg2[%dma_start3A_66, %dma_start3A_67] : memref<10000x128xf32, #tpu.memory_space<hbm>> -> memref<10000x128xf32, #tpu.memory_space<hbm>>
        tpu.enqueue_indirect_dma source(%dma_start3A_68 : memref<10000x128xf32, #tpu.memory_space<hbm>>) target(%arg9 : memref<80x128xf32, #tpu.memory_space<vmem>>) offsets(%dma_start3A_65 : memref<80xi32, #tpu.memory_space<vmem>>) semaphore(%arg12 : memref<!tpu.dma_semaphore, #tpu.memory_space<semaphore_mem>>)
      } else {
      }
      %mul3A_42 = arith.constant 80 : i32
      %mul3A_43 = arith.muli %add3A_31, %mul3A_42 : i32
      "tpu.region"() ({
        %run_scoped3A = tpu.sem_alloc : memref<!tpu.dma_semaphore, #tpu.memory_space<semaphore_mem>>
        %dma_start3A_63 = tpu.memref_slice %arg7[%mul3A_43] : memref<10000xi32, #tpu.memory_space<vmem>> -> memref<80xi32, #tpu.memory_space<vmem>>
        %dma_start3A_64 = arith.constant 0 : i32
        %dma_start3A_65 = arith.constant 0 : i32
        %dma_start3A_66 = tpu.memref_slice %arg10[%dma_start3A_64, %dma_start3A_65] : memref<10240x128xf32, #tpu.memory_space<vmem_shared>> -> memref<10240x128xf32, #tpu.memory_space<vmem_shared>>
        tpu.enqueue_indirect_dma source(%arg8 : memref<80x128xf32, #tpu.memory_space<vmem>>) target(%dma_start3A_66 : memref<10240x128xf32, #tpu.memory_space<vmem_shared>>) offsets(%dma_start3A_63 : memref<80xi32, #tpu.memory_space<vmem>>) semaphore(%run_scoped3A : memref<!tpu.dma_semaphore, #tpu.memory_space<semaphore_mem>>) {add = true}
        %dma_wait3A_67 = tpu.memref_slice %arg7[%mul3A_43] : memref<10000xi32, #tpu.memory_space<vmem>> -> memref<80xi32, #tpu.memory_space<vmem>>
        %dma_wait3A_68 = arith.constant 0 : i32
        %dma_wait3A_69 = arith.constant 0 : i32
        %dma_wait3A_70 = tpu.memref_slice %arg10[%dma_wait3A_68, %dma_wait3A_69] : memref<10240x128xf32, #tpu.memory_space<vmem_shared>> -> memref<10240x128xf32, #tpu.memory_space<vmem_shared>>
        tpu.wait_indirect_dma semaphore(%run_scoped3A : memref<!tpu.dma_semaphore, #tpu.memory_space<semaphore_mem>>) src(%arg8 : memref<80x128xf32, #tpu.memory_space<vmem>>) dst(%dma_wait3A_70 : memref<10240x128xf32, #tpu.memory_space<vmem_shared>>)
        tpu.yield
      }) : () -> ()
      %mul3A_44 = arith.constant 2 : i32
      %mul3A_45 = arith.muli %scan3A_27, %mul3A_44 : i32
      %add3A_46 = arith.constant 1 : i32
      %add3A_47 = arith.addi %mul3A_45, %add3A_46 : i32
      %mul3A_48 = arith.constant 80 : i32
      %mul3A_49 = arith.muli %add3A_47, %mul3A_48 : i32
      %dma_wait3A_50 = tpu.memref_slice %arg6[%mul3A_49] : memref<10000xi32, #tpu.memory_space<vmem>> -> memref<80xi32, #tpu.memory_space<vmem>>
      %dma_wait3A_51 = arith.constant 0 : i32
      %dma_wait3A_52 = arith.constant 0 : i32
      %dma_wait3A_53 = tpu.memref_slice %arg2[%dma_wait3A_51, %dma_wait3A_52] : memref<10000x128xf32, #tpu.memory_space<hbm>> -> memref<10000x128xf32, #tpu.memory_space<hbm>>
      tpu.wait_indirect_dma semaphore(%arg12 : memref<!tpu.dma_semaphore, #tpu.memory_space<semaphore_mem>>) src(%dma_wait3A_53 : memref<10000x128xf32, #tpu.memory_space<hbm>>) dst(%arg9 : memref<80x128xf32, #tpu.memory_space<vmem>>)
      %add3A_54 = arith.constant 1 : i32
      %add3A_55 = arith.addi %add3A_47, %add3A_54 : i32
      %lt3A_56 = arith.constant 125 : i32
      %lt3A_57 = arith.cmpi slt, %add3A_55, %lt3A_56 : i32
      %convert_element_type3A_58 = arith.extui %lt3A_57 : i1 to i32
      %cond3A_59 = arith.constant 0 : i32
      %cond3A_60 = arith.cmpi ne, %convert_element_type3A_58, %cond3A_59 : i32
      scf.if %cond3A_60 {
        %mul3A_63 = arith.constant 80 : i32
        %mul3A_64 = arith.muli %add3A_55, %mul3A_63 : i32
        %dma_start3A_65 = tpu.memref_slice %arg6[%mul3A_64] : memref<10000xi32, #tpu.memory_space<vmem>> -> memref<80xi32, #tpu.memory_space<vmem>>
        %dma_start3A_66 = arith.constant 0 : i32
        %dma_start3A_67 = arith.constant 0 : i32
        %dma_start3A_68 = tpu.memref_slice %arg2[%dma_start3A_66, %dma_start3A_67] : memref<10000x128xf32, #tpu.memory_space<hbm>> -> memref<10000x128xf32, #tpu.memory_space<hbm>>
        tpu.enqueue_indirect_dma source(%dma_start3A_68 : memref<10000x128xf32, #tpu.memory_space<hbm>>) target(%arg8 : memref<80x128xf32, #tpu.memory_space<vmem>>) offsets(%dma_start3A_65 : memref<80xi32, #tpu.memory_space<vmem>>) semaphore(%arg11 : memref<!tpu.dma_semaphore, #tpu.memory_space<semaphore_mem>>)
      } else {
      }
      %mul3A_61 = arith.constant 80 : i32
      %mul3A_62 = arith.muli %add3A_47, %mul3A_61 : i32
      "tpu.region"() ({
        %run_scoped3A = tpu.sem_alloc : memref<!tpu.dma_semaphore, #tpu.memory_space<semaphore_mem>>
        %dma_start3A_63 = tpu.memref_slice %arg7[%mul3A_62] : memref<10000xi32, #tpu.memory_space<vmem>> -> memref<80xi32, #tpu.memory_space<vmem>>
        %dma_start3A_64 = arith.constant 0 : i32
        %dma_start3A_65 = arith.constant 0 : i32
        %dma_start3A_66 = tpu.memref_slice %arg10[%dma_start3A_64, %dma_start3A_65] : memref<10240x128xf32, #tpu.memory_space<vmem_shared>> -> memref<10240x128xf32, #tpu.memory_space<vmem_shared>>
        tpu.enqueue_indirect_dma source(%arg9 : memref<80x128xf32, #tpu.memory_space<vmem>>) target(%dma_start3A_66 : memref<10240x128xf32, #tpu.memory_space<vmem_shared>>) offsets(%dma_start3A_63 : memref<80xi32, #tpu.memory_space<vmem>>) semaphore(%run_scoped3A : memref<!tpu.dma_semaphore, #tpu.memory_space<semaphore_mem>>) {add = true}
        %dma_wait3A_67 = tpu.memref_slice %arg7[%mul3A_62] : memref<10000xi32, #tpu.memory_space<vmem>> -> memref<80xi32, #tpu.memory_space<vmem>>
        %dma_wait3A_68 = arith.constant 0 : i32
        %dma_wait3A_69 = arith.constant 0 : i32
        %dma_wait3A_70 = tpu.memref_slice %arg10[%dma_wait3A_68, %dma_wait3A_69] : memref<10240x128xf32, #tpu.memory_space<vmem_shared>> -> memref<10240x128xf32, #tpu.memory_space<vmem_shared>>
        tpu.wait_indirect_dma semaphore(%run_scoped3A : memref<!tpu.dma_semaphore, #tpu.memory_space<semaphore_mem>>) src(%arg9 : memref<80x128xf32, #tpu.memory_space<vmem>>) dst(%dma_wait3A_70 : memref<10240x128xf32, #tpu.memory_space<vmem_shared>>)
        tpu.yield
      }) : () -> ()
    }
    %scan3A_17 = arith.constant 62 : i32
    %dma_wait3A = arith.constant 9920 : i32
    %dma_wait3A_18 = tpu.memref_slice %arg6[%dma_wait3A] : memref<10000xi32, #tpu.memory_space<vmem>> -> memref<80xi32, #tpu.memory_space<vmem>>
    %dma_wait3A_19 = arith.constant 0 : i32
    %dma_wait3A_20 = arith.constant 0 : i32
    %dma_wait3A_21 = tpu.memref_slice %arg2[%dma_wait3A_19, %dma_wait3A_20] : memref<10000x128xf32, #tpu.memory_space<hbm>> -> memref<10000x128xf32, #tpu.memory_space<hbm>>
    tpu.wait_indirect_dma semaphore(%arg11 : memref<!tpu.dma_semaphore, #tpu.memory_space<semaphore_mem>>) src(%dma_wait3A_21 : memref<10000x128xf32, #tpu.memory_space<hbm>>) dst(%arg8 : memref<80x128xf32, #tpu.memory_space<vmem>>)
    "tpu.region"() ({
      %run_scoped3A = tpu.sem_alloc : memref<!tpu.dma_semaphore, #tpu.memory_space<semaphore_mem>>
      %dma_start3A_27 = arith.constant 9920 : i32
      %dma_start3A_28 = tpu.memref_slice %arg7[%dma_start3A_27] : memref<10000xi32, #tpu.memory_space<vmem>> -> memref<80xi32, #tpu.memory_space<vmem>>
      %dma_start3A_29 = arith.constant 0 : i32
      %dma_start3A_30 = arith.constant 0 : i32
      %dma_start3A_31 = tpu.memref_slice %arg10[%dma_start3A_29, %dma_start3A_30] : memref<10240x128xf32, #tpu.memory_space<vmem_shared>> -> memref<10240x128xf32, #tpu.memory_space<vmem_shared>>
      tpu.enqueue_indirect_dma source(%arg8 : memref<80x128xf32, #tpu.memory_space<vmem>>) target(%dma_start3A_31 : memref<10240x128xf32, #tpu.memory_space<vmem_shared>>) offsets(%dma_start3A_28 : memref<80xi32, #tpu.memory_space<vmem>>) semaphore(%run_scoped3A : memref<!tpu.dma_semaphore, #tpu.memory_space<semaphore_mem>>) {add = true}
      %dma_wait3A_32 = arith.constant 9920 : i32
      %dma_wait3A_33 = tpu.memref_slice %arg7[%dma_wait3A_32] : memref<10000xi32, #tpu.memory_space<vmem>> -> memref<80xi32, #tpu.memory_space<vmem>>
      %dma_wait3A_34 = arith.constant 0 : i32
      %dma_wait3A_35 = arith.constant 0 : i32
      %dma_wait3A_36 = tpu.memref_slice %arg10[%dma_wait3A_34, %dma_wait3A_35] : memref<10240x128xf32, #tpu.memory_space<vmem_shared>> -> memref<10240x128xf32, #tpu.memory_space<vmem_shared>>
      tpu.wait_indirect_dma semaphore(%run_scoped3A : memref<!tpu.dma_semaphore, #tpu.memory_space<semaphore_mem>>) src(%arg8 : memref<80x128xf32, #tpu.memory_space<vmem>>) dst(%dma_wait3A_36 : memref<10240x128xf32, #tpu.memory_space<vmem_shared>>)
      tpu.yield
    }) : () -> ()
    %barrier3A_22 = arith.constant 0 : index
    tpu.barrier barrier_id(%barrier3A_22)
    %mul3A_23 = arith.constant 640 : i32
    %mul3A_24 = arith.muli %arg1, %mul3A_23 : i32
    %mul3A_25 = arith.constant 640 : i32
    %mul3A_26 = arith.muli %arg1, %mul3A_25 : i32
    "tpu.region"() ({
      %run_scoped3A = tpu.sem_alloc : memref<!tpu.dma_semaphore, #tpu.memory_space<semaphore_mem>>
      %dma_start3A_27 = arith.constant 0 : i32
      %dma_start3A_28 = tpu.memref_slice %arg5[%arg0, %mul3A_26, %dma_start3A_27] : memref<2x10240x128xf32, #tpu.memory_space<hbm>> -> memref<1x640x128xf32, #tpu.memory_space<hbm>>
      %dma_start3A_29 = tpu.memref_squeeze %dma_start3A_28 : memref<1x640x128xf32, #tpu.memory_space<hbm>> -> memref<640x128xf32, #tpu.memory_space<hbm>>
      %dma_start3A_30 = arith.constant 0 : i32
      %dma_start3A_31 = tpu.memref_slice %arg10[%mul3A_24, %dma_start3A_30] : memref<10240x128xf32, #tpu.memory_space<vmem_shared>> -> memref<640x128xf32, #tpu.memory_space<vmem_shared>>
      tpu.enqueue_dma source(%dma_start3A_31 : memref<640x128xf32, #tpu.memory_space<vmem_shared>>) target(%dma_start3A_29 : memref<640x128xf32, #tpu.memory_space<hbm>>) target_semaphore(%run_scoped3A : memref<!tpu.dma_semaphore, #tpu.memory_space<semaphore_mem>>)
      %dma_wait3A_32 = arith.constant 0 : i32
      %dma_wait3A_33 = tpu.memref_slice %arg5[%arg0, %mul3A_26, %dma_wait3A_32] : memref<2x10240x128xf32, #tpu.memory_space<hbm>> -> memref<1x640x128xf32, #tpu.memory_space<hbm>>
      %dma_wait3A_34 = tpu.memref_squeeze %dma_wait3A_33 : memref<1x640x128xf32, #tpu.memory_space<hbm>> -> memref<640x128xf32, #tpu.memory_space<hbm>>
      %dma_wait3A_35 = arith.constant 0 : i32
      %dma_wait3A_36 = tpu.memref_slice %arg10[%mul3A_24, %dma_wait3A_35] : memref<10240x128xf32, #tpu.memory_space<vmem_shared>> -> memref<640x128xf32, #tpu.memory_space<vmem_shared>>
      tpu.wait_dma2 semaphore(%run_scoped3A : memref<!tpu.dma_semaphore, #tpu.memory_space<semaphore_mem>>) src(%dma_wait3A_36 : memref<640x128xf32, #tpu.memory_space<vmem_shared>>) dst(%dma_wait3A_34 : memref<640x128xf32, #tpu.memory_space<hbm>>)
      tpu.yield
    }) : () -> ()
    return
  }
}

#map = affine_map<(d0, d1) -> (0, 0)>
#map1 = affine_map<(d0, d1) -> (0)>
#map2 = affine_map<(d0, d1) -> (0, 0, 0)>
module attributes {stable_mosaic.version = 14 : i64} {
  func.func @seg(%arg0: i32, %arg1: i32, %arg2: memref<10000x128xf32, #tpu.memory_space<hbm>>, %arg3: memref<640000xi32, #tpu.memory_space<hbm>>, %arg4: memref<640x128xf32, #tpu.memory_space<hbm>>, %arg5: memref<2x10240x128xf32, #tpu.memory_space<hbm>>, %arg6: memref<10000xi32, #tpu.memory_space<vmem>>, %arg7: memref<10000xi32, #tpu.memory_space<vmem>>, %arg8: memref<80x128xf32, #tpu.memory_space<vmem>>, %arg9: memref<80x128xf32, #tpu.memory_space<vmem>>, %arg10: memref<10240x128xf32, #tpu.memory_space<vmem_shared>>, %arg11: memref<!tpu.dma_semaphore, #tpu.memory_space<semaphore_mem>>, %arg12: memref<!tpu.dma_semaphore, #tpu.memory_space<semaphore_mem>>) attributes {dimension_semantics = [#tpu.dimension_semantics<core_parallel>, #tpu.dimension_semantics<subcore_parallel>], iteration_bounds = array<i64: 2, 16>, scalar_prefetch = 0 : i64, scratch_operands = 7 : i64, tpu.core_type = #tpu.core_type<sc_vector_subcore>, window_params = [{transform_indices = #map}, {transform_indices = #map1}, {transform_indices = #map}, {transform_indices = #map2}]} {
    %mul3A = arith.constant 2 : i32
    %mul3A_0 = arith.muli %arg1, %mul3A : i32
    %add3A = arith.addi %mul3A_0, %arg0 : i32
    %mul3A_1 = arith.constant 10000 : i32
    %mul3A_2 = arith.muli %add3A, %mul3A_1 : i32
    "tpu.region"() ({
      %run_scoped3A = tpu.sem_alloc : memref<!tpu.dma_semaphore, #tpu.memory_space<semaphore_mem>>
      %dma_start3A_27 = tpu.memref_slice %arg3[%mul3A_2] : memref<640000xi32, #tpu.memory_space<hbm>> -> memref<10000xi32, #tpu.memory_space<hbm>>
      %dma_start3A_28 = tpu.memref_slice %arg3[%mul3A_2] : memref<640000xi32, #tpu.memory_space<hbm>> -> memref<10000xi32, #tpu.memory_space<hbm>>
      tpu.enqueue_dma source(%dma_start3A_28 : memref<10000xi32, #tpu.memory_space<hbm>>) target(%arg6 : memref<10000xi32, #tpu.memory_space<vmem>>) target_semaphore(%run_scoped3A : memref<!tpu.dma_semaphore, #tpu.memory_space<semaphore_mem>>)
      %dma_wait3A_29 = tpu.memref_slice %arg3[%mul3A_2] : memref<640000xi32, #tpu.memory_space<hbm>> -> memref<10000xi32, #tpu.memory_space<hbm>>
      %dma_wait3A_30 = tpu.memref_slice %arg3[%mul3A_2] : memref<640000xi32, #tpu.memory_space<hbm>> -> memref<10000xi32, #tpu.memory_space<hbm>>
      tpu.wait_dma2 semaphore(%run_scoped3A : memref<!tpu.dma_semaphore, #tpu.memory_space<semaphore_mem>>) src(%dma_wait3A_30 : memref<10000xi32, #tpu.memory_space<hbm>>) dst(%arg6 : memref<10000xi32, #tpu.memory_space<vmem>>)
      tpu.yield
    }) : () -> ()
    %mul3A_3 = arith.constant 10000 : i32
    %mul3A_4 = arith.muli %add3A, %mul3A_3 : i32
    %add3A_5 = arith.constant 320000 : i32
    %add3A_6 = arith.addi %add3A_5, %mul3A_4 : i32
    "tpu.region"() ({
      %run_scoped3A = tpu.sem_alloc : memref<!tpu.dma_semaphore, #tpu.memory_space<semaphore_mem>>
      %dma_start3A_27 = tpu.memref_slice %arg3[%add3A_6] : memref<640000xi32, #tpu.memory_space<hbm>> -> memref<10000xi32, #tpu.memory_space<hbm>>
      %dma_start3A_28 = tpu.memref_slice %arg3[%add3A_6] : memref<640000xi32, #tpu.memory_space<hbm>> -> memref<10000xi32, #tpu.memory_space<hbm>>
      tpu.enqueue_dma source(%dma_start3A_28 : memref<10000xi32, #tpu.memory_space<hbm>>) target(%arg7 : memref<10000xi32, #tpu.memory_space<vmem>>) target_semaphore(%run_scoped3A : memref<!tpu.dma_semaphore, #tpu.memory_space<semaphore_mem>>)
      %dma_wait3A_29 = tpu.memref_slice %arg3[%add3A_6] : memref<640000xi32, #tpu.memory_space<hbm>> -> memref<10000xi32, #tpu.memory_space<hbm>>
      %dma_wait3A_30 = tpu.memref_slice %arg3[%add3A_6] : memref<640000xi32, #tpu.memory_space<hbm>> -> memref<10000xi32, #tpu.memory_space<hbm>>
      tpu.wait_dma2 semaphore(%run_scoped3A : memref<!tpu.dma_semaphore, #tpu.memory_space<semaphore_mem>>) src(%dma_wait3A_30 : memref<10000xi32, #tpu.memory_space<hbm>>) dst(%arg7 : memref<10000xi32, #tpu.memory_space<vmem>>)
      tpu.yield
    }) : () -> ()
    %mul3A_7 = arith.constant 640 : i32
    %mul3A_8 = arith.muli %arg1, %mul3A_7 : i32
    "tpu.region"() ({
      %run_scoped3A = tpu.sem_alloc : memref<!tpu.dma_semaphore, #tpu.memory_space<semaphore_mem>>
      %dma_start3A_27 = arith.constant 0 : i32
      %dma_start3A_28 = tpu.memref_slice %arg10[%mul3A_8, %dma_start3A_27] : memref<10240x128xf32, #tpu.memory_space<vmem_shared>> -> memref<640x128xf32, #tpu.memory_space<vmem_shared>>
      tpu.enqueue_dma source(%arg4 : memref<640x128xf32, #tpu.memory_space<hbm>>) target(%dma_start3A_28 : memref<640x128xf32, #tpu.memory_space<vmem_shared>>) target_semaphore(%run_scoped3A : memref<!tpu.dma_semaphore, #tpu.memory_space<semaphore_mem>>)
      %dma_wait3A_29 = arith.constant 0 : i32
      %dma_wait3A_30 = tpu.memref_slice %arg10[%mul3A_8, %dma_wait3A_29] : memref<10240x128xf32, #tpu.memory_space<vmem_shared>> -> memref<640x128xf32, #tpu.memory_space<vmem_shared>>
      tpu.wait_dma2 semaphore(%run_scoped3A : memref<!tpu.dma_semaphore, #tpu.memory_space<semaphore_mem>>) src(%arg4 : memref<640x128xf32, #tpu.memory_space<hbm>>) dst(%dma_wait3A_30 : memref<640x128xf32, #tpu.memory_space<vmem_shared>>)
      tpu.yield
    }) : () -> ()
    %barrier3A = arith.constant 0 : index
    tpu.barrier barrier_id(%barrier3A)
    %dma_start3A = arith.constant 0 : i32
    %dma_start3A_9 = tpu.memref_slice %arg6[%dma_start3A] : memref<10000xi32, #tpu.memory_space<vmem>> -> memref<80xi32, #tpu.memory_space<vmem>>
    %dma_start3A_10 = arith.constant 0 : i32
    %dma_start3A_11 = arith.constant 0 : i32
    %dma_start3A_12 = tpu.memref_slice %arg2[%dma_start3A_10, %dma_start3A_11] : memref<10000x128xf32, #tpu.memory_space<hbm>> -> memref<10000x128xf32, #tpu.memory_space<hbm>>
    tpu.enqueue_indirect_dma source(%dma_start3A_12 : memref<10000x128xf32, #tpu.memory_space<hbm>>) target(%arg8 : memref<80x128xf32, #tpu.memory_space<vmem>>) offsets(%dma_start3A_9 : memref<80xi32, #tpu.memory_space<vmem>>) semaphore(%arg11 : memref<!tpu.dma_semaphore, #tpu.memory_space<semaphore_mem>>)
    %scan3A = arith.constant 0 : i32
    %scan3A_13 = arith.constant 0 : i32
    %scan3A_14 = arith.constant 62 : i32
    %scan3A_15 = arith.addi %scan3A_13, %scan3A_14 : i32
    %scan3A_16 = arith.constant 1 : i32
    scf.for %scan3A_27 = %scan3A_13 to %scan3A_15 step %scan3A_16  : i32 {
      %mul3A_28 = arith.constant 2 : i32
      %mul3A_29 = arith.muli %scan3A_27, %mul3A_28 : i32
      %add3A_30 = arith.constant 0 : i32
      %add3A_31 = arith.addi %mul3A_29, %add3A_30 : i32
      %mul3A_32 = arith.constant 80 : i32
      %mul3A_33 = arith.muli %add3A_31, %mul3A_32 : i32
      %dma_wait3A_34 = tpu.memref_slice %arg6[%mul3A_33] : memref<10000xi32, #tpu.memory_space<vmem>> -> memref<80xi32, #tpu.memory_space<vmem>>
      %dma_wait3A_35 = arith.constant 0 : i32
      %dma_wait3A_36 = arith.constant 0 : i32
      %dma_wait3A_37 = tpu.memref_slice %arg2[%dma_wait3A_35, %dma_wait3A_36] : memref<10000x128xf32, #tpu.memory_space<hbm>> -> memref<10000x128xf32, #tpu.memory_space<hbm>>
      tpu.wait_indirect_dma semaphore(%arg11 : memref<!tpu.dma_semaphore, #tpu.memory_space<semaphore_mem>>) src(%dma_wait3A_37 : memref<10000x128xf32, #tpu.memory_space<hbm>>) dst(%arg8 : memref<80x128xf32, #tpu.memory_space<vmem>>)
      %add3A_38 = arith.constant 1 : i32
      %add3A_39 = arith.addi %add3A_31, %add3A_38 : i32
      %lt3A = arith.constant 125 : i32
      %lt3A_40 = arith.cmpi slt, %add3A_39, %lt3A : i32
      %convert_element_type3A = arith.extui %lt3A_40 : i1 to i32
      %cond3A = arith.constant 0 : i32
      %cond3A_41 = arith.cmpi ne, %convert_element_type3A, %cond3A : i32
      scf.if %cond3A_41 {
        %mul3A_63 = arith.constant 80 : i32
        %mul3A_64 = arith.muli %add3A_39, %mul3A_63 : i32
        %dma_start3A_65 = tpu.memref_slice %arg6[%mul3A_64] : memref<10000xi32, #tpu.memory_space<vmem>> -> memref<80xi32, #tpu.memory_space<vmem>>
        %dma_start3A_66 = arith.constant 0 : i32
        %dma_start3A_67 = arith.constant 0 : i32
        %dma_start3A_68 = tpu.memref_slice %arg2[%dma_start3A_66, %dma_start3A_67] : memref<10000x128xf32, #tpu.memory_space<hbm>> -> memref<10000x128xf32, #tpu.memory_space<hbm>>
        tpu.enqueue_indirect_dma source(%dma_start3A_68 : memref<10000x128xf32, #tpu.memory_space<hbm>>) target(%arg9 : memref<80x128xf32, #tpu.memory_space<vmem>>) offsets(%dma_start3A_65 : memref<80xi32, #tpu.memory_space<vmem>>) semaphore(%arg12 : memref<!tpu.dma_semaphore, #tpu.memory_space<semaphore_mem>>)
      } else {
      }
      %mul3A_42 = arith.constant 80 : i32
      %mul3A_43 = arith.muli %add3A_31, %mul3A_42 : i32
      "tpu.region"() ({
        %run_scoped3A = tpu.sem_alloc : memref<!tpu.dma_semaphore, #tpu.memory_space<semaphore_mem>>
        %dma_start3A_63 = tpu.memref_slice %arg7[%mul3A_43] : memref<10000xi32, #tpu.memory_space<vmem>> -> memref<80xi32, #tpu.memory_space<vmem>>
        %dma_start3A_64 = arith.constant 0 : i32
        %dma_start3A_65 = arith.constant 0 : i32
        %dma_start3A_66 = tpu.memref_slice %arg10[%dma_start3A_64, %dma_start3A_65] : memref<10240x128xf32, #tpu.memory_space<vmem_shared>> -> memref<10240x128xf32, #tpu.memory_space<vmem_shared>>
        tpu.enqueue_indirect_dma source(%arg8 : memref<80x128xf32, #tpu.memory_space<vmem>>) target(%dma_start3A_66 : memref<10240x128xf32, #tpu.memory_space<vmem_shared>>) offsets(%dma_start3A_63 : memref<80xi32, #tpu.memory_space<vmem>>) semaphore(%run_scoped3A : memref<!tpu.dma_semaphore, #tpu.memory_space<semaphore_mem>>) {add = true}
        %dma_wait3A_67 = tpu.memref_slice %arg7[%mul3A_43] : memref<10000xi32, #tpu.memory_space<vmem>> -> memref<80xi32, #tpu.memory_space<vmem>>
        %dma_wait3A_68 = arith.constant 0 : i32
        %dma_wait3A_69 = arith.constant 0 : i32
        %dma_wait3A_70 = tpu.memref_slice %arg10[%dma_wait3A_68, %dma_wait3A_69] : memref<10240x128xf32, #tpu.memory_space<vmem_shared>> -> memref<10240x128xf32, #tpu.memory_space<vmem_shared>>
        tpu.wait_indirect_dma semaphore(%run_scoped3A : memref<!tpu.dma_semaphore, #tpu.memory_space<semaphore_mem>>) src(%arg8 : memref<80x128xf32, #tpu.memory_space<vmem>>) dst(%dma_wait3A_70 : memref<10240x128xf32, #tpu.memory_space<vmem_shared>>)
        tpu.yield
      }) : () -> ()
      %mul3A_44 = arith.constant 2 : i32
      %mul3A_45 = arith.muli %scan3A_27, %mul3A_44 : i32
      %add3A_46 = arith.constant 1 : i32
      %add3A_47 = arith.addi %mul3A_45, %add3A_46 : i32
      %mul3A_48 = arith.constant 80 : i32
      %mul3A_49 = arith.muli %add3A_47, %mul3A_48 : i32
      %dma_wait3A_50 = tpu.memref_slice %arg6[%mul3A_49] : memref<10000xi32, #tpu.memory_space<vmem>> -> memref<80xi32, #tpu.memory_space<vmem>>
      %dma_wait3A_51 = arith.constant 0 : i32
      %dma_wait3A_52 = arith.constant 0 : i32
      %dma_wait3A_53 = tpu.memref_slice %arg2[%dma_wait3A_51, %dma_wait3A_52] : memref<10000x128xf32, #tpu.memory_space<hbm>> -> memref<10000x128xf32, #tpu.memory_space<hbm>>
      tpu.wait_indirect_dma semaphore(%arg12 : memref<!tpu.dma_semaphore, #tpu.memory_space<semaphore_mem>>) src(%dma_wait3A_53 : memref<10000x128xf32, #tpu.memory_space<hbm>>) dst(%arg9 : memref<80x128xf32, #tpu.memory_space<vmem>>)
      %add3A_54 = arith.constant 1 : i32
      %add3A_55 = arith.addi %add3A_47, %add3A_54 : i32
      %lt3A_56 = arith.constant 125 : i32
      %lt3A_57 = arith.cmpi slt, %add3A_55, %lt3A_56 : i32
      %convert_element_type3A_58 = arith.extui %lt3A_57 : i1 to i32
      %cond3A_59 = arith.constant 0 : i32
      %cond3A_60 = arith.cmpi ne, %convert_element_type3A_58, %cond3A_59 : i32
      scf.if %cond3A_60 {
        %mul3A_63 = arith.constant 80 : i32
        %mul3A_64 = arith.muli %add3A_55, %mul3A_63 : i32
        %dma_start3A_65 = tpu.memref_slice %arg6[%mul3A_64] : memref<10000xi32, #tpu.memory_space<vmem>> -> memref<80xi32, #tpu.memory_space<vmem>>
        %dma_start3A_66 = arith.constant 0 : i32
        %dma_start3A_67 = arith.constant 0 : i32
        %dma_start3A_68 = tpu.memref_slice %arg2[%dma_start3A_66, %dma_start3A_67] : memref<10000x128xf32, #tpu.memory_space<hbm>> -> memref<10000x128xf32, #tpu.memory_space<hbm>>
        tpu.enqueue_indirect_dma source(%dma_start3A_68 : memref<10000x128xf32, #tpu.memory_space<hbm>>) target(%arg8 : memref<80x128xf32, #tpu.memory_space<vmem>>) offsets(%dma_start3A_65 : memref<80xi32, #tpu.memory_space<vmem>>) semaphore(%arg11 : memref<!tpu.dma_semaphore, #tpu.memory_space<semaphore_mem>>)
      } else {
      }
      %mul3A_61 = arith.constant 80 : i32
      %mul3A_62 = arith.muli %add3A_47, %mul3A_61 : i32
      "tpu.region"() ({
        %run_scoped3A = tpu.sem_alloc : memref<!tpu.dma_semaphore, #tpu.memory_space<semaphore_mem>>
        %dma_start3A_63 = tpu.memref_slice %arg7[%mul3A_62] : memref<10000xi32, #tpu.memory_space<vmem>> -> memref<80xi32, #tpu.memory_space<vmem>>
        %dma_start3A_64 = arith.constant 0 : i32
        %dma_start3A_65 = arith.constant 0 : i32
        %dma_start3A_66 = tpu.memref_slice %arg10[%dma_start3A_64, %dma_start3A_65] : memref<10240x128xf32, #tpu.memory_space<vmem_shared>> -> memref<10240x128xf32, #tpu.memory_space<vmem_shared>>
        tpu.enqueue_indirect_dma source(%arg9 : memref<80x128xf32, #tpu.memory_space<vmem>>) target(%dma_start3A_66 : memref<10240x128xf32, #tpu.memory_space<vmem_shared>>) offsets(%dma_start3A_63 : memref<80xi32, #tpu.memory_space<vmem>>) semaphore(%run_scoped3A : memref<!tpu.dma_semaphore, #tpu.memory_space<semaphore_mem>>) {add = true}
        %dma_wait3A_67 = tpu.memref_slice %arg7[%mul3A_62] : memref<10000xi32, #tpu.memory_space<vmem>> -> memref<80xi32, #tpu.memory_space<vmem>>
        %dma_wait3A_68 = arith.constant 0 : i32
        %dma_wait3A_69 = arith.constant 0 : i32
        %dma_wait3A_70 = tpu.memref_slice %arg10[%dma_wait3A_68, %dma_wait3A_69] : memref<10240x128xf32, #tpu.memory_space<vmem_shared>> -> memref<10240x128xf32, #tpu.memory_space<vmem_shared>>
        tpu.wait_indirect_dma semaphore(%run_scoped3A : memref<!tpu.dma_semaphore, #tpu.memory_space<semaphore_mem>>) src(%arg9 : memref<80x128xf32, #tpu.memory_space<vmem>>) dst(%dma_wait3A_70 : memref<10240x128xf32, #tpu.memory_space<vmem_shared>>)
        tpu.yield
      }) : () -> ()
    }
    %scan3A_17 = arith.constant 62 : i32
    %dma_wait3A = arith.constant 9920 : i32
    %dma_wait3A_18 = tpu.memref_slice %arg6[%dma_wait3A] : memref<10000xi32, #tpu.memory_space<vmem>> -> memref<80xi32, #tpu.memory_space<vmem>>
    %dma_wait3A_19 = arith.constant 0 : i32
    %dma_wait3A_20 = arith.constant 0 : i32
    %dma_wait3A_21 = tpu.memref_slice %arg2[%dma_wait3A_19, %dma_wait3A_20] : memref<10000x128xf32, #tpu.memory_space<hbm>> -> memref<10000x128xf32, #tpu.memory_space<hbm>>
    tpu.wait_indirect_dma semaphore(%arg11 : memref<!tpu.dma_semaphore, #tpu.memory_space<semaphore_mem>>) src(%dma_wait3A_21 : memref<10000x128xf32, #tpu.memory_space<hbm>>) dst(%arg8 : memref<80x128xf32, #tpu.memory_space<vmem>>)
    "tpu.region"() ({
      %run_scoped3A = tpu.sem_alloc : memref<!tpu.dma_semaphore, #tpu.memory_space<semaphore_mem>>
      %dma_start3A_27 = arith.constant 9920 : i32
      %dma_start3A_28 = tpu.memref_slice %arg7[%dma_start3A_27] : memref<10000xi32, #tpu.memory_space<vmem>> -> memref<80xi32, #tpu.memory_space<vmem>>
      %dma_start3A_29 = arith.constant 0 : i32
      %dma_start3A_30 = arith.constant 0 : i32
      %dma_start3A_31 = tpu.memref_slice %arg10[%dma_start3A_29, %dma_start3A_30] : memref<10240x128xf32, #tpu.memory_space<vmem_shared>> -> memref<10240x128xf32, #tpu.memory_space<vmem_shared>>
      tpu.enqueue_indirect_dma source(%arg8 : memref<80x128xf32, #tpu.memory_space<vmem>>) target(%dma_start3A_31 : memref<10240x128xf32, #tpu.memory_space<vmem_shared>>) offsets(%dma_start3A_28 : memref<80xi32, #tpu.memory_space<vmem>>) semaphore(%run_scoped3A : memref<!tpu.dma_semaphore, #tpu.memory_space<semaphore_mem>>) {add = true}
      %dma_wait3A_32 = arith.constant 9920 : i32
      %dma_wait3A_33 = tpu.memref_slice %arg7[%dma_wait3A_32] : memref<10000xi32, #tpu.memory_space<vmem>> -> memref<80xi32, #tpu.memory_space<vmem>>
      %dma_wait3A_34 = arith.constant 0 : i32
      %dma_wait3A_35 = arith.constant 0 : i32
      %dma_wait3A_36 = tpu.memref_slice %arg10[%dma_wait3A_34, %dma_wait3A_35] : memref<10240x128xf32, #tpu.memory_space<vmem_shared>> -> memref<10240x128xf32, #tpu.memory_space<vmem_shared>>
      tpu.wait_indirect_dma semaphore(%run_scoped3A : memref<!tpu.dma_semaphore, #tpu.memory_space<semaphore_mem>>) src(%arg8 : memref<80x128xf32, #tpu.memory_space<vmem>>) dst(%dma_wait3A_36 : memref<10240x128xf32, #tpu.memory_space<vmem_shared>>)
      tpu.yield
    }) : () -> ()
    %barrier3A_22 = arith.constant 0 : index
    tpu.barrier barrier_id(%barrier3A_22)
    %mul3A_23 = arith.constant 640 : i32
    %mul3A_24 = arith.muli %arg1, %mul3A_23 : i32
    %mul3A_25 = arith.constant 640 : i32
    %mul3A_26 = arith.muli %arg1, %mul3A_25 : i32
    "tpu.region"() ({
      %run_scoped3A = tpu.sem_alloc : memref<!tpu.dma_semaphore, #tpu.memory_space<semaphore_mem>>
      %dma_start3A_27 = arith.constant 0 : i32
      %dma_start3A_28 = tpu.memref_slice %arg5[%arg0, %mul3A_26, %dma_start3A_27] : memref<2x10240x128xf32, #tpu.memory_space<hbm>> -> memref<1x640x128xf32, #tpu.memory_space<hbm>>
      %dma_start3A_29 = tpu.memref_squeeze %dma_start3A_28 : memref<1x640x128xf32, #tpu.memory_space<hbm>> -> memref<640x128xf32, #tpu.memory_space<hbm>>
      %dma_start3A_30 = arith.constant 0 : i32
      %dma_start3A_31 = tpu.memref_slice %arg10[%mul3A_24, %dma_start3A_30] : memref<10240x128xf32, #tpu.memory_space<vmem_shared>> -> memref<640x128xf32, #tpu.memory_space<vmem_shared>>
      tpu.enqueue_dma source(%dma_start3A_31 : memref<640x128xf32, #tpu.memory_space<vmem_shared>>) target(%dma_start3A_29 : memref<640x128xf32, #tpu.memory_space<hbm>>) target_semaphore(%run_scoped3A : memref<!tpu.dma_semaphore, #tpu.memory_space<semaphore_mem>>)
      %dma_wait3A_32 = arith.constant 0 : i32
      %dma_wait3A_33 = tpu.memref_slice %arg5[%arg0, %mul3A_26, %dma_wait3A_32] : memref<2x10240x128xf32, #tpu.memory_space<hbm>> -> memref<1x640x128xf32, #tpu.memory_space<hbm>>
      %dma_wait3A_34 = tpu.memref_squeeze %dma_wait3A_33 : memref<1x640x128xf32, #tpu.memory_space<hbm>> -> memref<640x128xf32, #tpu.memory_space<hbm>>
      %dma_wait3A_35 = arith.constant 0 : i32
      %dma_wait3A_36 = tpu.memref_slice %arg10[%mul3A_24, %dma_wait3A_35] : memref<10240x128xf32, #tpu.memory_space<vmem_shared>> -> memref<640x128xf32, #tpu.memory_space<vmem_shared>>
      tpu.wait_dma2 semaphore(%run_scoped3A : memref<!tpu.dma_semaphore, #tpu.memory_space<semaphore_mem>>) src(%dma_wait3A_36 : memref<640x128xf32, #tpu.memory_space<vmem_shared>>) dst(%dma_wait3A_34 : memref<640x128xf32, #tpu.memory_space<hbm>>)
      tpu.yield
    }) : () -> ()
    return
  }
}

#map = affine_map<(d0, d1) -> (0, 0)>
#map1 = affine_map<(d0, d1) -> (0)>
#map2 = affine_map<(d0, d1) -> (0, 0, 0)>
module attributes {stable_mosaic.version = 14 : i64} {
  func.func @seg(%arg0: i32, %arg1: i32, %arg2: memref<10000x128xf32, #tpu.memory_space<hbm>>, %arg3: memref<640000xi32, #tpu.memory_space<hbm>>, %arg4: memref<640x128xf32, #tpu.memory_space<hbm>>, %arg5: memref<2x10240x128xf32, #tpu.memory_space<hbm>>, %arg6: memref<10000xi32, #tpu.memory_space<vmem>>, %arg7: memref<10000xi32, #tpu.memory_space<vmem>>, %arg8: memref<80x128xf32, #tpu.memory_space<vmem>>, %arg9: memref<80x128xf32, #tpu.memory_space<vmem>>, %arg10: memref<10240x128xf32, #tpu.memory_space<vmem_shared>>, %arg11: memref<!tpu.dma_semaphore, #tpu.memory_space<semaphore_mem>>, %arg12: memref<!tpu.dma_semaphore, #tpu.memory_space<semaphore_mem>>) attributes {dimension_semantics = [#tpu.dimension_semantics<core_parallel>, #tpu.dimension_semantics<subcore_parallel>], iteration_bounds = array<i64: 2, 16>, scalar_prefetch = 0 : i64, scratch_operands = 7 : i64, tpu.core_type = #tpu.core_type<sc_vector_subcore>, window_params = [{transform_indices = #map}, {transform_indices = #map1}, {transform_indices = #map}, {transform_indices = #map2}]} {
    %mul3A = arith.constant 2 : i32
    %mul3A_0 = arith.muli %arg1, %mul3A : i32
    %add3A = arith.addi %mul3A_0, %arg0 : i32
    %mul3A_1 = arith.constant 10000 : i32
    %mul3A_2 = arith.muli %add3A, %mul3A_1 : i32
    "tpu.region"() ({
      %run_scoped3A = tpu.sem_alloc : memref<!tpu.dma_semaphore, #tpu.memory_space<semaphore_mem>>
      %dma_start3A_27 = tpu.memref_slice %arg3[%mul3A_2] : memref<640000xi32, #tpu.memory_space<hbm>> -> memref<10000xi32, #tpu.memory_space<hbm>>
      %dma_start3A_28 = tpu.memref_slice %arg3[%mul3A_2] : memref<640000xi32, #tpu.memory_space<hbm>> -> memref<10000xi32, #tpu.memory_space<hbm>>
      tpu.enqueue_dma source(%dma_start3A_28 : memref<10000xi32, #tpu.memory_space<hbm>>) target(%arg6 : memref<10000xi32, #tpu.memory_space<vmem>>) target_semaphore(%run_scoped3A : memref<!tpu.dma_semaphore, #tpu.memory_space<semaphore_mem>>)
      %dma_wait3A_29 = tpu.memref_slice %arg3[%mul3A_2] : memref<640000xi32, #tpu.memory_space<hbm>> -> memref<10000xi32, #tpu.memory_space<hbm>>
      %dma_wait3A_30 = tpu.memref_slice %arg3[%mul3A_2] : memref<640000xi32, #tpu.memory_space<hbm>> -> memref<10000xi32, #tpu.memory_space<hbm>>
      tpu.wait_dma2 semaphore(%run_scoped3A : memref<!tpu.dma_semaphore, #tpu.memory_space<semaphore_mem>>) src(%dma_wait3A_30 : memref<10000xi32, #tpu.memory_space<hbm>>) dst(%arg6 : memref<10000xi32, #tpu.memory_space<vmem>>)
      tpu.yield
    }) : () -> ()
    %mul3A_3 = arith.constant 10000 : i32
    %mul3A_4 = arith.muli %add3A, %mul3A_3 : i32
    %add3A_5 = arith.constant 320000 : i32
    %add3A_6 = arith.addi %add3A_5, %mul3A_4 : i32
    "tpu.region"() ({
      %run_scoped3A = tpu.sem_alloc : memref<!tpu.dma_semaphore, #tpu.memory_space<semaphore_mem>>
      %dma_start3A_27 = tpu.memref_slice %arg3[%add3A_6] : memref<640000xi32, #tpu.memory_space<hbm>> -> memref<10000xi32, #tpu.memory_space<hbm>>
      %dma_start3A_28 = tpu.memref_slice %arg3[%add3A_6] : memref<640000xi32, #tpu.memory_space<hbm>> -> memref<10000xi32, #tpu.memory_space<hbm>>
      tpu.enqueue_dma source(%dma_start3A_28 : memref<10000xi32, #tpu.memory_space<hbm>>) target(%arg7 : memref<10000xi32, #tpu.memory_space<vmem>>) target_semaphore(%run_scoped3A : memref<!tpu.dma_semaphore, #tpu.memory_space<semaphore_mem>>)
      %dma_wait3A_29 = tpu.memref_slice %arg3[%add3A_6] : memref<640000xi32, #tpu.memory_space<hbm>> -> memref<10000xi32, #tpu.memory_space<hbm>>
      %dma_wait3A_30 = tpu.memref_slice %arg3[%add3A_6] : memref<640000xi32, #tpu.memory_space<hbm>> -> memref<10000xi32, #tpu.memory_space<hbm>>
      tpu.wait_dma2 semaphore(%run_scoped3A : memref<!tpu.dma_semaphore, #tpu.memory_space<semaphore_mem>>) src(%dma_wait3A_30 : memref<10000xi32, #tpu.memory_space<hbm>>) dst(%arg7 : memref<10000xi32, #tpu.memory_space<vmem>>)
      tpu.yield
    }) : () -> ()
    %mul3A_7 = arith.constant 640 : i32
    %mul3A_8 = arith.muli %arg1, %mul3A_7 : i32
    "tpu.region"() ({
      %run_scoped3A = tpu.sem_alloc : memref<!tpu.dma_semaphore, #tpu.memory_space<semaphore_mem>>
      %dma_start3A_27 = arith.constant 0 : i32
      %dma_start3A_28 = tpu.memref_slice %arg10[%mul3A_8, %dma_start3A_27] : memref<10240x128xf32, #tpu.memory_space<vmem_shared>> -> memref<640x128xf32, #tpu.memory_space<vmem_shared>>
      tpu.enqueue_dma source(%arg4 : memref<640x128xf32, #tpu.memory_space<hbm>>) target(%dma_start3A_28 : memref<640x128xf32, #tpu.memory_space<vmem_shared>>) target_semaphore(%run_scoped3A : memref<!tpu.dma_semaphore, #tpu.memory_space<semaphore_mem>>)
      %dma_wait3A_29 = arith.constant 0 : i32
      %dma_wait3A_30 = tpu.memref_slice %arg10[%mul3A_8, %dma_wait3A_29] : memref<10240x128xf32, #tpu.memory_space<vmem_shared>> -> memref<640x128xf32, #tpu.memory_space<vmem_shared>>
      tpu.wait_dma2 semaphore(%run_scoped3A : memref<!tpu.dma_semaphore, #tpu.memory_space<semaphore_mem>>) src(%arg4 : memref<640x128xf32, #tpu.memory_space<hbm>>) dst(%dma_wait3A_30 : memref<640x128xf32, #tpu.memory_space<vmem_shared>>)
      tpu.yield
    }) : () -> ()
    %barrier3A = arith.constant 0 : index
    tpu.barrier barrier_id(%barrier3A)
    %dma_start3A = arith.constant 0 : i32
    %dma_start3A_9 = tpu.memref_slice %arg6[%dma_start3A] : memref<10000xi32, #tpu.memory_space<vmem>> -> memref<80xi32, #tpu.memory_space<vmem>>
    %dma_start3A_10 = arith.constant 0 : i32
    %dma_start3A_11 = arith.constant 0 : i32
    %dma_start3A_12 = tpu.memref_slice %arg2[%dma_start3A_10, %dma_start3A_11] : memref<10000x128xf32, #tpu.memory_space<hbm>> -> memref<10000x128xf32, #tpu.memory_space<hbm>>
    tpu.enqueue_indirect_dma source(%dma_start3A_12 : memref<10000x128xf32, #tpu.memory_space<hbm>>) target(%arg8 : memref<80x128xf32, #tpu.memory_space<vmem>>) offsets(%dma_start3A_9 : memref<80xi32, #tpu.memory_space<vmem>>) semaphore(%arg11 : memref<!tpu.dma_semaphore, #tpu.memory_space<semaphore_mem>>)
    %scan3A = arith.constant 0 : i32
    %scan3A_13 = arith.constant 0 : i32
    %scan3A_14 = arith.constant 62 : i32
    %scan3A_15 = arith.addi %scan3A_13, %scan3A_14 : i32
    %scan3A_16 = arith.constant 1 : i32
    scf.for %scan3A_27 = %scan3A_13 to %scan3A_15 step %scan3A_16  : i32 {
      %mul3A_28 = arith.constant 2 : i32
      %mul3A_29 = arith.muli %scan3A_27, %mul3A_28 : i32
      %add3A_30 = arith.constant 0 : i32
      %add3A_31 = arith.addi %mul3A_29, %add3A_30 : i32
      %mul3A_32 = arith.constant 80 : i32
      %mul3A_33 = arith.muli %add3A_31, %mul3A_32 : i32
      %dma_wait3A_34 = tpu.memref_slice %arg6[%mul3A_33] : memref<10000xi32, #tpu.memory_space<vmem>> -> memref<80xi32, #tpu.memory_space<vmem>>
      %dma_wait3A_35 = arith.constant 0 : i32
      %dma_wait3A_36 = arith.constant 0 : i32
      %dma_wait3A_37 = tpu.memref_slice %arg2[%dma_wait3A_35, %dma_wait3A_36] : memref<10000x128xf32, #tpu.memory_space<hbm>> -> memref<10000x128xf32, #tpu.memory_space<hbm>>
      tpu.wait_indirect_dma semaphore(%arg11 : memref<!tpu.dma_semaphore, #tpu.memory_space<semaphore_mem>>) src(%dma_wait3A_37 : memref<10000x128xf32, #tpu.memory_space<hbm>>) dst(%arg8 : memref<80x128xf32, #tpu.memory_space<vmem>>)
      %add3A_38 = arith.constant 1 : i32
      %add3A_39 = arith.addi %add3A_31, %add3A_38 : i32
      %lt3A = arith.constant 125 : i32
      %lt3A_40 = arith.cmpi slt, %add3A_39, %lt3A : i32
      %convert_element_type3A = arith.extui %lt3A_40 : i1 to i32
      %cond3A = arith.constant 0 : i32
      %cond3A_41 = arith.cmpi ne, %convert_element_type3A, %cond3A : i32
      scf.if %cond3A_41 {
        %mul3A_63 = arith.constant 80 : i32
        %mul3A_64 = arith.muli %add3A_39, %mul3A_63 : i32
        %dma_start3A_65 = tpu.memref_slice %arg6[%mul3A_64] : memref<10000xi32, #tpu.memory_space<vmem>> -> memref<80xi32, #tpu.memory_space<vmem>>
        %dma_start3A_66 = arith.constant 0 : i32
        %dma_start3A_67 = arith.constant 0 : i32
        %dma_start3A_68 = tpu.memref_slice %arg2[%dma_start3A_66, %dma_start3A_67] : memref<10000x128xf32, #tpu.memory_space<hbm>> -> memref<10000x128xf32, #tpu.memory_space<hbm>>
        tpu.enqueue_indirect_dma source(%dma_start3A_68 : memref<10000x128xf32, #tpu.memory_space<hbm>>) target(%arg9 : memref<80x128xf32, #tpu.memory_space<vmem>>) offsets(%dma_start3A_65 : memref<80xi32, #tpu.memory_space<vmem>>) semaphore(%arg12 : memref<!tpu.dma_semaphore, #tpu.memory_space<semaphore_mem>>)
      } else {
      }
      %mul3A_42 = arith.constant 80 : i32
      %mul3A_43 = arith.muli %add3A_31, %mul3A_42 : i32
      "tpu.region"() ({
        %run_scoped3A = tpu.sem_alloc : memref<!tpu.dma_semaphore, #tpu.memory_space<semaphore_mem>>
        %dma_start3A_63 = tpu.memref_slice %arg7[%mul3A_43] : memref<10000xi32, #tpu.memory_space<vmem>> -> memref<80xi32, #tpu.memory_space<vmem>>
        %dma_start3A_64 = arith.constant 0 : i32
        %dma_start3A_65 = arith.constant 0 : i32
        %dma_start3A_66 = tpu.memref_slice %arg10[%dma_start3A_64, %dma_start3A_65] : memref<10240x128xf32, #tpu.memory_space<vmem_shared>> -> memref<10240x128xf32, #tpu.memory_space<vmem_shared>>
        tpu.enqueue_indirect_dma source(%arg8 : memref<80x128xf32, #tpu.memory_space<vmem>>) target(%dma_start3A_66 : memref<10240x128xf32, #tpu.memory_space<vmem_shared>>) offsets(%dma_start3A_63 : memref<80xi32, #tpu.memory_space<vmem>>) semaphore(%run_scoped3A : memref<!tpu.dma_semaphore, #tpu.memory_space<semaphore_mem>>) {add = true}
        %dma_wait3A_67 = tpu.memref_slice %arg7[%mul3A_43] : memref<10000xi32, #tpu.memory_space<vmem>> -> memref<80xi32, #tpu.memory_space<vmem>>
        %dma_wait3A_68 = arith.constant 0 : i32
        %dma_wait3A_69 = arith.constant 0 : i32
        %dma_wait3A_70 = tpu.memref_slice %arg10[%dma_wait3A_68, %dma_wait3A_69] : memref<10240x128xf32, #tpu.memory_space<vmem_shared>> -> memref<10240x128xf32, #tpu.memory_space<vmem_shared>>
        tpu.wait_indirect_dma semaphore(%run_scoped3A : memref<!tpu.dma_semaphore, #tpu.memory_space<semaphore_mem>>) src(%arg8 : memref<80x128xf32, #tpu.memory_space<vmem>>) dst(%dma_wait3A_70 : memref<10240x128xf32, #tpu.memory_space<vmem_shared>>)
        tpu.yield
      }) : () -> ()
      %mul3A_44 = arith.constant 2 : i32
      %mul3A_45 = arith.muli %scan3A_27, %mul3A_44 : i32
      %add3A_46 = arith.constant 1 : i32
      %add3A_47 = arith.addi %mul3A_45, %add3A_46 : i32
      %mul3A_48 = arith.constant 80 : i32
      %mul3A_49 = arith.muli %add3A_47, %mul3A_48 : i32
      %dma_wait3A_50 = tpu.memref_slice %arg6[%mul3A_49] : memref<10000xi32, #tpu.memory_space<vmem>> -> memref<80xi32, #tpu.memory_space<vmem>>
      %dma_wait3A_51 = arith.constant 0 : i32
      %dma_wait3A_52 = arith.constant 0 : i32
      %dma_wait3A_53 = tpu.memref_slice %arg2[%dma_wait3A_51, %dma_wait3A_52] : memref<10000x128xf32, #tpu.memory_space<hbm>> -> memref<10000x128xf32, #tpu.memory_space<hbm>>
      tpu.wait_indirect_dma semaphore(%arg12 : memref<!tpu.dma_semaphore, #tpu.memory_space<semaphore_mem>>) src(%dma_wait3A_53 : memref<10000x128xf32, #tpu.memory_space<hbm>>) dst(%arg9 : memref<80x128xf32, #tpu.memory_space<vmem>>)
      %add3A_54 = arith.constant 1 : i32
      %add3A_55 = arith.addi %add3A_47, %add3A_54 : i32
      %lt3A_56 = arith.constant 125 : i32
      %lt3A_57 = arith.cmpi slt, %add3A_55, %lt3A_56 : i32
      %convert_element_type3A_58 = arith.extui %lt3A_57 : i1 to i32
      %cond3A_59 = arith.constant 0 : i32
      %cond3A_60 = arith.cmpi ne, %convert_element_type3A_58, %cond3A_59 : i32
      scf.if %cond3A_60 {
        %mul3A_63 = arith.constant 80 : i32
        %mul3A_64 = arith.muli %add3A_55, %mul3A_63 : i32
        %dma_start3A_65 = tpu.memref_slice %arg6[%mul3A_64] : memref<10000xi32, #tpu.memory_space<vmem>> -> memref<80xi32, #tpu.memory_space<vmem>>
        %dma_start3A_66 = arith.constant 0 : i32
        %dma_start3A_67 = arith.constant 0 : i32
        %dma_start3A_68 = tpu.memref_slice %arg2[%dma_start3A_66, %dma_start3A_67] : memref<10000x128xf32, #tpu.memory_space<hbm>> -> memref<10000x128xf32, #tpu.memory_space<hbm>>
        tpu.enqueue_indirect_dma source(%dma_start3A_68 : memref<10000x128xf32, #tpu.memory_space<hbm>>) target(%arg8 : memref<80x128xf32, #tpu.memory_space<vmem>>) offsets(%dma_start3A_65 : memref<80xi32, #tpu.memory_space<vmem>>) semaphore(%arg11 : memref<!tpu.dma_semaphore, #tpu.memory_space<semaphore_mem>>)
      } else {
      }
      %mul3A_61 = arith.constant 80 : i32
      %mul3A_62 = arith.muli %add3A_47, %mul3A_61 : i32
      "tpu.region"() ({
        %run_scoped3A = tpu.sem_alloc : memref<!tpu.dma_semaphore, #tpu.memory_space<semaphore_mem>>
        %dma_start3A_63 = tpu.memref_slice %arg7[%mul3A_62] : memref<10000xi32, #tpu.memory_space<vmem>> -> memref<80xi32, #tpu.memory_space<vmem>>
        %dma_start3A_64 = arith.constant 0 : i32
        %dma_start3A_65 = arith.constant 0 : i32
        %dma_start3A_66 = tpu.memref_slice %arg10[%dma_start3A_64, %dma_start3A_65] : memref<10240x128xf32, #tpu.memory_space<vmem_shared>> -> memref<10240x128xf32, #tpu.memory_space<vmem_shared>>
        tpu.enqueue_indirect_dma source(%arg9 : memref<80x128xf32, #tpu.memory_space<vmem>>) target(%dma_start3A_66 : memref<10240x128xf32, #tpu.memory_space<vmem_shared>>) offsets(%dma_start3A_63 : memref<80xi32, #tpu.memory_space<vmem>>) semaphore(%run_scoped3A : memref<!tpu.dma_semaphore, #tpu.memory_space<semaphore_mem>>) {add = true}
        %dma_wait3A_67 = tpu.memref_slice %arg7[%mul3A_62] : memref<10000xi32, #tpu.memory_space<vmem>> -> memref<80xi32, #tpu.memory_space<vmem>>
        %dma_wait3A_68 = arith.constant 0 : i32
        %dma_wait3A_69 = arith.constant 0 : i32
        %dma_wait3A_70 = tpu.memref_slice %arg10[%dma_wait3A_68, %dma_wait3A_69] : memref<10240x128xf32, #tpu.memory_space<vmem_shared>> -> memref<10240x128xf32, #tpu.memory_space<vmem_shared>>
        tpu.wait_indirect_dma semaphore(%run_scoped3A : memref<!tpu.dma_semaphore, #tpu.memory_space<semaphore_mem>>) src(%arg9 : memref<80x128xf32, #tpu.memory_space<vmem>>) dst(%dma_wait3A_70 : memref<10240x128xf32, #tpu.memory_space<vmem_shared>>)
        tpu.yield
      }) : () -> ()
    }
    %scan3A_17 = arith.constant 62 : i32
    %dma_wait3A = arith.constant 9920 : i32
    %dma_wait3A_18 = tpu.memref_slice %arg6[%dma_wait3A] : memref<10000xi32, #tpu.memory_space<vmem>> -> memref<80xi32, #tpu.memory_space<vmem>>
    %dma_wait3A_19 = arith.constant 0 : i32
    %dma_wait3A_20 = arith.constant 0 : i32
    %dma_wait3A_21 = tpu.memref_slice %arg2[%dma_wait3A_19, %dma_wait3A_20] : memref<10000x128xf32, #tpu.memory_space<hbm>> -> memref<10000x128xf32, #tpu.memory_space<hbm>>
    tpu.wait_indirect_dma semaphore(%arg11 : memref<!tpu.dma_semaphore, #tpu.memory_space<semaphore_mem>>) src(%dma_wait3A_21 : memref<10000x128xf32, #tpu.memory_space<hbm>>) dst(%arg8 : memref<80x128xf32, #tpu.memory_space<vmem>>)
    "tpu.region"() ({
      %run_scoped3A = tpu.sem_alloc : memref<!tpu.dma_semaphore, #tpu.memory_space<semaphore_mem>>
      %dma_start3A_27 = arith.constant 9920 : i32
      %dma_start3A_28 = tpu.memref_slice %arg7[%dma_start3A_27] : memref<10000xi32, #tpu.memory_space<vmem>> -> memref<80xi32, #tpu.memory_space<vmem>>
      %dma_start3A_29 = arith.constant 0 : i32
      %dma_start3A_30 = arith.constant 0 : i32
      %dma_start3A_31 = tpu.memref_slice %arg10[%dma_start3A_29, %dma_start3A_30] : memref<10240x128xf32, #tpu.memory_space<vmem_shared>> -> memref<10240x128xf32, #tpu.memory_space<vmem_shared>>
      tpu.enqueue_indirect_dma source(%arg8 : memref<80x128xf32, #tpu.memory_space<vmem>>) target(%dma_start3A_31 : memref<10240x128xf32, #tpu.memory_space<vmem_shared>>) offsets(%dma_start3A_28 : memref<80xi32, #tpu.memory_space<vmem>>) semaphore(%run_scoped3A : memref<!tpu.dma_semaphore, #tpu.memory_space<semaphore_mem>>) {add = true}
      %dma_wait3A_32 = arith.constant 9920 : i32
      %dma_wait3A_33 = tpu.memref_slice %arg7[%dma_wait3A_32] : memref<10000xi32, #tpu.memory_space<vmem>> -> memref<80xi32, #tpu.memory_space<vmem>>
      %dma_wait3A_34 = arith.constant 0 : i32
      %dma_wait3A_35 = arith.constant 0 : i32
      %dma_wait3A_36 = tpu.memref_slice %arg10[%dma_wait3A_34, %dma_wait3A_35] : memref<10240x128xf32, #tpu.memory_space<vmem_shared>> -> memref<10240x128xf32, #tpu.memory_space<vmem_shared>>
      tpu.wait_indirect_dma semaphore(%run_scoped3A : memref<!tpu.dma_semaphore, #tpu.memory_space<semaphore_mem>>) src(%arg8 : memref<80x128xf32, #tpu.memory_space<vmem>>) dst(%dma_wait3A_36 : memref<10240x128xf32, #tpu.memory_space<vmem_shared>>)
      tpu.yield
    }) : () -> ()
    %barrier3A_22 = arith.constant 0 : index
    tpu.barrier barrier_id(%barrier3A_22)
    %mul3A_23 = arith.constant 640 : i32
    %mul3A_24 = arith.muli %arg1, %mul3A_23 : i32
    %mul3A_25 = arith.constant 640 : i32
    %mul3A_26 = arith.muli %arg1, %mul3A_25 : i32
    "tpu.region"() ({
      %run_scoped3A = tpu.sem_alloc : memref<!tpu.dma_semaphore, #tpu.memory_space<semaphore_mem>>
      %dma_start3A_27 = arith.constant 0 : i32
      %dma_start3A_28 = tpu.memref_slice %arg5[%arg0, %mul3A_26, %dma_start3A_27] : memref<2x10240x128xf32, #tpu.memory_space<hbm>> -> memref<1x640x128xf32, #tpu.memory_space<hbm>>
      %dma_start3A_29 = tpu.memref_squeeze %dma_start3A_28 : memref<1x640x128xf32, #tpu.memory_space<hbm>> -> memref<640x128xf32, #tpu.memory_space<hbm>>
      %dma_start3A_30 = arith.constant 0 : i32
      %dma_start3A_31 = tpu.memref_slice %arg10[%mul3A_24, %dma_start3A_30] : memref<10240x128xf32, #tpu.memory_space<vmem_shared>> -> memref<640x128xf32, #tpu.memory_space<vmem_shared>>
      tpu.enqueue_dma source(%dma_start3A_31 : memref<640x128xf32, #tpu.memory_space<vmem_shared>>) target(%dma_start3A_29 : memref<640x128xf32, #tpu.memory_space<hbm>>) target_semaphore(%run_scoped3A : memref<!tpu.dma_semaphore, #tpu.memory_space<semaphore_mem>>)
      %dma_wait3A_32 = arith.constant 0 : i32
      %dma_wait3A_33 = tpu.memref_slice %arg5[%arg0, %mul3A_26, %dma_wait3A_32] : memref<2x10240x128xf32, #tpu.memory_space<hbm>> -> memref<1x640x128xf32, #tpu.memory_space<hbm>>
      %dma_wait3A_34 = tpu.memref_squeeze %dma_wait3A_33 : memref<1x640x128xf32, #tpu.memory_space<hbm>> -> memref<640x128xf32, #tpu.memory_space<hbm>>
      %dma_wait3A_35 = arith.constant 0 : i32
      %dma_wait3A_36 = tpu.memref_slice %arg10[%mul3A_24, %dma_wait3A_35] : memref<10240x128xf32, #tpu.memory_space<vmem_shared>> -> memref<640x128xf32, #tpu.memory_space<vmem_shared>>
      tpu.wait_dma2 semaphore(%run_scoped3A : memref<!tpu.dma_semaphore, #tpu.memory_space<semaphore_mem>>) src(%dma_wait3A_36 : memref<640x128xf32, #tpu.memory_space<vmem_shared>>) dst(%dma_wait3A_34 : memref<640x128xf32, #tpu.memory_space<hbm>>)
      tpu.yield
    }) : () -> ()
    return
  }
}

module attributes {stable_mosaic.version = 14 : i64} {
  func.func @_tc1_body(%arg0: i32, %arg1: memref<1000x128xf32, #tpu.memory_space<vmem>>, %arg2: memref<128x128xf32, #tpu.memory_space<vmem>>, %arg3: memref<1000x1xf32, #tpu.memory_space<vmem>>, %arg4: memref<1000x128xf32, #tpu.memory_space<vmem>>) attributes {dimension_semantics = [#tpu.dimension_semantics<arbitrary>], iteration_bounds = array<i64: 10>, scalar_prefetch = 0 : i64, scratch_operands = 0 : i64, tpu.core_type = #tpu.core_type<tc>, window_params = [{transform_indices = @transform_0, window_bounds = array<i64: 1000, 128>}, {pipeline_mode = #tpu.pipeline_mode<synchronous>, transform_indices = @transform_1, window_bounds = array<i64: 128, 128>}, {transform_indices = @transform_2, window_bounds = array<i64: 1000, 1>}, {transform_indices = @transform_3, window_bounds = array<i64: 1000, 128>}]} {
    %get3A = arith.constant 0 : index
    %get3A_0 = arith.constant 0 : index
    %get3A_1 = vector.load %arg1[%get3A, %get3A_0] : memref<1000x128xf32, #tpu.memory_space<vmem>>, vector<1000x128xf32>
    %get3A_2 = arith.constant 0 : index
    %get3A_3 = arith.constant 0 : index
    %get3A_4 = vector.load %arg2[%get3A_2, %get3A_3] : memref<128x128xf32, #tpu.memory_space<vmem>>, vector<128x128xf32>
    %dot_general3A = arith.constant dense<0.000000e+00> : vector<1000x128xf32>
    %dot_general3A_5 = tpu.matmul %get3A_1, %get3A_4, %dot_general3A {dimension_numbers = #tpu.dot_dimension_numbers<[1], [0], [0], [1], [0, 0, 1, 1], [], []>, transpose_lhs_hint = false} : vector<1000x128xf32>, vector<128x128xf32>, vector<1000x128xf32> -> vector<1000x128xf32>
    %get3A_6 = arith.constant 0 : index
    %get3A_7 = arith.constant 0 : index
    %get3A_8 = vector.load %arg3[%get3A_6, %get3A_7] : memref<1000x1xf32, #tpu.memory_space<vmem>>, vector<1000x1xf32>
    %mul3A = vector.broadcast %get3A_8 : vector<1000x1xf32> to vector<1000x128xf32>
    %mul3A_9 = arith.mulf %dot_general3A_5, %mul3A : vector<1000x128xf32>
    %swap3A = arith.constant 0 : index
    %swap3A_10 = arith.constant 0 : index
    %swap3A_11 = vector.load %arg4[%swap3A, %swap3A_10] : memref<1000x128xf32, #tpu.memory_space<vmem>>, vector<1000x128xf32>
    tpu.vector_store %arg4[%swap3A, %swap3A_10], %mul3A_9 {strides = array<i32>} : memref<1000x128xf32, #tpu.memory_space<vmem>>, vector<1000x128xf32>,
    return
  }
  func.func @transform_0(%arg0: i32) -> (i32, i32) {
    %c0_i32 = arith.constant 0 : i32
    %c0_i32_0 = arith.constant 0 : i32
    return %arg0, %c0_i32 : i32, i32
  }
  func.func @transform_1(%arg0: i32) -> (i32, i32) {
    %c0_i32 = arith.constant 0 : i32
    %c0_i32_0 = arith.constant 0 : i32
    %c0_i32_1 = arith.constant 0 : i32
    return %c0_i32, %c0_i32_0 : i32, i32
  }
  func.func @transform_2(%arg0: i32) -> (i32, i32) {
    %c0_i32 = arith.constant 0 : i32
    %c0_i32_0 = arith.constant 0 : i32
    return %arg0, %c0_i32 : i32, i32
  }
  func.func @transform_3(%arg0: i32) -> (i32, i32) {
    %c0_i32 = arith.constant 0 : i32
    %c0_i32_0 = arith.constant 0 : i32
    return %arg0, %c0_i32 : i32, i32
  }
}

module attributes {stable_mosaic.version = 14 : i64} {
  func.func @_tc2_body_mid(%arg0: i32, %arg1: memref<2x1000x128xf32, #tpu.memory_space<vmem>>, %arg2: memref<1000x128xf32, #tpu.memory_space<vmem>>, %arg3: memref<1000x1xf32, #tpu.memory_space<vmem>>, %arg4: memref<1000x128xf32, #tpu.memory_space<vmem>>, %arg5: memref<1x128xf32, #tpu.memory_space<vmem>>, %arg6: memref<256x128xf32, #tpu.memory_space<vmem>>, %arg7: memref<1x128xf32, #tpu.memory_space<vmem>>, %arg8: memref<128x128xf32, #tpu.memory_space<vmem>>, %arg9: memref<1x128xf32, #tpu.memory_space<vmem>>, %arg10: memref<128x1xf32, #tpu.memory_space<vmem>>, %arg11: memref<128x1xf32, #tpu.memory_space<vmem>>, %arg12: memref<128x128xf32, #tpu.memory_space<vmem>>, %arg13: memref<1000x128xf32, #tpu.memory_space<vmem>>, %arg14: memref<1000x1xf32, #tpu.memory_space<vmem>>, %arg15: memref<1000x1xf32, #tpu.memory_space<vmem>>, %arg16: memref<1000x128xf32, #tpu.memory_space<vmem>>) attributes {dimension_semantics = [#tpu.dimension_semantics<arbitrary>], iteration_bounds = array<i64: 10>, scalar_prefetch = 0 : i64, scratch_operands = 0 : i64, tpu.core_type = #tpu.core_type<tc>, window_params = [{transform_indices = @transform_0, window_bounds = array<i64: 2, 1000, 128>}, {transform_indices = @transform_1, window_bounds = array<i64: 1000, 128>}, {transform_indices = @transform_2, window_bounds = array<i64: 1000, 1>}, {transform_indices = @transform_3, window_bounds = array<i64: 1000, 128>}, {pipeline_mode = #tpu.pipeline_mode<synchronous>, transform_indices = @transform_4, window_bounds = array<i64: 1, 128>}, {pipeline_mode = #tpu.pipeline_mode<synchronous>, transform_indices = @transform_5, window_bounds = array<i64: 256, 128>}, {pipeline_mode = #tpu.pipeline_mode<synchronous>, transform_indices = @transform_6, window_bounds = array<i64: 1, 128>}, {pipeline_mode = #tpu.pipeline_mode<synchronous>, transform_indices = @transform_7, window_bounds = array<i64: 128, 128>}, {pipeline_mode = #tpu.pipeline_mode<synchronous>, transform_indices = @transform_8, window_bounds = array<i64: 1, 128>}, {pipeline_mode = #tpu.pipeline_mode<synchronous>, transform_indices = @transform_9, window_bounds = array<i64: 128, 1>}, {pipeline_mode = #tpu.pipeline_mode<synchronous>, transform_indices = @transform_10, window_bounds = array<i64: 128, 1>}, {pipeline_mode = #tpu.pipeline_mode<synchronous>, transform_indices = @transform_11, window_bounds = array<i64: 128, 128>}, {transform_indices = @transform_12, window_bounds = array<i64: 1000, 128>}, {transform_indices = @transform_13, window_bounds = array<i64: 1000, 1>}, {transform_indices = @transform_14, window_bounds = array<i64: 1000, 1>}, {transform_indices = @transform_15, window_bounds = array<i64: 1000, 128>}]} {
    %get3A = arith.constant 0 : index
    %get3A_0 = arith.constant 0 : index
    %get3A_1 = vector.load %arg3[%get3A, %get3A_0] : memref<1000x1xf32, #tpu.memory_space<vmem>>, vector<1000x1xf32>
    %get3A_2 = arith.constant 0 : index
    %get3A_3 = arith.constant 0 : index
    %get3A_4 = arith.constant 0 : index
    %get3A_5 = vector.load %arg1[%get3A_2, %get3A_3, %get3A_4] : memref<2x1000x128xf32, #tpu.memory_space<vmem>>, vector<1x1000x128xf32>
    %get3A_6 = vector.shape_cast %get3A_5 : vector<1x1000x128xf32> to vector<1000x128xf32>
    %get3A_7 = arith.constant 1 : index
    %get3A_8 = arith.constant 0 : index
    %get3A_9 = arith.constant 0 : index
    %get3A_10 = vector.load %arg1[%get3A_7, %get3A_8, %get3A_9] : memref<2x1000x128xf32, #tpu.memory_space<vmem>>, vector<1x1000x128xf32>
    %get3A_11 = vector.shape_cast %get3A_10 : vector<1x1000x128xf32> to vector<1000x128xf32>
    %add3A = arith.addf %get3A_6, %get3A_11 : vector<1000x128xf32>
    %get3A_12 = arith.constant 0 : index
    %get3A_13 = arith.constant 0 : index
    %get3A_14 = vector.load %arg2[%get3A_12, %get3A_13] : memref<1000x128xf32, #tpu.memory_space<vmem>>, vector<1000x128xf32>
    %add3A_15 = arith.addf %add3A, %get3A_14 : vector<1000x128xf32>
    %mul3A = vector.broadcast %get3A_1 : vector<1000x1xf32> to vector<1000x128xf32>
    %mul3A_16 = arith.mulf %mul3A, %add3A_15 : vector<1000x128xf32>
    %get3A_17 = arith.constant 0 : index
    %get3A_18 = arith.constant 0 : index
    %get3A_19 = vector.load %arg5[%get3A_17, %get3A_18] : memref<1x128xf32, #tpu.memory_space<vmem>>, vector<1x128xf32>
    %add3A_20 = vector.broadcast %get3A_19 : vector<1x128xf32> to vector<1000x128xf32>
    %add3A_21 = arith.addf %mul3A_16, %add3A_20 : vector<1000x128xf32>
    %tanh3A = math.tanh %add3A_21 : vector<1000x128xf32>
    %get3A_22 = arith.constant 0 : index
    %get3A_23 = arith.constant 0 : index
    %get3A_24 = vector.load %arg4[%get3A_22, %get3A_23] : memref<1000x128xf32, #tpu.memory_space<vmem>>, vector<1000x128xf32>
    %get3A_25 = arith.constant 0 : index
    %get3A_26 = arith.constant 0 : index
    %get3A_27 = vector.load %arg6[%get3A_25, %get3A_26] : memref<256x128xf32, #tpu.memory_space<vmem>>, vector<128x128xf32>
    %dot_general3A = arith.constant dense<0.000000e+00> : vector<1000x128xf32>
    %dot_general3A_28 = tpu.matmul %get3A_24, %get3A_27, %dot_general3A {dimension_numbers = #tpu.dot_dimension_numbers<[1], [0], [0], [1], [0, 0, 1, 1], [], []>, transpose_lhs_hint = false} : vector<1000x128xf32>, vector<128x128xf32>, vector<1000x128xf32> -> vector<1000x128xf32>
    %get3A_29 = arith.constant 128 : index
    %get3A_30 = arith.constant 0 : index
    %get3A_31 = vector.load %arg6[%get3A_29, %get3A_30] : memref<256x128xf32, #tpu.memory_space<vmem>>, vector<128x128xf32>
    %dot_general3A_32 = arith.constant dense<0.000000e+00> : vector<1000x128xf32>
    %dot_general3A_33 = tpu.matmul %tanh3A, %get3A_31, %dot_general3A_32 {dimension_numbers = #tpu.dot_dimension_numbers<[1], [0], [0], [1], [0, 0, 1, 1], [], []>, transpose_lhs_hint = false} : vector<1000x128xf32>, vector<128x128xf32>, vector<1000x128xf32> -> vector<1000x128xf32>
    %add3A_34 = arith.addf %dot_general3A_28, %dot_general3A_33 : vector<1000x128xf32>
    %get3A_35 = arith.constant 0 : index
    %get3A_36 = arith.constant 0 : index
    %get3A_37 = vector.load %arg7[%get3A_35, %get3A_36] : memref<1x128xf32, #tpu.memory_space<vmem>>, vector<1x128xf32>
    %add3A_38 = vector.broadcast %get3A_37 : vector<1x128xf32> to vector<1000x128xf32>
    %add3A_39 = arith.addf %add3A_34, %add3A_38 : vector<1000x128xf32>
    %tanh3A_40 = math.tanh %add3A_39 : vector<1000x128xf32>
    %get3A_41 = arith.constant 0 : index
    %get3A_42 = arith.constant 0 : index
    %get3A_43 = vector.load %arg8[%get3A_41, %get3A_42] : memref<128x128xf32, #tpu.memory_space<vmem>>, vector<128x128xf32>
    %dot_general3A_44 = arith.constant dense<0.000000e+00> : vector<1000x128xf32>
    %dot_general3A_45 = tpu.matmul %tanh3A_40, %get3A_43, %dot_general3A_44 {dimension_numbers = #tpu.dot_dimension_numbers<[1], [0], [0], [1], [0, 0, 1, 1], [], []>, transpose_lhs_hint = false} : vector<1000x128xf32>, vector<128x128xf32>, vector<1000x128xf32> -> vector<1000x128xf32>
    %get3A_46 = arith.constant 0 : index
    %get3A_47 = arith.constant 0 : index
    %get3A_48 = vector.load %arg9[%get3A_46, %get3A_47] : memref<1x128xf32, #tpu.memory_space<vmem>>, vector<1x128xf32>
    %add3A_49 = vector.broadcast %get3A_48 : vector<1x128xf32> to vector<1000x128xf32>
    %add3A_50 = arith.addf %dot_general3A_45, %add3A_49 : vector<1000x128xf32>
    %tanh3A_51 = math.tanh %add3A_50 : vector<1000x128xf32>
    %get3A_52 = arith.constant 0 : index
    %get3A_53 = arith.constant 0 : index
    %get3A_54 = vector.load %arg10[%get3A_52, %get3A_53] : memref<128x1xf32, #tpu.memory_space<vmem>>, vector<128x1xf32>
    %dot_general3A_55 = arith.constant dense<0.000000e+00> : vector<1000x1xf32>
    %dot_general3A_56 = tpu.matmul %tanh3A_51, %get3A_54, %dot_general3A_55 {dimension_numbers = #tpu.dot_dimension_numbers<[1], [0], [0], [1], [0, 0, 1, 1], [], []>, transpose_lhs_hint = false} : vector<1000x128xf32>, vector<128x1xf32>, vector<1000x1xf32> -> vector<1000x1xf32>
    %get3A_57 = arith.constant 0 : index
    %get3A_58 = arith.constant 0 : index
    %get3A_59 = vector.load %arg11[%get3A_57, %get3A_58] : memref<128x1xf32, #tpu.memory_space<vmem>>, vector<128x1xf32>
    %dot_general3A_60 = arith.constant dense<0.000000e+00> : vector<1000x1xf32>
    %dot_general3A_61 = tpu.matmul %tanh3A_51, %get3A_59, %dot_general3A_60 {dimension_numbers = #tpu.dot_dimension_numbers<[1], [0], [0], [1], [0, 0, 1, 1], [], []>, transpose_lhs_hint = false} : vector<1000x128xf32>, vector<128x1xf32>, vector<1000x1xf32> -> vector<1000x1xf32>
    %swap3A = arith.constant 0 : index
    %swap3A_62 = arith.constant 0 : index
    %swap3A_63 = vector.load %arg13[%swap3A, %swap3A_62] : memref<1000x128xf32, #tpu.memory_space<vmem>>, vector<1000x128xf32>
    tpu.vector_store %arg13[%swap3A, %swap3A_62], %tanh3A_51 {strides = array<i32>} : memref<1000x128xf32, #tpu.memory_space<vmem>>, vector<1000x128xf32>,
    %swap3A_64 = arith.constant 0 : index
    %swap3A_65 = arith.constant 0 : index
    %swap3A_66 = vector.load %arg14[%swap3A_64, %swap3A_65] : memref<1000x1xf32, #tpu.memory_space<vmem>>, vector<1000x1xf32>
    tpu.vector_store %arg14[%swap3A_64, %swap3A_65], %dot_general3A_56 {strides = array<i32>} : memref<1000x1xf32, #tpu.memory_space<vmem>>, vector<1000x1xf32>,
    %swap3A_67 = arith.constant 0 : index
    %swap3A_68 = arith.constant 0 : index
    %swap3A_69 = vector.load %arg15[%swap3A_67, %swap3A_68] : memref<1000x1xf32, #tpu.memory_space<vmem>>, vector<1000x1xf32>
    tpu.vector_store %arg15[%swap3A_67, %swap3A_68], %dot_general3A_61 {strides = array<i32>} : memref<1000x1xf32, #tpu.memory_space<vmem>>, vector<1000x1xf32>,
    %get3A_70 = arith.constant 0 : index
    %get3A_71 = arith.constant 0 : index
    %get3A_72 = vector.load %arg12[%get3A_70, %get3A_71] : memref<128x128xf32, #tpu.memory_space<vmem>>, vector<128x128xf32>
    %dot_general3A_73 = arith.constant dense<0.000000e+00> : vector<1000x128xf32>
    %dot_general3A_74 = tpu.matmul %tanh3A_51, %get3A_72, %dot_general3A_73 {dimension_numbers = #tpu.dot_dimension_numbers<[1], [0], [0], [1], [0, 0, 1, 1], [], []>, transpose_lhs_hint = false} : vector<1000x128xf32>, vector<128x128xf32>, vector<1000x128xf32> -> vector<1000x128xf32>
    %mul3A_75 = vector.broadcast %get3A_1 : vector<1000x1xf32> to vector<1000x128xf32>
    %mul3A_76 = arith.mulf %dot_general3A_74, %mul3A_75 : vector<1000x128xf32>
    %swap3A_77 = arith.constant 0 : index
    %swap3A_78 = arith.constant 0 : index
    %swap3A_79 = vector.load %arg16[%swap3A_77, %swap3A_78] : memref<1000x128xf32, #tpu.memory_space<vmem>>, vector<1000x128xf32>
    tpu.vector_store %arg16[%swap3A_77, %swap3A_78], %mul3A_76 {strides = array<i32>} : memref<1000x128xf32, #tpu.memory_space<vmem>>, vector<1000x128xf32>,
    return
  }
  func.func @transform_0(%arg0: i32) -> (i32, i32, i32) {
    %c0_i32 = arith.constant 0 : i32
    %c0_i32_0 = arith.constant 0 : i32
    %c0_i32_1 = arith.constant 0 : i32
    return %c0_i32, %arg0, %c0_i32_0 : i32, i32, i32
  }
  func.func @transform_1(%arg0: i32) -> (i32, i32) {
    %c0_i32 = arith.constant 0 : i32
    %c0_i32_0 = arith.constant 0 : i32
    return %arg0, %c0_i32 : i32, i32
  }
  func.func @transform_2(%arg0: i32) -> (i32, i32) {
    %c0_i32 = arith.constant 0 : i32
    %c0_i32_0 = arith.constant 0 : i32
    return %arg0, %c0_i32 : i32, i32
  }
  func.func @transform_3(%arg0: i32) -> (i32, i32) {
    %c0_i32 = arith.constant 0 : i32
    %c0_i32_0 = arith.constant 0 : i32
    return %arg0, %c0_i32 : i32, i32
  }
  func.func @transform_4(%arg0: i32) -> (i32, i32) {
    %c0_i32 = arith.constant 0 : i32
    %c0_i32_0 = arith.constant 0 : i32
    %c0_i32_1 = arith.constant 0 : i32
    return %c0_i32, %c0_i32_0 : i32, i32
  }
  func.func @transform_5(%arg0: i32) -> (i32, i32) {
    %c0_i32 = arith.constant 0 : i32
    %c0_i32_0 = arith.constant 0 : i32
    %c0_i32_1 = arith.constant 0 : i32
    return %c0_i32, %c0_i32_0 : i32, i32
  }
  func.func @transform_6(%arg0: i32) -> (i32, i32) {
    %c0_i32 = arith.constant 0 : i32
    %c0_i32_0 = arith.constant 0 : i32
    %c0_i32_1 = arith.constant 0 : i32
    return %c0_i32, %c0_i32_0 : i32, i32
  }
  func.func @transform_7(%arg0: i32) -> (i32, i32) {
    %c0_i32 = arith.constant 0 : i32
    %c0_i32_0 = arith.constant 0 : i32
    %c0_i32_1 = arith.constant 0 : i32
    return %c0_i32, %c0_i32_0 : i32, i32
  }
  func.func @transform_8(%arg0: i32) -> (i32, i32) {
    %c0_i32 = arith.constant 0 : i32
    %c0_i32_0 = arith.constant 0 : i32
    %c0_i32_1 = arith.constant 0 : i32
    return %c0_i32, %c0_i32_0 : i32, i32
  }
  func.func @transform_9(%arg0: i32) -> (i32, i32) {
    %c0_i32 = arith.constant 0 : i32
    %c0_i32_0 = arith.constant 0 : i32
    %c0_i32_1 = arith.constant 0 : i32
    return %c0_i32, %c0_i32_0 : i32, i32
  }
  func.func @transform_10(%arg0: i32) -> (i32, i32) {
    %c0_i32 = arith.constant 0 : i32
    %c0_i32_0 = arith.constant 0 : i32
    %c0_i32_1 = arith.constant 0 : i32
    return %c0_i32, %c0_i32_0 : i32, i32
  }
  func.func @transform_11(%arg0: i32) -> (i32, i32) {
    %c0_i32 = arith.constant 0 : i32
    %c0_i32_0 = arith.constant 0 : i32
    %c0_i32_1 = arith.constant 0 : i32
    return %c0_i32, %c0_i32_0 : i32, i32
  }
  func.func @transform_12(%arg0: i32) -> (i32, i32) {
    %c0_i32 = arith.constant 0 : i32
    %c0_i32_0 = arith.constant 0 : i32
    return %arg0, %c0_i32 : i32, i32
  }
  func.func @transform_13(%arg0: i32) -> (i32, i32) {
    %c0_i32 = arith.constant 0 : i32
    %c0_i32_0 = arith.constant 0 : i32
    return %arg0, %c0_i32 : i32, i32
  }
  func.func @transform_14(%arg0: i32) -> (i32, i32) {
    %c0_i32 = arith.constant 0 : i32
    %c0_i32_0 = arith.constant 0 : i32
    return %arg0, %c0_i32 : i32, i32
  }
  func.func @transform_15(%arg0: i32) -> (i32, i32) {
    %c0_i32 = arith.constant 0 : i32
    %c0_i32_0 = arith.constant 0 : i32
    return %arg0, %c0_i32 : i32, i32
  }
}

module attributes {stable_mosaic.version = 14 : i64} {
  func.func @_tc2_body_last(%arg0: i32, %arg1: memref<2x1000x128xf32, #tpu.memory_space<vmem>>, %arg2: memref<1000x128xf32, #tpu.memory_space<vmem>>, %arg3: memref<1000x1xf32, #tpu.memory_space<vmem>>, %arg4: memref<1000x128xf32, #tpu.memory_space<vmem>>, %arg5: memref<1x128xf32, #tpu.memory_space<vmem>>, %arg6: memref<256x128xf32, #tpu.memory_space<vmem>>, %arg7: memref<1x128xf32, #tpu.memory_space<vmem>>, %arg8: memref<128x128xf32, #tpu.memory_space<vmem>>, %arg9: memref<1x128xf32, #tpu.memory_space<vmem>>, %arg10: memref<128x1xf32, #tpu.memory_space<vmem>>, %arg11: memref<128x1xf32, #tpu.memory_space<vmem>>, %arg12: memref<1000x128xf32, #tpu.memory_space<vmem>>, %arg13: memref<1000x1xf32, #tpu.memory_space<vmem>>, %arg14: memref<1000x1xf32, #tpu.memory_space<vmem>>) attributes {dimension_semantics = [#tpu.dimension_semantics<arbitrary>], iteration_bounds = array<i64: 10>, scalar_prefetch = 0 : i64, scratch_operands = 0 : i64, tpu.core_type = #tpu.core_type<tc>, window_params = [{transform_indices = @transform_0, window_bounds = array<i64: 2, 1000, 128>}, {transform_indices = @transform_1, window_bounds = array<i64: 1000, 128>}, {transform_indices = @transform_2, window_bounds = array<i64: 1000, 1>}, {transform_indices = @transform_3, window_bounds = array<i64: 1000, 128>}, {pipeline_mode = #tpu.pipeline_mode<synchronous>, transform_indices = @transform_4, window_bounds = array<i64: 1, 128>}, {pipeline_mode = #tpu.pipeline_mode<synchronous>, transform_indices = @transform_5, window_bounds = array<i64: 256, 128>}, {pipeline_mode = #tpu.pipeline_mode<synchronous>, transform_indices = @transform_6, window_bounds = array<i64: 1, 128>}, {pipeline_mode = #tpu.pipeline_mode<synchronous>, transform_indices = @transform_7, window_bounds = array<i64: 128, 128>}, {pipeline_mode = #tpu.pipeline_mode<synchronous>, transform_indices = @transform_8, window_bounds = array<i64: 1, 128>}, {pipeline_mode = #tpu.pipeline_mode<synchronous>, transform_indices = @transform_9, window_bounds = array<i64: 128, 1>}, {pipeline_mode = #tpu.pipeline_mode<synchronous>, transform_indices = @transform_10, window_bounds = array<i64: 128, 1>}, {transform_indices = @transform_11, window_bounds = array<i64: 1000, 128>}, {transform_indices = @transform_12, window_bounds = array<i64: 1000, 1>}, {transform_indices = @transform_13, window_bounds = array<i64: 1000, 1>}]} {
    %get3A = arith.constant 0 : index
    %get3A_0 = arith.constant 0 : index
    %get3A_1 = vector.load %arg3[%get3A, %get3A_0] : memref<1000x1xf32, #tpu.memory_space<vmem>>, vector<1000x1xf32>
    %get3A_2 = arith.constant 0 : index
    %get3A_3 = arith.constant 0 : index
    %get3A_4 = arith.constant 0 : index
    %get3A_5 = vector.load %arg1[%get3A_2, %get3A_3, %get3A_4] : memref<2x1000x128xf32, #tpu.memory_space<vmem>>, vector<1x1000x128xf32>
    %get3A_6 = vector.shape_cast %get3A_5 : vector<1x1000x128xf32> to vector<1000x128xf32>
    %get3A_7 = arith.constant 1 : index
    %get3A_8 = arith.constant 0 : index
    %get3A_9 = arith.constant 0 : index
    %get3A_10 = vector.load %arg1[%get3A_7, %get3A_8, %get3A_9] : memref<2x1000x128xf32, #tpu.memory_space<vmem>>, vector<1x1000x128xf32>
    %get3A_11 = vector.shape_cast %get3A_10 : vector<1x1000x128xf32> to vector<1000x128xf32>
    %add3A = arith.addf %get3A_6, %get3A_11 : vector<1000x128xf32>
    %get3A_12 = arith.constant 0 : index
    %get3A_13 = arith.constant 0 : index
    %get3A_14 = vector.load %arg2[%get3A_12, %get3A_13] : memref<1000x128xf32, #tpu.memory_space<vmem>>, vector<1000x128xf32>
    %add3A_15 = arith.addf %add3A, %get3A_14 : vector<1000x128xf32>
    %mul3A = vector.broadcast %get3A_1 : vector<1000x1xf32> to vector<1000x128xf32>
    %mul3A_16 = arith.mulf %mul3A, %add3A_15 : vector<1000x128xf32>
    %get3A_17 = arith.constant 0 : index
    %get3A_18 = arith.constant 0 : index
    %get3A_19 = vector.load %arg5[%get3A_17, %get3A_18] : memref<1x128xf32, #tpu.memory_space<vmem>>, vector<1x128xf32>
    %add3A_20 = vector.broadcast %get3A_19 : vector<1x128xf32> to vector<1000x128xf32>
    %add3A_21 = arith.addf %mul3A_16, %add3A_20 : vector<1000x128xf32>
    %tanh3A = math.tanh %add3A_21 : vector<1000x128xf32>
    %get3A_22 = arith.constant 0 : index
    %get3A_23 = arith.constant 0 : index
    %get3A_24 = vector.load %arg4[%get3A_22, %get3A_23] : memref<1000x128xf32, #tpu.memory_space<vmem>>, vector<1000x128xf32>
    %get3A_25 = arith.constant 0 : index
    %get3A_26 = arith.constant 0 : index
    %get3A_27 = vector.load %arg6[%get3A_25, %get3A_26] : memref<256x128xf32, #tpu.memory_space<vmem>>, vector<128x128xf32>
    %dot_general3A = arith.constant dense<0.000000e+00> : vector<1000x128xf32>
    %dot_general3A_28 = tpu.matmul %get3A_24, %get3A_27, %dot_general3A {dimension_numbers = #tpu.dot_dimension_numbers<[1], [0], [0], [1], [0, 0, 1, 1], [], []>, transpose_lhs_hint = false} : vector<1000x128xf32>, vector<128x128xf32>, vector<1000x128xf32> -> vector<1000x128xf32>
    %get3A_29 = arith.constant 128 : index
    %get3A_30 = arith.constant 0 : index
    %get3A_31 = vector.load %arg6[%get3A_29, %get3A_30] : memref<256x128xf32, #tpu.memory_space<vmem>>, vector<128x128xf32>
    %dot_general3A_32 = arith.constant dense<0.000000e+00> : vector<1000x128xf32>
    %dot_general3A_33 = tpu.matmul %tanh3A, %get3A_31, %dot_general3A_32 {dimension_numbers = #tpu.dot_dimension_numbers<[1], [0], [0], [1], [0, 0, 1, 1], [], []>, transpose_lhs_hint = false} : vector<1000x128xf32>, vector<128x128xf32>, vector<1000x128xf32> -> vector<1000x128xf32>
    %add3A_34 = arith.addf %dot_general3A_28, %dot_general3A_33 : vector<1000x128xf32>
    %get3A_35 = arith.constant 0 : index
    %get3A_36 = arith.constant 0 : index
    %get3A_37 = vector.load %arg7[%get3A_35, %get3A_36] : memref<1x128xf32, #tpu.memory_space<vmem>>, vector<1x128xf32>
    %add3A_38 = vector.broadcast %get3A_37 : vector<1x128xf32> to vector<1000x128xf32>
    %add3A_39 = arith.addf %add3A_34, %add3A_38 : vector<1000x128xf32>
    %tanh3A_40 = math.tanh %add3A_39 : vector<1000x128xf32>
    %get3A_41 = arith.constant 0 : index
    %get3A_42 = arith.constant 0 : index
    %get3A_43 = vector.load %arg8[%get3A_41, %get3A_42] : memref<128x128xf32, #tpu.memory_space<vmem>>, vector<128x128xf32>
    %dot_general3A_44 = arith.constant dense<0.000000e+00> : vector<1000x128xf32>
    %dot_general3A_45 = tpu.matmul %tanh3A_40, %get3A_43, %dot_general3A_44 {dimension_numbers = #tpu.dot_dimension_numbers<[1], [0], [0], [1], [0, 0, 1, 1], [], []>, transpose_lhs_hint = false} : vector<1000x128xf32>, vector<128x128xf32>, vector<1000x128xf32> -> vector<1000x128xf32>
    %get3A_46 = arith.constant 0 : index
    %get3A_47 = arith.constant 0 : index
    %get3A_48 = vector.load %arg9[%get3A_46, %get3A_47] : memref<1x128xf32, #tpu.memory_space<vmem>>, vector<1x128xf32>
    %add3A_49 = vector.broadcast %get3A_48 : vector<1x128xf32> to vector<1000x128xf32>
    %add3A_50 = arith.addf %dot_general3A_45, %add3A_49 : vector<1000x128xf32>
    %tanh3A_51 = math.tanh %add3A_50 : vector<1000x128xf32>
    %get3A_52 = arith.constant 0 : index
    %get3A_53 = arith.constant 0 : index
    %get3A_54 = vector.load %arg10[%get3A_52, %get3A_53] : memref<128x1xf32, #tpu.memory_space<vmem>>, vector<128x1xf32>
    %dot_general3A_55 = arith.constant dense<0.000000e+00> : vector<1000x1xf32>
    %dot_general3A_56 = tpu.matmul %tanh3A_51, %get3A_54, %dot_general3A_55 {dimension_numbers = #tpu.dot_dimension_numbers<[1], [0], [0], [1], [0, 0, 1, 1], [], []>, transpose_lhs_hint = false} : vector<1000x128xf32>, vector<128x1xf32>, vector<1000x1xf32> -> vector<1000x1xf32>
    %get3A_57 = arith.constant 0 : index
    %get3A_58 = arith.constant 0 : index
    %get3A_59 = vector.load %arg11[%get3A_57, %get3A_58] : memref<128x1xf32, #tpu.memory_space<vmem>>, vector<128x1xf32>
    %dot_general3A_60 = arith.constant dense<0.000000e+00> : vector<1000x1xf32>
    %dot_general3A_61 = tpu.matmul %tanh3A_51, %get3A_59, %dot_general3A_60 {dimension_numbers = #tpu.dot_dimension_numbers<[1], [0], [0], [1], [0, 0, 1, 1], [], []>, transpose_lhs_hint = false} : vector<1000x128xf32>, vector<128x1xf32>, vector<1000x1xf32> -> vector<1000x1xf32>
    %swap3A = arith.constant 0 : index
    %swap3A_62 = arith.constant 0 : index
    %swap3A_63 = vector.load %arg12[%swap3A, %swap3A_62] : memref<1000x128xf32, #tpu.memory_space<vmem>>, vector<1000x128xf32>
    tpu.vector_store %arg12[%swap3A, %swap3A_62], %tanh3A_51 {strides = array<i32>} : memref<1000x128xf32, #tpu.memory_space<vmem>>, vector<1000x128xf32>,
    %swap3A_64 = arith.constant 0 : index
    %swap3A_65 = arith.constant 0 : index
    %swap3A_66 = vector.load %arg13[%swap3A_64, %swap3A_65] : memref<1000x1xf32, #tpu.memory_space<vmem>>, vector<1000x1xf32>
    tpu.vector_store %arg13[%swap3A_64, %swap3A_65], %dot_general3A_56 {strides = array<i32>} : memref<1000x1xf32, #tpu.memory_space<vmem>>, vector<1000x1xf32>,
    %swap3A_67 = arith.constant 0 : index
    %swap3A_68 = arith.constant 0 : index
    %swap3A_69 = vector.load %arg14[%swap3A_67, %swap3A_68] : memref<1000x1xf32, #tpu.memory_space<vmem>>, vector<1000x1xf32>
    tpu.vector_store %arg14[%swap3A_67, %swap3A_68], %dot_general3A_61 {strides = array<i32>} : memref<1000x1xf32, #tpu.memory_space<vmem>>, vector<1000x1xf32>,
    return
  }
  func.func @transform_0(%arg0: i32) -> (i32, i32, i32) {
    %c0_i32 = arith.constant 0 : i32
    %c0_i32_0 = arith.constant 0 : i32
    %c0_i32_1 = arith.constant 0 : i32
    return %c0_i32, %arg0, %c0_i32_0 : i32, i32, i32
  }
  func.func @transform_1(%arg0: i32) -> (i32, i32) {
    %c0_i32 = arith.constant 0 : i32
    %c0_i32_0 = arith.constant 0 : i32
    return %arg0, %c0_i32 : i32, i32
  }
  func.func @transform_2(%arg0: i32) -> (i32, i32) {
    %c0_i32 = arith.constant 0 : i32
    %c0_i32_0 = arith.constant 0 : i32
    return %arg0, %c0_i32 : i32, i32
  }
  func.func @transform_3(%arg0: i32) -> (i32, i32) {
    %c0_i32 = arith.constant 0 : i32
    %c0_i32_0 = arith.constant 0 : i32
    return %arg0, %c0_i32 : i32, i32
  }
  func.func @transform_4(%arg0: i32) -> (i32, i32) {
    %c0_i32 = arith.constant 0 : i32
    %c0_i32_0 = arith.constant 0 : i32
    %c0_i32_1 = arith.constant 0 : i32
    return %c0_i32, %c0_i32_0 : i32, i32
  }
  func.func @transform_5(%arg0: i32) -> (i32, i32) {
    %c0_i32 = arith.constant 0 : i32
    %c0_i32_0 = arith.constant 0 : i32
    %c0_i32_1 = arith.constant 0 : i32
    return %c0_i32, %c0_i32_0 : i32, i32
  }
  func.func @transform_6(%arg0: i32) -> (i32, i32) {
    %c0_i32 = arith.constant 0 : i32
    %c0_i32_0 = arith.constant 0 : i32
    %c0_i32_1 = arith.constant 0 : i32
    return %c0_i32, %c0_i32_0 : i32, i32
  }
  func.func @transform_7(%arg0: i32) -> (i32, i32) {
    %c0_i32 = arith.constant 0 : i32
    %c0_i32_0 = arith.constant 0 : i32
    %c0_i32_1 = arith.constant 0 : i32
    return %c0_i32, %c0_i32_0 : i32, i32
  }
  func.func @transform_8(%arg0: i32) -> (i32, i32) {
    %c0_i32 = arith.constant 0 : i32
    %c0_i32_0 = arith.constant 0 : i32
    %c0_i32_1 = arith.constant 0 : i32
    return %c0_i32, %c0_i32_0 : i32, i32
  }
  func.func @transform_9(%arg0: i32) -> (i32, i32) {
    %c0_i32 = arith.constant 0 : i32
    %c0_i32_0 = arith.constant 0 : i32
    %c0_i32_1 = arith.constant 0 : i32
    return %c0_i32, %c0_i32_0 : i32, i32
  }
  func.func @transform_10(%arg0: i32) -> (i32, i32) {
    %c0_i32 = arith.constant 0 : i32
    %c0_i32_0 = arith.constant 0 : i32
    %c0_i32_1 = arith.constant 0 : i32
    return %c0_i32, %c0_i32_0 : i32, i32
  }
  func.func @transform_11(%arg0: i32) -> (i32, i32) {
    %c0_i32 = arith.constant 0 : i32
    %c0_i32_0 = arith.constant 0 : i32
    return %arg0, %c0_i32 : i32, i32
  }
  func.func @transform_12(%arg0: i32) -> (i32, i32) {
    %c0_i32 = arith.constant 0 : i32
    %c0_i32_0 = arith.constant 0 : i32
    return %arg0, %c0_i32 : i32, i32
  }
  func.func @transform_13(%arg0: i32) -> (i32, i32) {
    %c0_i32 = arith.constant 0 : i32
    %c0_i32_0 = arith.constant 0 : i32
    return %arg0, %c0_i32 : i32, i32
  }
}

module attributes {stable_mosaic.version = 14 : i64} {
  func.func @_tc3_body(%arg0: i32, %arg1: memref<2x1000x128xf32, #tpu.memory_space<vmem>>, %arg2: memref<1000x1xf32, #tpu.memory_space<vmem>>, %arg3: memref<2x1000x128xf32, #tpu.memory_space<vmem>>, %arg4: memref<1000x1xf32, #tpu.memory_space<vmem>>, %arg5: memref<128x1xf32, #tpu.memory_space<vmem>>, %arg6: memref<1x1xf32, #tpu.memory_space<vmem>>, %arg7: memref<1000x1xf32, #tpu.memory_space<vmem>>, %arg8: memref<1000x1xf32, #tpu.memory_space<vmem>>) attributes {dimension_semantics = [#tpu.dimension_semantics<arbitrary>], iteration_bounds = array<i64: 10>, scalar_prefetch = 0 : i64, scratch_operands = 0 : i64, tpu.core_type = #tpu.core_type<tc>, window_params = [{transform_indices = @transform_0, window_bounds = array<i64: 2, 1000, 128>}, {transform_indices = @transform_1, window_bounds = array<i64: 1000, 1>}, {transform_indices = @transform_2, window_bounds = array<i64: 2, 1000, 128>}, {transform_indices = @transform_3, window_bounds = array<i64: 1000, 1>}, {pipeline_mode = #tpu.pipeline_mode<synchronous>, transform_indices = @transform_4, window_bounds = array<i64: 128, 1>}, {pipeline_mode = #tpu.pipeline_mode<synchronous>, transform_indices = @transform_5, window_bounds = array<i64: 1, 1>}, {transform_indices = @transform_6, window_bounds = array<i64: 1000, 1>}, {transform_indices = @transform_7, window_bounds = array<i64: 1000, 1>}]} {
    %get3A = arith.constant 0 : index
    %get3A_0 = arith.constant 0 : index
    %get3A_1 = vector.load %arg6[%get3A, %get3A_0] : memref<1x1xf32, #tpu.memory_space<vmem>>, vector<1x1xf32>
    %get3A_2 = vector.extract %get3A_1[0, 0] : f32 from vector<1x1xf32>
    %get3A_3 = arith.constant 0 : index
    %get3A_4 = arith.constant 0 : index
    %get3A_5 = arith.constant 0 : index
    %get3A_6 = vector.load %arg1[%get3A_3, %get3A_4, %get3A_5] : memref<2x1000x128xf32, #tpu.memory_space<vmem>>, vector<1x1000x128xf32>
    %get3A_7 = vector.shape_cast %get3A_6 : vector<1x1000x128xf32> to vector<1000x128xf32>
    %get3A_8 = arith.constant 1 : index
    %get3A_9 = arith.constant 0 : index
    %get3A_10 = arith.constant 0 : index
    %get3A_11 = vector.load %arg1[%get3A_8, %get3A_9, %get3A_10] : memref<2x1000x128xf32, #tpu.memory_space<vmem>>, vector<1x1000x128xf32>
    %get3A_12 = vector.shape_cast %get3A_11 : vector<1x1000x128xf32> to vector<1000x128xf32>
    %add3A = arith.addf %get3A_7, %get3A_12 : vector<1000x128xf32>
    %get3A_13 = arith.constant 0 : index
    %get3A_14 = arith.constant 0 : index
    %get3A_15 = arith.constant 0 : index
    %get3A_16 = vector.load %arg3[%get3A_13, %get3A_14, %get3A_15] : memref<2x1000x128xf32, #tpu.memory_space<vmem>>, vector<1x1000x128xf32>
    %get3A_17 = vector.shape_cast %get3A_16 : vector<1x1000x128xf32> to vector<1000x128xf32>
    %get3A_18 = arith.constant 1 : index
    %get3A_19 = arith.constant 0 : index
    %get3A_20 = arith.constant 0 : index
    %get3A_21 = vector.load %arg3[%get3A_18, %get3A_19, %get3A_20] : memref<2x1000x128xf32, #tpu.memory_space<vmem>>, vector<1x1000x128xf32>
    %get3A_22 = vector.shape_cast %get3A_21 : vector<1x1000x128xf32> to vector<1000x128xf32>
    %add3A_23 = arith.addf %get3A_17, %get3A_22 : vector<1000x128xf32>
    %get3A_24 = arith.constant 0 : index
    %get3A_25 = arith.constant 0 : index
    %get3A_26 = vector.load %arg5[%get3A_24, %get3A_25] : memref<128x1xf32, #tpu.memory_space<vmem>>, vector<128x1xf32>
    %dot_general3A = arith.constant dense<0.000000e+00> : vector<1000x1xf32>
    %dot_general3A_27 = tpu.matmul %add3A, %get3A_26, %dot_general3A {dimension_numbers = #tpu.dot_dimension_numbers<[1], [0], [0], [1], [0, 0, 1, 1], [], []>, transpose_lhs_hint = false} : vector<1000x128xf32>, vector<128x1xf32>, vector<1000x1xf32> -> vector<1000x1xf32>
    %get3A_28 = arith.constant 0 : index
    %get3A_29 = arith.constant 0 : index
    %get3A_30 = vector.load %arg2[%get3A_28, %get3A_29] : memref<1000x1xf32, #tpu.memory_space<vmem>>, vector<1000x1xf32>
    %add3A_31 = arith.addf %dot_general3A_27, %get3A_30 : vector<1000x1xf32>
    %add3A_32 = vector.broadcast %get3A_2 : f32 to vector<1000x1xf32>
    %add3A_33 = arith.addf %add3A_31, %add3A_32 : vector<1000x1xf32>
    %swap3A = arith.constant 0 : index
    %swap3A_34 = arith.constant 0 : index
    %swap3A_35 = vector.load %arg7[%swap3A, %swap3A_34] : memref<1000x1xf32, #tpu.memory_space<vmem>>, vector<1000x1xf32>
    tpu.vector_store %arg7[%swap3A, %swap3A_34], %add3A_33 {strides = array<i32>} : memref<1000x1xf32, #tpu.memory_space<vmem>>, vector<1000x1xf32>,
    %dot_general3A_36 = arith.constant dense<0.000000e+00> : vector<1000x1xf32>
    %dot_general3A_37 = tpu.matmul %add3A_23, %get3A_26, %dot_general3A_36 {dimension_numbers = #tpu.dot_dimension_numbers<[1], [0], [0], [1], [0, 0, 1, 1], [], []>, transpose_lhs_hint = false} : vector<1000x128xf32>, vector<128x1xf32>, vector<1000x1xf32> -> vector<1000x1xf32>
    %get3A_38 = arith.constant 0 : index
    %get3A_39 = arith.constant 0 : index
    %get3A_40 = vector.load %arg4[%get3A_38, %get3A_39] : memref<1000x1xf32, #tpu.memory_space<vmem>>, vector<1000x1xf32>
    %add3A_41 = arith.addf %dot_general3A_37, %get3A_40 : vector<1000x1xf32>
    %add3A_42 = vector.broadcast %get3A_2 : f32 to vector<1000x1xf32>
    %add3A_43 = arith.addf %add3A_41, %add3A_42 : vector<1000x1xf32>
    %swap3A_44 = arith.constant 0 : index
    %swap3A_45 = arith.constant 0 : index
    %swap3A_46 = vector.load %arg8[%swap3A_44, %swap3A_45] : memref<1000x1xf32, #tpu.memory_space<vmem>>, vector<1000x1xf32>
    tpu.vector_store %arg8[%swap3A_44, %swap3A_45], %add3A_43 {strides = array<i32>} : memref<1000x1xf32, #tpu.memory_space<vmem>>, vector<1000x1xf32>,
    return
  }
  func.func @transform_0(%arg0: i32) -> (i32, i32, i32) {
    %c0_i32 = arith.constant 0 : i32
    %c0_i32_0 = arith.constant 0 : i32
    %c0_i32_1 = arith.constant 0 : i32
    return %c0_i32, %arg0, %c0_i32_0 : i32, i32, i32
  }
  func.func @transform_1(%arg0: i32) -> (i32, i32) {
    %c0_i32 = arith.constant 0 : i32
    %c0_i32_0 = arith.constant 0 : i32
    return %arg0, %c0_i32 : i32, i32
  }
  func.func @transform_2(%arg0: i32) -> (i32, i32, i32) {
    %c0_i32 = arith.constant 0 : i32
    %c0_i32_0 = arith.constant 0 : i32
    %c0_i32_1 = arith.constant 0 : i32
    return %c0_i32, %arg0, %c0_i32_0 : i32, i32, i32
  }
  func.func @transform_3(%arg0: i32) -> (i32, i32) {
    %c0_i32 = arith.constant 0 : i32
    %c0_i32_0 = arith.constant 0 : i32
    return %arg0, %c0_i32 : i32, i32
  }
  func.func @transform_4(%arg0: i32) -> (i32, i32) {
    %c0_i32 = arith.constant 0 : i32
    %c0_i32_0 = arith.constant 0 : i32
    %c0_i32_1 = arith.constant 0 : i32
    return %c0_i32, %c0_i32_0 : i32, i32
  }
  func.func @transform_5(%arg0: i32) -> (i32, i32) {
    %c0_i32 = arith.constant 0 : i32
    %c0_i32_0 = arith.constant 0 : i32
    %c0_i32_1 = arith.constant 0 : i32
    return %c0_i32, %c0_i32_0 : i32, i32
  }
  func.func @transform_6(%arg0: i32) -> (i32, i32) {
    %c0_i32 = arith.constant 0 : i32
    %c0_i32_0 = arith.constant 0 : i32
    return %arg0, %c0_i32 : i32, i32
  }
  func.func @transform_7(%arg0: i32) -> (i32, i32) {
    %c0_i32 = arith.constant 0 : i32
    %c0_i32_0 = arith.constant 0 : i32
    return %arg0, %c0_i32 : i32, i32
  }
}

module attributes {stable_mosaic.version = 14 : i64} {
  func.func @_tc4_body(%arg0: i32, %arg1: memref<1x100x128xf32, #tpu.memory_space<vmem>>, %arg2: memref<1x100x128xf32, #tpu.memory_space<vmem>>, %arg3: memref<1x100x1xf32, #tpu.memory_space<vmem>>, %arg4: memref<1x1x100xf32, #tpu.memory_space<vmem>>, %arg5: memref<1x100x1xf32, #tpu.memory_space<vmem>>, %arg6: memref<1x1x100xf32, #tpu.memory_space<vmem>>, %arg7: memref<256x256xf32, #tpu.memory_space<vmem>>, %arg8: memref<1x256xf32, #tpu.memory_space<vmem>>, %arg9: memref<256x256xf32, #tpu.memory_space<vmem>>, %arg10: memref<1x256xf32, #tpu.memory_space<vmem>>, %arg11: memref<256x256xf32, #tpu.memory_space<vmem>>, %arg12: memref<1x256xf32, #tpu.memory_space<vmem>>, %arg13: memref<256x256xf32, #tpu.memory_space<vmem>>, %arg14: memref<1x256xf32, #tpu.memory_space<vmem>>, %arg15: memref<256x128xf32, #tpu.memory_space<vmem>>, %arg16: memref<1x128xf32, #tpu.memory_space<vmem>>, %arg17: memref<1x1x128xf32, #tpu.memory_space<vmem>>, %arg18: memref<1x100x100xf32, #tpu.memory_space<vmem>>) attributes {dimension_semantics = [#tpu.dimension_semantics<arbitrary>], iteration_bounds = array<i64: 100>, scalar_prefetch = 0 : i64, scratch_operands = 0 : i64, tpu.core_type = #tpu.core_type<tc>, window_params = [{transform_indices = @transform_0, window_bounds = array<i64: 1, 100, 128>}, {transform_indices = @transform_1, window_bounds = array<i64: 1, 100, 128>}, {transform_indices = @transform_2, window_bounds = array<i64: 1, 100, 1>}, {transform_indices = @transform_3, window_bounds = array<i64: 1, 1, 100>}, {transform_indices = @transform_4, window_bounds = array<i64: 1, 100, 1>}, {transform_indices = @transform_5, window_bounds = array<i64: 1, 1, 100>}, {pipeline_mode = #tpu.pipeline_mode<synchronous>, transform_indices = @transform_6, window_bounds = array<i64: 256, 256>}, {pipeline_mode = #tpu.pipeline_mode<synchronous>, transform_indices = @transform_7, window_bounds = array<i64: 1, 256>}, {pipeline_mode = #tpu.pipeline_mode<synchronous>, transform_indices = @transform_8, window_bounds = array<i64: 256, 256>}, {pipeline_mode = #tpu.pipeline_mode<synchronous>, transform_indices = @transform_9, window_bounds = array<i64: 1, 256>}, {pipeline_mode = #tpu.pipeline_mode<synchronous>, transform_indices = @transform_10, window_bounds = array<i64: 256, 256>}, {pipeline_mode = #tpu.pipeline_mode<synchronous>, transform_indices = @transform_11, window_bounds = array<i64: 1, 256>}, {pipeline_mode = #tpu.pipeline_mode<synchronous>, transform_indices = @transform_12, window_bounds = array<i64: 256, 256>}, {pipeline_mode = #tpu.pipeline_mode<synchronous>, transform_indices = @transform_13, window_bounds = array<i64: 1, 256>}, {pipeline_mode = #tpu.pipeline_mode<synchronous>, transform_indices = @transform_14, window_bounds = array<i64: 256, 128>}, {pipeline_mode = #tpu.pipeline_mode<synchronous>, transform_indices = @transform_15, window_bounds = array<i64: 1, 128>}, {transform_indices = @transform_16, window_bounds = array<i64: 1, 1, 128>}, {transform_indices = @transform_17, window_bounds = array<i64: 1, 100, 100>}]} {
    %get3A = arith.constant 0 : index
    %get3A_0 = arith.constant 0 : index
    %get3A_1 = arith.constant 0 : index
    %get3A_2 = vector.load %arg3[%get3A, %get3A_0, %get3A_1] : memref<1x100x1xf32, #tpu.memory_space<vmem>>, vector<1x100x1xf32>
    %get3A_3 = vector.shape_cast %get3A_2 : vector<1x100x1xf32> to vector<100x1xf32>
    %get3A_4 = arith.constant 0 : index
    %get3A_5 = arith.constant 0 : index
    %get3A_6 = arith.constant 0 : index
    %get3A_7 = vector.load %arg4[%get3A_4, %get3A_5, %get3A_6] : memref<1x1x100xf32, #tpu.memory_space<vmem>>, vector<1x1x100xf32>
    %get3A_8 = vector.shape_cast %get3A_7 : vector<1x1x100xf32> to vector<1x100xf32>
    %gt3A = vector.broadcast %get3A_8 : vector<1x100xf32> to vector<100x100xf32>
    %gt3A_9 = vector.broadcast %get3A_3 : vector<100x1xf32> to vector<100x100xf32>
    %gt3A_10 = arith.cmpf ogt, %gt3A, %gt3A_9 : vector<100x100xf32>
    %jit3A = arith.constant 1.000000e+00 : f32
    %jit3A_11 = arith.constant 0.000000e+00 : f32
    %broadcast_in_dim3A = vector.broadcast %jit3A : f32 to vector<100x100xf32>
    %broadcast_in_dim3A_12 = vector.broadcast %jit3A_11 : f32 to vector<100x100xf32>
    %select_n3A = arith.select %gt3A_10, %broadcast_in_dim3A, %broadcast_in_dim3A_12 : vector<100x100xi1>, vector<100x100xf32>
    %iota3A = tpu.iota {dimensions = array<i32: 0>} : vector<100x100xi32>
    %iota3A_13 = tpu.iota {dimensions = array<i32: 1>} : vector<100x100xi32>
    %eq3A = vector.broadcast %get3A_8 : vector<1x100xf32> to vector<100x100xf32>
    %eq3A_14 = vector.broadcast %get3A_3 : vector<100x1xf32> to vector<100x100xf32>
    %eq3A_15 = arith.cmpf oeq, %eq3A, %eq3A_14 : vector<100x100xf32>
    %lt3A = arith.cmpi slt, %iota3A_13, %iota3A : vector<100x100xi32>
    %and3A = arith.andi %eq3A_15, %lt3A : vector<100x100xi1>
    %jit3A_16 = arith.constant 1.000000e+00 : f32
    %jit3A_17 = arith.constant 0.000000e+00 : f32
    %broadcast_in_dim3A_18 = vector.broadcast %jit3A_16 : f32 to vector<100x100xf32>
    %broadcast_in_dim3A_19 = vector.broadcast %jit3A_17 : f32 to vector<100x100xf32>
    %select_n3A_20 = arith.select %and3A, %broadcast_in_dim3A_18, %broadcast_in_dim3A_19 : vector<100x100xi1>, vector<100x100xf32>
    %add3A = arith.addf %select_n3A, %select_n3A_20 : vector<100x100xf32>
    %reduce_sum3A = arith.constant dense<0.000000e+00> : vector<100xf32>
    %reduce_sum3A_21 = vector.multi_reduction <add>, %add3A, %reduce_sum3A [1] : vector<100x100xf32> to vector<100xf32>
    %broadcast_in_dim3A_22 = vector.shape_cast %reduce_sum3A_21 : vector<100xf32> to vector<100x1xf32>
    %tanh3A = math.tanh %get3A_3 : vector<100x1xf32>
    %lt3A_23 = arith.constant 5.000000e+01 : f32
    %lt3A_24 = vector.broadcast %lt3A_23 : f32 to vector<100x1xf32>
    %lt3A_25 = arith.cmpf olt, %broadcast_in_dim3A_22, %lt3A_24 : vector<100x1xf32>
    %jit3A_26 = arith.constant 1.000000e+00 : f32
    %jit3A_27 = arith.constant 0.000000e+00 : f32
    %broadcast_in_dim3A_28 = vector.broadcast %jit3A_26 : f32 to vector<100x1xf32>
    %broadcast_in_dim3A_29 = vector.broadcast %jit3A_27 : f32 to vector<100x1xf32>
    %select_n3A_30 = arith.select %lt3A_25, %broadcast_in_dim3A_28, %broadcast_in_dim3A_29 : vector<100x1xi1>, vector<100x1xf32>
    %mul3A = arith.mulf %tanh3A, %select_n3A_30 : vector<100x1xf32>
    %get3A_31 = arith.constant 0 : index
    %get3A_32 = arith.constant 0 : index
    %get3A_33 = arith.constant 0 : index
    %get3A_34 = vector.load %arg5[%get3A_31, %get3A_32, %get3A_33] : memref<1x100x1xf32, #tpu.memory_space<vmem>>, vector<1x100x1xf32>
    %get3A_35 = vector.shape_cast %get3A_34 : vector<1x100x1xf32> to vector<100x1xf32>
    %get3A_36 = arith.constant 0 : index
    %get3A_37 = arith.constant 0 : index
    %get3A_38 = arith.constant 0 : index
    %get3A_39 = vector.load %arg6[%get3A_36, %get3A_37, %get3A_38] : memref<1x1x100xf32, #tpu.memory_space<vmem>>, vector<1x1x100xf32>
    %get3A_40 = vector.shape_cast %get3A_39 : vector<1x1x100xf32> to vector<1x100xf32>
    %gt3A_41 = vector.broadcast %get3A_40 : vector<1x100xf32> to vector<100x100xf32>
    %gt3A_42 = vector.broadcast %get3A_35 : vector<100x1xf32> to vector<100x100xf32>
    %gt3A_43 = arith.cmpf ogt, %gt3A_41, %gt3A_42 : vector<100x100xf32>
    %jit3A_44 = arith.constant 1.000000e+00 : f32
    %jit3A_45 = arith.constant 0.000000e+00 : f32
    %broadcast_in_dim3A_46 = vector.broadcast %jit3A_44 : f32 to vector<100x100xf32>
    %broadcast_in_dim3A_47 = vector.broadcast %jit3A_45 : f32 to vector<100x100xf32>
    %select_n3A_48 = arith.select %gt3A_43, %broadcast_in_dim3A_46, %broadcast_in_dim3A_47 : vector<100x100xi1>, vector<100x100xf32>
    %iota3A_49 = tpu.iota {dimensions = array<i32: 0>} : vector<100x100xi32>
    %iota3A_50 = tpu.iota {dimensions = array<i32: 1>} : vector<100x100xi32>
    %eq3A_51 = vector.broadcast %get3A_40 : vector<1x100xf32> to vector<100x100xf32>
    %eq3A_52 = vector.broadcast %get3A_35 : vector<100x1xf32> to vector<100x100xf32>
    %eq3A_53 = arith.cmpf oeq, %eq3A_51, %eq3A_52 : vector<100x100xf32>
    %lt3A_54 = arith.cmpi slt, %iota3A_50, %iota3A_49 : vector<100x100xi32>
    %and3A_55 = arith.andi %eq3A_53, %lt3A_54 : vector<100x100xi1>
    %jit3A_56 = arith.constant 1.000000e+00 : f32
    %jit3A_57 = arith.constant 0.000000e+00 : f32
    %broadcast_in_dim3A_58 = vector.broadcast %jit3A_56 : f32 to vector<100x100xf32>
    %broadcast_in_dim3A_59 = vector.broadcast %jit3A_57 : f32 to vector<100x100xf32>
    %select_n3A_60 = arith.select %and3A_55, %broadcast_in_dim3A_58, %broadcast_in_dim3A_59 : vector<100x100xi1>, vector<100x100xf32>
    %add3A_61 = arith.addf %select_n3A_48, %select_n3A_60 : vector<100x100xf32>
    %reduce_sum3A_62 = arith.constant dense<0.000000e+00> : vector<100xf32>
    %reduce_sum3A_63 = vector.multi_reduction <add>, %add3A_61, %reduce_sum3A_62 [1] : vector<100x100xf32> to vector<100xf32>
    %broadcast_in_dim3A_64 = vector.shape_cast %reduce_sum3A_63 : vector<100xf32> to vector<100x1xf32>
    %tanh3A_65 = math.tanh %get3A_35 : vector<100x1xf32>
    %lt3A_66 = arith.constant 5.000000e+01 : f32
    %lt3A_67 = vector.broadcast %lt3A_66 : f32 to vector<100x1xf32>
    %lt3A_68 = arith.cmpf olt, %broadcast_in_dim3A_64, %lt3A_67 : vector<100x1xf32>
    %jit3A_69 = arith.constant 1.000000e+00 : f32
    %jit3A_70 = arith.constant 0.000000e+00 : f32
    %broadcast_in_dim3A_71 = vector.broadcast %jit3A_69 : f32 to vector<100x1xf32>
    %broadcast_in_dim3A_72 = vector.broadcast %jit3A_70 : f32 to vector<100x1xf32>
    %select_n3A_73 = arith.select %lt3A_68, %broadcast_in_dim3A_71, %broadcast_in_dim3A_72 : vector<100x1xi1>, vector<100x1xf32>
    %mul3A_74 = arith.mulf %tanh3A_65, %select_n3A_73 : vector<100x1xf32>
    %get3A_75 = arith.constant 0 : index
    %get3A_76 = arith.constant 0 : index
    %get3A_77 = arith.constant 0 : index
    %get3A_78 = vector.load %arg1[%get3A_75, %get3A_76, %get3A_77] : memref<1x100x128xf32, #tpu.memory_space<vmem>>, vector<1x100x128xf32>
    %get3A_79 = vector.shape_cast %get3A_78 : vector<1x100x128xf32> to vector<100x128xf32>
    %mul3A_80 = vector.broadcast %mul3A : vector<100x1xf32> to vector<100x128xf32>
    %mul3A_81 = arith.mulf %get3A_79, %mul3A_80 : vector<100x128xf32>
    %get3A_82 = arith.constant 0 : index
    %get3A_83 = arith.constant 0 : index
    %get3A_84 = arith.constant 0 : index
    %get3A_85 = vector.load %arg2[%get3A_82, %get3A_83, %get3A_84] : memref<1x100x128xf32, #tpu.memory_space<vmem>>, vector<1x100x128xf32>
    %get3A_86 = vector.shape_cast %get3A_85 : vector<1x100x128xf32> to vector<100x128xf32>
    %mul3A_87 = vector.broadcast %mul3A_74 : vector<100x1xf32> to vector<100x128xf32>
    %mul3A_88 = arith.mulf %get3A_86, %mul3A_87 : vector<100x128xf32>
    %concatenate3A = tpu.concatenate %mul3A_81, %mul3A_88 in 1 : vector<100x128xf32>, vector<100x128xf32> -> vector<100x256xf32>
    %get3A_89 = arith.constant 0 : index
    %get3A_90 = arith.constant 0 : index
    %get3A_91 = vector.load %arg7[%get3A_89, %get3A_90] : memref<256x256xf32, #tpu.memory_space<vmem>>, vector<256x256xf32>
    %dot_general3A = arith.constant dense<0.000000e+00> : vector<100x256xf32>
    %dot_general3A_92 = tpu.matmul %concatenate3A, %get3A_91, %dot_general3A {dimension_numbers = #tpu.dot_dimension_numbers<[1], [0], [0], [1], [0, 0, 1, 1], [], []>, transpose_lhs_hint = false} : vector<100x256xf32>, vector<256x256xf32>, vector<100x256xf32> -> vector<100x256xf32>
    %get3A_93 = arith.constant 0 : index
    %get3A_94 = arith.constant 0 : index
    %get3A_95 = vector.load %arg8[%get3A_93, %get3A_94] : memref<1x256xf32, #tpu.memory_space<vmem>>, vector<1x256xf32>
    %add3A_96 = vector.broadcast %get3A_95 : vector<1x256xf32> to vector<100x256xf32>
    %add3A_97 = arith.addf %dot_general3A_92, %add3A_96 : vector<100x256xf32>
    %get3A_98 = arith.constant 0 : index
    %get3A_99 = arith.constant 0 : index
    %get3A_100 = vector.load %arg9[%get3A_98, %get3A_99] : memref<256x256xf32, #tpu.memory_space<vmem>>, vector<256x256xf32>
    %dot_general3A_101 = arith.constant dense<0.000000e+00> : vector<100x256xf32>
    %dot_general3A_102 = tpu.matmul %concatenate3A, %get3A_100, %dot_general3A_101 {dimension_numbers = #tpu.dot_dimension_numbers<[1], [0], [0], [1], [0, 0, 1, 1], [], []>, transpose_lhs_hint = false} : vector<100x256xf32>, vector<256x256xf32>, vector<100x256xf32> -> vector<100x256xf32>
    %get3A_103 = arith.constant 0 : index
    %get3A_104 = arith.constant 0 : index
    %get3A_105 = vector.load %arg10[%get3A_103, %get3A_104] : memref<1x256xf32, #tpu.memory_space<vmem>>, vector<1x256xf32>
    %add3A_106 = vector.broadcast %get3A_105 : vector<1x256xf32> to vector<100x256xf32>
    %add3A_107 = arith.addf %dot_general3A_102, %add3A_106 : vector<100x256xf32>
    %get3A_108 = arith.constant 0 : index
    %get3A_109 = arith.constant 0 : index
    %get3A_110 = vector.load %arg11[%get3A_108, %get3A_109] : memref<256x256xf32, #tpu.memory_space<vmem>>, vector<256x256xf32>
    %dot_general3A_111 = arith.constant dense<0.000000e+00> : vector<100x256xf32>
    %dot_general3A_112 = tpu.matmul %concatenate3A, %get3A_110, %dot_general3A_111 {dimension_numbers = #tpu.dot_dimension_numbers<[1], [0], [0], [1], [0, 0, 1, 1], [], []>, transpose_lhs_hint = false} : vector<100x256xf32>, vector<256x256xf32>, vector<100x256xf32> -> vector<100x256xf32>
    %get3A_113 = arith.constant 0 : index
    %get3A_114 = arith.constant 0 : index
    %get3A_115 = vector.load %arg12[%get3A_113, %get3A_114] : memref<1x256xf32, #tpu.memory_space<vmem>>, vector<1x256xf32>
    %add3A_116 = vector.broadcast %get3A_115 : vector<1x256xf32> to vector<100x256xf32>
    %add3A_117 = arith.addf %dot_general3A_112, %add3A_116 : vector<100x256xf32>
    %broadcast_in_dim3A_118 = arith.constant 0.000000e+00 : f32
    %broadcast_in_dim3A_119 = vector.broadcast %broadcast_in_dim3A_118 : f32 to vector<100x100xf32>
    %slice3A = vector.extract_strided_slice %add3A_97 {offsets = [0, 0], sizes = [100, 32], strides = [1, 1]} : vector<100x256xf32> to vector<100x32xf32>
    %slice3A_120 = vector.extract_strided_slice %add3A_107 {offsets = [0, 0], sizes = [100, 32], strides = [1, 1]} : vector<100x256xf32> to vector<100x32xf32>
    %dot_general3A_121 = arith.constant dense<0.000000e+00> : vector<100x100xf32>
    %dot_general3A_122 = tpu.matmul %slice3A, %slice3A_120, %dot_general3A_121 {dimension_numbers = #tpu.dot_dimension_numbers<[1], [1], [0], [0], [0, 0, 1, 0], [], []>, transpose_lhs_hint = false} : vector<100x32xf32>, vector<100x32xf32>, vector<100x100xf32> -> vector<100x100xf32>
    %mul3A_123 = arith.constant 0.176776692 : f32
    %mul3A_124 = vector.broadcast %mul3A_123 : f32 to vector<100x100xf32>
    %mul3A_125 = arith.mulf %dot_general3A_122, %mul3A_124 : vector<100x100xf32>
    %reduce_max3A = arith.constant dense<0xFF800000> : vector<100xf32>
    %reduce_max3A_126 = vector.multi_reduction <maximumf>, %mul3A_125, %reduce_max3A [1] : vector<100x100xf32> to vector<100xf32>
    %broadcast_in_dim3A_127 = vector.shape_cast %reduce_max3A_126 : vector<100xf32> to vector<100x1xf32>
    %sub3A = vector.broadcast %broadcast_in_dim3A_127 : vector<100x1xf32> to vector<100x100xf32>
    %sub3A_128 = arith.subf %mul3A_125, %sub3A : vector<100x100xf32>
    %exp3A = math.exp %sub3A_128 : vector<100x100xf32>
    %reduce_sum3A_129 = arith.constant dense<0.000000e+00> : vector<100xf32>
    %reduce_sum3A_130 = vector.multi_reduction <add>, %exp3A, %reduce_sum3A_129 [1] : vector<100x100xf32> to vector<100xf32>
    %broadcast_in_dim3A_131 = vector.shape_cast %reduce_sum3A_130 : vector<100xf32> to vector<100x1xf32>
    %div3A = vector.broadcast %broadcast_in_dim3A_131 : vector<100x1xf32> to vector<100x100xf32>
    %div3A_132 = arith.divf %exp3A, %div3A : vector<100x100xf32>
    %add3A_133 = arith.addf %broadcast_in_dim3A_119, %div3A_132 : vector<100x100xf32>
    %slice3A_134 = vector.extract_strided_slice %add3A_117 {offsets = [0, 0], sizes = [100, 32], strides = [1, 1]} : vector<100x256xf32> to vector<100x32xf32>
    %dot_general3A_135 = arith.constant dense<0.000000e+00> : vector<100x32xf32>
    %dot_general3A_136 = tpu.matmul %div3A_132, %slice3A_134, %dot_general3A_135 {dimension_numbers = #tpu.dot_dimension_numbers<[1], [0], [0], [1], [0, 0, 1, 1], [], []>, transpose_lhs_hint = false} : vector<100x100xf32>, vector<100x32xf32>, vector<100x32xf32> -> vector<100x32xf32>
    %slice3A_137 = vector.extract_strided_slice %add3A_97 {offsets = [0, 32], sizes = [100, 32], strides = [1, 1]} : vector<100x256xf32> to vector<100x32xf32>
    %slice3A_138 = vector.extract_strided_slice %add3A_107 {offsets = [0, 32], sizes = [100, 32], strides = [1, 1]} : vector<100x256xf32> to vector<100x32xf32>
    %dot_general3A_139 = arith.constant dense<0.000000e+00> : vector<100x100xf32>
    %dot_general3A_140 = tpu.matmul %slice3A_137, %slice3A_138, %dot_general3A_139 {dimension_numbers = #tpu.dot_dimension_numbers<[1], [1], [0], [0], [0, 0, 1, 0], [], []>, transpose_lhs_hint = false} : vector<100x32xf32>, vector<100x32xf32>, vector<100x100xf32> -> vector<100x100xf32>
    %mul3A_141 = arith.constant 0.176776692 : f32
    %mul3A_142 = vector.broadcast %mul3A_141 : f32 to vector<100x100xf32>
    %mul3A_143 = arith.mulf %dot_general3A_140, %mul3A_142 : vector<100x100xf32>
    %reduce_max3A_144 = arith.constant dense<0xFF800000> : vector<100xf32>
    %reduce_max3A_145 = vector.multi_reduction <maximumf>, %mul3A_143, %reduce_max3A_144 [1] : vector<100x100xf32> to vector<100xf32>
    %broadcast_in_dim3A_146 = vector.shape_cast %reduce_max3A_145 : vector<100xf32> to vector<100x1xf32>
    %sub3A_147 = vector.broadcast %broadcast_in_dim3A_146 : vector<100x1xf32> to vector<100x100xf32>
    %sub3A_148 = arith.subf %mul3A_143, %sub3A_147 : vector<100x100xf32>
    %exp3A_149 = math.exp %sub3A_148 : vector<100x100xf32>
    %reduce_sum3A_150 = arith.constant dense<0.000000e+00> : vector<100xf32>
    %reduce_sum3A_151 = vector.multi_reduction <add>, %exp3A_149, %reduce_sum3A_150 [1] : vector<100x100xf32> to vector<100xf32>
    %broadcast_in_dim3A_152 = vector.shape_cast %reduce_sum3A_151 : vector<100xf32> to vector<100x1xf32>
    %div3A_153 = vector.broadcast %broadcast_in_dim3A_152 : vector<100x1xf32> to vector<100x100xf32>
    %div3A_154 = arith.divf %exp3A_149, %div3A_153 : vector<100x100xf32>
    %add3A_155 = arith.addf %add3A_133, %div3A_154 : vector<100x100xf32>
    %slice3A_156 = vector.extract_strided_slice %add3A_117 {offsets = [0, 32], sizes = [100, 32], strides = [1, 1]} : vector<100x256xf32> to vector<100x32xf32>
    %dot_general3A_157 = arith.constant dense<0.000000e+00> : vector<100x32xf32>
    %dot_general3A_158 = tpu.matmul %div3A_154, %slice3A_156, %dot_general3A_157 {dimension_numbers = #tpu.dot_dimension_numbers<[1], [0], [0], [1], [0, 0, 1, 1], [], []>, transpose_lhs_hint = false} : vector<100x100xf32>, vector<100x32xf32>, vector<100x32xf32> -> vector<100x32xf32>
    %slice3A_159 = vector.extract_strided_slice %add3A_97 {offsets = [0, 64], sizes = [100, 32], strides = [1, 1]} : vector<100x256xf32> to vector<100x32xf32>
    %slice3A_160 = vector.extract_strided_slice %add3A_107 {offsets = [0, 64], sizes = [100, 32], strides = [1, 1]} : vector<100x256xf32> to vector<100x32xf32>
    %dot_general3A_161 = arith.constant dense<0.000000e+00> : vector<100x100xf32>
    %dot_general3A_162 = tpu.matmul %slice3A_159, %slice3A_160, %dot_general3A_161 {dimension_numbers = #tpu.dot_dimension_numbers<[1], [1], [0], [0], [0, 0, 1, 0], [], []>, transpose_lhs_hint = false} : vector<100x32xf32>, vector<100x32xf32>, vector<100x100xf32> -> vector<100x100xf32>
    %mul3A_163 = arith.constant 0.176776692 : f32
    %mul3A_164 = vector.broadcast %mul3A_163 : f32 to vector<100x100xf32>
    %mul3A_165 = arith.mulf %dot_general3A_162, %mul3A_164 : vector<100x100xf32>
    %reduce_max3A_166 = arith.constant dense<0xFF800000> : vector<100xf32>
    %reduce_max3A_167 = vector.multi_reduction <maximumf>, %mul3A_165, %reduce_max3A_166 [1] : vector<100x100xf32> to vector<100xf32>
    %broadcast_in_dim3A_168 = vector.shape_cast %reduce_max3A_167 : vector<100xf32> to vector<100x1xf32>
    %sub3A_169 = vector.broadcast %broadcast_in_dim3A_168 : vector<100x1xf32> to vector<100x100xf32>
    %sub3A_170 = arith.subf %mul3A_165, %sub3A_169 : vector<100x100xf32>
    %exp3A_171 = math.exp %sub3A_170 : vector<100x100xf32>
    %reduce_sum3A_172 = arith.constant dense<0.000000e+00> : vector<100xf32>
    %reduce_sum3A_173 = vector.multi_reduction <add>, %exp3A_171, %reduce_sum3A_172 [1] : vector<100x100xf32> to vector<100xf32>
    %broadcast_in_dim3A_174 = vector.shape_cast %reduce_sum3A_173 : vector<100xf32> to vector<100x1xf32>
    %div3A_175 = vector.broadcast %broadcast_in_dim3A_174 : vector<100x1xf32> to vector<100x100xf32>
    %div3A_176 = arith.divf %exp3A_171, %div3A_175 : vector<100x100xf32>
    %add3A_177 = arith.addf %add3A_155, %div3A_176 : vector<100x100xf32>
    %slice3A_178 = vector.extract_strided_slice %add3A_117 {offsets = [0, 64], sizes = [100, 32], strides = [1, 1]} : vector<100x256xf32> to vector<100x32xf32>
    %dot_general3A_179 = arith.constant dense<0.000000e+00> : vector<100x32xf32>
    %dot_general3A_180 = tpu.matmul %div3A_176, %slice3A_178, %dot_general3A_179 {dimension_numbers = #tpu.dot_dimension_numbers<[1], [0], [0], [1], [0, 0, 1, 1], [], []>, transpose_lhs_hint = false} : vector<100x100xf32>, vector<100x32xf32>, vector<100x32xf32> -> vector<100x32xf32>
    %slice3A_181 = vector.extract_strided_slice %add3A_97 {offsets = [0, 96], sizes = [100, 32], strides = [1, 1]} : vector<100x256xf32> to vector<100x32xf32>
    %slice3A_182 = vector.extract_strided_slice %add3A_107 {offsets = [0, 96], sizes = [100, 32], strides = [1, 1]} : vector<100x256xf32> to vector<100x32xf32>
    %dot_general3A_183 = arith.constant dense<0.000000e+00> : vector<100x100xf32>
    %dot_general3A_184 = tpu.matmul %slice3A_181, %slice3A_182, %dot_general3A_183 {dimension_numbers = #tpu.dot_dimension_numbers<[1], [1], [0], [0], [0, 0, 1, 0], [], []>, transpose_lhs_hint = false} : vector<100x32xf32>, vector<100x32xf32>, vector<100x100xf32> -> vector<100x100xf32>
    %mul3A_185 = arith.constant 0.176776692 : f32
    %mul3A_186 = vector.broadcast %mul3A_185 : f32 to vector<100x100xf32>
    %mul3A_187 = arith.mulf %dot_general3A_184, %mul3A_186 : vector<100x100xf32>
    %reduce_max3A_188 = arith.constant dense<0xFF800000> : vector<100xf32>
    %reduce_max3A_189 = vector.multi_reduction <maximumf>, %mul3A_187, %reduce_max3A_188 [1] : vector<100x100xf32> to vector<100xf32>
    %broadcast_in_dim3A_190 = vector.shape_cast %reduce_max3A_189 : vector<100xf32> to vector<100x1xf32>
    %sub3A_191 = vector.broadcast %broadcast_in_dim3A_190 : vector<100x1xf32> to vector<100x100xf32>
    %sub3A_192 = arith.subf %mul3A_187, %sub3A_191 : vector<100x100xf32>
    %exp3A_193 = math.exp %sub3A_192 : vector<100x100xf32>
    %reduce_sum3A_194 = arith.constant dense<0.000000e+00> : vector<100xf32>
    %reduce_sum3A_195 = vector.multi_reduction <add>, %exp3A_193, %reduce_sum3A_194 [1] : vector<100x100xf32> to vector<100xf32>
    %broadcast_in_dim3A_196 = vector.shape_cast %reduce_sum3A_195 : vector<100xf32> to vector<100x1xf32>
    %div3A_197 = vector.broadcast %broadcast_in_dim3A_196 : vector<100x1xf32> to vector<100x100xf32>
    %div3A_198 = arith.divf %exp3A_193, %div3A_197 : vector<100x100xf32>
    %add3A_199 = arith.addf %add3A_177, %div3A_198 : vector<100x100xf32>
    %slice3A_200 = vector.extract_strided_slice %add3A_117 {offsets = [0, 96], sizes = [100, 32], strides = [1, 1]} : vector<100x256xf32> to vector<100x32xf32>
    %dot_general3A_201 = arith.constant dense<0.000000e+00> : vector<100x32xf32>
    %dot_general3A_202 = tpu.matmul %div3A_198, %slice3A_200, %dot_general3A_201 {dimension_numbers = #tpu.dot_dimension_numbers<[1], [0], [0], [1], [0, 0, 1, 1], [], []>, transpose_lhs_hint = false} : vector<100x100xf32>, vector<100x32xf32>, vector<100x32xf32> -> vector<100x32xf32>
    %slice3A_203 = vector.extract_strided_slice %add3A_97 {offsets = [0, 128], sizes = [100, 32], strides = [1, 1]} : vector<100x256xf32> to vector<100x32xf32>
    %slice3A_204 = vector.extract_strided_slice %add3A_107 {offsets = [0, 128], sizes = [100, 32], strides = [1, 1]} : vector<100x256xf32> to vector<100x32xf32>
    %dot_general3A_205 = arith.constant dense<0.000000e+00> : vector<100x100xf32>
    %dot_general3A_206 = tpu.matmul %slice3A_203, %slice3A_204, %dot_general3A_205 {dimension_numbers = #tpu.dot_dimension_numbers<[1], [1], [0], [0], [0, 0, 1, 0], [], []>, transpose_lhs_hint = false} : vector<100x32xf32>, vector<100x32xf32>, vector<100x100xf32> -> vector<100x100xf32>
    %mul3A_207 = arith.constant 0.176776692 : f32
    %mul3A_208 = vector.broadcast %mul3A_207 : f32 to vector<100x100xf32>
    %mul3A_209 = arith.mulf %dot_general3A_206, %mul3A_208 : vector<100x100xf32>
    %reduce_max3A_210 = arith.constant dense<0xFF800000> : vector<100xf32>
    %reduce_max3A_211 = vector.multi_reduction <maximumf>, %mul3A_209, %reduce_max3A_210 [1] : vector<100x100xf32> to vector<100xf32>
    %broadcast_in_dim3A_212 = vector.shape_cast %reduce_max3A_211 : vector<100xf32> to vector<100x1xf32>
    %sub3A_213 = vector.broadcast %broadcast_in_dim3A_212 : vector<100x1xf32> to vector<100x100xf32>
    %sub3A_214 = arith.subf %mul3A_209, %sub3A_213 : vector<100x100xf32>
    %exp3A_215 = math.exp %sub3A_214 : vector<100x100xf32>
    %reduce_sum3A_216 = arith.constant dense<0.000000e+00> : vector<100xf32>
    %reduce_sum3A_217 = vector.multi_reduction <add>, %exp3A_215, %reduce_sum3A_216 [1] : vector<100x100xf32> to vector<100xf32>
    %broadcast_in_dim3A_218 = vector.shape_cast %reduce_sum3A_217 : vector<100xf32> to vector<100x1xf32>
    %div3A_219 = vector.broadcast %broadcast_in_dim3A_218 : vector<100x1xf32> to vector<100x100xf32>
    %div3A_220 = arith.divf %exp3A_215, %div3A_219 : vector<100x100xf32>
    %add3A_221 = arith.addf %add3A_199, %div3A_220 : vector<100x100xf32>
    %slice3A_222 = vector.extract_strided_slice %add3A_117 {offsets = [0, 128], sizes = [100, 32], strides = [1, 1]} : vector<100x256xf32> to vector<100x32xf32>
    %dot_general3A_223 = arith.constant dense<0.000000e+00> : vector<100x32xf32>
    %dot_general3A_224 = tpu.matmul %div3A_220, %slice3A_222, %dot_general3A_223 {dimension_numbers = #tpu.dot_dimension_numbers<[1], [0], [0], [1], [0, 0, 1, 1], [], []>, transpose_lhs_hint = false} : vector<100x100xf32>, vector<100x32xf32>, vector<100x32xf32> -> vector<100x32xf32>
    %slice3A_225 = vector.extract_strided_slice %add3A_97 {offsets = [0, 160], sizes = [100, 32], strides = [1, 1]} : vector<100x256xf32> to vector<100x32xf32>
    %slice3A_226 = vector.extract_strided_slice %add3A_107 {offsets = [0, 160], sizes = [100, 32], strides = [1, 1]} : vector<100x256xf32> to vector<100x32xf32>
    %dot_general3A_227 = arith.constant dense<0.000000e+00> : vector<100x100xf32>
    %dot_general3A_228 = tpu.matmul %slice3A_225, %slice3A_226, %dot_general3A_227 {dimension_numbers = #tpu.dot_dimension_numbers<[1], [1], [0], [0], [0, 0, 1, 0], [], []>, transpose_lhs_hint = false} : vector<100x32xf32>, vector<100x32xf32>, vector<100x100xf32> -> vector<100x100xf32>
    %mul3A_229 = arith.constant 0.176776692 : f32
    %mul3A_230 = vector.broadcast %mul3A_229 : f32 to vector<100x100xf32>
    %mul3A_231 = arith.mulf %dot_general3A_228, %mul3A_230 : vector<100x100xf32>
    %reduce_max3A_232 = arith.constant dense<0xFF800000> : vector<100xf32>
    %reduce_max3A_233 = vector.multi_reduction <maximumf>, %mul3A_231, %reduce_max3A_232 [1] : vector<100x100xf32> to vector<100xf32>
    %broadcast_in_dim3A_234 = vector.shape_cast %reduce_max3A_233 : vector<100xf32> to vector<100x1xf32>
    %sub3A_235 = vector.broadcast %broadcast_in_dim3A_234 : vector<100x1xf32> to vector<100x100xf32>
    %sub3A_236 = arith.subf %mul3A_231, %sub3A_235 : vector<100x100xf32>
    %exp3A_237 = math.exp %sub3A_236 : vector<100x100xf32>
    %reduce_sum3A_238 = arith.constant dense<0.000000e+00> : vector<100xf32>
    %reduce_sum3A_239 = vector.multi_reduction <add>, %exp3A_237, %reduce_sum3A_238 [1] : vector<100x100xf32> to vector<100xf32>
    %broadcast_in_dim3A_240 = vector.shape_cast %reduce_sum3A_239 : vector<100xf32> to vector<100x1xf32>
    %div3A_241 = vector.broadcast %broadcast_in_dim3A_240 : vector<100x1xf32> to vector<100x100xf32>
    %div3A_242 = arith.divf %exp3A_237, %div3A_241 : vector<100x100xf32>
    %add3A_243 = arith.addf %add3A_221, %div3A_242 : vector<100x100xf32>
    %slice3A_244 = vector.extract_strided_slice %add3A_117 {offsets = [0, 160], sizes = [100, 32], strides = [1, 1]} : vector<100x256xf32> to vector<100x32xf32>
    %dot_general3A_245 = arith.constant dense<0.000000e+00> : vector<100x32xf32>
    %dot_general3A_246 = tpu.matmul %div3A_242, %slice3A_244, %dot_general3A_245 {dimension_numbers = #tpu.dot_dimension_numbers<[1], [0], [0], [1], [0, 0, 1, 1], [], []>, transpose_lhs_hint = false} : vector<100x100xf32>, vector<100x32xf32>, vector<100x32xf32> -> vector<100x32xf32>
    %slice3A_247 = vector.extract_strided_slice %add3A_97 {offsets = [0, 192], sizes = [100, 32], strides = [1, 1]} : vector<100x256xf32> to vector<100x32xf32>
    %slice3A_248 = vector.extract_strided_slice %add3A_107 {offsets = [0, 192], sizes = [100, 32], strides = [1, 1]} : vector<100x256xf32> to vector<100x32xf32>
    %dot_general3A_249 = arith.constant dense<0.000000e+00> : vector<100x100xf32>
    %dot_general3A_250 = tpu.matmul %slice3A_247, %slice3A_248, %dot_general3A_249 {dimension_numbers = #tpu.dot_dimension_numbers<[1], [1], [0], [0], [0, 0, 1, 0], [], []>, transpose_lhs_hint = false} : vector<100x32xf32>, vector<100x32xf32>, vector<100x100xf32> -> vector<100x100xf32>
    %mul3A_251 = arith.constant 0.176776692 : f32
    %mul3A_252 = vector.broadcast %mul3A_251 : f32 to vector<100x100xf32>
    %mul3A_253 = arith.mulf %dot_general3A_250, %mul3A_252 : vector<100x100xf32>
    %reduce_max3A_254 = arith.constant dense<0xFF800000> : vector<100xf32>
    %reduce_max3A_255 = vector.multi_reduction <maximumf>, %mul3A_253, %reduce_max3A_254 [1] : vector<100x100xf32> to vector<100xf32>
    %broadcast_in_dim3A_256 = vector.shape_cast %reduce_max3A_255 : vector<100xf32> to vector<100x1xf32>
    %sub3A_257 = vector.broadcast %broadcast_in_dim3A_256 : vector<100x1xf32> to vector<100x100xf32>
    %sub3A_258 = arith.subf %mul3A_253, %sub3A_257 : vector<100x100xf32>
    %exp3A_259 = math.exp %sub3A_258 : vector<100x100xf32>
    %reduce_sum3A_260 = arith.constant dense<0.000000e+00> : vector<100xf32>
    %reduce_sum3A_261 = vector.multi_reduction <add>, %exp3A_259, %reduce_sum3A_260 [1] : vector<100x100xf32> to vector<100xf32>
    %broadcast_in_dim3A_262 = vector.shape_cast %reduce_sum3A_261 : vector<100xf32> to vector<100x1xf32>
    %div3A_263 = vector.broadcast %broadcast_in_dim3A_262 : vector<100x1xf32> to vector<100x100xf32>
    %div3A_264 = arith.divf %exp3A_259, %div3A_263 : vector<100x100xf32>
    %add3A_265 = arith.addf %add3A_243, %div3A_264 : vector<100x100xf32>
    %slice3A_266 = vector.extract_strided_slice %add3A_117 {offsets = [0, 192], sizes = [100, 32], strides = [1, 1]} : vector<100x256xf32> to vector<100x32xf32>
    %dot_general3A_267 = arith.constant dense<0.000000e+00> : vector<100x32xf32>
    %dot_general3A_268 = tpu.matmul %div3A_264, %slice3A_266, %dot_general3A_267 {dimension_numbers = #tpu.dot_dimension_numbers<[1], [0], [0], [1], [0, 0, 1, 1], [], []>, transpose_lhs_hint = false} : vector<100x100xf32>, vector<100x32xf32>, vector<100x32xf32> -> vector<100x32xf32>
    %slice3A_269 = vector.extract_strided_slice %add3A_97 {offsets = [0, 224], sizes = [100, 32], strides = [1, 1]} : vector<100x256xf32> to vector<100x32xf32>
    %slice3A_270 = vector.extract_strided_slice %add3A_107 {offsets = [0, 224], sizes = [100, 32], strides = [1, 1]} : vector<100x256xf32> to vector<100x32xf32>
    %dot_general3A_271 = arith.constant dense<0.000000e+00> : vector<100x100xf32>
    %dot_general3A_272 = tpu.matmul %slice3A_269, %slice3A_270, %dot_general3A_271 {dimension_numbers = #tpu.dot_dimension_numbers<[1], [1], [0], [0], [0, 0, 1, 0], [], []>, transpose_lhs_hint = false} : vector<100x32xf32>, vector<100x32xf32>, vector<100x100xf32> -> vector<100x100xf32>
    %mul3A_273 = arith.constant 0.176776692 : f32
    %mul3A_274 = vector.broadcast %mul3A_273 : f32 to vector<100x100xf32>
    %mul3A_275 = arith.mulf %dot_general3A_272, %mul3A_274 : vector<100x100xf32>
    %reduce_max3A_276 = arith.constant dense<0xFF800000> : vector<100xf32>
    %reduce_max3A_277 = vector.multi_reduction <maximumf>, %mul3A_275, %reduce_max3A_276 [1] : vector<100x100xf32> to vector<100xf32>
    %broadcast_in_dim3A_278 = vector.shape_cast %reduce_max3A_277 : vector<100xf32> to vector<100x1xf32>
    %sub3A_279 = vector.broadcast %broadcast_in_dim3A_278 : vector<100x1xf32> to vector<100x100xf32>
    %sub3A_280 = arith.subf %mul3A_275, %sub3A_279 : vector<100x100xf32>
    %exp3A_281 = math.exp %sub3A_280 : vector<100x100xf32>
    %reduce_sum3A_282 = arith.constant dense<0.000000e+00> : vector<100xf32>
    %reduce_sum3A_283 = vector.multi_reduction <add>, %exp3A_281, %reduce_sum3A_282 [1] : vector<100x100xf32> to vector<100xf32>
    %broadcast_in_dim3A_284 = vector.shape_cast %reduce_sum3A_283 : vector<100xf32> to vector<100x1xf32>
    %div3A_285 = vector.broadcast %broadcast_in_dim3A_284 : vector<100x1xf32> to vector<100x100xf32>
    %div3A_286 = arith.divf %exp3A_281, %div3A_285 : vector<100x100xf32>
    %add3A_287 = arith.addf %add3A_265, %div3A_286 : vector<100x100xf32>
    %slice3A_288 = vector.extract_strided_slice %add3A_117 {offsets = [0, 224], sizes = [100, 32], strides = [1, 1]} : vector<100x256xf32> to vector<100x32xf32>
    %dot_general3A_289 = arith.constant dense<0.000000e+00> : vector<100x32xf32>
    %dot_general3A_290 = tpu.matmul %div3A_286, %slice3A_288, %dot_general3A_289 {dimension_numbers = #tpu.dot_dimension_numbers<[1], [0], [0], [1], [0, 0, 1, 1], [], []>, transpose_lhs_hint = false} : vector<100x100xf32>, vector<100x32xf32>, vector<100x32xf32> -> vector<100x32xf32>
    %concatenate3A_291 = tpu.concatenate %dot_general3A_136, %dot_general3A_158, %dot_general3A_180, %dot_general3A_202, %dot_general3A_224, %dot_general3A_246, %dot_general3A_268, %dot_general3A_290 in 1 : vector<100x32xf32>, vector<100x32xf32>, vector<100x32xf32>, vector<100x32xf32>, vector<100x32xf32>, vector<100x32xf32>, vector<100x32xf32>, vector<100x32xf32> -> vector<100x256xf32>
    %get3A_292 = arith.constant 0 : index
    %get3A_293 = arith.constant 0 : index
    %get3A_294 = vector.load %arg13[%get3A_292, %get3A_293] : memref<256x256xf32, #tpu.memory_space<vmem>>, vector<256x256xf32>
    %dot_general3A_295 = arith.constant dense<0.000000e+00> : vector<100x256xf32>
    %dot_general3A_296 = tpu.matmul %concatenate3A_291, %get3A_294, %dot_general3A_295 {dimension_numbers = #tpu.dot_dimension_numbers<[1], [0], [0], [1], [0, 0, 1, 1], [], []>, transpose_lhs_hint = false} : vector<100x256xf32>, vector<256x256xf32>, vector<100x256xf32> -> vector<100x256xf32>
    %get3A_297 = arith.constant 0 : index
    %get3A_298 = arith.constant 0 : index
    %get3A_299 = vector.load %arg14[%get3A_297, %get3A_298] : memref<1x256xf32, #tpu.memory_space<vmem>>, vector<1x256xf32>
    %add3A_300 = vector.broadcast %get3A_299 : vector<1x256xf32> to vector<100x256xf32>
    %add3A_301 = arith.addf %dot_general3A_296, %add3A_300 : vector<100x256xf32>
    %reduce_sum3A_302 = arith.constant dense<0.000000e+00> : vector<256xf32>
    %reduce_sum3A_303 = vector.multi_reduction <add>, %add3A_301, %reduce_sum3A_302 [0] : vector<100x256xf32> to vector<256xf32>
    %broadcast_in_dim3A_304 = vector.shape_cast %reduce_sum3A_303 : vector<256xf32> to vector<1x256xf32>
    %get3A_305 = arith.constant 0 : index
    %get3A_306 = arith.constant 0 : index
    %get3A_307 = vector.load %arg15[%get3A_305, %get3A_306] : memref<256x128xf32, #tpu.memory_space<vmem>>, vector<256x128xf32>
    %dot_general3A_308 = arith.constant dense<0.000000e+00> : vector<1x128xf32>
    %dot_general3A_309 = tpu.matmul %broadcast_in_dim3A_304, %get3A_307, %dot_general3A_308 {dimension_numbers = #tpu.dot_dimension_numbers<[1], [0], [0], [1], [0, 0, 1, 1], [], []>, transpose_lhs_hint = false} : vector<1x256xf32>, vector<256x128xf32>, vector<1x128xf32> -> vector<1x128xf32>
    %get3A_310 = arith.constant 0 : index
    %get3A_311 = arith.constant 0 : index
    %get3A_312 = vector.load %arg16[%get3A_310, %get3A_311] : memref<1x128xf32, #tpu.memory_space<vmem>>, vector<1x128xf32>
    %add3A_313 = arith.addf %dot_general3A_309, %get3A_312 : vector<1x128xf32>
    %tanh3A_314 = math.tanh %add3A_313 : vector<1x128xf32>
    %broadcast_in_dim3A_315 = vector.shape_cast %tanh3A_314 : vector<1x128xf32> to vector<1x1x128xf32>
    %swap3A = arith.constant 0 : index
    %swap3A_316 = arith.constant 0 : index
    %swap3A_317 = arith.constant 0 : index
    %swap3A_318 = vector.load %arg17[%swap3A, %swap3A_316, %swap3A_317] : memref<1x1x128xf32, #tpu.memory_space<vmem>>, vector<1x1x128xf32>
    tpu.vector_store %arg17[%swap3A, %swap3A_316, %swap3A_317], %broadcast_in_dim3A_315 {strides = array<i32>} : memref<1x1x128xf32, #tpu.memory_space<vmem>>, vector<1x1x128xf32>,
    %mul3A_319 = arith.constant 1.250000e-01 : f32
    %mul3A_320 = vector.broadcast %mul3A_319 : f32 to vector<100x100xf32>
    %mul3A_321 = arith.mulf %add3A_287, %mul3A_320 : vector<100x100xf32>
    %broadcast_in_dim3A_322 = vector.shape_cast %mul3A_321 : vector<100x100xf32> to vector<1x100x100xf32>
    %swap3A_323 = arith.constant 0 : index
    %swap3A_324 = arith.constant 0 : index
    %swap3A_325 = arith.constant 0 : index
    %swap3A_326 = vector.load %arg18[%swap3A_323, %swap3A_324, %swap3A_325] : memref<1x100x100xf32, #tpu.memory_space<vmem>>, vector<1x100x100xf32>
    tpu.vector_store %arg18[%swap3A_323, %swap3A_324, %swap3A_325], %broadcast_in_dim3A_322 {strides = array<i32>} : memref<1x100x100xf32, #tpu.memory_space<vmem>>, vector<1x100x100xf32>,
    return
  }
  func.func @transform_0(%arg0: i32) -> (i32, i32, i32) {
    %c0_i32 = arith.constant 0 : i32
    %c0_i32_0 = arith.constant 0 : i32
    %c0_i32_1 = arith.constant 0 : i32
    return %arg0, %c0_i32, %c0_i32_0 : i32, i32, i32
  }
  func.func @transform_1(%arg0: i32) -> (i32, i32, i32) {
    %c0_i32 = arith.constant 0 : i32
    %c0_i32_0 = arith.constant 0 : i32
    %c0_i32_1 = arith.constant 0 : i32
    return %arg0, %c0_i32, %c0_i32_0 : i32, i32, i32
  }
  func.func @transform_2(%arg0: i32) -> (i32, i32, i32) {
    %c0_i32 = arith.constant 0 : i32
    %c0_i32_0 = arith.constant 0 : i32
    %c0_i32_1 = arith.constant 0 : i32
    return %arg0, %c0_i32, %c0_i32_0 : i32, i32, i32
  }
  func.func @transform_3(%arg0: i32) -> (i32, i32, i32) {
    %c0_i32 = arith.constant 0 : i32
    %c0_i32_0 = arith.constant 0 : i32
    %c0_i32_1 = arith.constant 0 : i32
    return %arg0, %c0_i32, %c0_i32_0 : i32, i32, i32
  }
  func.func @transform_4(%arg0: i32) -> (i32, i32, i32) {
    %c0_i32 = arith.constant 0 : i32
    %c0_i32_0 = arith.constant 0 : i32
    %c0_i32_1 = arith.constant 0 : i32
    return %arg0, %c0_i32, %c0_i32_0 : i32, i32, i32
  }
  func.func @transform_5(%arg0: i32) -> (i32, i32, i32) {
    %c0_i32 = arith.constant 0 : i32
    %c0_i32_0 = arith.constant 0 : i32
    %c0_i32_1 = arith.constant 0 : i32
    return %arg0, %c0_i32, %c0_i32_0 : i32, i32, i32
  }
  func.func @transform_6(%arg0: i32) -> (i32, i32) {
    %c0_i32 = arith.constant 0 : i32
    %c0_i32_0 = arith.constant 0 : i32
    %c0_i32_1 = arith.constant 0 : i32
    return %c0_i32, %c0_i32_0 : i32, i32
  }
  func.func @transform_7(%arg0: i32) -> (i32, i32) {
    %c0_i32 = arith.constant 0 : i32
    %c0_i32_0 = arith.constant 0 : i32
    %c0_i32_1 = arith.constant 0 : i32
    return %c0_i32, %c0_i32_0 : i32, i32
  }
  func.func @transform_8(%arg0: i32) -> (i32, i32) {
    %c0_i32 = arith.constant 0 : i32
    %c0_i32_0 = arith.constant 0 : i32
    %c0_i32_1 = arith.constant 0 : i32
    return %c0_i32, %c0_i32_0 : i32, i32
  }
  func.func @transform_9(%arg0: i32) -> (i32, i32) {
    %c0_i32 = arith.constant 0 : i32
    %c0_i32_0 = arith.constant 0 : i32
    %c0_i32_1 = arith.constant 0 : i32
    return %c0_i32, %c0_i32_0 : i32, i32
  }
  func.func @transform_10(%arg0: i32) -> (i32, i32) {
    %c0_i32 = arith.constant 0 : i32
    %c0_i32_0 = arith.constant 0 : i32
    %c0_i32_1 = arith.constant 0 : i32
    return %c0_i32, %c0_i32_0 : i32, i32
  }
  func.func @transform_11(%arg0: i32) -> (i32, i32) {
    %c0_i32 = arith.constant 0 : i32
    %c0_i32_0 = arith.constant 0 : i32
    %c0_i32_1 = arith.constant 0 : i32
    return %c0_i32, %c0_i32_0 : i32, i32
  }
  func.func @transform_12(%arg0: i32) -> (i32, i32) {
    %c0_i32 = arith.constant 0 : i32
    %c0_i32_0 = arith.constant 0 : i32
    %c0_i32_1 = arith.constant 0 : i32
    return %c0_i32, %c0_i32_0 : i32, i32
  }
  func.func @transform_13(%arg0: i32) -> (i32, i32) {
    %c0_i32 = arith.constant 0 : i32
    %c0_i32_0 = arith.constant 0 : i32
    %c0_i32_1 = arith.constant 0 : i32
    return %c0_i32, %c0_i32_0 : i32, i32
  }
  func.func @transform_14(%arg0: i32) -> (i32, i32) {
    %c0_i32 = arith.constant 0 : i32
    %c0_i32_0 = arith.constant 0 : i32
    %c0_i32_1 = arith.constant 0 : i32
    return %c0_i32, %c0_i32_0 : i32, i32
  }
  func.func @transform_15(%arg0: i32) -> (i32, i32) {
    %c0_i32 = arith.constant 0 : i32
    %c0_i32_0 = arith.constant 0 : i32
    %c0_i32_1 = arith.constant 0 : i32
    return %c0_i32, %c0_i32_0 : i32, i32
  }
  func.func @transform_16(%arg0: i32) -> (i32, i32, i32) {
    %c0_i32 = arith.constant 0 : i32
    %c0_i32_0 = arith.constant 0 : i32
    %c0_i32_1 = arith.constant 0 : i32
    return %arg0, %c0_i32, %c0_i32_0 : i32, i32, i32
  }
  func.func @transform_17(%arg0: i32) -> (i32, i32, i32) {
    %c0_i32 = arith.constant 0 : i32
    %c0_i32_0 = arith.constant 0 : i32
    %c0_i32_1 = arith.constant 0 : i32
    return %arg0, %c0_i32, %c0_i32_0 : i32, i32, i32
  }
}

</mosaic_0001>

<sc_bundles>
// kernel: kernel.12.cloned.1.call-start
scs
__scs_entry_jumppad:
0x0: {  	(pc) =	sbr.rel $0x88, $3  }
0x1: {  	(tag) =	ssettag $0x0;
	lr =	simm.s32 $0x1  }
0x2: {  	[smem:$0x3F86] =	sst lr;
	_ =	strace $0xD0000000  }
0x3: {  	_ = 	snop  }
0x4: {  	_ = 	snop  }
0x5: {  	_ = 	snop  }
0x6: {  	_ = 	snop  }
0x7: {  	_ = 	snop  }
__scs_overlays_trampoline_lowered:
0x8: {  	[smem:$0x3F95] =	sst s0  }
0x9: {  	[smem:$0x3F96] =	sst s1  }
0xa: {  	[smem:$0x3F97] =	sst s2  }
0xb: {  	[smem:$0x3F98] =	sst s3  }
0xc: {  	[smem:$0x3F99] =	sst s4  }
0xd: {  	[smem:$0x3F9A] =	sst s5  }
0xe: {  	[smem:$0x3F9B] =	sst s6  }
0xf: {  	[smem:$0x3F9C] =	sst s7  }
0x10: {  	[smem:$0x3F9D] =	sst s8  }
0x11: {  	[smem:$0x3F9E] =	sst s9;
	s0 =	simm.s32 @!p0 $0x0  }
0x12: {  	s1 =	sld [smem:$0x3F84];
	s0 =	simm.s32 @p0 $0x1  }
0x13: {  	[smem:$0x3F9F] =	sst s0;
	s0 =	simm.s32 @!p1 $0x0  }
0x14: {  	s2 =	sld [smem:$0x3F83];
	s0 =	simm.s32 @p1 $0x1  }
0x15: {  	[smem:$0x3FA0] =	sst s0;
	s0 =	simm.s32 @!p2 $0x0  }
0x16: {  	s3 =	sld [smem:$0x3FDB];
	s0 =	simm.s32 @p2 $0x1  }
0x17: {  	s4 =	simm.s32 $0x1BF5;
	[smem:$0x3FA2] =	sst s0  }
0x18: {  	s0 =	sld [smem:$0x3F85];
	_ =	swait.ge [sflag:s4], $0x0  }
0x19: {  	s7 =	sld [smem:$0x3F86]  }
0x1a: {  	s8 =	sadd.s32 $0xFFFFE003, lr  }
0x1b: {  	s9 =	sadd.s32 $0xFFFFFEF7, lr;
	s5 =	simm.s32 $0xFFFFFFFF;
	p2 =	slt.u32 s8, $0xFFFFF086  }
0x1c: {  	p1 =	slt.u32 s9, $0xF7A;
	s5 =	simm.s32 @!p2 $0x0  }
0x1d: {  	s5 =	simm.s32 @p1 $0x1;
	p0 =	seq.s32 s7, s2  }
0x1e: {  	s7 =	smul.u32 @!p0 $0xF7A, s2;
	p2 =	seq.s32 @!p0 s5, $0x0  }
0x1f: {  	s9 =	smul.u32 $0xF7A, s1;
	s8 =	simm.s32 @!p0 $0x1BF5;
	p2 =	por !p2, p0  }
0x20: {  	[sflag:s8] =	ssyncset.s32 @!p0 $0xFFFFF086;
	s6 =	sadd.s32 @!p0 s3, s7;
	s7 =	simm.s32 @!p0 $0x108  }
0x21: {  	s3 =	sadd.s32 s3, s9;
	s6 =	sadd.s32 @!p0 $0x88, s6;
	s7 =	simm.s32 @p2 $0x1082  }
0x22: {  	[simem:s7], [sflag:s8] =	dma.local @!p0 [hbm:s6], $0xF7A  }
0x23: {  	s9 =	sor.u32 $0xD0000000, s2;
	s6 =	simm.s32 $0x108;
	_ =	swait.ge @!p0 [sflag:s8], $0x0  }
0x24: {  	s3 =	sadd.s32 $0x88, s3;
	s6 =	simm.s32 @!p1 $0x1082;
	[sflag:s4] =	ssyncset.s32 $0xFFFFF086  }
0x25: {  	[simem:s6], [sflag:s4] =	dma.local [hbm:s3], $0xF7A  }
0x26: {  	[smem:$0x3F86] =	sst s1;
	(tag) =	ssettag s2;
	_ =	strace s9  }
0x27: {  	s1 =	sld [smem:$0x3F96]  }
0x28: {  	s2 =	sld [smem:$0x3F97]  }
0x29: {  	s4 =	sld [smem:$0x3F99]  }
0x2a: {  	p0 =	seq.s32 s5, $0x0;
	s5 =	sld [smem:$0x3F9A]  }
0x2b: {  	s6 =	sld [smem:$0x3F9B]  }
0x2c: {  	s7 =	sld [smem:$0x3F9C]  }
0x2d: {  	s3 =	simm.s32 $0x108;
	s8 =	sld [smem:$0x3F9D]  }
0x2e: {  	s3 =	simm.s32 @!p0 $0x1082;
	s9 =	sld [smem:$0x3F9E]  }
0x2f: {  	lr =	sadd.s32 s0, s3;
	s0 =	sld [smem:$0x3F95]  }
0x30: {  	s3 =	sld [smem:$0x3F98]  }
0x31: {  	[smem:$0x3FA1] =	sst s10  }
0x32: {  	s10 =	sld [smem:$0x3F9F];
	_ =	sdelay $0x3  }
0x33: {  	p0 =	seq.s32 s10, $0x1;
	s10 =	sld [smem:$0x3FA1];
	_ =	sdelay $0x3  }
0x34: {  	[smem:$0x3FA1] =	sst s10  }
0x35: {  	s10 =	sld [smem:$0x3FA0];
	_ =	sdelay $0x3  }
0x36: {  	p1 =	seq.s32 s10, $0x1;
	s10 =	sld [smem:$0x3FA1];
	_ =	sdelay $0x3  }
0x37: {  	[smem:$0x3FA1] =	sst s10  }
0x38: {  	s10 =	sld [smem:$0x3FA2]  }
0x39: {  	_ = 	snop;
	(pc) =	sbr.ind lr, $3  }
0x3a: {  	_ = 	snop  }
0x3b: {  	_ = 	snop  }
0x3c: {  	p2 =	seq.s32 s10, $0x1;
	s10 =	sld [smem:$0x3FA1]  }
0x3d: {  	_ =	shalt  }
0x3e: {  	_ =	shalt  }
0x3f: {  	_ =	shalt  }
0x40: {  	_ =	shalt  }
0x41: {  	_ =	shalt  }
0x42: {  	_ =	shalt  }
0x43: {  	_ =	shalt  }
0x44: {  	_ =	shalt  }
0x45: {  	_ =	shalt  }
0x46: {  	_ =	shalt  }
0x47: {  	_ =	shalt  }
0x48: {  	_ =	shalt  }
0x49: {  	_ =	shalt  }
0x4a: {  	_ =	shalt  }
0x4b: {  	_ =	shalt  }
0x4c: {  	_ =	shalt  }
0x4d: {  	_ =	shalt  }
0x4e: {  	_ =	shalt  }
0x4f: {  	_ =	shalt  }
0x50: {  	_ =	shalt  }
0x51: {  	_ =	shalt  }
0x52: {  	_ =	shalt  }
0x53: {  	_ =	shalt  }
0x54: {  	_ =	shalt  }
0x55: {  	_ =	shalt  }
0x56: {  	_ =	shalt  }
0x57: {  	_ =	shalt  }
0x58: {  	_ =	shalt  }
0x59: {  	_ =	shalt  }
0x5a: {  	_ =	shalt  }
0x5b: {  	_ =	shalt  }
0x5c: {  	_ =	shalt  }
0x5d: {  	_ =	shalt  }
0x5e: {  	_ =	shalt  }
0x5f: {  	_ =	shalt  }
0x60: {  	_ =	shalt  }
0x61: {  	_ =	shalt  }
0x62: {  	_ =	shalt  }
0x63: {  	_ =	shalt  }
0x64: {  	_ =	shalt  }
0x65: {  	_ =	shalt  }
0x66: {  	_ =	shalt  }
0x67: {  	_ =	shalt  }
0x68: {  	_ =	shalt  }
0x69: {  	_ =	shalt  }
0x6a: {  	_ =	shalt  }
0x6b: {  	_ =	shalt  }
0x6c: {  	_ =	shalt  }
0x6d: {  	_ =	shalt  }
0x6e: {  	_ =	shalt  }
0x6f: {  	_ =	shalt  }
0x70: {  	_ =	shalt  }
0x71: {  	_ =	shalt  }
0x72: {  	_ =	shalt  }
0x73: {  	_ =	shalt  }
0x74: {  	_ =	shalt  }
0x75: {  	_ =	shalt  }
0x76: {  	_ =	shalt  }
0x77: {  	_ =	shalt  }
0x78: {  	_ =	shalt  }
0x79: {  	_ =	shalt  }
0x7a: {  	_ =	shalt  }
0x7b: {  	_ =	shalt  }
0x7c: {  	_ =	shalt  }
0x7d: {  	_ =	shalt  }
0x7e: {  	_ =	shalt  }
0x7f: {  	_ =	shalt  }
0x80: {  	_ =	shalt  }
0x81: {  	_ =	shalt  }
0x82: {  	_ =	shalt  }
0x83: {  	_ =	shalt  }
0x84: {  	_ =	shalt  }
0x85: {  	_ =	shalt  }
0x86: {  	_ =	shalt  }
0x87: {  	_ =	shalt  }
.Lfunc_end0:
.L_simem_size_0:
called_computation_lowered:
.L_overlay_start_0:
0x88: {  	s2 =	sld [smem:$0x3FD9]  }
0x89: {  	s3 =	sld [smem:$0x3FFE];
	_ =	sdelay $0x1  }
0x8a: {  	s1 =	srdreg.scid  }
0x8b: {  	s0 =	sand.u32 $0x1, s1  }
0x8c: {  	s14 =	sshll.u32 s0, $0xA;
	s2 =	sadd.s32 s3, s2  }
0x8d: {  	s2 =	sadd.s32 s2, s14  }
0x8e: {  	[smem:$0x3FAD] =	sst s2  }
0x8f: {  	_ = 	snop  }
0x90: {  	s2 =	sld [smem:$0x3FD0];
	_ =	sdelay $0x2  }
0x91: {  	s15 =	simm.s32 $0xB;
	s4 =	simm.s32 $0x10  }
0x92: {  	[smem:s4], [sflag:s15] =	dma.local [hbm:s2], $0x1  }
0x93: {  	_ =	swait.eq [sflag:s15], $0x1  }
0x94: {  	[sflag:s15] =	ssyncset.done $0x0  }
0x95: {  	s16 =	sld [smem:$0x10];
	[sflag:s15] =	ssyncadd.s32 $0xFFFFFFFF  }
0x96: {  	s17 =	sld [smem:$0x11];
	(tm) =	ssettm $0x1  }
0x97: {  	s18 =	sld [smem:$0x3FFB];
	_ =	sdelay $0x3  }
0x98: {  	_ =	strace s18  }
0x99: {  	s4 =	sld [smem:$0x3FFC];
	_ =	sdelay $0x3  }
0x9a: {  	_ =	strace s4  }
0x9b: {  	s4 =	sld [smem:$0x3FFD];
	_ =	sdelay $0x3  }
0x9c: {  	_ =	strace s4  }
0x9d: {  	_ =	strace $0x8FFFFFFF  }
0x9e: {  	s19 =	sld [smem:$0x3FDB];
	_ =	sdelay $0x1  }
0x9f: {  	s5 =	simm.s32 $_scs_section_size  }
0xa0: {  	s6 =	simm.s32 $_size__tile_overlayer_lowered;
	s7 =	simm.s32 $_tile_overlayer_lowered  }
0xa1: {  	s22 =	simm.s32 $0x1BFF;
	s21 =	sshll.u32 s7, $0x1;
	s4 =	sadd.s32 s5, s19  }
0xa2: {  	s8 =	simm.s32 $0x0;
	s20 =	sshll.u32 s6, $0x1;
	s6 =	sadd.s32 s21, s4  }
0xa3: {  	[timem:s8], [sflag:s22] =	dma.local [hbm:s6], s20  }
0xa4: {  	_ =	swait.ge [sflag:s22], s20  }
0xa5: {  	s5 =	ssub.s32 $0x0, s20;
	[sflag:s22] =	ssyncset.done $0x0  }
0xa6: {  	[sflag:s22] =	ssyncadd.s32 s5;
	_ =	sdelay $0x1  }
0xa7: {  	s23 =	simm.s32 $0x1B8B  }
0xa8: {  	_ =	swait.ge [sflag:s23], $0x1  }
0xa9: {  	[sflag:s23] =	ssyncset.done $0x0  }
0xaa: {  	s25 =	simm.s32 $0x1B8E;
	s24 =	sld [smem:$0x3FFE];
	[sflag:s23] =	ssyncadd.s32 $0xFFFFFFFF  }
0xab: {  	s26 =	simm.s32 $execute0_lowered;
	[smem:$0x3FD2] =	sst s25  }
0xac: {  	s6 =	sshll.u32 s26, $0x1;
	_ =	strace $0x80000046;
	[dreg:$0x1] =	wrdreg $0xFFFFFFFF  }
0xad: {  	s28 =	simm.s32 $_size_execute0_lowered;
	s4 =	sadd.s32 s4, s6;
	[dreg:$0x0] =	wrdreg $0x0  }
0xae: {  	s6 =	sshll.u32 s28, $0x1;
	[dreg:$0x2] =	wrdreg s4  }
0xaf: {  	[dreg:$0x3] =	wrdreg s6  }
0xb0: {  	[dreg:$0x4] =	wrdreg $0xC0  }
0xb1: {  	_ =	task [dreg:s8], $0x5FFFF  }
0xb2: {  	[dreg:$0x1] =	wrdreg $0xFFFFFFFF  }
0xb3: {  	[dreg:$0x0] =	wrdreg $0x60  }
0xb4: {  	[dreg:$0x2] =	wrdreg s16  }
0xb5: {  	[dreg:$0x3] =	wrdreg s24  }
0xb6: {  	[dreg:$0x4] =	wrdreg s17  }
0xb7: {  	[dreg:$0x5] =	wrdreg $0x1B4800  }
0xb8: {  	[dreg:$0x6] =	wrdreg $0x9  }
0xb9: {  	_ =	task.clear_ibuf [dreg:s8], $0x7FFFF;
	_ =	strace $0x90000046  }
0xba: {  	s29 =	simm.s32 $0x9;
	_ =	strace $0x80000048  }
0xbb: {  	_ =	swait.ge [sflag:s29], $0x1  }
0xbc: {  	[sflag:s29] =	ssyncadd.s32 $0xFFFFFFFF  }
0xbd: {  	_ =	strace $0x90000048  }
0xbe: {  	_ =	sfence  }
0xbf: {  	s30 =	sld [smem:$0x0];
	_ =	sdelay $0x2  }
0xc0: {  	s31 =	sshll.u32 s1, $0xD;
	s1 =	sshrl.u32 s1, $0x2  }
0xc1: {  	s3 =	sand.u32 $0x4000, s31;
	s1 =	sadd.s32 s1, s30  }
0xc2: {  	s0 =	sor.u32 s3, s0;
	s1 =	sshll.u32 s1, $0x11  }
0xc3: {  	s0 =	sor.u32 s1, s0  }
0xc4: {  	s0 =	sadd.s32 $0x8F2B, s0  }
0xc5: {  	[sflag:s0] =	ssyncadd.remote.s32 $0x1  }
0xc6: {  	_ =	sfence.sel $0xFFFF  }
0xc7: {  	[dreg:$0x0] =	wrdreg $0xFFFFFFFF;
	(pc) =	sbr.abs _section_cstart, $3  }
0xc8: {  	[dreg:$0x1] =	wrdreg $0xFFFFFFFF  }
0xc9: {  	_ =	task.clear_ibuf [dreg:s8], $0x2FFFF;
	_ =	strace $0x9FFFFFFF  }
0xca: {  	(tm) =	ssettm $0x7FFFFFFF  }
0xcb: {  	_ =	shalt  }
tec
execute0_lowered:
.L_overlay_start_1:
0x0: {  	(tag) =	ssettag $0x1  }
0x1: {  	s0 =	srdreg.scid;
	s1 =	rddreg [dreg:$0x1]  }
0x2: {  	s8 =	stileid.u32;
	s3 =	rddreg [dreg:$0x3]  }
0x3: {  	s4 =	simm.s32 $0x0;
	s30 =	simm.s32 $0x7700;
	s31 =	simm.s32 $0x80  }
0x4: {  	s28 =	simm.s32 $0x0;
	s0 =	sand.u32 $0x1, s0;
	s2 =	sshll.u32 s8, $0x1  }
0x5: {  	[smem:$0x7FF] =	sst s4;
	s5 =	smul.u32 $0x500, s8;
	s23 =	sshrl.u32 s8, $0x3  }
0x6: {  	s24 =	smul.u32 $0x5000, s8;
	s26 =	sshll.u32 s8, $0x7;
	s2 =	sor.u32 s0, s2  }
0x7: {  	_ =	strace $0x80000047;
	s6 =	sshll.u32 s0, $0x7;
	s0 =	ssub.s32 $0x2, s0  }
0x8: {  	s2 =	smul.u32 $0x2710, s2;
	s5 =	sor.u32 s6, s5;
	s7 =	sshrl.u32 s0, $0x1  }
0x9: {  	s6 =	smul.u32 $0x50000, s23;
	s5 =	sshrl.u32 s5, $0x3;
	s0 =	ssub.s32 s0, s7  }
0xa: {  	s7 =	sand.u32 $0x380, s26;
	s26 =	simm.s32 $0x1;
	s2 =	sshrl.u32 s2, $0x3  }
0xb: {  	s6 =	sshrl.u32 s6, $0x2;
	s2 =	sadd.s32 s2, s1;
	s1 =	sadd.s32 s5, s1  }
0xc: {  	s29 =	sadd.s32 s6, s3;
	s5 =	sshrl.u32 s24, $0x2;
	s25 =	sadd.s32 $0x7600, s2  }
0xd: {  	s6 =	sadd.s32 $0x11240, s2;
	s7 =	sadd.s32 s7, s29;
	s8 =	sadd.s32 s5, s3  }
0xe: {  	s24 =	sadd.s32 $0x1B000, s1;
	s2 =	simm.s32 $0x400;
	s1 =	simm.s32 $0x1AF80  }
0xf: {  	[dreg:$0x5] =	wrdreg s25;
	s9 =	sadd.s32 $0x80, s8;
	s10 =	sadd.s32 $0x100, s8  }
0x10: {  	s11 =	sadd.s32 $0x180, s8;
	s12 =	sadd.s32 $0x200, s8;
	s13 =	sadd.s32 $0x280, s8  }
0x11: {  	s14 =	sadd.s32 $0x300, s8;
	s15 =	sadd.s32 $0x380, s8;
	s16 =	sadd.s32 $0x14000, s8  }
0x12: {  	v2 =	vlaneseq.u32;
	s17 =	sadd.s32 $0x14080, s8;
	s18 =	sadd.s32 $0x14100, s8;
	s19 =	sadd.s32 $0x14180, s8  }
0x13: {  	v1 =	vand.u32 $0x7, v2;
	v2 =	vmul.u32 $0x8, v2;
	s20 =	sadd.s32 $0x14200, s8;
	s21 =	sadd.s32 $0x14280, s8;
	s22 =	sadd.s32 $0x14300, s8  }
0x14: {  	v0 =	vimm.f32 $0.0e+00;
	vm0 =	vcmask $0x3F20;
	s23 =	sadd.s32 $0x14380, s8;
	s25 =	smax.u32 s0, $0x1;
	s0 =	simm.s32 $0x1B200  }
.LBB2_1:
0x15: {  	s3 =	rddreg [dreg:$0x0]  }
0x16: {  	[tilespmem:s4], [sflag:$0x1] =	stream.linear.gather [hbm4b:s3+s4], $0x2710, $0x38;
	[tilespmem:$0x1DC80] =	vst v63  }
0x17: {  	_ =	swait.ge [sflag:s26], $0x2710  }
0x18: {  	[sflag:s26] =	ssyncset.done $0x0  }
0x19: {  	s5 =	simm.s32 $0x2800;
	s29 =	rddreg [dreg:$0x5];
	[sflag:s26] =	ssyncadd.s32 $0xFFFFD8F0  }
0x1a: {  	[tilespmem:s5], [sflag:$0x1] =	stream.linear.gather [hbm4b:s29+s4], $0x2710, $0x38;
	[tilespmem:$0x1DC80] =	vst v63  }
0x1b: {  	_ =	swait.ge [sflag:s26], $0x2710  }
0x1c: {  	[sflag:s26] =	ssyncset.done $0x0  }
0x1d: {  	s5 =	simm.s32 $0x4F80;
	[sflag:s26] =	ssyncadd.s32 $0xFFFFD8F0  }
0x1e: {  	[tilespmem:s5], [sflag:$0x1] =	stream.linear.gather [hbm4b:s6+s4], $0x2710, $0x38;
	[tilespmem:$0x1DC80] =	vst v63  }
0x1f: {  	_ =	swait.ge [sflag:s26], $0x2710  }
0x20: {  	[sflag:s26] =	ssyncset.done $0x0  }
0x21: {  	[sflag:s26] =	ssyncadd.s32 $0xFFFFD8F0  }
0x22: {  	s29 =	rddreg [dreg:$0x2]  }
0x23: {  	[tilespmem:s30], [sflag:$0x1] =	stream.linear.gather [hbm4b:s29+s4], $0x13880, $0x38;
	[tilespmem:$0x1DC80] =	vst v63  }
0x24: {  	_ =	swait.ge [sflag:s26], $0x13880  }
0x25: {  	[sflag:s26] =	ssyncset.done $0x0  }
0x26: {  	[sflag:s26] =	ssyncadd.s32 $0xFFFEC780  }
0x27: {  	[tilespmem:$0x2710] =	vst v0  }
0x28: {  	[tilespmem:$0x2720] =	vst v0  }
0x29: {  	[tilespmem:$0x2730] =	vst v0  }
0x2a: {  	[tilespmem:$0x2740] =	vst v0  }
0x2b: {  	[tilespmem:$0x2750] =	vst v0  }
0x2c: {  	[tilespmem:$0x2760] =	vst v0  }
0x2d: {  	[tilespmem:$0x2770] =	vst v0  }
0x2e: {  	[tilespmem:$0x2780] =	vst v0  }
0x2f: {  	[tilespmem:$0x2790] =	vst v0  }
0x30: {  	[tilespmem:$0x27A0] =	vst v0  }
0x31: {  	[tilespmem:$0x27B0] =	vst v0  }
0x32: {  	[tilespmem:$0x27C0] =	vst v0  }
0x33: {  	[tilespmem:$0x27D0] =	vst v0  }
0x34: {  	[tilespmem:$0x27E0] =	vst v0  }
0x35: {  	s5 =	simm.s32 $0x0;
	[tilespmem:$0x27F0] =	vst v0  }
0x36: {  	s3 =	simm.s32 $0x40;
	v3 =	vld [tilespmem:s5+$0x2800]  }
.LBB2_2:
0x37: {  	p0 =	sne.s32 s3, $0x9C00;
	_ =	sdelay $0x1  }
0x38: {  	v4 =	vld [tilespmem:s5+$0x4F80];
	_ =	sdelay $0x3  }
0x39: {  	s29 =	simm.s32 $0x0  }
0x3a: {  	v3 =	vld.idx.msk [tilespmem:v3+s29+$0x0], $0xffff;
	v4 =	vshll.u32 v4, $0x3  }
0x3b: {  	v4 =	vor.u32 v1, v4;
	_ =	sdelay $0x2  }
.Ltmp0:
0x3c: {  	(pc) =	sbr.rel @p0 .LBB2_2-.Ltmp0, $4  }
0x3d: {  	_ = 	snop  }
0x3e: {  	[tilespmem:v4+s30+$0x0] =	vst.idx.add.f32.msk $0xff, v3  }
0x3f: {  	s5 =	sshra.s32 s3, $0x2;
	[tilespmem:v4+s30+$0x0] =	vst.idx.add.f32.msk vm0, v3  }
0x40: {  	s3 =	sadd.s32 $0x40, s3;
	v3 =	vld [tilespmem:s5+$0x2800]  }
0x41: {  	_ =	sdelay $0x1  }
0x42: {  	v4 =	vld [tilespmem:s5+$0x4F80];
	_ =	sdelay $0x4  }
0x43: {  	v5 =	vmov s29;
	v4 =	vshll.u32 v4, $0x3  }
0x44: {  	v5 =	vshll.u32 v5, $0x3;
	v3 =	vld.idx.msk [tilespmem:v3+s29+$0x0], $0xffff;
	v4 =	vor.u32 v1, v4  }
0x45: {  	v5 =	vor.u32 v2, v5  }
0x46: {  	v6 =	vor.u32 $0x1, v5;
	_ =	sdelay $0x2  }
0x47: {  	v7 =	vor.u32 $0x2, v5;
	[tilespmem:v4+s30+$0x0] =	vst.idx.add.f32.msk $0xff, v3  }
0x48: {  	[tilespmem:v4+s30+$0x0] =	vst.idx.add.f32.msk vm0, v3  }
0x49: {  	v4 =	vor.u32 $0x3, v5;
	v3 =	vld.idx.msk [tilespmem:v6+s30+$0x0], $0xffff  }
0x4a: {  	v6 =	vld.idx.msk [tilespmem:v5+s30+$0x0], $0xffff  }
0x4b: {  	v8 =	vor.u32 $0x4, v5  }
0x4c: {  	v7 =	vld.idx.msk [tilespmem:v7+s30+$0x0], $0xffff  }
0x4d: {  	v9 =	vor.u32 $0x5, v5  }
0x4e: {  	v4 =	vld.idx.msk [tilespmem:v4+s30+$0x0], $0xffff  }
0x4f: {  	v10 =	vor.u32 $0x6, v5;
	v3 =	vadd.f32 v3, v6  }
0x50: {  	v6 =	vld.idx.msk [tilespmem:v8+s30+$0x0], $0xffff  }
0x51: {  	v5 =	vor.u32 $0x7, v5;
	v3 =	vadd.f32 v7, v3  }
0x52: {  	v7 =	vld.idx.msk [tilespmem:v9+s30+$0x0], $0xffff  }
0x53: {  	v3 =	vadd.f32 v4, v3  }
0x54: {  	v4 =	vld.idx.msk [tilespmem:v10+s30+$0x0], $0xffff  }
0x55: {  	s3 =	simm.s32 $0x10;
	v3 =	vadd.f32 v6, v3  }
0x56: {  	v5 =	vld.idx.msk [tilespmem:v5+s30+$0x0], $0xffff;
	v6 =	vmov s3  }
0x57: {  	v6 =	vshll.u32 v6, $0x3;
	v3 =	vadd.f32 v7, v3  }
0x58: {  	v6 =	vor.u32 v2, v6  }
0x59: {  	v7 =	vor.u32 $0x1, v6;
	v3 =	vadd.f32 v4, v3;
	_ =	sdelay $0x1  }
0x5a: {  	v3 =	vadd.f32 v5, v3  }
0x5b: {  	v4 =	vor.u32 $0x2, v6  }
0x5c: {  	[tilespmem:s29+$0x0] =	vst v3  }
0x5d: {  	v5 =	vor.u32 $0x3, v6;
	v3 =	vld.idx.msk [tilespmem:v7+s30+$0x0], $0xffff  }
0x5e: {  	v7 =	vld.idx.msk [tilespmem:v6+s30+$0x0], $0xffff  }
0x5f: {  	v8 =	vor.u32 $0x4, v6  }
0x60: {  	v4 =	vld.idx.msk [tilespmem:v4+s30+$0x0], $0xffff;
	_ =	sdelay $0x1  }
0x61: {  	v63 =	vor.u32 $0x5, v6;
	v5 =	vld.idx.msk [tilespmem:v5+s30+$0x0], $0xffff  }
0x62: {  	v3 =	vadd.f32 v3, v7  }
0x63: {  	v7 =	vld.idx.msk [tilespmem:v8+s30+$0x0], $0xffff;
	v8 =	vor.u32 $0x6, v6  }
0x64: {  	v3 =	vadd.f32 v4, v3  }
0x65: {  	v4 =	vor.u32 $0x7, v6  }
0x66: {  	v9 =	vld.idx.msk [tilespmem:v63+s30+$0x0], $0xffff;
	v3 =	vadd.f32 v5, v3;
	_ =	sdelay $0x1  }
0x67: {  	v5 =	vadd.f32 v7, v3;
	v3 =	vld.idx.msk [tilespmem:v8+s30+$0x0], $0xffff  }
0x68: {  	s5 =	simm.s32 $0x20  }
0x69: {  	v6 =	vmov s5;
	v4 =	vld.idx.msk [tilespmem:v4+s30+$0x0], $0xffff  }
0x6a: {  	s3 =	simm.s32 $0x30;
	v6 =	vshll.u32 v6, $0x3;
	v5 =	vadd.f32 v9, v5  }
.LBB2_4:
0x6b: {  	p0 =	sne.s32 s3, $0x2700;
	v6 =	vor.u32 v2, v6  }
0x6c: {  	v7 =	vor.u32 $0x1, v6;
	v3 =	vadd.f32 v3, v5;
	_ =	sdelay $0x1  }
0x6d: {  	v3 =	vadd.f32 v4, v3  }
0x6e: {  	s29 =	sadd.s32 $0x10, s29;
	v4 =	vor.u32 $0x2, v6  }
0x6f: {  	[tilespmem:s29+$0x0] =	vst v3  }
0x70: {  	v5 =	vor.u32 $0x3, v6;
	v3 =	vld.idx.msk [tilespmem:v7+s30+$0x0], $0xffff  }
0x71: {  	v7 =	vld.idx.msk [tilespmem:v6+s30+$0x0], $0xffff  }
0x72: {  	v8 =	vor.u32 $0x4, v6  }
0x73: {  	v4 =	vld.idx.msk [tilespmem:v4+s30+$0x0], $0xffff  }
0x74: {  	v9 =	vor.u32 $0x5, v6  }
0x75: {  	v5 =	vld.idx.msk [tilespmem:v5+s30+$0x0], $0xffff  }
0x76: {  	v10 =	vor.u32 $0x6, v6  }
0x77: {  	v3 =	vadd.f32 v3, v7;
	v7 =	vld.idx.msk [tilespmem:v8+s30+$0x0], $0xffff  }
0x78: {  	v6 =	vor.u32 $0x7, v6  }
0x79: {  	v3 =	vadd.f32 v4, v3;
	v8 =	vld.idx.msk [tilespmem:v9+s30+$0x0], $0xffff;
	_ =	sdelay $0x1  }
.Ltmp1:
0x7a: {  	v4 =	vadd.f32 v5, v3;
	v3 =	vld.idx.msk [tilespmem:v10+s30+$0x0], $0xffff;
	(pc) =	sbr.rel @p0 .LBB2_4-.Ltmp1, $4  }
0x7b: {  	_ = 	snop  }
0x7c: {  	v5 =	vadd.f32 v7, v4;
	v4 =	vld.idx.msk [tilespmem:v6+s30+$0x0], $0xffff  }
0x7d: {  	v6 =	vmov s3  }
0x7e: {  	s3 =	sadd.s32 $0x10, s3;
	v6 =	vshll.u32 v6, $0x3;
	v5 =	vadd.f32 v8, v5  }
0x7f: {  	v6 =	vor.u32 v2, v6  }
0x80: {  	v7 =	vor.u32 $0x1, v6;
	v3 =	vadd.f32 v3, v5;
	_ =	sdelay $0x1  }
0x81: {  	v3 =	vadd.f32 v4, v3  }
0x82: {  	s3 =	sadd.s32 $0x10, s29;
	v4 =	vor.u32 $0x2, v6  }
0x83: {  	[tilespmem:s3+$0x0] =	vst v3  }
0x84: {  	v5 =	vor.u32 $0x3, v6;
	v3 =	vld.idx.msk [tilespmem:v7+s30+$0x0], $0xffff  }
0x85: {  	v62 =	vld.idx.msk [tilespmem:v6+s30+$0x0], $0xffff  }
0x86: {  	v8 =	vor.u32 $0x4, v6  }
0x87: {  	v4 =	vld.idx.msk [tilespmem:v4+s30+$0x0], $0xffff  }
0x88: {  	v9 =	vor.u32 $0x5, v6  }
0x89: {  	v5 =	vld.idx.msk [tilespmem:v5+s30+$0x0], $0xffff  }
0x8a: {  	v10 =	vor.u32 $0x6, v6;
	v3 =	vadd.f32 v3, v62  }
0x8b: {  	v63 =	vld.idx.msk [tilespmem:v8+s30+$0x0], $0xffff  }
0x8c: {  	v6 =	vor.u32 $0x7, v6;
	v3 =	vadd.f32 v4, v3  }
0x8d: {  	v4 =	vld.idx.msk [tilespmem:v9+s30+$0x0], $0xffff  }
0x8e: {  	v3 =	vadd.f32 v5, v3  }
0x8f: {  	v5 =	vld.idx.msk [tilespmem:v10+s30+$0x0], $0xffff  }
0x90: {  	v3 =	vadd.f32 v63, v3  }
0x91: {  	v6 =	vld.idx.msk [tilespmem:v6+s30+$0x0], $0xffff  }
0x92: {  	v3 =	vadd.f32 v4, v3;
	_ =	sdelay $0x1  }
0x93: {  	v3 =	vadd.f32 v5, v3;
	_ =	sdelay $0x1  }
0x94: {  	v3 =	vadd.f32 v6, v3  }
0x95: {  	s3 =	sadd.s32 $0x10, s3  }
0x96: {  	s5 =	simm.s32 $0x0;
	[tilespmem:s3+$0x0] =	vst v3  }
0x97: {  	[spmem:s7] =	stream.strided.scatter [tilespmem:s5], [sflag:$0x1], $0x2800, s2, s31, $0x38;
	[tilespmem:$0x1DC80] =	vst v63  }
0x98: {  	_ =	swait.ge [sflag:s26], $0x2800  }
0x99: {  	[sflag:s26] =	ssyncset.done $0x0  }
0x9a: {  	[sflag:s26] =	ssyncadd.s32 $0xFFFFD800  }
0x9b: {  	[bflag:$0x0] =	sbarrier.arrive $0xFFFF  }
0x9c: {  	[tilespmem:s0], [sflag:$0x1] =	stream.strided.gather [spmem:s8], $0x280, s2, s31, $0x38;
	[tilespmem:$0x1DC80] =	vst v63  }
0x9d: {  	_ =	swait.ge [sflag:s26], $0x280  }
0x9e: {  	[sflag:s26] =	ssyncset.done $0x0  }
0x9f: {  	[sflag:s26] =	ssyncadd.s32 $0xFFFFFD80  }
0xa0: {  	[tilespmem:s1], [sflag:$0x1] =	stream.strided.gather [spmem:s9], $0x280, s2, s31, $0x38;
	[tilespmem:$0x1DC80] =	vst v63  }
0xa1: {  	_ =	swait.ge [sflag:s26], $0x280  }
0xa2: {  	[sflag:s26] =	ssyncset.done $0x0  }
0xa3: {  	s3 =	simm.s32 $0x0;
	[sflag:s26] =	ssyncadd.s32 $0xFFFFFD80  }
0xa4: {  	s29 =	simm.s32 $0x40;
	v3 =	vld [tilespmem:s3+$0x1AF80]  }
.LBB2_6:
0xa5: {  	p0 =	sne.s32 s29, $0x9C0;
	v4 =	vld [tilespmem:s3+$0x1B200];
	_ =	sdelay $0x2  }
.Ltmp2:
0xa6: {  	(pc) =	sbr.rel @p0 .LBB2_6-.Ltmp2, $4  }
0xa7: {  	_ = 	snop  }
0xa8: {  	v4 =	vadd.f32 v3, v4  }
0xa9: {  	s5 =	sshra.s32 s29, $0x2  }
0xaa: {  	s29 =	sadd.s32 $0x40, s29;
	v3 =	vld [tilespmem:s5+$0x1AF80];
	[tilespmem:s3+$0x1B200] =	vst v4;
	s3 =	smov.u32 s5  }
0xab: {  	v4 =	vld [tilespmem:s3+$0x1B200];
	_ =	sdelay $0x4  }
0xac: {  	v3 =	vadd.f32 v3, v4;
	_ =	sdelay $0x1  }
0xad: {  	[tilespmem:s3+$0x1B200] =	vst v3  }
0xae: {  	[tilespmem:s1], [sflag:$0x1] =	stream.strided.gather [spmem:s10], $0x280, s2, s31, $0x38;
	[tilespmem:$0x1DC80] =	vst v63  }
0xaf: {  	_ =	swait.ge [sflag:s26], $0x280  }
0xb0: {  	[sflag:s26] =	ssyncset.done $0x0  }
0xb1: {  	s3 =	simm.s32 $0x0;
	[sflag:s26] =	ssyncadd.s32 $0xFFFFFD80  }
0xb2: {  	s29 =	simm.s32 $0x40;
	v3 =	vld [tilespmem:s3+$0x1AF80]  }
.LBB2_8:
0xb3: {  	p0 =	sne.s32 s29, $0x9C0;
	v4 =	vld [tilespmem:s3+$0x1B200];
	_ =	sdelay $0x2  }
.Ltmp3:
0xb4: {  	(pc) =	sbr.rel @p0 .LBB2_8-.Ltmp3, $4  }
0xb5: {  	_ = 	snop  }
0xb6: {  	v4 =	vadd.f32 v3, v4  }
0xb7: {  	s5 =	sshra.s32 s29, $0x2  }
0xb8: {  	s29 =	sadd.s32 $0x40, s29;
	v3 =	vld [tilespmem:s5+$0x1AF80];
	[tilespmem:s3+$0x1B200] =	vst v4;
	s3 =	smov.u32 s5  }
0xb9: {  	v4 =	vld [tilespmem:s3+$0x1B200];
	_ =	sdelay $0x4  }
0xba: {  	v3 =	vadd.f32 v3, v4;
	_ =	sdelay $0x1  }
0xbb: {  	[tilespmem:s3+$0x1B200] =	vst v3  }
0xbc: {  	[tilespmem:s1], [sflag:$0x1] =	stream.strided.gather [spmem:s11], $0x280, s2, s31, $0x38;
	[tilespmem:$0x1DC80] =	vst v63  }
0xbd: {  	_ =	swait.ge [sflag:s26], $0x280  }
0xbe: {  	[sflag:s26] =	ssyncset.done $0x0  }
0xbf: {  	s3 =	simm.s32 $0x0;
	[sflag:s26] =	ssyncadd.s32 $0xFFFFFD80  }
0xc0: {  	s29 =	simm.s32 $0x40;
	v3 =	vld [tilespmem:s3+$0x1AF80]  }
.LBB2_10:
0xc1: {  	p0 =	sne.s32 s29, $0x9C0;
	v4 =	vld [tilespmem:s3+$0x1B200];
	_ =	sdelay $0x2  }
.Ltmp4:
0xc2: {  	(pc) =	sbr.rel @p0 .LBB2_10-.Ltmp4, $4  }
0xc3: {  	_ = 	snop  }
0xc4: {  	v4 =	vadd.f32 v3, v4  }
0xc5: {  	s5 =	sshra.s32 s29, $0x2  }
0xc6: {  	s29 =	sadd.s32 $0x40, s29;
	v3 =	vld [tilespmem:s5+$0x1AF80];
	[tilespmem:s3+$0x1B200] =	vst v4;
	s3 =	smov.u32 s5  }
0xc7: {  	v4 =	vld [tilespmem:s3+$0x1B200];
	_ =	sdelay $0x4  }
0xc8: {  	v3 =	vadd.f32 v3, v4;
	_ =	sdelay $0x1  }
0xc9: {  	[tilespmem:s3+$0x1B200] =	vst v3  }
0xca: {  	[tilespmem:s1], [sflag:$0x1] =	stream.strided.gather [spmem:s12], $0x280, s2, s31, $0x38;
	[tilespmem:$0x1DC80] =	vst v63  }
0xcb: {  	_ =	swait.ge [sflag:s26], $0x280  }
0xcc: {  	[sflag:s26] =	ssyncset.done $0x0  }
0xcd: {  	s3 =	simm.s32 $0x0;
	[sflag:s26] =	ssyncadd.s32 $0xFFFFFD80  }
0xce: {  	s29 =	simm.s32 $0x40;
	v3 =	vld [tilespmem:s3+$0x1AF80]  }
.LBB2_12:
0xcf: {  	p0 =	sne.s32 s29, $0x9C0;
	v4 =	vld [tilespmem:s3+$0x1B200];
	_ =	sdelay $0x2  }
.Ltmp5:
0xd0: {  	(pc) =	sbr.rel @p0 .LBB2_12-.Ltmp5, $4  }
0xd1: {  	_ = 	snop  }
0xd2: {  	v4 =	vadd.f32 v3, v4  }
0xd3: {  	s5 =	sshra.s32 s29, $0x2  }
0xd4: {  	s29 =	sadd.s32 $0x40, s29;
	v3 =	vld [tilespmem:s5+$0x1AF80];
	[tilespmem:s3+$0x1B200] =	vst v4;
	s3 =	smov.u32 s5  }
0xd5: {  	v4 =	vld [tilespmem:s3+$0x1B200];
	_ =	sdelay $0x4  }
0xd6: {  	v3 =	vadd.f32 v3, v4;
	_ =	sdelay $0x1  }
0xd7: {  	[tilespmem:s3+$0x1B200] =	vst v3  }
0xd8: {  	[tilespmem:s1], [sflag:$0x1] =	stream.strided.gather [spmem:s13], $0x280, s2, s31, $0x38;
	[tilespmem:$0x1DC80] =	vst v63  }
0xd9: {  	_ =	swait.ge [sflag:s26], $0x280  }
0xda: {  	[sflag:s26] =	ssyncset.done $0x0  }
0xdb: {  	s3 =	simm.s32 $0x0;
	[sflag:s26] =	ssyncadd.s32 $0xFFFFFD80  }
0xdc: {  	s29 =	simm.s32 $0x40;
	v3 =	vld [tilespmem:s3+$0x1AF80]  }
.LBB2_14:
0xdd: {  	p0 =	sne.s32 s29, $0x9C0;
	v4 =	vld [tilespmem:s3+$0x1B200];
	_ =	sdelay $0x2  }
.Ltmp6:
0xde: {  	(pc) =	sbr.rel @p0 .LBB2_14-.Ltmp6, $4  }
0xdf: {  	_ = 	snop  }
0xe0: {  	v4 =	vadd.f32 v3, v4  }
0xe1: {  	s5 =	sshra.s32 s29, $0x2  }
0xe2: {  	s29 =	sadd.s32 $0x40, s29;
	v3 =	vld [tilespmem:s5+$0x1AF80];
	[tilespmem:s3+$0x1B200] =	vst v4;
	s3 =	smov.u32 s5  }
0xe3: {  	v4 =	vld [tilespmem:s3+$0x1B200];
	_ =	sdelay $0x4  }
0xe4: {  	v3 =	vadd.f32 v3, v4;
	_ =	sdelay $0x1  }
0xe5: {  	[tilespmem:s3+$0x1B200] =	vst v3  }
0xe6: {  	[tilespmem:s1], [sflag:$0x1] =	stream.strided.gather [spmem:s14], $0x280, s2, s31, $0x38;
	[tilespmem:$0x1DC80] =	vst v63  }
0xe7: {  	_ =	swait.ge [sflag:s26], $0x280  }
0xe8: {  	[sflag:s26] =	ssyncset.done $0x0  }
0xe9: {  	s3 =	simm.s32 $0x0;
	[sflag:s26] =	ssyncadd.s32 $0xFFFFFD80  }
0xea: {  	s29 =	simm.s32 $0x40;
	v3 =	vld [tilespmem:s3+$0x1AF80]  }
.LBB2_16:
0xeb: {  	p0 =	sne.s32 s29, $0x9C0;
	v4 =	vld [tilespmem:s3+$0x1B200];
	_ =	sdelay $0x2  }
.Ltmp7:
0xec: {  	(pc) =	sbr.rel @p0 .LBB2_16-.Ltmp7, $4  }
0xed: {  	_ = 	snop  }
0xee: {  	v4 =	vadd.f32 v3, v4  }
0xef: {  	s5 =	sshra.s32 s29, $0x2  }
0xf0: {  	s29 =	sadd.s32 $0x40, s29;
	v3 =	vld [tilespmem:s5+$0x1AF80];
	[tilespmem:s3+$0x1B200] =	vst v4;
	s3 =	smov.u32 s5  }
0xf1: {  	v4 =	vld [tilespmem:s3+$0x1B200];
	_ =	sdelay $0x4  }
0xf2: {  	v3 =	vadd.f32 v3, v4;
	_ =	sdelay $0x1  }
0xf3: {  	[tilespmem:s3+$0x1B200] =	vst v3  }
0xf4: {  	[tilespmem:s1], [sflag:$0x1] =	stream.strided.gather [spmem:s15], $0x280, s2, s31, $0x38;
	[tilespmem:$0x1DC80] =	vst v63  }
0xf5: {  	_ =	swait.ge [sflag:s26], $0x280  }
0xf6: {  	[sflag:s26] =	ssyncset.done $0x0  }
0xf7: {  	s3 =	simm.s32 $0x0;
	[sflag:s26] =	ssyncadd.s32 $0xFFFFFD80  }
0xf8: {  	s29 =	simm.s32 $0x40;
	v3 =	vld [tilespmem:s3+$0x1AF80]  }
.LBB2_18:
0xf9: {  	p0 =	sne.s32 s29, $0x9C0;
	v4 =	vld [tilespmem:s3+$0x1B200];
	_ =	sdelay $0x2  }
.Ltmp8:
0xfa: {  	(pc) =	sbr.rel @p0 .LBB2_18-.Ltmp8, $4  }
0xfb: {  	_ = 	snop  }
0xfc: {  	v4 =	vadd.f32 v3, v4  }
0xfd: {  	s5 =	sshra.s32 s29, $0x2  }
0xfe: {  	s29 =	sadd.s32 $0x40, s29;
	v3 =	vld [tilespmem:s5+$0x1AF80];
	[tilespmem:s3+$0x1B200] =	vst v4;
	s3 =	smov.u32 s5  }
0xff: {  	v4 =	vld [tilespmem:s3+$0x1B200];
	_ =	sdelay $0x4  }
0x100: {  	v3 =	vadd.f32 v3, v4;
	_ =	sdelay $0x1  }
0x101: {  	[tilespmem:s3+$0x1B200] =	vst v3  }
0x102: {  	[tilespmem:s1], [sflag:$0x1] =	stream.strided.gather [spmem:s16], $0x280, s2, s31, $0x38;
	[tilespmem:$0x1DC80] =	vst v63  }
0x103: {  	_ =	swait.ge [sflag:s26], $0x280  }
0x104: {  	[sflag:s26] =	ssyncset.done $0x0  }
0x105: {  	s3 =	simm.s32 $0x0;
	[sflag:s26] =	ssyncadd.s32 $0xFFFFFD80  }
0x106: {  	s29 =	simm.s32 $0x40;
	v3 =	vld [tilespmem:s3+$0x1AF80]  }
.LBB2_20:
0x107: {  	p0 =	sne.s32 s29, $0x9C0;
	v4 =	vld [tilespmem:s3+$0x1B200];
	_ =	sdelay $0x2  }
.Ltmp9:
0x108: {  	(pc) =	sbr.rel @p0 .LBB2_20-.Ltmp9, $4  }
0x109: {  	_ = 	snop  }
0x10a: {  	v4 =	vadd.f32 v3, v4  }
0x10b: {  	s5 =	sshra.s32 s29, $0x2  }
0x10c: {  	s29 =	sadd.s32 $0x40, s29;
	v3 =	vld [tilespmem:s5+$0x1AF80];
	[tilespmem:s3+$0x1B200] =	vst v4;
	s3 =	smov.u32 s5  }
0x10d: {  	v4 =	vld [tilespmem:s3+$0x1B200];
	_ =	sdelay $0x4  }
0x10e: {  	v3 =	vadd.f32 v3, v4;
	_ =	sdelay $0x1  }
0x10f: {  	[tilespmem:s3+$0x1B200] =	vst v3  }
0x110: {  	[tilespmem:s1], [sflag:$0x1] =	stream.strided.gather [spmem:s17], $0x280, s2, s31, $0x38;
	[tilespmem:$0x1DC80] =	vst v63  }
0x111: {  	_ =	swait.ge [sflag:s26], $0x280  }
0x112: {  	[sflag:s26] =	ssyncset.done $0x0  }
0x113: {  	s3 =	simm.s32 $0x0;
	[sflag:s26] =	ssyncadd.s32 $0xFFFFFD80  }
0x114: {  	s29 =	simm.s32 $0x40;
	v3 =	vld [tilespmem:s3+$0x1AF80]  }
.LBB2_22:
0x115: {  	p0 =	sne.s32 s29, $0x9C0;
	v4 =	vld [tilespmem:s3+$0x1B200];
	_ =	sdelay $0x2  }
.Ltmp10:
0x116: {  	(pc) =	sbr.rel @p0 .LBB2_22-.Ltmp10, $4  }
0x117: {  	_ = 	snop  }
0x118: {  	v4 =	vadd.f32 v3, v4  }
0x119: {  	s5 =	sshra.s32 s29, $0x2  }
0x11a: {  	s29 =	sadd.s32 $0x40, s29;
	v3 =	vld [tilespmem:s5+$0x1AF80];
	[tilespmem:s3+$0x1B200] =	vst v4;
	s3 =	smov.u32 s5  }
0x11b: {  	v4 =	vld [tilespmem:s3+$0x1B200];
	_ =	sdelay $0x4  }
0x11c: {  	v3 =	vadd.f32 v3, v4;
	_ =	sdelay $0x1  }
0x11d: {  	[tilespmem:s3+$0x1B200] =	vst v3  }
0x11e: {  	[tilespmem:s1], [sflag:$0x1] =	stream.strided.gather [spmem:s18], $0x280, s2, s31, $0x38;
	[tilespmem:$0x1DC80] =	vst v63  }
0x11f: {  	_ =	swait.ge [sflag:s26], $0x280  }
0x120: {  	[sflag:s26] =	ssyncset.done $0x0  }
0x121: {  	s3 =	simm.s32 $0x0;
	[sflag:s26] =	ssyncadd.s32 $0xFFFFFD80  }
0x122: {  	s29 =	simm.s32 $0x40;
	v3 =	vld [tilespmem:s3+$0x1AF80]  }
.LBB2_24:
0x123: {  	p0 =	sne.s32 s29, $0x9C0;
	v4 =	vld [tilespmem:s3+$0x1B200];
	_ =	sdelay $0x2  }
.Ltmp11:
0x124: {  	(pc) =	sbr.rel @p0 .LBB2_24-.Ltmp11, $4  }
0x125: {  	_ = 	snop  }
0x126: {  	v4 =	vadd.f32 v3, v4  }
0x127: {  	s5 =	sshra.s32 s29, $0x2  }
0x128: {  	s29 =	sadd.s32 $0x40, s29;
	v3 =	vld [tilespmem:s5+$0x1AF80];
	[tilespmem:s3+$0x1B200] =	vst v4;
	s3 =	smov.u32 s5  }
0x129: {  	v4 =	vld [tilespmem:s3+$0x1B200];
	_ =	sdelay $0x4  }
0x12a: {  	v3 =	vadd.f32 v3, v4;
	_ =	sdelay $0x1  }
0x12b: {  	[tilespmem:s3+$0x1B200] =	vst v3  }
0x12c: {  	[tilespmem:s1], [sflag:$0x1] =	stream.strided.gather [spmem:s19], $0x280, s2, s31, $0x38;
	[tilespmem:$0x1DC80] =	vst v63  }
0x12d: {  	_ =	swait.ge [sflag:s26], $0x280  }
0x12e: {  	[sflag:s26] =	ssyncset.done $0x0  }
0x12f: {  	s3 =	simm.s32 $0x0;
	[sflag:s26] =	ssyncadd.s32 $0xFFFFFD80  }
0x130: {  	s29 =	simm.s32 $0x40;
	v3 =	vld [tilespmem:s3+$0x1AF80]  }
.LBB2_26:
0x131: {  	p0 =	sne.s32 s29, $0x9C0;
	v4 =	vld [tilespmem:s3+$0x1B200];
	_ =	sdelay $0x2  }
.Ltmp12:
0x132: {  	(pc) =	sbr.rel @p0 .LBB2_26-.Ltmp12, $4  }
0x133: {  	_ = 	snop  }
0x134: {  	v4 =	vadd.f32 v3, v4  }
0x135: {  	s5 =	sshra.s32 s29, $0x2  }
0x136: {  	s29 =	sadd.s32 $0x40, s29;
	v3 =	vld [tilespmem:s5+$0x1AF80];
	[tilespmem:s3+$0x1B200] =	vst v4;
	s3 =	smov.u32 s5  }
0x137: {  	v4 =	vld [tilespmem:s3+$0x1B200];
	_ =	sdelay $0x4  }
0x138: {  	v3 =	vadd.f32 v3, v4;
	_ =	sdelay $0x1  }
0x139: {  	[tilespmem:s3+$0x1B200] =	vst v3  }
0x13a: {  	[tilespmem:s1], [sflag:$0x1] =	stream.strided.gather [spmem:s20], $0x280, s2, s31, $0x38;
	[tilespmem:$0x1DC80] =	vst v63  }
0x13b: {  	_ =	swait.ge [sflag:s26], $0x280  }
0x13c: {  	[sflag:s26] =	ssyncset.done $0x0  }
0x13d: {  	s3 =	simm.s32 $0x0;
	[sflag:s26] =	ssyncadd.s32 $0xFFFFFD80  }
0x13e: {  	s29 =	simm.s32 $0x40;
	v3 =	vld [tilespmem:s3+$0x1AF80]  }
.LBB2_28:
0x13f: {  	p0 =	sne.s32 s29, $0x9C0;
	v4 =	vld [tilespmem:s3+$0x1B200];
	_ =	sdelay $0x2  }
.Ltmp13:
0x140: {  	(pc) =	sbr.rel @p0 .LBB2_28-.Ltmp13, $4  }
0x141: {  	_ = 	snop  }
0x142: {  	v4 =	vadd.f32 v3, v4  }
0x143: {  	s5 =	sshra.s32 s29, $0x2  }
0x144: {  	s29 =	sadd.s32 $0x40, s29;
	v3 =	vld [tilespmem:s5+$0x1AF80];
	[tilespmem:s3+$0x1B200] =	vst v4;
	s3 =	smov.u32 s5  }
0x145: {  	v4 =	vld [tilespmem:s3+$0x1B200];
	_ =	sdelay $0x4  }
0x146: {  	v3 =	vadd.f32 v3, v4;
	_ =	sdelay $0x1  }
0x147: {  	[tilespmem:s3+$0x1B200] =	vst v3  }
0x148: {  	[tilespmem:s1], [sflag:$0x1] =	stream.strided.gather [spmem:s21], $0x280, s2, s31, $0x38;
	[tilespmem:$0x1DC80] =	vst v63  }
0x149: {  	_ =	swait.ge [sflag:s26], $0x280  }
0x14a: {  	[sflag:s26] =	ssyncset.done $0x0  }
0x14b: {  	s3 =	simm.s32 $0x0;
	[sflag:s26] =	ssyncadd.s32 $0xFFFFFD80  }
0x14c: {  	s29 =	simm.s32 $0x40;
	v3 =	vld [tilespmem:s3+$0x1AF80]  }
.LBB2_30:
0x14d: {  	p0 =	sne.s32 s29, $0x9C0;
	v4 =	vld [tilespmem:s3+$0x1B200];
	_ =	sdelay $0x2  }
.Ltmp14:
0x14e: {  	(pc) =	sbr.rel @p0 .LBB2_30-.Ltmp14, $4  }
0x14f: {  	_ = 	snop  }
0x150: {  	v4 =	vadd.f32 v3, v4  }
0x151: {  	s5 =	sshra.s32 s29, $0x2  }
0x152: {  	s29 =	sadd.s32 $0x40, s29;
	v3 =	vld [tilespmem:s5+$0x1AF80];
	[tilespmem:s3+$0x1B200] =	vst v4;
	s3 =	smov.u32 s5  }
0x153: {  	v4 =	vld [tilespmem:s3+$0x1B200];
	_ =	sdelay $0x4  }
0x154: {  	v3 =	vadd.f32 v3, v4;
	_ =	sdelay $0x1  }
0x155: {  	[tilespmem:s3+$0x1B200] =	vst v3  }
0x156: {  	[tilespmem:s1], [sflag:$0x1] =	stream.strided.gather [spmem:s22], $0x280, s2, s31, $0x38;
	[tilespmem:$0x1DC80] =	vst v63  }
0x157: {  	_ =	swait.ge [sflag:s26], $0x280  }
0x158: {  	[sflag:s26] =	ssyncset.done $0x0  }
0x159: {  	s3 =	simm.s32 $0x0;
	[sflag:s26] =	ssyncadd.s32 $0xFFFFFD80  }
0x15a: {  	s29 =	simm.s32 $0x40;
	v3 =	vld [tilespmem:s3+$0x1AF80]  }
.LBB2_32:
0x15b: {  	p0 =	sne.s32 s29, $0x9C0;
	v4 =	vld [tilespmem:s3+$0x1B200];
	_ =	sdelay $0x2  }
.Ltmp15:
0x15c: {  	(pc) =	sbr.rel @p0 .LBB2_32-.Ltmp15, $4  }
0x15d: {  	_ = 	snop  }
0x15e: {  	v4 =	vadd.f32 v3, v4  }
0x15f: {  	s5 =	sshra.s32 s29, $0x2  }
0x160: {  	s29 =	sadd.s32 $0x40, s29;
	v3 =	vld [tilespmem:s5+$0x1AF80];
	[tilespmem:s3+$0x1B200] =	vst v4;
	s3 =	smov.u32 s5  }
0x161: {  	v4 =	vld [tilespmem:s3+$0x1B200];
	_ =	sdelay $0x4  }
0x162: {  	v3 =	vadd.f32 v3, v4;
	_ =	sdelay $0x1  }
0x163: {  	[tilespmem:s3+$0x1B200] =	vst v3  }
0x164: {  	[tilespmem:s1], [sflag:$0x1] =	stream.strided.gather [spmem:s23], $0x280, s2, s31, $0x38;
	[tilespmem:$0x1DC80] =	vst v63  }
0x165: {  	_ =	swait.ge [sflag:s26], $0x280  }
0x166: {  	[sflag:s26] =	ssyncset.done $0x0  }
0x167: {  	s3 =	simm.s32 $0x0;
	[sflag:s26] =	ssyncadd.s32 $0xFFFFFD80  }
0x168: {  	s29 =	simm.s32 $0x40;
	v3 =	vld [tilespmem:s3+$0x1AF80]  }
.LBB2_34:
0x169: {  	p0 =	sne.s32 s29, $0x9C0;
	v4 =	vld [tilespmem:s3+$0x1B200];
	_ =	sdelay $0x2  }
.Ltmp16:
0x16a: {  	(pc) =	sbr.rel @p0 .LBB2_34-.Ltmp16, $4  }
0x16b: {  	_ = 	snop  }
0x16c: {  	v4 =	vadd.f32 v3, v4  }
0x16d: {  	s5 =	sshra.s32 s29, $0x2  }
0x16e: {  	s29 =	sadd.s32 $0x40, s29;
	v3 =	vld [tilespmem:s5+$0x1AF80];
	[tilespmem:s3+$0x1B200] =	vst v4;
	s3 =	smov.u32 s5  }
0x16f: {  	v4 =	vld [tilespmem:s3+$0x1B200];
	_ =	sdelay $0x4  }
0x170: {  	s28 =	sadd.s32 $0x1, s28;
	v3 =	vadd.f32 v3, v4  }
0x171: {  	p0 =	sne.s32 s28, s25  }
.Ltmp17:
0x172: {  	s29 =	simm.s32 $0x100;
	[tilespmem:s3+$0x1B200] =	vst v3;
	(pc) =	sbr.rel @p0 .LBB2_1-.Ltmp17, $4  }
0x173: {  	[hbm4b:s24+s31] =	stream.strided.scatter [tilespmem:s0], [sflag:$0x1], $0x280, s29, s31, $0x38;
	[tilespmem:$0x1DC80] =	vst v63  }
0x174: {  	_ =	swait.ge [sflag:s26], $0x280  }
0x175: {  	[sflag:s26] =	ssyncset.done $0x0  }
0x176: {  	[sflag:s26] =	ssyncadd.s32 $0xFFFFFD80  }
0x177: {  	_ =	sfence.sel $0x180000  }
0x178: {  	[bflag:$0x0] =	sbarrier.arrive $0xFFFF  }
0x179: {  	_ =	strace $0x90000047  }
0x17a: {  	s0 =	stileid.u32;
	[bflag:$0x2] =	sbarrier.arrive $0xFFFF  }
0x17b: {  	p0 =	sne.s32 s0, $0x0;
	s0 =	rddreg [dreg:$0x4]  }
0x17c: {  	s0 =	sadd.s32 @!p0 $0x100000, s0  }
0x17d: {  	[sflag:s0] =	ssyncadd.tile.s32 @!p0 $0x1;
	_ =	shalt  }
.Lfunc_end2:
_tile_overlayer_lowered:
.L_overlay_start_2:
0x17e: {  	(tag) =	ssettag $0x2  }
0x17f: {  	s0 =	rddreg [dreg:$0x0];
	s2 =	stileid.u32  }
0x180: {  	s1 =	rddreg [dreg:$0x1];
	p0 =	sne.s32 s2, $0x0  }
0x181: {  	s3 =	rddreg [dreg:$0x2];
	[bflag:$0x3] =	sbarrier.arrive $0xFFFF;
	s2 =	simm.s32 @!p0 $0x1C01  }
0x182: {  	[timem:s3], [sflag:s2] =	dma.local @!p0 [hbm:s0], s1  }
0x183: {  	s0 =	simm.s32 @!p0 $0x1  }
0x184: {  	_ =	swait.ge @!p0 [sflag:s0], s1  }
0x185: {  	s1 =	ssub.s32 @!p0 $0x0, s1;
	[sflag:s0] =	ssyncset.done @!p0 $0x0  }
0x186: {  	[sflag:s0] =	ssyncadd.s32 @!p0 s1  }
0x187: {  	[bflag:$0x3] =	sbarrier.arrive $0xFFFF  }
0x188: {  	_ =	shalt  }

// kernel: kernel.15.cloned.1.call-start
scs
__scs_entry_jumppad:
0x0: {  	(pc) =	sbr.rel $0x88, $3  }
0x1: {  	(tag) =	ssettag $0x0;
	lr =	simm.s32 $0x1  }
0x2: {  	[smem:$0x3F86] =	sst lr;
	_ =	strace $0xD0000000  }
0x3: {  	_ = 	snop  }
0x4: {  	_ = 	snop  }
0x5: {  	_ = 	snop  }
0x6: {  	_ = 	snop  }
0x7: {  	_ = 	snop  }
__scs_overlays_trampoline_lowered:
0x8: {  	[smem:$0x3F95] =	sst s0  }
0x9: {  	[smem:$0x3F96] =	sst s1  }
0xa: {  	[smem:$0x3F97] =	sst s2  }
0xb: {  	[smem:$0x3F98] =	sst s3  }
0xc: {  	[smem:$0x3F99] =	sst s4  }
0xd: {  	[smem:$0x3F9A] =	sst s5  }
0xe: {  	[smem:$0x3F9B] =	sst s6  }
0xf: {  	[smem:$0x3F9C] =	sst s7  }
0x10: {  	[smem:$0x3F9D] =	sst s8  }
0x11: {  	[smem:$0x3F9E] =	sst s9;
	s0 =	simm.s32 @!p0 $0x0  }
0x12: {  	s1 =	sld [smem:$0x3F84];
	s0 =	simm.s32 @p0 $0x1  }
0x13: {  	[smem:$0x3F9F] =	sst s0;
	s0 =	simm.s32 @!p1 $0x0  }
0x14: {  	s2 =	sld [smem:$0x3F83];
	s0 =	simm.s32 @p1 $0x1  }
0x15: {  	[smem:$0x3FA0] =	sst s0;
	s0 =	simm.s32 @!p2 $0x0  }
0x16: {  	s3 =	sld [smem:$0x3FDB];
	s0 =	simm.s32 @p2 $0x1  }
0x17: {  	s4 =	simm.s32 $0x1BF5;
	[smem:$0x3FA2] =	sst s0  }
0x18: {  	s0 =	sld [smem:$0x3F85];
	_ =	swait.ge [sflag:s4], $0x0  }
0x19: {  	s7 =	sld [smem:$0x3F86]  }
0x1a: {  	s8 =	sadd.s32 $0xFFFFE003, lr  }
0x1b: {  	s9 =	sadd.s32 $0xFFFFFEF7, lr;
	s5 =	simm.s32 $0xFFFFFFFF;
	p2 =	slt.u32 s8, $0xFFFFF086  }
0x1c: {  	p1 =	slt.u32 s9, $0xF7A;
	s5 =	simm.s32 @!p2 $0x0  }
0x1d: {  	s5 =	simm.s32 @p1 $0x1;
	p0 =	seq.s32 s7, s2  }
0x1e: {  	s7 =	smul.u32 @!p0 $0xF7A, s2;
	p2 =	seq.s32 @!p0 s5, $0x0  }
0x1f: {  	s9 =	smul.u32 $0xF7A, s1;
	s8 =	simm.s32 @!p0 $0x1BF5;
	p2 =	por !p2, p0  }
0x20: {  	[sflag:s8] =	ssyncset.s32 @!p0 $0xFFFFF086;
	s6 =	sadd.s32 @!p0 s3, s7;
	s7 =	simm.s32 @!p0 $0x108  }
0x21: {  	s3 =	sadd.s32 s3, s9;
	s6 =	sadd.s32 @!p0 $0x88, s6;
	s7 =	simm.s32 @p2 $0x1082  }
0x22: {  	[simem:s7], [sflag:s8] =	dma.local @!p0 [hbm:s6], $0xF7A  }
0x23: {  	s9 =	sor.u32 $0xD0000000, s2;
	s6 =	simm.s32 $0x108;
	_ =	swait.ge @!p0 [sflag:s8], $0x0  }
0x24: {  	s3 =	sadd.s32 $0x88, s3;
	s6 =	simm.s32 @!p1 $0x1082;
	[sflag:s4] =	ssyncset.s32 $0xFFFFF086  }
0x25: {  	[simem:s6], [sflag:s4] =	dma.local [hbm:s3], $0xF7A  }
0x26: {  	[smem:$0x3F86] =	sst s1;
	(tag) =	ssettag s2;
	_ =	strace s9  }
0x27: {  	s1 =	sld [smem:$0x3F96]  }
0x28: {  	s2 =	sld [smem:$0x3F97]  }
0x29: {  	s4 =	sld [smem:$0x3F99]  }
0x2a: {  	p0 =	seq.s32 s5, $0x0;
	s5 =	sld [smem:$0x3F9A]  }
0x2b: {  	s6 =	sld [smem:$0x3F9B]  }
0x2c: {  	s7 =	sld [smem:$0x3F9C]  }
0x2d: {  	s3 =	simm.s32 $0x108;
	s8 =	sld [smem:$0x3F9D]  }
0x2e: {  	s3 =	simm.s32 @!p0 $0x1082;
	s9 =	sld [smem:$0x3F9E]  }
0x2f: {  	lr =	sadd.s32 s0, s3;
	s0 =	sld [smem:$0x3F95]  }
0x30: {  	s3 =	sld [smem:$0x3F98]  }
0x31: {  	[smem:$0x3FA1] =	sst s10  }
0x32: {  	s10 =	sld [smem:$0x3F9F];
	_ =	sdelay $0x3  }
0x33: {  	p0 =	seq.s32 s10, $0x1;
	s10 =	sld [smem:$0x3FA1];
	_ =	sdelay $0x3  }
0x34: {  	[smem:$0x3FA1] =	sst s10  }
0x35: {  	s10 =	sld [smem:$0x3FA0];
	_ =	sdelay $0x3  }
0x36: {  	p1 =	seq.s32 s10, $0x1;
	s10 =	sld [smem:$0x3FA1];
	_ =	sdelay $0x3  }
0x37: {  	[smem:$0x3FA1] =	sst s10  }
0x38: {  	s10 =	sld [smem:$0x3FA2]  }
0x39: {  	_ = 	snop;
	(pc) =	sbr.ind lr, $3  }
0x3a: {  	_ = 	snop  }
0x3b: {  	_ = 	snop  }
0x3c: {  	p2 =	seq.s32 s10, $0x1;
	s10 =	sld [smem:$0x3FA1]  }
0x3d: {  	_ =	shalt  }
0x3e: {  	_ =	shalt  }
0x3f: {  	_ =	shalt  }
0x40: {  	_ =	shalt  }
0x41: {  	_ =	shalt  }
0x42: {  	_ =	shalt  }
0x43: {  	_ =	shalt  }
0x44: {  	_ =	shalt  }
0x45: {  	_ =	shalt  }
0x46: {  	_ =	shalt  }
0x47: {  	_ =	shalt  }
0x48: {  	_ =	shalt  }
0x49: {  	_ =	shalt  }
0x4a: {  	_ =	shalt  }
0x4b: {  	_ =	shalt  }
0x4c: {  	_ =	shalt  }
0x4d: {  	_ =	shalt  }
0x4e: {  	_ =	shalt  }
0x4f: {  	_ =	shalt  }
0x50: {  	_ =	shalt  }
0x51: {  	_ =	shalt  }
0x52: {  	_ =	shalt  }
0x53: {  	_ =	shalt  }
0x54: {  	_ =	shalt  }
0x55: {  	_ =	shalt  }
0x56: {  	_ =	shalt  }
0x57: {  	_ =	shalt  }
0x58: {  	_ =	shalt  }
0x59: {  	_ =	shalt  }
0x5a: {  	_ =	shalt  }
0x5b: {  	_ =	shalt  }
0x5c: {  	_ =	shalt  }
0x5d: {  	_ =	shalt  }
0x5e: {  	_ =	shalt  }
0x5f: {  	_ =	shalt  }
0x60: {  	_ =	shalt  }
0x61: {  	_ =	shalt  }
0x62: {  	_ =	shalt  }
0x63: {  	_ =	shalt  }
0x64: {  	_ =	shalt  }
0x65: {  	_ =	shalt  }
0x66: {  	_ =	shalt  }
0x67: {  	_ =	shalt  }
0x68: {  	_ =	shalt  }
0x69: {  	_ =	shalt  }
0x6a: {  	_ =	shalt  }
0x6b: {  	_ =	shalt  }
0x6c: {  	_ =	shalt  }
0x6d: {  	_ =	shalt  }
0x6e: {  	_ =	shalt  }
0x6f: {  	_ =	shalt  }
0x70: {  	_ =	shalt  }
0x71: {  	_ =	shalt  }
0x72: {  	_ =	shalt  }
0x73: {  	_ =	shalt  }
0x74: {  	_ =	shalt  }
0x75: {  	_ =	shalt  }
0x76: {  	_ =	shalt  }
0x77: {  	_ =	shalt  }
0x78: {  	_ =	shalt  }
0x79: {  	_ =	shalt  }
0x7a: {  	_ =	shalt  }
0x7b: {  	_ =	shalt  }
0x7c: {  	_ =	shalt  }
0x7d: {  	_ =	shalt  }
0x7e: {  	_ =	shalt  }
0x7f: {  	_ =	shalt  }
0x80: {  	_ =	shalt  }
0x81: {  	_ =	shalt  }
0x82: {  	_ =	shalt  }
0x83: {  	_ =	shalt  }
0x84: {  	_ =	shalt  }
0x85: {  	_ =	shalt  }
0x86: {  	_ =	shalt  }
0x87: {  	_ =	shalt  }
.Lfunc_end0:
.L_simem_size_0:
called_computation.1_lowered:
.L_overlay_start_0:
0x88: {  	s2 =	sld [smem:$0x3FD9]  }
0x89: {  	s3 =	sld [smem:$0x3FFE];
	_ =	sdelay $0x1  }
0x8a: {  	s1 =	srdreg.scid  }
0x8b: {  	s0 =	sand.u32 $0x1, s1  }
0x8c: {  	s16 =	sshll.u32 s0, $0xA;
	s2 =	sadd.s32 s3, s2  }
0x8d: {  	s2 =	sadd.s32 s2, s16  }
0x8e: {  	[smem:$0x3FAD] =	sst s2  }
0x8f: {  	_ = 	snop  }
0x90: {  	(tm) =	ssettm $0x1  }
0x91: {  	s17 =	sld [smem:$0x3FFB];
	_ =	sdelay $0x3  }
0x92: {  	_ =	strace s17  }
0x93: {  	s2 =	sld [smem:$0x3FFC];
	_ =	sdelay $0x3  }
0x94: {  	_ =	strace s2  }
0x95: {  	s2 =	sld [smem:$0x3FFD];
	_ =	sdelay $0x3  }
0x96: {  	_ =	strace s2  }
0x97: {  	_ =	strace $0x8FFFFFFF  }
0x98: {  	s18 =	sld [smem:$0x3FDB];
	_ =	sdelay $0x1  }
0x99: {  	s19 =	simm.s32 $_scs_section_size  }
0x9a: {  	s4 =	simm.s32 $_size__tile_overlayer_lowered;
	s5 =	simm.s32 $_tile_overlayer_lowered  }
0x9b: {  	s22 =	simm.s32 $0x1BFF;
	s21 =	sshll.u32 s5, $0x1;
	s2 =	sadd.s32 s19, s18  }
0x9c: {  	s6 =	simm.s32 $0x0;
	s20 =	sshll.u32 s4, $0x1;
	s4 =	sadd.s32 s21, s2  }
0x9d: {  	[timem:s6], [sflag:s22] =	dma.local [hbm:s4], s20  }
0x9e: {  	_ =	swait.ge [sflag:s22], s20  }
0x9f: {  	s3 =	ssub.s32 $0x0, s20;
	[sflag:s22] =	ssyncset.done $0x0  }
0xa0: {  	[sflag:s22] =	ssyncadd.s32 s3;
	_ =	sdelay $0x1  }
0xa1: {  	s23 =	simm.s32 $0x1B8B  }
0xa2: {  	_ =	swait.ge [sflag:s23], $0x1  }
0xa3: {  	[sflag:s23] =	ssyncset.done $0x0  }
0xa4: {  	s25 =	simm.s32 $0x1B8E;
	s24 =	sld [smem:$0x3FFE];
	[sflag:s23] =	ssyncadd.s32 $0xFFFFFFFF  }
0xa5: {  	s26 =	simm.s32 $execute0_lowered;
	[smem:$0x3FD2] =	sst s25  }
0xa6: {  	s4 =	sshll.u32 s26, $0x1;
	_ =	strace $0x80000049;
	[dreg:$0x1] =	wrdreg $0xFFFFFFFF  }
0xa7: {  	s28 =	simm.s32 $_size_execute0_lowered;
	s2 =	sadd.s32 s2, s4;
	[dreg:$0x0] =	wrdreg $0x0  }
0xa8: {  	s4 =	sshll.u32 s28, $0x1;
	[dreg:$0x2] =	wrdreg s2  }
0xa9: {  	[dreg:$0x3] =	wrdreg s4  }
0xaa: {  	[dreg:$0x4] =	wrdreg $0xC0  }
0xab: {  	_ =	task [dreg:s6], $0x5FFFF  }
0xac: {  	[dreg:$0x1] =	wrdreg $0xFFFFFFFF  }
0xad: {  	[dreg:$0x0] =	wrdreg $0x60  }
0xae: {  	[dreg:$0x2] =	wrdreg s24  }
0xaf: {  	[dreg:$0x3] =	wrdreg $0x9F000  }
0xb0: {  	[dreg:$0x4] =	wrdreg $0x9  }
0xb1: {  	_ =	task.clear_ibuf [dreg:s6], $0x5FFFF;
	_ =	strace $0x90000049  }
0xb2: {  	s29 =	simm.s32 $0x9;
	_ =	strace $0x8000004B  }
0xb3: {  	_ =	swait.ge [sflag:s29], $0x1  }
0xb4: {  	[sflag:s29] =	ssyncadd.s32 $0xFFFFFFFF  }
0xb5: {  	_ =	strace $0x9000004B  }
0xb6: {  	_ =	sfence  }
0xb7: {  	s30 =	sld [smem:$0x0];
	_ =	sdelay $0x2  }
0xb8: {  	s31 =	sshll.u32 s1, $0xD;
	s1 =	sshrl.u32 s1, $0x2  }
0xb9: {  	s3 =	sand.u32 $0x4000, s31;
	s1 =	sadd.s32 s1, s30  }
0xba: {  	s0 =	sor.u32 s3, s0;
	s1 =	sshll.u32 s1, $0x11  }
0xbb: {  	s0 =	sor.u32 s1, s0  }
0xbc: {  	s0 =	sadd.s32 $0x8F2B, s0  }
0xbd: {  	[sflag:s0] =	ssyncadd.remote.s32 $0x1  }
0xbe: {  	_ =	sfence.sel $0xFFFF  }
0xbf: {  	[dreg:$0x0] =	wrdreg $0xFFFFFFFF;
	(pc) =	sbr.abs _section_cstart, $3  }
0xc0: {  	[dreg:$0x1] =	wrdreg $0xFFFFFFFF  }
0xc1: {  	_ =	task.clear_ibuf [dreg:s6], $0x2FFFF;
	_ =	strace $0x9FFFFFFF  }
0xc2: {  	(tm) =	ssettm $0x7FFFFFFF  }
0xc3: {  	_ =	shalt  }
tec
execute0_lowered:
.L_overlay_start_1:
0x0: {  	(tag) =	ssettag $0x1  }
0x1: {  	s1 =	srdreg.scid;
	s6 =	rddreg [dreg:$0x0]  }
0x2: {  	s0 =	stileid.u32;
	s2 =	rddreg [dreg:$0x1]  }
0x3: {  	s3 =	simm.s32 $0x0;
	s14 =	simm.s32 $0x50;
	s15 =	simm.s32 $0x4F00  }
0x4: {  	s16 =	simm.s32 $0x1;
	s17 =	simm.s32 $0x7700;
	s18 =	simm.s32 $0x2  }
0x5: {  	s19 =	simm.s32 $0x4E40;
	s20 =	simm.s32 $0x0;
	s5 =	sand.u32 $0x1, s1  }
0x6: {  	s29 =	sshll.u32 s0, $0x1;
	[smem:$0x7FF] =	sst s3;
	s9 =	smul.u32 $0x14000, s0  }
0x7: {  	s4 =	sadd.s32 $0x1B000, s6;
	s11 =	smul.u32 $0x50000, s0;
	s12 =	sshll.u32 s0, $0x6  }
0x8: {  	s1 =	sor.u32 s5, s29;
	s8 =	smul.u32 $0x140000, s5;
	s30 =	ssub.s32 $0x2, s5  }
0x9: {  	s5 =	sadd.s32 $0x42200, s6;
	s12 =	sor.u32 $0x1C03, s12;
	s7 =	smul.u32 $0x2710, s1  }
0xa: {  	s1 =	rddreg [dreg:$0x2];
	_ =	strace $0x8000004A;
	s10 =	sshrl.u32 s30, $0x1  }
0xb: {  	s31 =	sshrl.u32 s11, $0x2;
	s11 =	simm.s32 $0x2780;
	s8 =	sadd.s32 s9, s8  }
0xc: {  	s9 =	ssub.s32 s30, s10;
	s13 =	sadd.s32 s31, s2;
	s10 =	simm.s32 $0x3  }
0xd: {  	s7 =	sshrl.u32 s7, $0x3;
	s8 =	sshrl.u32 s8, $0x3;
	s9 =	smax.u32 s9, $0x1  }
0xe: {  	s13 =	sshrl.u32 s13, $0x3;
	s7 =	sadd.s32 s7, s6;
	s8 =	sadd.s32 s8, s6  }
0xf: {  	s6 =	sadd.s32 $0x7600, s7;
	s7 =	sadd.s32 $0x11240, s7;
	s8 =	sadd.s32 $0x44A00, s8  }
.LBB2_1:
0x10: {  	[tilespmem:s3], [sflag:$0x3] =	stream.linear.gather [hbm4b:s6+s3], $0x2710, $0x38;
	[tilespmem:$0x1DF00] =	vst v63  }
0x11: {  	_ =	swait.ge [sflag:s10], $0x2710  }
0x12: {  	[sflag:s10] =	ssyncset.done $0x0  }
0x13: {  	[sflag:s10] =	ssyncadd.s32 $0xFFFFD8F0  }
0x14: {  	[tilespmem:s11], [sflag:$0x3] =	stream.linear.gather [hbm4b:s7+s3], $0x2710, $0x38;
	[tilespmem:$0x1DF00] =	vst v63  }
0x15: {  	_ =	swait.ge [sflag:s10], $0x2710  }
0x16: {  	[sflag:s10] =	ssyncset.done $0x0  }
0x17: {  	[sflag:s10] =	ssyncadd.s32 $0xFFFFD8F0  }
0x18: {  	[spmem:s13], [sflag:s12] =	dma.local [hbm:s5], $0x2800  }
0x19: {  	_ =	swait.ge [sflag:s10], $0x2800  }
0x1a: {  	[sflag:s10] =	ssyncset.done $0x0  }
0x1b: {  	[sflag:s10] =	ssyncadd.s32 $0xFFFFD800  }
0x1c: {  	[bflag:$0x0] =	sbarrier.arrive $0xFFFF  }
0x1d: {  	[tilespmem:s15], [sflag:$0x1] =	stream.indirect.gather [hbm4b:s4+s14], $0x80, s3, s14, $0xb8;
	[tilespmem:$0x1DF00] =	vst v63  }
0x1e: {  	_ =	swait.ge [sflag:s16], $0x2800  }
0x1f: {  	[sflag:s16] =	ssyncset.done $0x0  }
0x20: {  	s21 =	simm.s32 $0x50;
	[sflag:s16] =	ssyncadd.s32 $0xFFFFD800  }
0x21: {  	[tilespmem:s17], [sflag:$0x2] =	stream.indirect.gather [hbm4b:s4+s14], $0x80, s21, s14, $0xb8;
	[tilespmem:$0x1DF00] =	vst v63  }
0x22: {  	s29 =	simm.s32 $0x2780  }
0x23: {  	[spmem:s2] =	stream.indirect.scatter.add.f32 [tilespmem:s15], [sflag:$0x3], $0x80, s29, s14, $0xb8;
	[tilespmem:$0x1DF00] =	vst v63  }
0x24: {  	_ =	swait.ge [sflag:s10], $0x2800  }
0x25: {  	[sflag:s10] =	ssyncset.done $0x0  }
0x26: {  	[sflag:s10] =	ssyncadd.s32 $0xFFFFD800  }
0x27: {  	_ =	swait.ge [sflag:s18], $0x2800  }
0x28: {  	[sflag:s18] =	ssyncset.done $0x0  }
0x29: {  	s30 =	simm.s32 $0xA0;
	[sflag:s18] =	ssyncadd.s32 $0xFFFFD800  }
0x2a: {  	[tilespmem:s15], [sflag:$0x1] =	stream.indirect.gather [hbm4b:s4+s14], $0x80, s30, s14, $0xb8;
	[tilespmem:$0x1DF00] =	vst v63  }
0x2b: {  	s31 =	simm.s32 $0x27D0  }
0x2c: {  	[spmem:s2] =	stream.indirect.scatter.add.f32 [tilespmem:s17], [sflag:$0x3], $0x80, s31, s14, $0xb8;
	[tilespmem:$0x1DF00] =	vst v63  }
0x2d: {  	_ =	swait.ge [sflag:s10], $0x2800  }
0x2e: {  	s21 =	simm.s32 $0x280;
	[sflag:s10] =	ssyncset.done $0x0  }
.LBB2_2:
0x2f: {  	p0 =	sne.s32 s21, $0x9880  }
0x30: {  	[sflag:s10] =	ssyncadd.s32 $0xFFFFD800;
	s22 =	smov.u32 s21;
	s21 =	sadd.s32 $0x280, s21  }
0x31: {  	_ = 	snop  }
0x32: {  	_ =	swait.ge [sflag:s16], $0x2800  }
0x33: {  	s22 =	sshra.s32 s22, $0x2;
	[sflag:s16] =	ssyncset.done $0x0  }
0x34: {  	s23 =	sadd.s32 $0x50, s22;
	[sflag:s16] =	ssyncadd.s32 $0xFFFFD800  }
0x35: {  	[tilespmem:s17], [sflag:$0x2] =	stream.indirect.gather [hbm4b:s4+s14], $0x80, s23, s14, $0xb8;
	[tilespmem:$0x1DF00] =	vst v63  }
0x36: {  	s23 =	sadd.s32 $0x2780, s22  }
0x37: {  	[spmem:s2] =	stream.indirect.scatter.add.f32 [tilespmem:s15], [sflag:$0x3], $0x80, s23, s14, $0xb8;
	[tilespmem:$0x1DF00] =	vst v63  }
0x38: {  	_ =	swait.ge [sflag:s10], $0x2800  }
0x39: {  	[sflag:s10] =	ssyncset.done $0x0  }
0x3a: {  	[sflag:s10] =	ssyncadd.s32 $0xFFFFD800  }
0x3b: {  	_ =	swait.ge [sflag:s18], $0x2800  }
0x3c: {  	[sflag:s18] =	ssyncset.done $0x0  }
0x3d: {  	s23 =	sadd.s32 $0xA0, s22;
	[sflag:s18] =	ssyncadd.s32 $0xFFFFD800  }
0x3e: {  	[tilespmem:s15], [sflag:$0x1] =	stream.indirect.gather [hbm4b:s4+s14], $0x80, s23, s14, $0xb8;
	[tilespmem:$0x1DF00] =	vst v63  }
.Ltmp0:
0x3f: {  	_ = 	snop;
	(pc) =	sbr.rel @p0 .LBB2_2-.Ltmp0, $4  }
0x40: {  	s22 =	sadd.s32 $0x27D0, s22  }
0x41: {  	[spmem:s2] =	stream.indirect.scatter.add.f32 [tilespmem:s17], [sflag:$0x3], $0x80, s22, s14, $0xb8;
	[tilespmem:$0x1DF00] =	vst v63  }
0x42: {  	_ =	swait.ge [sflag:s10], $0x2800  }
0x43: {  	[sflag:s10] =	ssyncset.done $0x0  }
0x44: {  	[sflag:s10] =	ssyncadd.s32 $0xFFFFD800  }
0x45: {  	_ =	swait.ge [sflag:s16], $0x2800  }
0x46: {  	[sflag:s16] =	ssyncset.done $0x0  }
0x47: {  	[sflag:s16] =	ssyncadd.s32 $0xFFFFD800  }
0x48: {  	[spmem:s2] =	stream.indirect.scatter.add.f32 [tilespmem:s15], [sflag:$0x3], $0x80, s19, s14, $0xb8;
	[tilespmem:$0x1DF00] =	vst v63  }
0x49: {  	_ =	swait.ge [sflag:s10], $0x2800  }
0x4a: {  	s20 =	sadd.s32 $0x1, s20;
	[sflag:s10] =	ssyncset.done $0x0  }
0x4b: {  	p0 =	sne.s32 s20, s9;
	[sflag:s10] =	ssyncadd.s32 $0xFFFFD800  }
.Ltmp1:
0x4c: {  	[bflag:$0x0] =	sbarrier.arrive $0xFFFF;
	(pc) =	sbr.rel @p0 .LBB2_1-.Ltmp1, $4  }
0x4d: {  	[hbm:s8], [sflag:s12] =	dma.local [spmem:s13], $0x2800  }
0x4e: {  	_ =	swait.ge [sflag:s10], $0x2800  }
0x4f: {  	[sflag:s10] =	ssyncset.done $0x0  }
0x50: {  	[sflag:s10] =	ssyncadd.s32 $0xFFFFD800  }
0x51: {  	_ =	sfence.sel $0x180000  }
0x52: {  	[bflag:$0x0] =	sbarrier.arrive $0xFFFF  }
0x53: {  	p0 =	sne.s32 s0, $0x0;
	_ =	strace $0x9000004A  }
0x54: {  	s0 =	sadd.s32 @!p0 $0x100000, s1;
	[bflag:$0x2] =	sbarrier.arrive $0xFFFF  }
0x55: {  	[sflag:s0] =	ssyncadd.tile.s32 @!p0 $0x1;
	_ =	shalt  }
.Lfunc_end2:
_tile_overlayer_lowered:
.L_overlay_start_2:
0x56: {  	(tag) =	ssettag $0x2  }
0x57: {  	s0 =	rddreg [dreg:$0x0];
	s2 =	stileid.u32  }
0x58: {  	s1 =	rddreg [dreg:$0x1];
	p0 =	sne.s32 s2, $0x0  }
0x59: {  	s3 =	rddreg [dreg:$0x2];
	[bflag:$0x3] =	sbarrier.arrive $0xFFFF;
	s2 =	simm.s32 @!p0 $0x1C03  }
0x5a: {  	[timem:s3], [sflag:s2] =	dma.local @!p0 [hbm:s0], s1  }
0x5b: {  	s0 =	simm.s32 @!p0 $0x3  }
0x5c: {  	_ =	swait.ge @!p0 [sflag:s0], s1  }
0x5d: {  	s1 =	ssub.s32 @!p0 $0x0, s1;
	[sflag:s0] =	ssyncset.done @!p0 $0x0  }
0x5e: {  	[sflag:s0] =	ssyncadd.s32 @!p0 s1  }
0x5f: {  	[bflag:$0x3] =	sbarrier.arrive $0xFFFF  }
0x60: {  	_ =	shalt  }

// kernel: kernel.18.cloned.1.call-start
scs
__scs_entry_jumppad:
0x0: {  	(pc) =	sbr.rel $0x88, $3  }
0x1: {  	(tag) =	ssettag $0x0;
	lr =	simm.s32 $0x1  }
0x2: {  	[smem:$0x3F86] =	sst lr;
	_ =	strace $0xD0000000  }
0x3: {  	_ = 	snop  }
0x4: {  	_ = 	snop  }
0x5: {  	_ = 	snop  }
0x6: {  	_ = 	snop  }
0x7: {  	_ = 	snop  }
__scs_overlays_trampoline_lowered:
0x8: {  	[smem:$0x3F95] =	sst s0  }
0x9: {  	[smem:$0x3F96] =	sst s1  }
0xa: {  	[smem:$0x3F97] =	sst s2  }
0xb: {  	[smem:$0x3F98] =	sst s3  }
0xc: {  	[smem:$0x3F99] =	sst s4  }
0xd: {  	[smem:$0x3F9A] =	sst s5  }
0xe: {  	[smem:$0x3F9B] =	sst s6  }
0xf: {  	[smem:$0x3F9C] =	sst s7  }
0x10: {  	[smem:$0x3F9D] =	sst s8  }
0x11: {  	[smem:$0x3F9E] =	sst s9;
	s0 =	simm.s32 @!p0 $0x0  }
0x12: {  	s1 =	sld [smem:$0x3F84];
	s0 =	simm.s32 @p0 $0x1  }
0x13: {  	[smem:$0x3F9F] =	sst s0;
	s0 =	simm.s32 @!p1 $0x0  }
0x14: {  	s2 =	sld [smem:$0x3F83];
	s0 =	simm.s32 @p1 $0x1  }
0x15: {  	[smem:$0x3FA0] =	sst s0;
	s0 =	simm.s32 @!p2 $0x0  }
0x16: {  	s3 =	sld [smem:$0x3FDB];
	s0 =	simm.s32 @p2 $0x1  }
0x17: {  	s4 =	simm.s32 $0x1BF5;
	[smem:$0x3FA2] =	sst s0  }
0x18: {  	s0 =	sld [smem:$0x3F85];
	_ =	swait.ge [sflag:s4], $0x0  }
0x19: {  	s7 =	sld [smem:$0x3F86]  }
0x1a: {  	s8 =	sadd.s32 $0xFFFFE003, lr  }
0x1b: {  	s9 =	sadd.s32 $0xFFFFFEF7, lr;
	s5 =	simm.s32 $0xFFFFFFFF;
	p2 =	slt.u32 s8, $0xFFFFF086  }
0x1c: {  	p1 =	slt.u32 s9, $0xF7A;
	s5 =	simm.s32 @!p2 $0x0  }
0x1d: {  	s5 =	simm.s32 @p1 $0x1;
	p0 =	seq.s32 s7, s2  }
0x1e: {  	s7 =	smul.u32 @!p0 $0xF7A, s2;
	p2 =	seq.s32 @!p0 s5, $0x0  }
0x1f: {  	s9 =	smul.u32 $0xF7A, s1;
	s8 =	simm.s32 @!p0 $0x1BF5;
	p2 =	por !p2, p0  }
0x20: {  	[sflag:s8] =	ssyncset.s32 @!p0 $0xFFFFF086;
	s6 =	sadd.s32 @!p0 s3, s7;
	s7 =	simm.s32 @!p0 $0x108  }
0x21: {  	s3 =	sadd.s32 s3, s9;
	s6 =	sadd.s32 @!p0 $0x88, s6;
	s7 =	simm.s32 @p2 $0x1082  }
0x22: {  	[simem:s7], [sflag:s8] =	dma.local @!p0 [hbm:s6], $0xF7A  }
0x23: {  	s9 =	sor.u32 $0xD0000000, s2;
	s6 =	simm.s32 $0x108;
	_ =	swait.ge @!p0 [sflag:s8], $0x0  }
0x24: {  	s3 =	sadd.s32 $0x88, s3;
	s6 =	simm.s32 @!p1 $0x1082;
	[sflag:s4] =	ssyncset.s32 $0xFFFFF086  }
0x25: {  	[simem:s6], [sflag:s4] =	dma.local [hbm:s3], $0xF7A  }
0x26: {  	[smem:$0x3F86] =	sst s1;
	(tag) =	ssettag s2;
	_ =	strace s9  }
0x27: {  	s1 =	sld [smem:$0x3F96]  }
0x28: {  	s2 =	sld [smem:$0x3F97]  }
0x29: {  	s4 =	sld [smem:$0x3F99]  }
0x2a: {  	p0 =	seq.s32 s5, $0x0;
	s5 =	sld [smem:$0x3F9A]  }
0x2b: {  	s6 =	sld [smem:$0x3F9B]  }
0x2c: {  	s7 =	sld [smem:$0x3F9C]  }
0x2d: {  	s3 =	simm.s32 $0x108;
	s8 =	sld [smem:$0x3F9D]  }
0x2e: {  	s3 =	simm.s32 @!p0 $0x1082;
	s9 =	sld [smem:$0x3F9E]  }
0x2f: {  	lr =	sadd.s32 s0, s3;
	s0 =	sld [smem:$0x3F95]  }
0x30: {  	s3 =	sld [smem:$0x3F98]  }
0x31: {  	[smem:$0x3FA1] =	sst s10  }
0x32: {  	s10 =	sld [smem:$0x3F9F];
	_ =	sdelay $0x3  }
0x33: {  	p0 =	seq.s32 s10, $0x1;
	s10 =	sld [smem:$0x3FA1];
	_ =	sdelay $0x3  }
0x34: {  	[smem:$0x3FA1] =	sst s10  }
0x35: {  	s10 =	sld [smem:$0x3FA0];
	_ =	sdelay $0x3  }
0x36: {  	p1 =	seq.s32 s10, $0x1;
	s10 =	sld [smem:$0x3FA1];
	_ =	sdelay $0x3  }
0x37: {  	[smem:$0x3FA1] =	sst s10  }
0x38: {  	s10 =	sld [smem:$0x3FA2]  }
0x39: {  	_ = 	snop;
	(pc) =	sbr.ind lr, $3  }
0x3a: {  	_ = 	snop  }
0x3b: {  	_ = 	snop  }
0x3c: {  	p2 =	seq.s32 s10, $0x1;
	s10 =	sld [smem:$0x3FA1]  }
0x3d: {  	_ =	shalt  }
0x3e: {  	_ =	shalt  }
0x3f: {  	_ =	shalt  }
0x40: {  	_ =	shalt  }
0x41: {  	_ =	shalt  }
0x42: {  	_ =	shalt  }
0x43: {  	_ =	shalt  }
0x44: {  	_ =	shalt  }
0x45: {  	_ =	shalt  }
0x46: {  	_ =	shalt  }
0x47: {  	_ =	shalt  }
0x48: {  	_ =	shalt  }
0x49: {  	_ =	shalt  }
0x4a: {  	_ =	shalt  }
0x4b: {  	_ =	shalt  }
0x4c: {  	_ =	shalt  }
0x4d: {  	_ =	shalt  }
0x4e: {  	_ =	shalt  }
0x4f: {  	_ =	shalt  }
0x50: {  	_ =	shalt  }
0x51: {  	_ =	shalt  }
0x52: {  	_ =	shalt  }
0x53: {  	_ =	shalt  }
0x54: {  	_ =	shalt  }
0x55: {  	_ =	shalt  }
0x56: {  	_ =	shalt  }
0x57: {  	_ =	shalt  }
0x58: {  	_ =	shalt  }
0x59: {  	_ =	shalt  }
0x5a: {  	_ =	shalt  }
0x5b: {  	_ =	shalt  }
0x5c: {  	_ =	shalt  }
0x5d: {  	_ =	shalt  }
0x5e: {  	_ =	shalt  }
0x5f: {  	_ =	shalt  }
0x60: {  	_ =	shalt  }
0x61: {  	_ =	shalt  }
0x62: {  	_ =	shalt  }
0x63: {  	_ =	shalt  }
0x64: {  	_ =	shalt  }
0x65: {  	_ =	shalt  }
0x66: {  	_ =	shalt  }
0x67: {  	_ =	shalt  }
0x68: {  	_ =	shalt  }
0x69: {  	_ =	shalt  }
0x6a: {  	_ =	shalt  }
0x6b: {  	_ =	shalt  }
0x6c: {  	_ =	shalt  }
0x6d: {  	_ =	shalt  }
0x6e: {  	_ =	shalt  }
0x6f: {  	_ =	shalt  }
0x70: {  	_ =	shalt  }
0x71: {  	_ =	shalt  }
0x72: {  	_ =	shalt  }
0x73: {  	_ =	shalt  }
0x74: {  	_ =	shalt  }
0x75: {  	_ =	shalt  }
0x76: {  	_ =	shalt  }
0x77: {  	_ =	shalt  }
0x78: {  	_ =	shalt  }
0x79: {  	_ =	shalt  }
0x7a: {  	_ =	shalt  }
0x7b: {  	_ =	shalt  }
0x7c: {  	_ =	shalt  }
0x7d: {  	_ =	shalt  }
0x7e: {  	_ =	shalt  }
0x7f: {  	_ =	shalt  }
0x80: {  	_ =	shalt  }
0x81: {  	_ =	shalt  }
0x82: {  	_ =	shalt  }
0x83: {  	_ =	shalt  }
0x84: {  	_ =	shalt  }
0x85: {  	_ =	shalt  }
0x86: {  	_ =	shalt  }
0x87: {  	_ =	shalt  }
.Lfunc_end0:
.L_simem_size_0:
called_computation.2_lowered:
.L_overlay_start_0:
0x88: {  	s2 =	sld [smem:$0x3FD9]  }
0x89: {  	s3 =	sld [smem:$0x3FFE];
	_ =	sdelay $0x1  }
0x8a: {  	s1 =	srdreg.scid  }
0x8b: {  	s0 =	sand.u32 $0x1, s1  }
0x8c: {  	s17 =	sshll.u32 s0, $0xA;
	s2 =	sadd.s32 s3, s2  }
0x8d: {  	s2 =	sadd.s32 s2, s17  }
0x8e: {  	[smem:$0x3FAD] =	sst s2  }
0x8f: {  	_ = 	snop  }
0x90: {  	(tm) =	ssettm $0x1  }
0x91: {  	s18 =	sld [smem:$0x3FFB];
	_ =	sdelay $0x3  }
0x92: {  	_ =	strace s18  }
0x93: {  	s2 =	sld [smem:$0x3FFC];
	_ =	sdelay $0x3  }
0x94: {  	_ =	strace s2  }
0x95: {  	s2 =	sld [smem:$0x3FFD];
	_ =	sdelay $0x3  }
0x96: {  	_ =	strace s2  }
0x97: {  	_ =	strace $0x8FFFFFFF  }
0x98: {  	s19 =	sld [smem:$0x3FDB];
	_ =	sdelay $0x1  }
0x99: {  	s20 =	simm.s32 $_scs_section_size  }
0x9a: {  	s4 =	simm.s32 $_size__tile_overlayer_lowered;
	s5 =	simm.s32 $_tile_overlayer_lowered  }
0x9b: {  	s6 =	simm.s32 $0x1BFF;
	s21 =	sshll.u32 s5, $0x1;
	s3 =	sadd.s32 s20, s19  }
0x9c: {  	s22 =	simm.s32 $0x0;
	s4 =	sshll.u32 s4, $0x1;
	s5 =	sadd.s32 s21, s3  }
0x9d: {  	[timem:s22], [sflag:s6] =	dma.local [hbm:s5], s4  }
0x9e: {  	_ =	swait.ge [sflag:s6], s4  }
0x9f: {  	s4 =	ssub.s32 $0x0, s4;
	[sflag:s6] =	ssyncset.done $0x0  }
0xa0: {  	[sflag:s6] =	ssyncadd.s32 s4;
	_ =	sdelay $0x1  }
0xa1: {  	s23 =	simm.s32 $0x1B8B  }
0xa2: {  	_ =	swait.ge [sflag:s23], $0x1  }
0xa3: {  	[sflag:s23] =	ssyncset.done $0x0  }
0xa4: {  	[sflag:s23] =	ssyncadd.s32 $0xFFFFFFFF  }
0xa5: {  	s4 =	sld [smem:$0x0]  }
0xa6: {  	s5 =	sand.u32 $0xFFFFFFFE, s1  }
0xa7: {  	p0 =	sne.s32 s1, s5  }
0xa8: {  	s5 =	sshll.u32 @p0 s5, $0xE  }
0xa9: {  	s5 =	sadd.s32 @p0 $0x11B8D, s5;
	s6 =	sshll.u32 @p0 s4, $0x11  }
0xaa: {  	s5 =	sor.u32 @p0 s6, s5  }
0xab: {  	[sflag:s5] =	ssyncadd.remote.s32 @p0 $0x1;
	_ =	sdelay $0x1  }
0xac: {  	s5 =	simm.s32 @p0 $0x1B8D  }
0xad: {  	_ =	swait.eq @p0 [sflag:s5], $0x1  }
0xae: {  	[sflag:s5] =	ssyncadd.s32 @p0 $0xFFFFFFFF  }
0xaf: {  	s6 =	sshll.u32 @!p0 s1, $0xE  }
0xb0: {  	s6 =	sor.u32 @!p0 $0x4000, s6;
	s5 =	simm.s32 @!p0 $0x1B8D  }
0xb1: {  	s4 =	sshll.u32 @!p0 s4, $0x11;
	s6 =	sadd.s32 @!p0 $0x11B8D, s6;
	_ =	swait.eq @!p0 [sflag:s5], $0x1  }
0xb2: {  	s4 =	sor.u32 @!p0 s4, s6;
	[sflag:s5] =	ssyncadd.s32 @!p0 $0xFFFFFFFF  }
0xb3: {  	s25 =	simm.s32 $0x1B8E;
	s24 =	sld [smem:$0x3FFE];
	[sflag:s4] =	ssyncadd.remote.s32 @!p0 $0x1  }
0xb4: {  	s26 =	simm.s32 $execute0_lowered;
	[smem:$0x3FD2] =	sst s25  }
0xb5: {  	s5 =	sshll.u32 s26, $0x1;
	_ =	strace $0x8000004F;
	[dreg:$0x1] =	wrdreg $0xFFFFFFFF  }
0xb6: {  	s28 =	simm.s32 $_size_execute0_lowered;
	s3 =	sadd.s32 s3, s5;
	[dreg:$0x0] =	wrdreg $0x0  }
0xb7: {  	s5 =	sshll.u32 s28, $0x1;
	[dreg:$0x2] =	wrdreg s3  }
0xb8: {  	[dreg:$0x3] =	wrdreg s5  }
0xb9: {  	[dreg:$0x4] =	wrdreg $0xC0  }
0xba: {  	_ =	task [dreg:s22], $0x5FFFF  }
0xbb: {  	[dreg:$0x1] =	wrdreg $0xFFFFFFFF  }
0xbc: {  	[dreg:$0x0] =	wrdreg $0x60  }
0xbd: {  	[dreg:$0x2] =	wrdreg s24  }
0xbe: {  	[dreg:$0x3] =	wrdreg $0x9F000  }
0xbf: {  	[dreg:$0x4] =	wrdreg $0x9  }
0xc0: {  	_ =	task.clear_ibuf [dreg:s22], $0x5FFFF;
	_ =	strace $0x9000004F  }
0xc1: {  	s29 =	simm.s32 $0x9;
	_ =	strace $0x80000051  }
0xc2: {  	_ =	swait.ge [sflag:s29], $0x1  }
0xc3: {  	[sflag:s29] =	ssyncadd.s32 $0xFFFFFFFF  }
0xc4: {  	_ =	strace $0x90000051  }
0xc5: {  	_ =	sfence  }
0xc6: {  	s30 =	sld [smem:$0x0];
	_ =	sdelay $0x2  }
0xc7: {  	s31 =	sshll.u32 s1, $0xD;
	s1 =	sshrl.u32 s1, $0x2  }
0xc8: {  	s4 =	sand.u32 $0x4000, s31;
	s1 =	sadd.s32 s1, s30  }
0xc9: {  	s0 =	sor.u32 s4, s0;
	s1 =	sshll.u32 s1, $0x11  }
0xca: {  	s0 =	sor.u32 s1, s0  }
0xcb: {  	s0 =	sadd.s32 $0x8F2B, s0  }
0xcc: {  	[sflag:s0] =	ssyncadd.remote.s32 $0x1  }
0xcd: {  	_ =	sfence.sel $0xFFFF  }
0xce: {  	[dreg:$0x0] =	wrdreg $0xFFFFFFFF;
	(pc) =	sbr.abs _section_cstart, $3  }
0xcf: {  	[dreg:$0x1] =	wrdreg $0xFFFFFFFF  }
0xd0: {  	_ =	task.clear_ibuf [dreg:s22], $0x2FFFF;
	_ =	strace $0x9FFFFFFF  }
0xd1: {  	(tm) =	ssettm $0x7FFFFFFF  }
tec
execute0_lowered:
.L_overlay_start_1:
0x0: {  	(tag) =	ssettag $0x1  }
0x1: {  	s1 =	srdreg.scid;
	s6 =	rddreg [dreg:$0x0]  }
0x2: {  	s0 =	stileid.u32;
	s2 =	rddreg [dreg:$0x1]  }
0x3: {  	s3 =	simm.s32 $0x0;
	s14 =	simm.s32 $0x50;
	s15 =	simm.s32 $0x4F00  }
0x4: {  	s16 =	simm.s32 $0x1;
	s17 =	simm.s32 $0x7700;
	s18 =	simm.s32 $0x2  }
0x5: {  	s19 =	simm.s32 $0x4E40;
	s20 =	simm.s32 $0x0;
	s5 =	sand.u32 $0x1, s1  }
0x6: {  	s29 =	sshll.u32 s0, $0x1;
	[smem:$0x7FF] =	sst s3;
	s9 =	smul.u32 $0x14000, s0  }
0x7: {  	s4 =	sadd.s32 $0x44A00, s6;
	s11 =	smul.u32 $0x50000, s0;
	s12 =	sshll.u32 s0, $0x6  }
0x8: {  	s1 =	sor.u32 s5, s29;
	s8 =	smul.u32 $0x140000, s5;
	s30 =	ssub.s32 $0x2, s5  }
0x9: {  	s5 =	sadd.s32 $0x42200, s6;
	s12 =	sor.u32 $0x1C03, s12;
	s7 =	smul.u32 $0x2710, s1  }
0xa: {  	s1 =	rddreg [dreg:$0x2];
	_ =	strace $0x80000050;
	s10 =	sshrl.u32 s30, $0x1  }
0xb: {  	s31 =	sshrl.u32 s11, $0x2;
	s11 =	simm.s32 $0x2780;
	s8 =	sadd.s32 s9, s8  }
0xc: {  	s9 =	ssub.s32 s30, s10;
	s13 =	sadd.s32 s31, s2;
	s10 =	simm.s32 $0x3  }
0xd: {  	s7 =	sshrl.u32 s7, $0x3;
	s8 =	sshrl.u32 s8, $0x3;
	s9 =	smax.u32 s9, $0x1  }
0xe: {  	s13 =	sshrl.u32 s13, $0x3;
	s7 =	sadd.s32 s7, s6;
	s8 =	sadd.s32 s8, s6  }
0xf: {  	s6 =	sadd.s32 $0x7600, s7;
	s7 =	sadd.s32 $0x11240, s7;
	s8 =	sadd.s32 $0xE2E00, s8  }
.LBB2_1:
0x10: {  	[tilespmem:s3], [sflag:$0x3] =	stream.linear.gather [hbm4b:s6+s3], $0x2710, $0x38;
	[tilespmem:$0x1DF00] =	vst v63  }
0x11: {  	_ =	swait.ge [sflag:s10], $0x2710  }
0x12: {  	[sflag:s10] =	ssyncset.done $0x0  }
0x13: {  	[sflag:s10] =	ssyncadd.s32 $0xFFFFD8F0  }
0x14: {  	[tilespmem:s11], [sflag:$0x3] =	stream.linear.gather [hbm4b:s7+s3], $0x2710, $0x38;
	[tilespmem:$0x1DF00] =	vst v63  }
0x15: {  	_ =	swait.ge [sflag:s10], $0x2710  }
0x16: {  	[sflag:s10] =	ssyncset.done $0x0  }
0x17: {  	[sflag:s10] =	ssyncadd.s32 $0xFFFFD8F0  }
0x18: {  	[spmem:s13], [sflag:s12] =	dma.local [hbm:s5], $0x2800  }
0x19: {  	_ =	swait.ge [sflag:s10], $0x2800  }
0x1a: {  	[sflag:s10] =	ssyncset.done $0x0  }
0x1b: {  	[sflag:s10] =	ssyncadd.s32 $0xFFFFD800  }
0x1c: {  	[bflag:$0x0] =	sbarrier.arrive $0xFFFF  }
0x1d: {  	[tilespmem:s15], [sflag:$0x1] =	stream.indirect.gather [hbm4b:s4+s14], $0x80, s3, s14, $0xb8;
	[tilespmem:$0x1DF00] =	vst v63  }
0x1e: {  	_ =	swait.ge [sflag:s16], $0x2800  }
0x1f: {  	[sflag:s16] =	ssyncset.done $0x0  }
0x20: {  	s21 =	simm.s32 $0x50;
	[sflag:s16] =	ssyncadd.s32 $0xFFFFD800  }
0x21: {  	[tilespmem:s17], [sflag:$0x2] =	stream.indirect.gather [hbm4b:s4+s14], $0x80, s21, s14, $0xb8;
	[tilespmem:$0x1DF00] =	vst v63  }
0x22: {  	s29 =	simm.s32 $0x2780  }
0x23: {  	[spmem:s2] =	stream.indirect.scatter.add.f32 [tilespmem:s15], [sflag:$0x3], $0x80, s29, s14, $0xb8;
	[tilespmem:$0x1DF00] =	vst v63  }
0x24: {  	_ =	swait.ge [sflag:s10], $0x2800  }
0x25: {  	[sflag:s10] =	ssyncset.done $0x0  }
0x26: {  	[sflag:s10] =	ssyncadd.s32 $0xFFFFD800  }
0x27: {  	_ =	swait.ge [sflag:s18], $0x2800  }
0x28: {  	[sflag:s18] =	ssyncset.done $0x0  }
0x29: {  	s30 =	simm.s32 $0xA0;
	[sflag:s18] =	ssyncadd.s32 $0xFFFFD800  }
0x2a: {  	[tilespmem:s15], [sflag:$0x1] =	stream.indirect.gather [hbm4b:s4+s14], $0x80, s30, s14, $0xb8;
	[tilespmem:$0x1DF00] =	vst v63  }
0x2b: {  	s31 =	simm.s32 $0x27D0  }
0x2c: {  	[spmem:s2] =	stream.indirect.scatter.add.f32 [tilespmem:s17], [sflag:$0x3], $0x80, s31, s14, $0xb8;
	[tilespmem:$0x1DF00] =	vst v63  }
0x2d: {  	_ =	swait.ge [sflag:s10], $0x2800  }
0x2e: {  	s21 =	simm.s32 $0x280;
	[sflag:s10] =	ssyncset.done $0x0  }
.LBB2_2:
0x2f: {  	p0 =	sne.s32 s21, $0x9880  }
0x30: {  	[sflag:s10] =	ssyncadd.s32 $0xFFFFD800;
	s22 =	smov.u32 s21;
	s21 =	sadd.s32 $0x280, s21  }
0x31: {  	_ = 	snop  }
0x32: {  	_ =	swait.ge [sflag:s16], $0x2800  }
0x33: {  	s22 =	sshra.s32 s22, $0x2;
	[sflag:s16] =	ssyncset.done $0x0  }
0x34: {  	s23 =	sadd.s32 $0x50, s22;
	[sflag:s16] =	ssyncadd.s32 $0xFFFFD800  }
0x35: {  	[tilespmem:s17], [sflag:$0x2] =	stream.indirect.gather [hbm4b:s4+s14], $0x80, s23, s14, $0xb8;
	[tilespmem:$0x1DF00] =	vst v63  }
0x36: {  	s23 =	sadd.s32 $0x2780, s22  }
0x37: {  	[spmem:s2] =	stream.indirect.scatter.add.f32 [tilespmem:s15], [sflag:$0x3], $0x80, s23, s14, $0xb8;
	[tilespmem:$0x1DF00] =	vst v63  }
0x38: {  	_ =	swait.ge [sflag:s10], $0x2800  }
0x39: {  	[sflag:s10] =	ssyncset.done $0x0  }
0x3a: {  	[sflag:s10] =	ssyncadd.s32 $0xFFFFD800  }
0x3b: {  	_ =	swait.ge [sflag:s18], $0x2800  }
0x3c: {  	[sflag:s18] =	ssyncset.done $0x0  }
0x3d: {  	s23 =	sadd.s32 $0xA0, s22;
	[sflag:s18] =	ssyncadd.s32 $0xFFFFD800  }
0x3e: {  	[tilespmem:s15], [sflag:$0x1] =	stream.indirect.gather [hbm4b:s4+s14], $0x80, s23, s14, $0xb8;
	[tilespmem:$0x1DF00] =	vst v63  }
.Ltmp0:
0x3f: {  	_ = 	snop;
	(pc) =	sbr.rel @p0 .LBB2_2-.Ltmp0, $4  }
0x40: {  	s22 =	sadd.s32 $0x27D0, s22  }
0x41: {  	[spmem:s2] =	stream.indirect.scatter.add.f32 [tilespmem:s17], [sflag:$0x3], $0x80, s22, s14, $0xb8;
	[tilespmem:$0x1DF00] =	vst v63  }
0x42: {  	_ =	swait.ge [sflag:s10], $0x2800  }
0x43: {  	[sflag:s10] =	ssyncset.done $0x0  }
0x44: {  	[sflag:s10] =	ssyncadd.s32 $0xFFFFD800  }
0x45: {  	_ =	swait.ge [sflag:s16], $0x2800  }
0x46: {  	[sflag:s16] =	ssyncset.done $0x0  }
0x47: {  	[sflag:s16] =	ssyncadd.s32 $0xFFFFD800  }
0x48: {  	[spmem:s2] =	stream.indirect.scatter.add.f32 [tilespmem:s15], [sflag:$0x3], $0x80, s19, s14, $0xb8;
	[tilespmem:$0x1DF00] =	vst v63  }
0x49: {  	_ =	swait.ge [sflag:s10], $0x2800  }
0x4a: {  	s20 =	sadd.s32 $0x1, s20;
	[sflag:s10] =	ssyncset.done $0x0  }
0x4b: {  	p0 =	sne.s32 s20, s9;
	[sflag:s10] =	ssyncadd.s32 $0xFFFFD800  }
.Ltmp1:
0x4c: {  	[bflag:$0x0] =	sbarrier.arrive $0xFFFF;
	(pc) =	sbr.rel @p0 .LBB2_1-.Ltmp1, $4  }
0x4d: {  	[hbm:s8], [sflag:s12] =	dma.local [spmem:s13], $0x2800  }
0x4e: {  	_ =	swait.ge [sflag:s10], $0x2800  }
0x4f: {  	[sflag:s10] =	ssyncset.done $0x0  }
0x50: {  	[sflag:s10] =	ssyncadd.s32 $0xFFFFD800  }
0x51: {  	_ =	sfence.sel $0x180000  }
0x52: {  	[bflag:$0x0] =	sbarrier.arrive $0xFFFF  }
0x53: {  	p0 =	sne.s32 s0, $0x0;
	_ =	strace $0x90000050  }
0x54: {  	s0 =	sadd.s32 @!p0 $0x100000, s1;
	[bflag:$0x2] =	sbarrier.arrive $0xFFFF  }
0x55: {  	[sflag:s0] =	ssyncadd.tile.s32 @!p0 $0x1;
	_ =	shalt  }
.Lfunc_end2:
_tile_overlayer_lowered:
.L_overlay_start_2:
0x56: {  	(tag) =	ssettag $0x2  }
0x57: {  	s0 =	rddreg [dreg:$0x0];
	s2 =	stileid.u32  }
0x58: {  	s1 =	rddreg [dreg:$0x1];
	p0 =	sne.s32 s2, $0x0  }
0x59: {  	s3 =	rddreg [dreg:$0x2];
	[bflag:$0x3] =	sbarrier.arrive $0xFFFF;
	s2 =	simm.s32 @!p0 $0x1C03  }
0x5a: {  	[timem:s3], [sflag:s2] =	dma.local @!p0 [hbm:s0], s1  }
0x5b: {  	s0 =	simm.s32 @!p0 $0x3  }
0x5c: {  	_ =	swait.ge @!p0 [sflag:s0], s1  }
0x5d: {  	s1 =	ssub.s32 @!p0 $0x0, s1;
	[sflag:s0] =	ssyncset.done @!p0 $0x0  }
0x5e: {  	[sflag:s0] =	ssyncadd.s32 @!p0 s1  }
0x5f: {  	[bflag:$0x3] =	sbarrier.arrive $0xFFFF  }
0x60: {  	_ =	shalt  }

// kernel: kernel.21.cloned.1.call-start
scs
__scs_entry_jumppad:
0x0: {  	(pc) =	sbr.rel $0x88, $3  }
0x1: {  	(tag) =	ssettag $0x0;
	lr =	simm.s32 $0x1  }
0x2: {  	[smem:$0x3F86] =	sst lr;
	_ =	strace $0xD0000000  }
0x3: {  	_ = 	snop  }
0x4: {  	_ = 	snop  }
0x5: {  	_ = 	snop  }
0x6: {  	_ = 	snop  }
0x7: {  	_ = 	snop  }
__scs_overlays_trampoline_lowered:
0x8: {  	[smem:$0x3F95] =	sst s0  }
0x9: {  	[smem:$0x3F96] =	sst s1  }
0xa: {  	[smem:$0x3F97] =	sst s2  }
0xb: {  	[smem:$0x3F98] =	sst s3  }
0xc: {  	[smem:$0x3F99] =	sst s4  }
0xd: {  	[smem:$0x3F9A] =	sst s5  }
0xe: {  	[smem:$0x3F9B] =	sst s6  }
0xf: {  	[smem:$0x3F9C] =	sst s7  }
0x10: {  	[smem:$0x3F9D] =	sst s8  }
0x11: {  	[smem:$0x3F9E] =	sst s9;
	s0 =	simm.s32 @!p0 $0x0  }
0x12: {  	s1 =	sld [smem:$0x3F84];
	s0 =	simm.s32 @p0 $0x1  }
0x13: {  	[smem:$0x3F9F] =	sst s0;
	s0 =	simm.s32 @!p1 $0x0  }
0x14: {  	s2 =	sld [smem:$0x3F83];
	s0 =	simm.s32 @p1 $0x1  }
0x15: {  	[smem:$0x3FA0] =	sst s0;
	s0 =	simm.s32 @!p2 $0x0  }
0x16: {  	s3 =	sld [smem:$0x3FDB];
	s0 =	simm.s32 @p2 $0x1  }
0x17: {  	s4 =	simm.s32 $0x1BF5;
	[smem:$0x3FA2] =	sst s0  }
0x18: {  	s0 =	sld [smem:$0x3F85];
	_ =	swait.ge [sflag:s4], $0x0  }
0x19: {  	s7 =	sld [smem:$0x3F86]  }
0x1a: {  	s8 =	sadd.s32 $0xFFFFE003, lr  }
0x1b: {  	s9 =	sadd.s32 $0xFFFFFEF7, lr;
	s5 =	simm.s32 $0xFFFFFFFF;
	p2 =	slt.u32 s8, $0xFFFFF086  }
0x1c: {  	p1 =	slt.u32 s9, $0xF7A;
	s5 =	simm.s32 @!p2 $0x0  }
0x1d: {  	s5 =	simm.s32 @p1 $0x1;
	p0 =	seq.s32 s7, s2  }
0x1e: {  	s7 =	smul.u32 @!p0 $0xF7A, s2;
	p2 =	seq.s32 @!p0 s5, $0x0  }
0x1f: {  	s9 =	smul.u32 $0xF7A, s1;
	s8 =	simm.s32 @!p0 $0x1BF5;
	p2 =	por !p2, p0  }
0x20: {  	[sflag:s8] =	ssyncset.s32 @!p0 $0xFFFFF086;
	s6 =	sadd.s32 @!p0 s3, s7;
	s7 =	simm.s32 @!p0 $0x108  }
0x21: {  	s3 =	sadd.s32 s3, s9;
	s6 =	sadd.s32 @!p0 $0x88, s6;
	s7 =	simm.s32 @p2 $0x1082  }
0x22: {  	[simem:s7], [sflag:s8] =	dma.local @!p0 [hbm:s6], $0xF7A  }
0x23: {  	s9 =	sor.u32 $0xD0000000, s2;
	s6 =	simm.s32 $0x108;
	_ =	swait.ge @!p0 [sflag:s8], $0x0  }
0x24: {  	s3 =	sadd.s32 $0x88, s3;
	s6 =	simm.s32 @!p1 $0x1082;
	[sflag:s4] =	ssyncset.s32 $0xFFFFF086  }
0x25: {  	[simem:s6], [sflag:s4] =	dma.local [hbm:s3], $0xF7A  }
0x26: {  	[smem:$0x3F86] =	sst s1;
	(tag) =	ssettag s2;
	_ =	strace s9  }
0x27: {  	s1 =	sld [smem:$0x3F96]  }
0x28: {  	s2 =	sld [smem:$0x3F97]  }
0x29: {  	s4 =	sld [smem:$0x3F99]  }
0x2a: {  	p0 =	seq.s32 s5, $0x0;
	s5 =	sld [smem:$0x3F9A]  }
0x2b: {  	s6 =	sld [smem:$0x3F9B]  }
0x2c: {  	s7 =	sld [smem:$0x3F9C]  }
0x2d: {  	s3 =	simm.s32 $0x108;
	s8 =	sld [smem:$0x3F9D]  }
0x2e: {  	s3 =	simm.s32 @!p0 $0x1082;
	s9 =	sld [smem:$0x3F9E]  }
0x2f: {  	lr =	sadd.s32 s0, s3;
	s0 =	sld [smem:$0x3F95]  }
0x30: {  	s3 =	sld [smem:$0x3F98]  }
0x31: {  	[smem:$0x3FA1] =	sst s10  }
0x32: {  	s10 =	sld [smem:$0x3F9F];
	_ =	sdelay $0x3  }
0x33: {  	p0 =	seq.s32 s10, $0x1;
	s10 =	sld [smem:$0x3FA1];
	_ =	sdelay $0x3  }
0x34: {  	[smem:$0x3FA1] =	sst s10  }
0x35: {  	s10 =	sld [smem:$0x3FA0];
	_ =	sdelay $0x3  }
0x36: {  	p1 =	seq.s32 s10, $0x1;
	s10 =	sld [smem:$0x3FA1];
	_ =	sdelay $0x3  }
0x37: {  	[smem:$0x3FA1] =	sst s10  }
0x38: {  	s10 =	sld [smem:$0x3FA2]  }
0x39: {  	_ = 	snop;
	(pc) =	sbr.ind lr, $3  }
0x3a: {  	_ = 	snop  }
0x3b: {  	_ = 	snop  }
0x3c: {  	p2 =	seq.s32 s10, $0x1;
	s10 =	sld [smem:$0x3FA1]  }
0x3d: {  	_ =	shalt  }
0x3e: {  	_ =	shalt  }
0x3f: {  	_ =	shalt  }
0x40: {  	_ =	shalt  }
0x41: {  	_ =	shalt  }
0x42: {  	_ =	shalt  }
0x43: {  	_ =	shalt  }
0x44: {  	_ =	shalt  }
0x45: {  	_ =	shalt  }
0x46: {  	_ =	shalt  }
0x47: {  	_ =	shalt  }
0x48: {  	_ =	shalt  }
0x49: {  	_ =	shalt  }
0x4a: {  	_ =	shalt  }
0x4b: {  	_ =	shalt  }
0x4c: {  	_ =	shalt  }
0x4d: {  	_ =	shalt  }
0x4e: {  	_ =	shalt  }
0x4f: {  	_ =	shalt  }
0x50: {  	_ =	shalt  }
0x51: {  	_ =	shalt  }
0x52: {  	_ =	shalt  }
0x53: {  	_ =	shalt  }
0x54: {  	_ =	shalt  }
0x55: {  	_ =	shalt  }
0x56: {  	_ =	shalt  }
0x57: {  	_ =	shalt  }
0x58: {  	_ =	shalt  }
0x59: {  	_ =	shalt  }
0x5a: {  	_ =	shalt  }
0x5b: {  	_ =	shalt  }
0x5c: {  	_ =	shalt  }
0x5d: {  	_ =	shalt  }
0x5e: {  	_ =	shalt  }
0x5f: {  	_ =	shalt  }
0x60: {  	_ =	shalt  }
0x61: {  	_ =	shalt  }
0x62: {  	_ =	shalt  }
0x63: {  	_ =	shalt  }
0x64: {  	_ =	shalt  }
0x65: {  	_ =	shalt  }
0x66: {  	_ =	shalt  }
0x67: {  	_ =	shalt  }
0x68: {  	_ =	shalt  }
0x69: {  	_ =	shalt  }
0x6a: {  	_ =	shalt  }
0x6b: {  	_ =	shalt  }
0x6c: {  	_ =	shalt  }
0x6d: {  	_ =	shalt  }
0x6e: {  	_ =	shalt  }
0x6f: {  	_ =	shalt  }
0x70: {  	_ =	shalt  }
0x71: {  	_ =	shalt  }
0x72: {  	_ =	shalt  }
0x73: {  	_ =	shalt  }
0x74: {  	_ =	shalt  }
0x75: {  	_ =	shalt  }
0x76: {  	_ =	shalt  }
0x77: {  	_ =	shalt  }
0x78: {  	_ =	shalt  }
0x79: {  	_ =	shalt  }
0x7a: {  	_ =	shalt  }
0x7b: {  	_ =	shalt  }
0x7c: {  	_ =	shalt  }
0x7d: {  	_ =	shalt  }
0x7e: {  	_ =	shalt  }
0x7f: {  	_ =	shalt  }
0x80: {  	_ =	shalt  }
0x81: {  	_ =	shalt  }
0x82: {  	_ =	shalt  }
0x83: {  	_ =	shalt  }
0x84: {  	_ =	shalt  }
0x85: {  	_ =	shalt  }
0x86: {  	_ =	shalt  }
0x87: {  	_ =	shalt  }
.Lfunc_end0:
.L_simem_size_0:
called_computation.3_lowered:
.L_overlay_start_0:
0x88: {  	s2 =	sld [smem:$0x3FD9]  }
0x89: {  	s3 =	sld [smem:$0x3FFE];
	_ =	sdelay $0x1  }
0x8a: {  	s1 =	srdreg.scid  }
0x8b: {  	s0 =	sand.u32 $0x1, s1  }
0x8c: {  	s16 =	sshll.u32 s0, $0xA;
	s2 =	sadd.s32 s3, s2  }
0x8d: {  	s2 =	sadd.s32 s2, s16  }
0x8e: {  	[smem:$0x3FAD] =	sst s2  }
0x8f: {  	_ = 	snop  }
0x90: {  	(tm) =	ssettm $0x1  }
0x91: {  	s17 =	sld [smem:$0x3FFB];
	_ =	sdelay $0x3  }
0x92: {  	_ =	strace s17  }
0x93: {  	s2 =	sld [smem:$0x3FFC];
	_ =	sdelay $0x3  }
0x94: {  	_ =	strace s2  }
0x95: {  	s2 =	sld [smem:$0x3FFD];
	_ =	sdelay $0x3  }
0x96: {  	_ =	strace s2  }
0x97: {  	_ =	strace $0x8FFFFFFF  }
0x98: {  	s18 =	sld [smem:$0x3FDB];
	_ =	sdelay $0x1  }
0x99: {  	s19 =	simm.s32 $_scs_section_size  }
0x9a: {  	s4 =	simm.s32 $_size__tile_overlayer_lowered;
	s5 =	simm.s32 $_tile_overlayer_lowered  }
0x9b: {  	s22 =	simm.s32 $0x1BFF;
	s21 =	sshll.u32 s5, $0x1;
	s2 =	sadd.s32 s19, s18  }
0x9c: {  	s6 =	simm.s32 $0x0;
	s20 =	sshll.u32 s4, $0x1;
	s4 =	sadd.s32 s21, s2  }
0x9d: {  	[timem:s6], [sflag:s22] =	dma.local [hbm:s4], s20  }
0x9e: {  	_ =	swait.ge [sflag:s22], s20  }
0x9f: {  	s3 =	ssub.s32 $0x0, s20;
	[sflag:s22] =	ssyncset.done $0x0  }
0xa0: {  	[sflag:s22] =	ssyncadd.s32 s3;
	_ =	sdelay $0x1  }
0xa1: {  	s23 =	simm.s32 $0x1B8B  }
0xa2: {  	_ =	swait.ge [sflag:s23], $0x1  }
0xa3: {  	[sflag:s23] =	ssyncset.done $0x0  }
0xa4: {  	s25 =	simm.s32 $0x1B8E;
	s24 =	sld [smem:$0x3FFE];
	[sflag:s23] =	ssyncadd.s32 $0xFFFFFFFF  }
0xa5: {  	s26 =	simm.s32 $execute0_lowered;
	[smem:$0x3FD2] =	sst s25  }
0xa6: {  	s4 =	sshll.u32 s26, $0x1;
	_ =	strace $0x8000004C;
	[dreg:$0x1] =	wrdreg $0xFFFFFFFF  }
0xa7: {  	s28 =	simm.s32 $_size_execute0_lowered;
	s2 =	sadd.s32 s2, s4;
	[dreg:$0x0] =	wrdreg $0x0  }
0xa8: {  	s4 =	sshll.u32 s28, $0x1;
	[dreg:$0x2] =	wrdreg s2  }
0xa9: {  	[dreg:$0x3] =	wrdreg s4  }
0xaa: {  	[dreg:$0x4] =	wrdreg $0xC0  }
0xab: {  	_ =	task [dreg:s6], $0x5FFFF  }
0xac: {  	[dreg:$0x1] =	wrdreg $0xFFFFFFFF  }
0xad: {  	[dreg:$0x0] =	wrdreg $0x60  }
0xae: {  	[dreg:$0x2] =	wrdreg s24  }
0xaf: {  	[dreg:$0x3] =	wrdreg $0x9F000  }
0xb0: {  	[dreg:$0x4] =	wrdreg $0xA  }
0xb1: {  	_ =	task.clear_ibuf [dreg:s6], $0x5FFFF;
	_ =	strace $0x9000004C  }
0xb2: {  	s29 =	simm.s32 $0xA;
	_ =	strace $0x8000004E  }
0xb3: {  	_ =	swait.ge [sflag:s29], $0x1  }
0xb4: {  	[sflag:s29] =	ssyncadd.s32 $0xFFFFFFFF  }
0xb5: {  	_ =	strace $0x9000004E  }
0xb6: {  	_ =	sfence  }
0xb7: {  	s30 =	sld [smem:$0x0];
	_ =	sdelay $0x2  }
0xb8: {  	s31 =	sshll.u32 s1, $0xD;
	s1 =	sshrl.u32 s1, $0x2  }
0xb9: {  	s3 =	sand.u32 $0x4000, s31;
	s1 =	sadd.s32 s1, s30  }
0xba: {  	s0 =	sor.u32 s3, s0;
	s1 =	sshll.u32 s1, $0x11  }
0xbb: {  	s0 =	sor.u32 s1, s0  }
0xbc: {  	s0 =	sadd.s32 $0x8F2B, s0  }
0xbd: {  	[sflag:s0] =	ssyncadd.remote.s32 $0x1  }
0xbe: {  	_ =	sfence.sel $0xFFFF  }
0xbf: {  	[dreg:$0x0] =	wrdreg $0xFFFFFFFF;
	(pc) =	sbr.abs _section_cstart, $3  }
0xc0: {  	[dreg:$0x1] =	wrdreg $0xFFFFFFFF  }
0xc1: {  	_ =	task.clear_ibuf [dreg:s6], $0x2FFFF;
	_ =	strace $0x9FFFFFFF  }
0xc2: {  	(tm) =	ssettm $0x7FFFFFFF  }
0xc3: {  	_ =	shalt  }
tec
execute0_lowered:
.L_overlay_start_1:
0x0: {  	(tag) =	ssettag $0x1  }
0x1: {  	s1 =	srdreg.scid;
	s6 =	rddreg [dreg:$0x0]  }
0x2: {  	s0 =	stileid.u32;
	s2 =	rddreg [dreg:$0x1]  }
0x3: {  	s3 =	simm.s32 $0x0;
	s14 =	simm.s32 $0x50;
	s15 =	simm.s32 $0x4F00  }
0x4: {  	s16 =	simm.s32 $0x1;
	s17 =	simm.s32 $0x7700;
	s18 =	simm.s32 $0x2  }
0x5: {  	s19 =	simm.s32 $0x4E40;
	s20 =	simm.s32 $0x0;
	s5 =	sand.u32 $0x1, s1  }
0x6: {  	s29 =	sshll.u32 s0, $0x1;
	[smem:$0x7FF] =	sst s3;
	s9 =	smul.u32 $0x14000, s0  }
0x7: {  	s4 =	sadd.s32 $0x1B000, s6;
	s11 =	smul.u32 $0x50000, s0;
	s12 =	sshll.u32 s0, $0x6  }
0x8: {  	s1 =	sor.u32 s5, s29;
	s8 =	smul.u32 $0x140000, s5;
	s30 =	ssub.s32 $0x2, s5  }
0x9: {  	s5 =	sadd.s32 $0x42200, s6;
	s12 =	sor.u32 $0x1C03, s12;
	s7 =	smul.u32 $0x2710, s1  }
0xa: {  	s1 =	rddreg [dreg:$0x2];
	_ =	strace $0x8000004D;
	s10 =	sshrl.u32 s30, $0x1  }
0xb: {  	s31 =	sshrl.u32 s11, $0x2;
	s11 =	simm.s32 $0x2780;
	s8 =	sadd.s32 s9, s8  }
0xc: {  	s9 =	ssub.s32 s30, s10;
	s13 =	sadd.s32 s31, s2;
	s10 =	simm.s32 $0x3  }
0xd: {  	s7 =	sshrl.u32 s7, $0x3;
	s8 =	sshrl.u32 s8, $0x3;
	s9 =	smax.u32 s9, $0x1  }
0xe: {  	s13 =	sshrl.u32 s13, $0x3;
	s7 =	sadd.s32 s7, s6;
	s8 =	sadd.s32 s8, s6  }
0xf: {  	s6 =	sadd.s32 $0x7600, s7;
	s7 =	sadd.s32 $0x11240, s7;
	s8 =	sadd.s32 $0x92E00, s8  }
.LBB2_1:
0x10: {  	[tilespmem:s3], [sflag:$0x3] =	stream.linear.gather [hbm4b:s6+s3], $0x2710, $0x38;
	[tilespmem:$0x1DF00] =	vst v63  }
0x11: {  	_ =	swait.ge [sflag:s10], $0x2710  }
0x12: {  	[sflag:s10] =	ssyncset.done $0x0  }
0x13: {  	[sflag:s10] =	ssyncadd.s32 $0xFFFFD8F0  }
0x14: {  	[tilespmem:s11], [sflag:$0x3] =	stream.linear.gather [hbm4b:s7+s3], $0x2710, $0x38;
	[tilespmem:$0x1DF00] =	vst v63  }
0x15: {  	_ =	swait.ge [sflag:s10], $0x2710  }
0x16: {  	[sflag:s10] =	ssyncset.done $0x0  }
0x17: {  	[sflag:s10] =	ssyncadd.s32 $0xFFFFD8F0  }
0x18: {  	[spmem:s13], [sflag:s12] =	dma.local [hbm:s5], $0x2800  }
0x19: {  	_ =	swait.ge [sflag:s10], $0x2800  }
0x1a: {  	[sflag:s10] =	ssyncset.done $0x0  }
0x1b: {  	[sflag:s10] =	ssyncadd.s32 $0xFFFFD800  }
0x1c: {  	[bflag:$0x0] =	sbarrier.arrive $0xFFFF  }
0x1d: {  	[tilespmem:s15], [sflag:$0x1] =	stream.indirect.gather [hbm4b:s4+s14], $0x80, s3, s14, $0xb8;
	[tilespmem:$0x1DF00] =	vst v63  }
0x1e: {  	_ =	swait.ge [sflag:s16], $0x2800  }
0x1f: {  	[sflag:s16] =	ssyncset.done $0x0  }
0x20: {  	s21 =	simm.s32 $0x50;
	[sflag:s16] =	ssyncadd.s32 $0xFFFFD800  }
0x21: {  	[tilespmem:s17], [sflag:$0x2] =	stream.indirect.gather [hbm4b:s4+s14], $0x80, s21, s14, $0xb8;
	[tilespmem:$0x1DF00] =	vst v63  }
0x22: {  	s29 =	simm.s32 $0x2780  }
0x23: {  	[spmem:s2] =	stream.indirect.scatter.add.f32 [tilespmem:s15], [sflag:$0x3], $0x80, s29, s14, $0xb8;
	[tilespmem:$0x1DF00] =	vst v63  }
0x24: {  	_ =	swait.ge [sflag:s10], $0x2800  }
0x25: {  	[sflag:s10] =	ssyncset.done $0x0  }
0x26: {  	[sflag:s10] =	ssyncadd.s32 $0xFFFFD800  }
0x27: {  	_ =	swait.ge [sflag:s18], $0x2800  }
0x28: {  	[sflag:s18] =	ssyncset.done $0x0  }
0x29: {  	s30 =	simm.s32 $0xA0;
	[sflag:s18] =	ssyncadd.s32 $0xFFFFD800  }
0x2a: {  	[tilespmem:s15], [sflag:$0x1] =	stream.indirect.gather [hbm4b:s4+s14], $0x80, s30, s14, $0xb8;
	[tilespmem:$0x1DF00] =	vst v63  }
0x2b: {  	s31 =	simm.s32 $0x27D0  }
0x2c: {  	[spmem:s2] =	stream.indirect.scatter.add.f32 [tilespmem:s17], [sflag:$0x3], $0x80, s31, s14, $0xb8;
	[tilespmem:$0x1DF00] =	vst v63  }
0x2d: {  	_ =	swait.ge [sflag:s10], $0x2800  }
0x2e: {  	s21 =	simm.s32 $0x280;
	[sflag:s10] =	ssyncset.done $0x0  }
.LBB2_2:
0x2f: {  	p0 =	sne.s32 s21, $0x9880  }
0x30: {  	[sflag:s10] =	ssyncadd.s32 $0xFFFFD800;
	s22 =	smov.u32 s21;
	s21 =	sadd.s32 $0x280, s21  }
0x31: {  	_ = 	snop  }
0x32: {  	_ =	swait.ge [sflag:s16], $0x2800  }
0x33: {  	s22 =	sshra.s32 s22, $0x2;
	[sflag:s16] =	ssyncset.done $0x0  }
0x34: {  	s23 =	sadd.s32 $0x50, s22;
	[sflag:s16] =	ssyncadd.s32 $0xFFFFD800  }
0x35: {  	[tilespmem:s17], [sflag:$0x2] =	stream.indirect.gather [hbm4b:s4+s14], $0x80, s23, s14, $0xb8;
	[tilespmem:$0x1DF00] =	vst v63  }
0x36: {  	s23 =	sadd.s32 $0x2780, s22  }
0x37: {  	[spmem:s2] =	stream.indirect.scatter.add.f32 [tilespmem:s15], [sflag:$0x3], $0x80, s23, s14, $0xb8;
	[tilespmem:$0x1DF00] =	vst v63  }
0x38: {  	_ =	swait.ge [sflag:s10], $0x2800  }
0x39: {  	[sflag:s10] =	ssyncset.done $0x0  }
0x3a: {  	[sflag:s10] =	ssyncadd.s32 $0xFFFFD800  }
0x3b: {  	_ =	swait.ge [sflag:s18], $0x2800  }
0x3c: {  	[sflag:s18] =	ssyncset.done $0x0  }
0x3d: {  	s23 =	sadd.s32 $0xA0, s22;
	[sflag:s18] =	ssyncadd.s32 $0xFFFFD800  }
0x3e: {  	[tilespmem:s15], [sflag:$0x1] =	stream.indirect.gather [hbm4b:s4+s14], $0x80, s23, s14, $0xb8;
	[tilespmem:$0x1DF00] =	vst v63  }
.Ltmp0:
0x3f: {  	_ = 	snop;
	(pc) =	sbr.rel @p0 .LBB2_2-.Ltmp0, $4  }
0x40: {  	s22 =	sadd.s32 $0x27D0, s22  }
0x41: {  	[spmem:s2] =	stream.indirect.scatter.add.f32 [tilespmem:s17], [sflag:$0x3], $0x80, s22, s14, $0xb8;
	[tilespmem:$0x1DF00] =	vst v63  }
0x42: {  	_ =	swait.ge [sflag:s10], $0x2800  }
0x43: {  	[sflag:s10] =	ssyncset.done $0x0  }
0x44: {  	[sflag:s10] =	ssyncadd.s32 $0xFFFFD800  }
0x45: {  	_ =	swait.ge [sflag:s16], $0x2800  }
0x46: {  	[sflag:s16] =	ssyncset.done $0x0  }
0x47: {  	[sflag:s16] =	ssyncadd.s32 $0xFFFFD800  }
0x48: {  	[spmem:s2] =	stream.indirect.scatter.add.f32 [tilespmem:s15], [sflag:$0x3], $0x80, s19, s14, $0xb8;
	[tilespmem:$0x1DF00] =	vst v63  }
0x49: {  	_ =	swait.ge [sflag:s10], $0x2800  }
0x4a: {  	s20 =	sadd.s32 $0x1, s20;
	[sflag:s10] =	ssyncset.done $0x0  }
0x4b: {  	p0 =	sne.s32 s20, s9;
	[sflag:s10] =	ssyncadd.s32 $0xFFFFD800  }
.Ltmp1:
0x4c: {  	[bflag:$0x0] =	sbarrier.arrive $0xFFFF;
	(pc) =	sbr.rel @p0 .LBB2_1-.Ltmp1, $4  }
0x4d: {  	[hbm:s8], [sflag:s12] =	dma.local [spmem:s13], $0x2800  }
0x4e: {  	_ =	swait.ge [sflag:s10], $0x2800  }
0x4f: {  	[sflag:s10] =	ssyncset.done $0x0  }
0x50: {  	[sflag:s10] =	ssyncadd.s32 $0xFFFFD800  }
0x51: {  	_ =	sfence.sel $0x180000  }
0x52: {  	[bflag:$0x0] =	sbarrier.arrive $0xFFFF  }
0x53: {  	p0 =	sne.s32 s0, $0x0;
	_ =	strace $0x9000004D  }
0x54: {  	s0 =	sadd.s32 @!p0 $0x100000, s1;
	[bflag:$0x2] =	sbarrier.arrive $0xFFFF  }
0x55: {  	[sflag:s0] =	ssyncadd.tile.s32 @!p0 $0x1;
	_ =	shalt  }
.Lfunc_end2:
_tile_overlayer_lowered:
.L_overlay_start_2:
0x56: {  	(tag) =	ssettag $0x2  }
0x57: {  	s0 =	rddreg [dreg:$0x0];
	s2 =	stileid.u32  }
0x58: {  	s1 =	rddreg [dreg:$0x1];
	p0 =	sne.s32 s2, $0x0  }
0x59: {  	s3 =	rddreg [dreg:$0x2];
	[bflag:$0x3] =	sbarrier.arrive $0xFFFF;
	s2 =	simm.s32 @!p0 $0x1C03  }
0x5a: {  	[timem:s3], [sflag:s2] =	dma.local @!p0 [hbm:s0], s1  }
0x5b: {  	s0 =	simm.s32 @!p0 $0x3  }
0x5c: {  	_ =	swait.ge @!p0 [sflag:s0], s1  }
0x5d: {  	s1 =	ssub.s32 @!p0 $0x0, s1;
	[sflag:s0] =	ssyncset.done @!p0 $0x0  }
0x5e: {  	[sflag:s0] =	ssyncadd.s32 @!p0 s1  }
0x5f: {  	[bflag:$0x3] =	sbarrier.arrive $0xFFFF  }
0x60: {  	_ =	shalt  }

// kernel: kernel.24.cloned.1.call-start
scs
__scs_entry_jumppad:
0x0: {  	(pc) =	sbr.rel $0x88, $3  }
0x1: {  	(tag) =	ssettag $0x0;
	lr =	simm.s32 $0x1  }
0x2: {  	[smem:$0x3F86] =	sst lr;
	_ =	strace $0xD0000000  }
0x3: {  	_ = 	snop  }
0x4: {  	_ = 	snop  }
0x5: {  	_ = 	snop  }
0x6: {  	_ = 	snop  }
0x7: {  	_ = 	snop  }
__scs_overlays_trampoline_lowered:
0x8: {  	[smem:$0x3F95] =	sst s0  }
0x9: {  	[smem:$0x3F96] =	sst s1  }
0xa: {  	[smem:$0x3F97] =	sst s2  }
0xb: {  	[smem:$0x3F98] =	sst s3  }
0xc: {  	[smem:$0x3F99] =	sst s4  }
0xd: {  	[smem:$0x3F9A] =	sst s5  }
0xe: {  	[smem:$0x3F9B] =	sst s6  }
0xf: {  	[smem:$0x3F9C] =	sst s7  }
0x10: {  	[smem:$0x3F9D] =	sst s8  }
0x11: {  	[smem:$0x3F9E] =	sst s9;
	s0 =	simm.s32 @!p0 $0x0  }
0x12: {  	s1 =	sld [smem:$0x3F84];
	s0 =	simm.s32 @p0 $0x1  }
0x13: {  	[smem:$0x3F9F] =	sst s0;
	s0 =	simm.s32 @!p1 $0x0  }
0x14: {  	s2 =	sld [smem:$0x3F83];
	s0 =	simm.s32 @p1 $0x1  }
0x15: {  	[smem:$0x3FA0] =	sst s0;
	s0 =	simm.s32 @!p2 $0x0  }
0x16: {  	s3 =	sld [smem:$0x3FDB];
	s0 =	simm.s32 @p2 $0x1  }
0x17: {  	s4 =	simm.s32 $0x1BF5;
	[smem:$0x3FA2] =	sst s0  }
0x18: {  	s0 =	sld [smem:$0x3F85];
	_ =	swait.ge [sflag:s4], $0x0  }
0x19: {  	s7 =	sld [smem:$0x3F86]  }
0x1a: {  	s8 =	sadd.s32 $0xFFFFE003, lr  }
0x1b: {  	s9 =	sadd.s32 $0xFFFFFEF7, lr;
	s5 =	simm.s32 $0xFFFFFFFF;
	p2 =	slt.u32 s8, $0xFFFFF086  }
0x1c: {  	p1 =	slt.u32 s9, $0xF7A;
	s5 =	simm.s32 @!p2 $0x0  }
0x1d: {  	s5 =	simm.s32 @p1 $0x1;
	p0 =	seq.s32 s7, s2  }
0x1e: {  	s7 =	smul.u32 @!p0 $0xF7A, s2;
	p2 =	seq.s32 @!p0 s5, $0x0  }
0x1f: {  	s9 =	smul.u32 $0xF7A, s1;
	s8 =	simm.s32 @!p0 $0x1BF5;
	p2 =	por !p2, p0  }
0x20: {  	[sflag:s8] =	ssyncset.s32 @!p0 $0xFFFFF086;
	s6 =	sadd.s32 @!p0 s3, s7;
	s7 =	simm.s32 @!p0 $0x108  }
0x21: {  	s3 =	sadd.s32 s3, s9;
	s6 =	sadd.s32 @!p0 $0x88, s6;
	s7 =	simm.s32 @p2 $0x1082  }
0x22: {  	[simem:s7], [sflag:s8] =	dma.local @!p0 [hbm:s6], $0xF7A  }
0x23: {  	s9 =	sor.u32 $0xD0000000, s2;
	s6 =	simm.s32 $0x108;
	_ =	swait.ge @!p0 [sflag:s8], $0x0  }
0x24: {  	s3 =	sadd.s32 $0x88, s3;
	s6 =	simm.s32 @!p1 $0x1082;
	[sflag:s4] =	ssyncset.s32 $0xFFFFF086  }
0x25: {  	[simem:s6], [sflag:s4] =	dma.local [hbm:s3], $0xF7A  }
0x26: {  	[smem:$0x3F86] =	sst s1;
	(tag) =	ssettag s2;
	_ =	strace s9  }
0x27: {  	s1 =	sld [smem:$0x3F96]  }
0x28: {  	s2 =	sld [smem:$0x3F97]  }
0x29: {  	s4 =	sld [smem:$0x3F99]  }
0x2a: {  	p0 =	seq.s32 s5, $0x0;
	s5 =	sld [smem:$0x3F9A]  }
0x2b: {  	s6 =	sld [smem:$0x3F9B]  }
0x2c: {  	s7 =	sld [smem:$0x3F9C]  }
0x2d: {  	s3 =	simm.s32 $0x108;
	s8 =	sld [smem:$0x3F9D]  }
0x2e: {  	s3 =	simm.s32 @!p0 $0x1082;
	s9 =	sld [smem:$0x3F9E]  }
0x2f: {  	lr =	sadd.s32 s0, s3;
	s0 =	sld [smem:$0x3F95]  }
0x30: {  	s3 =	sld [smem:$0x3F98]  }
0x31: {  	[smem:$0x3FA1] =	sst s10  }
0x32: {  	s10 =	sld [smem:$0x3F9F];
	_ =	sdelay $0x3  }
0x33: {  	p0 =	seq.s32 s10, $0x1;
	s10 =	sld [smem:$0x3FA1];
	_ =	sdelay $0x3  }
0x34: {  	[smem:$0x3FA1] =	sst s10  }
0x35: {  	s10 =	sld [smem:$0x3FA0];
	_ =	sdelay $0x3  }
0x36: {  	p1 =	seq.s32 s10, $0x1;
	s10 =	sld [smem:$0x3FA1];
	_ =	sdelay $0x3  }
0x37: {  	[smem:$0x3FA1] =	sst s10  }
0x38: {  	s10 =	sld [smem:$0x3FA2]  }
0x39: {  	_ = 	snop;
	(pc) =	sbr.ind lr, $3  }
0x3a: {  	_ = 	snop  }
0x3b: {  	_ = 	snop  }
0x3c: {  	p2 =	seq.s32 s10, $0x1;
	s10 =	sld [smem:$0x3FA1]  }
0x3d: {  	_ =	shalt  }
0x3e: {  	_ =	shalt  }
0x3f: {  	_ =	shalt  }
0x40: {  	_ =	shalt  }
0x41: {  	_ =	shalt  }
0x42: {  	_ =	shalt  }
0x43: {  	_ =	shalt  }
0x44: {  	_ =	shalt  }
0x45: {  	_ =	shalt  }
0x46: {  	_ =	shalt  }
0x47: {  	_ =	shalt  }
0x48: {  	_ =	shalt  }
0x49: {  	_ =	shalt  }
0x4a: {  	_ =	shalt  }
0x4b: {  	_ =	shalt  }
0x4c: {  	_ =	shalt  }
0x4d: {  	_ =	shalt  }
0x4e: {  	_ =	shalt  }
0x4f: {  	_ =	shalt  }
0x50: {  	_ =	shalt  }
0x51: {  	_ =	shalt  }
0x52: {  	_ =	shalt  }
0x53: {  	_ =	shalt  }
0x54: {  	_ =	shalt  }
0x55: {  	_ =	shalt  }
0x56: {  	_ =	shalt  }
0x57: {  	_ =	shalt  }
0x58: {  	_ =	shalt  }
0x59: {  	_ =	shalt  }
0x5a: {  	_ =	shalt  }
0x5b: {  	_ =	shalt  }
0x5c: {  	_ =	shalt  }
0x5d: {  	_ =	shalt  }
0x5e: {  	_ =	shalt  }
0x5f: {  	_ =	shalt  }
0x60: {  	_ =	shalt  }
0x61: {  	_ =	shalt  }
0x62: {  	_ =	shalt  }
0x63: {  	_ =	shalt  }
0x64: {  	_ =	shalt  }
0x65: {  	_ =	shalt  }
0x66: {  	_ =	shalt  }
0x67: {  	_ =	shalt  }
0x68: {  	_ =	shalt  }
0x69: {  	_ =	shalt  }
0x6a: {  	_ =	shalt  }
0x6b: {  	_ =	shalt  }
0x6c: {  	_ =	shalt  }
0x6d: {  	_ =	shalt  }
0x6e: {  	_ =	shalt  }
0x6f: {  	_ =	shalt  }
0x70: {  	_ =	shalt  }
0x71: {  	_ =	shalt  }
0x72: {  	_ =	shalt  }
0x73: {  	_ =	shalt  }
0x74: {  	_ =	shalt  }
0x75: {  	_ =	shalt  }
0x76: {  	_ =	shalt  }
0x77: {  	_ =	shalt  }
0x78: {  	_ =	shalt  }
0x79: {  	_ =	shalt  }
0x7a: {  	_ =	shalt  }
0x7b: {  	_ =	shalt  }
0x7c: {  	_ =	shalt  }
0x7d: {  	_ =	shalt  }
0x7e: {  	_ =	shalt  }
0x7f: {  	_ =	shalt  }
0x80: {  	_ =	shalt  }
0x81: {  	_ =	shalt  }
0x82: {  	_ =	shalt  }
0x83: {  	_ =	shalt  }
0x84: {  	_ =	shalt  }
0x85: {  	_ =	shalt  }
0x86: {  	_ =	shalt  }
0x87: {  	_ =	shalt  }
.Lfunc_end0:
.L_simem_size_0:
called_computation.4_lowered:
.L_overlay_start_0:
0x88: {  	s2 =	sld [smem:$0x3FD9]  }
0x89: {  	s3 =	sld [smem:$0x3FFE];
	_ =	sdelay $0x1  }
0x8a: {  	s1 =	srdreg.scid  }
0x8b: {  	s0 =	sand.u32 $0x1, s1  }
0x8c: {  	s15 =	sshll.u32 s0, $0xA;
	s2 =	sadd.s32 s3, s2  }
0x8d: {  	s2 =	sadd.s32 s2, s15  }
0x8e: {  	[smem:$0x3FAD] =	sst s2  }
0x8f: {  	_ = 	snop  }
0x90: {  	s2 =	sld [smem:$0x3FD0];
	_ =	sdelay $0x2  }
0x91: {  	s16 =	simm.s32 $0xB;
	s4 =	simm.s32 $0x10  }
0x92: {  	[smem:s4], [sflag:s16] =	dma.local [hbm:s2], $0x1  }
0x93: {  	_ =	swait.eq [sflag:s16], $0x1  }
0x94: {  	[sflag:s16] =	ssyncset.done $0x0  }
0x95: {  	[sflag:s16] =	ssyncadd.s32 $0xFFFFFFFF  }
0x96: {  	s17 =	sld [smem:$0x11];
	(tm) =	ssettm $0x1  }
0x97: {  	s18 =	sld [smem:$0x3FFB];
	_ =	sdelay $0x3  }
0x98: {  	_ =	strace s18  }
0x99: {  	s2 =	sld [smem:$0x3FFC];
	_ =	sdelay $0x3  }
0x9a: {  	_ =	strace s2  }
0x9b: {  	s2 =	sld [smem:$0x3FFD];
	_ =	sdelay $0x3  }
0x9c: {  	_ =	strace s2  }
0x9d: {  	_ =	strace $0x8FFFFFFF  }
0x9e: {  	s19 =	sld [smem:$0x3FDB];
	_ =	sdelay $0x1  }
0x9f: {  	s20 =	simm.s32 $_scs_section_size  }
0xa0: {  	s5 =	simm.s32 $_size__tile_overlayer_lowered;
	s6 =	simm.s32 $_tile_overlayer_lowered  }
0xa1: {  	s7 =	simm.s32 $0x1BFF;
	s21 =	sshll.u32 s6, $0x1;
	s4 =	sadd.s32 s20, s19  }
0xa2: {  	s22 =	simm.s32 $0x0;
	s5 =	sshll.u32 s5, $0x1;
	s6 =	sadd.s32 s21, s4  }
0xa3: {  	[timem:s22], [sflag:s7] =	dma.local [hbm:s6], s5  }
0xa4: {  	_ =	swait.ge [sflag:s7], s5  }
0xa5: {  	s5 =	ssub.s32 $0x0, s5;
	[sflag:s7] =	ssyncset.done $0x0  }
0xa6: {  	[sflag:s7] =	ssyncadd.s32 s5;
	_ =	sdelay $0x1  }
0xa7: {  	s23 =	simm.s32 $0x1B8B  }
0xa8: {  	_ =	swait.ge [sflag:s23], $0x1  }
0xa9: {  	[sflag:s23] =	ssyncset.done $0x0  }
0xaa: {  	[sflag:s23] =	ssyncadd.s32 $0xFFFFFFFF  }
0xab: {  	s5 =	sld [smem:$0x0]  }
0xac: {  	s6 =	sand.u32 $0xFFFFFFFE, s1  }
0xad: {  	p0 =	sne.s32 s1, s6  }
0xae: {  	s6 =	sshll.u32 @p0 s6, $0xE  }
0xaf: {  	s6 =	sadd.s32 @p0 $0x11B8D, s6;
	s7 =	sshll.u32 @p0 s5, $0x11  }
0xb0: {  	s6 =	sor.u32 @p0 s7, s6  }
0xb1: {  	[sflag:s6] =	ssyncadd.remote.s32 @p0 $0x1;
	_ =	sdelay $0x1  }
0xb2: {  	s6 =	simm.s32 @p0 $0x1B8D  }
0xb3: {  	_ =	swait.eq @p0 [sflag:s6], $0x1  }
0xb4: {  	[sflag:s6] =	ssyncadd.s32 @p0 $0xFFFFFFFF  }
0xb5: {  	s7 =	sshll.u32 @!p0 s1, $0xE  }
0xb6: {  	s7 =	sor.u32 @!p0 $0x4000, s7;
	s6 =	simm.s32 @!p0 $0x1B8D  }
0xb7: {  	s5 =	sshll.u32 @!p0 s5, $0x11;
	s7 =	sadd.s32 @!p0 $0x11B8D, s7;
	_ =	swait.eq @!p0 [sflag:s6], $0x1  }
0xb8: {  	s5 =	sor.u32 @!p0 s5, s7;
	[sflag:s6] =	ssyncadd.s32 @!p0 $0xFFFFFFFF  }
0xb9: {  	s25 =	simm.s32 $0x1B8E;
	s24 =	sld [smem:$0x3FFE];
	[sflag:s5] =	ssyncadd.remote.s32 @!p0 $0x1  }
0xba: {  	s26 =	simm.s32 $execute0_lowered;
	[smem:$0x3FD2] =	sst s25  }
0xbb: {  	s6 =	sshll.u32 s26, $0x1;
	_ =	strace $0x80000052;
	[dreg:$0x1] =	wrdreg $0xFFFFFFFF  }
0xbc: {  	s28 =	simm.s32 $_size_execute0_lowered;
	s4 =	sadd.s32 s4, s6;
	[dreg:$0x0] =	wrdreg $0x0  }
0xbd: {  	s6 =	sshll.u32 s28, $0x1;
	[dreg:$0x2] =	wrdreg s4  }
0xbe: {  	[dreg:$0x3] =	wrdreg s6  }
0xbf: {  	[dreg:$0x4] =	wrdreg $0xC0  }
0xc0: {  	_ =	task [dreg:s22], $0x5FFFF  }
0xc1: {  	[dreg:$0x1] =	wrdreg $0xFFFFFFFF  }
0xc2: {  	[dreg:$0x0] =	wrdreg $0x60  }
0xc3: {  	[dreg:$0x2] =	wrdreg s17  }
0xc4: {  	[dreg:$0x3] =	wrdreg s24  }
0xc5: {  	[dreg:$0x4] =	wrdreg $0x9F000  }
0xc6: {  	[dreg:$0x5] =	wrdreg $0xA  }
0xc7: {  	_ =	task.clear_ibuf [dreg:s22], $0x6FFFF;
	_ =	strace $0x90000052  }
0xc8: {  	s29 =	simm.s32 $0xA;
	_ =	strace $0x80000054  }
0xc9: {  	_ =	swait.ge [sflag:s29], $0x1  }
0xca: {  	[sflag:s29] =	ssyncadd.s32 $0xFFFFFFFF  }
0xcb: {  	_ =	strace $0x90000054  }
0xcc: {  	_ =	sfence  }
0xcd: {  	s30 =	sld [smem:$0x0];
	_ =	sdelay $0x2  }
0xce: {  	s31 =	sshll.u32 s1, $0xD;
	s1 =	sshrl.u32 s1, $0x2  }
0xcf: {  	s4 =	sand.u32 $0x4000, s31;
	s1 =	sadd.s32 s1, s30  }
0xd0: {  	s0 =	sor.u32 s4, s0;
	s1 =	sshll.u32 s1, $0x11  }
0xd1: {  	s0 =	sor.u32 s1, s0  }
0xd2: {  	s0 =	sadd.s32 $0x8F2B, s0  }
0xd3: {  	[sflag:s0] =	ssyncadd.remote.s32 $0x1  }
0xd4: {  	_ =	sfence.sel $0xFFFF  }
0xd5: {  	[dreg:$0x0] =	wrdreg $0xFFFFFFFF;
	(pc) =	sbr.abs _section_cstart, $3  }
0xd6: {  	[dreg:$0x1] =	wrdreg $0xFFFFFFFF  }
0xd7: {  	_ =	task.clear_ibuf [dreg:s22], $0x2FFFF;
	_ =	strace $0x9FFFFFFF  }
0xd8: {  	(tm) =	ssettm $0x7FFFFFFF  }
0xd9: {  	_ =	shalt  }
tec
execute0_lowered:
.L_overlay_start_1:
0x0: {  	(tag) =	ssettag $0x1  }
0x1: {  	s2 =	srdreg.scid;
	s1 =	rddreg [dreg:$0x0]  }
0x2: {  	s0 =	stileid.u32;
	s6 =	rddreg [dreg:$0x1]  }
0x3: {  	s3 =	rddreg [dreg:$0x2];
	s4 =	simm.s32 $0x0;
	s14 =	simm.s32 $0x50  }
0x4: {  	s15 =	simm.s32 $0x4F00;
	s16 =	simm.s32 $0x1;
	s17 =	simm.s32 $0x7700  }
0x5: {  	s18 =	simm.s32 $0x2;
	s19 =	simm.s32 $0x4E40;
	s20 =	simm.s32 $0x0  }
0x6: {  	s5 =	sand.u32 $0x1, s2;
	s29 =	sshll.u32 s0, $0x1;
	s9 =	smul.u32 $0x14000, s0  }
0x7: {  	[smem:$0x7FF] =	sst s4;
	s11 =	smul.u32 $0x50000, s0;
	s12 =	sshll.u32 s0, $0x6  }
0x8: {  	s2 =	sor.u32 s5, s29;
	s8 =	smul.u32 $0x140000, s5;
	s30 =	ssub.s32 $0x2, s5  }
0x9: {  	s5 =	sadd.s32 $0x42200, s6;
	s12 =	sor.u32 $0x1C03, s12;
	s7 =	smul.u32 $0x2710, s2  }
0xa: {  	s2 =	rddreg [dreg:$0x3];
	_ =	strace $0x80000053;
	s10 =	sshrl.u32 s30, $0x1  }
0xb: {  	s31 =	sshrl.u32 s11, $0x2;
	s11 =	simm.s32 $0x2780;
	s8 =	sadd.s32 s9, s8  }
0xc: {  	s9 =	ssub.s32 s30, s10;
	s13 =	sadd.s32 s31, s3;
	s10 =	simm.s32 $0x3  }
0xd: {  	s7 =	sshrl.u32 s7, $0x3;
	s8 =	sshrl.u32 s8, $0x3;
	s9 =	smax.u32 s9, $0x1  }
0xe: {  	s13 =	sshrl.u32 s13, $0x3;
	s7 =	sadd.s32 s7, s6;
	s8 =	sadd.s32 s8, s6  }
0xf: {  	s6 =	sadd.s32 $0x7600, s7;
	s7 =	sadd.s32 $0x11240, s7;
	s8 =	sadd.s32 $0x92E00, s8  }
.LBB2_1:
0x10: {  	[tilespmem:s4], [sflag:$0x3] =	stream.linear.gather [hbm4b:s6+s4], $0x2710, $0x38;
	[tilespmem:$0x1DF00] =	vst v63  }
0x11: {  	_ =	swait.ge [sflag:s10], $0x2710  }
0x12: {  	[sflag:s10] =	ssyncset.done $0x0  }
0x13: {  	[sflag:s10] =	ssyncadd.s32 $0xFFFFD8F0  }
0x14: {  	[tilespmem:s11], [sflag:$0x3] =	stream.linear.gather [hbm4b:s7+s4], $0x2710, $0x38;
	[tilespmem:$0x1DF00] =	vst v63  }
0x15: {  	_ =	swait.ge [sflag:s10], $0x2710  }
0x16: {  	[sflag:s10] =	ssyncset.done $0x0  }
0x17: {  	[sflag:s10] =	ssyncadd.s32 $0xFFFFD8F0  }
0x18: {  	[spmem:s13], [sflag:s12] =	dma.local [hbm:s5], $0x2800  }
0x19: {  	_ =	swait.ge [sflag:s10], $0x2800  }
0x1a: {  	[sflag:s10] =	ssyncset.done $0x0  }
0x1b: {  	[sflag:s10] =	ssyncadd.s32 $0xFFFFD800  }
0x1c: {  	[bflag:$0x0] =	sbarrier.arrive $0xFFFF  }
0x1d: {  	[tilespmem:s15], [sflag:$0x1] =	stream.indirect.gather [hbm4b:s1+s14], $0x80, s4, s14, $0xb8;
	[tilespmem:$0x1DF00] =	vst v63  }
0x1e: {  	_ =	swait.ge [sflag:s16], $0x2800  }
0x1f: {  	[sflag:s16] =	ssyncset.done $0x0  }
0x20: {  	s21 =	simm.s32 $0x50;
	[sflag:s16] =	ssyncadd.s32 $0xFFFFD800  }
0x21: {  	[tilespmem:s17], [sflag:$0x2] =	stream.indirect.gather [hbm4b:s1+s14], $0x80, s21, s14, $0xb8;
	[tilespmem:$0x1DF00] =	vst v63  }
0x22: {  	s29 =	simm.s32 $0x2780  }
0x23: {  	[spmem:s3] =	stream.indirect.scatter.add.f32 [tilespmem:s15], [sflag:$0x3], $0x80, s29, s14, $0xb8;
	[tilespmem:$0x1DF00] =	vst v63  }
0x24: {  	_ =	swait.ge [sflag:s10], $0x2800  }
0x25: {  	[sflag:s10] =	ssyncset.done $0x0  }
0x26: {  	[sflag:s10] =	ssyncadd.s32 $0xFFFFD800  }
0x27: {  	_ =	swait.ge [sflag:s18], $0x2800  }
0x28: {  	[sflag:s18] =	ssyncset.done $0x0  }
0x29: {  	s30 =	simm.s32 $0xA0;
	[sflag:s18] =	ssyncadd.s32 $0xFFFFD800  }
0x2a: {  	[tilespmem:s15], [sflag:$0x1] =	stream.indirect.gather [hbm4b:s1+s14], $0x80, s30, s14, $0xb8;
	[tilespmem:$0x1DF00] =	vst v63  }
0x2b: {  	s31 =	simm.s32 $0x27D0  }
0x2c: {  	[spmem:s3] =	stream.indirect.scatter.add.f32 [tilespmem:s17], [sflag:$0x3], $0x80, s31, s14, $0xb8;
	[tilespmem:$0x1DF00] =	vst v63  }
0x2d: {  	_ =	swait.ge [sflag:s10], $0x2800  }
0x2e: {  	s21 =	simm.s32 $0x280;
	[sflag:s10] =	ssyncset.done $0x0  }
.LBB2_2:
0x2f: {  	p0 =	sne.s32 s21, $0x9880  }
0x30: {  	[sflag:s10] =	ssyncadd.s32 $0xFFFFD800;
	s22 =	smov.u32 s21;
	s21 =	sadd.s32 $0x280, s21  }
0x31: {  	_ = 	snop  }
0x32: {  	_ =	swait.ge [sflag:s16], $0x2800  }
0x33: {  	s22 =	sshra.s32 s22, $0x2;
	[sflag:s16] =	ssyncset.done $0x0  }
0x34: {  	s23 =	sadd.s32 $0x50, s22;
	[sflag:s16] =	ssyncadd.s32 $0xFFFFD800  }
0x35: {  	[tilespmem:s17], [sflag:$0x2] =	stream.indirect.gather [hbm4b:s1+s14], $0x80, s23, s14, $0xb8;
	[tilespmem:$0x1DF00] =	vst v63  }
0x36: {  	s23 =	sadd.s32 $0x2780, s22  }
0x37: {  	[spmem:s3] =	stream.indirect.scatter.add.f32 [tilespmem:s15], [sflag:$0x3], $0x80, s23, s14, $0xb8;
	[tilespmem:$0x1DF00] =	vst v63  }
0x38: {  	_ =	swait.ge [sflag:s10], $0x2800  }
0x39: {  	[sflag:s10] =	ssyncset.done $0x0  }
0x3a: {  	[sflag:s10] =	ssyncadd.s32 $0xFFFFD800  }
0x3b: {  	_ =	swait.ge [sflag:s18], $0x2800  }
0x3c: {  	[sflag:s18] =	ssyncset.done $0x0  }
0x3d: {  	s23 =	sadd.s32 $0xA0, s22;
	[sflag:s18] =	ssyncadd.s32 $0xFFFFD800  }
0x3e: {  	[tilespmem:s15], [sflag:$0x1] =	stream.indirect.gather [hbm4b:s1+s14], $0x80, s23, s14, $0xb8;
	[tilespmem:$0x1DF00] =	vst v63  }
.Ltmp0:
0x3f: {  	_ = 	snop;
	(pc) =	sbr.rel @p0 .LBB2_2-.Ltmp0, $4  }
0x40: {  	s22 =	sadd.s32 $0x27D0, s22  }
0x41: {  	[spmem:s3] =	stream.indirect.scatter.add.f32 [tilespmem:s17], [sflag:$0x3], $0x80, s22, s14, $0xb8;
	[tilespmem:$0x1DF00] =	vst v63  }
0x42: {  	_ =	swait.ge [sflag:s10], $0x2800  }
0x43: {  	[sflag:s10] =	ssyncset.done $0x0  }
0x44: {  	[sflag:s10] =	ssyncadd.s32 $0xFFFFD800  }
0x45: {  	_ =	swait.ge [sflag:s16], $0x2800  }
0x46: {  	[sflag:s16] =	ssyncset.done $0x0  }
0x47: {  	[sflag:s16] =	ssyncadd.s32 $0xFFFFD800  }
0x48: {  	[spmem:s3] =	stream.indirect.scatter.add.f32 [tilespmem:s15], [sflag:$0x3], $0x80, s19, s14, $0xb8;
	[tilespmem:$0x1DF00] =	vst v63  }
0x49: {  	_ =	swait.ge [sflag:s10], $0x2800  }
0x4a: {  	s20 =	sadd.s32 $0x1, s20;
	[sflag:s10] =	ssyncset.done $0x0  }
0x4b: {  	p0 =	sne.s32 s20, s9;
	[sflag:s10] =	ssyncadd.s32 $0xFFFFD800  }
.Ltmp1:
0x4c: {  	[bflag:$0x0] =	sbarrier.arrive $0xFFFF;
	(pc) =	sbr.rel @p0 .LBB2_1-.Ltmp1, $4  }
0x4d: {  	[hbm:s8], [sflag:s12] =	dma.local [spmem:s13], $0x2800  }
0x4e: {  	_ =	swait.ge [sflag:s10], $0x2800  }
0x4f: {  	[sflag:s10] =	ssyncset.done $0x0  }
0x50: {  	[sflag:s10] =	ssyncadd.s32 $0xFFFFD800  }
0x51: {  	_ =	sfence.sel $0x180000  }
0x52: {  	[bflag:$0x0] =	sbarrier.arrive $0xFFFF  }
0x53: {  	p0 =	sne.s32 s0, $0x0;
	_ =	strace $0x90000053  }
0x54: {  	s0 =	sadd.s32 @!p0 $0x100000, s2;
	[bflag:$0x2] =	sbarrier.arrive $0xFFFF  }
0x55: {  	[sflag:s0] =	ssyncadd.tile.s32 @!p0 $0x1;
	_ =	shalt  }
.Lfunc_end2:
_tile_overlayer_lowered:
.L_overlay_start_2:
0x56: {  	(tag) =	ssettag $0x2  }
0x57: {  	s0 =	rddreg [dreg:$0x0];
	s2 =	stileid.u32  }
0x58: {  	s1 =	rddreg [dreg:$0x1];
	p0 =	sne.s32 s2, $0x0  }
0x59: {  	s3 =	rddreg [dreg:$0x2];
	[bflag:$0x3] =	sbarrier.arrive $0xFFFF;
	s2 =	simm.s32 @!p0 $0x1C03  }
0x5a: {  	[timem:s3], [sflag:s2] =	dma.local @!p0 [hbm:s0], s1  }
0x5b: {  	s0 =	simm.s32 @!p0 $0x3  }
0x5c: {  	_ =	swait.ge @!p0 [sflag:s0], s1  }
0x5d: {  	s1 =	ssub.s32 @!p0 $0x0, s1;
	[sflag:s0] =	ssyncset.done @!p0 $0x0  }
0x5e: {  	[sflag:s0] =	ssyncadd.s32 @!p0 s1  }
0x5f: {  	[bflag:$0x3] =	sbarrier.arrive $0xFFFF  }
0x60: {  	_ =	shalt  }

</sc_bundles>
